<compile_context>
chip_gen: v7x
topology: tpu7x:2x2x1
jax: 0.10.2.dev20260603
libtpu: 0.0.44.dev20260713+nightly
codegen_flags: <defaults>
</compile_context>

<pallas_src>
import functools

import jax
import jax.numpy as jnp
from jax import lax
from jax.experimental import pallas as pl
from jax.experimental.pallas import tpu as pltpu
from jax.experimental.pallas import tpu_sc as plsc

N = 10000
NP = 10240
NT = 16
NA = 10112
RPT = NA // NT
NTAB = 10048
CH = 64
NCH = 324
EPT = NCH * CH
EG = NT * EPT
NBLK = 1024
NGRID = NP // NBLK


def _gat_dims(li):
    return [(128, 128), (128, 128), (128, 64)][li]



def _a1_body(x_ref, w_ref, as_ref, ad_ref, h_ref, ss_ref, sd_ref):
    x = x_ref[0]
    h = jnp.dot(x, w_ref[...], preferred_element_type=jnp.float32)
    do = h.shape[1]
    ones = (lax.broadcasted_iota(jnp.int32, (NBLK, 16), 1) == 0).astype(jnp.float32)
    h_ref[0] = jnp.concatenate([h, ones], axis=1)
    ss_ref[0] = (h * as_ref[0:1, :do]).sum(axis=1).reshape(8, 128)
    sd_ref[0] = (h * ad_ref[0:1, :do]).sum(axis=1).reshape(8, 128)


def _a23_body(dprev, acc_ref, w_ref, as_ref, ad_ref, b_ref, h_ref, ss_ref, sd_ref):
    a = acc_ref[0]
    x = a[:, :dprev] / (a[:, dprev:dprev + 1] + 1e-16) + b_ref[0:1, :dprev]
    x = jnp.where(x > 0, x, jnp.exp(jnp.minimum(x, 0.0)) - 1.0)
    h = jnp.dot(x, w_ref[...], preferred_element_type=jnp.float32)
    do = h.shape[1]
    ones = (lax.broadcasted_iota(jnp.int32, (NBLK, 16), 1) == 0).astype(jnp.float32)
    h_ref[0] = jnp.concatenate([h, ones], axis=1)
    ss_ref[0] = (h * as_ref[0:1, :do]).sum(axis=1).reshape(8, 128)
    sd_ref[0] = (h * ad_ref[0:1, :do]).sum(axis=1).reshape(8, 128)


def _dense_layer(x_or_acc, W, a_s, a_d, b_prev, dprev, do, first):
    wa_out = do + 16
    out_shape = (
        jax.ShapeDtypeStruct((2, NP, wa_out), jnp.float32),
        jax.ShapeDtypeStruct((2, NP // 128, 128), jnp.float32),
        jax.ShapeDtypeStruct((2, NP // 128, 128), jnp.float32),
    )
    asp = jnp.zeros((8, 128), jnp.float32).at[0, :do].set(a_s)
    adp = jnp.zeros((8, 128), jnp.float32).at[0, :do].set(a_d)
    in_specs = [
        pl.BlockSpec((1, NBLK, x_or_acc.shape[2]), lambda g, i: (g, i, 0)),
        pl.BlockSpec((dprev, do), lambda g, i: (0, 0)),
        pl.BlockSpec((8, 128), lambda g, i: (0, 0)),
        pl.BlockSpec((8, 128), lambda g, i: (0, 0)),
    ]
    args = [x_or_acc, W, asp, adp]
    if first:
        body = _a1_body
    else:
        body = functools.partial(_a23_body, dprev)
        bp = jnp.zeros((8, 128), jnp.float32).at[0, :dprev].set(b_prev)
        in_specs.append(pl.BlockSpec((8, 128), lambda g, i: (0, 0)))
        args.append(bp)
    h, ss, sd = pl.pallas_call(
        body,
        grid=(2, NGRID),
        in_specs=in_specs,
        out_specs=(
            pl.BlockSpec((1, NBLK, wa_out), lambda g, i: (g, i, 0)),
            pl.BlockSpec((1, 8, 128), lambda g, i: (g, i, 0)),
            pl.BlockSpec((1, 8, 128), lambda g, i: (g, i, 0)),
        ),
        out_shape=out_shape,
    )(*args)
    return (h.reshape(2 * NP, wa_out), ss.reshape(2 * NP), sd.reshape(2 * NP))


def _f_body(acc_ref, b3_ref, xn_ref, wl_ref, bl_ref, wc1_ref, bc1_ref,
            wc2_ref, bc2_ref, out_ref):
    feats = []
    mask = lax.broadcasted_iota(jnp.int32, (NP, 1), 0) < N
    for g in range(2):
        a = acc_ref[g]
        x3 = a[:, :64] / (a[:, 64:65] + 1e-16) + b3_ref[0:1, :64]
        x3 = jnp.where(x3 > 0, x3, jnp.exp(jnp.minimum(x3, 0.0)) - 1.0)
        gv = jnp.where(mask, x3, 0.0).sum(axis=0, keepdims=True) * (1.0 / N)
        feat = jnp.concatenate([gv, xn_ref[g:g + 1, :16]], axis=1)
        feats.append(jnp.dot(feat, wl_ref[...], preferred_element_type=jnp.float32)
                     + bl_ref[0:1, :64])
    xx = jnp.concatenate(feats, axis=1)
    hh = jnp.dot(xx, wc1_ref[...], preferred_element_type=jnp.float32) + bc1_ref[0:1, :16]
    hh = jnp.maximum(hh, 0.0)
    oo = jnp.dot(hh, wc2_ref[...], preferred_element_type=jnp.float32) + bc2_ref[0:1, :]
    out_ref[...] = jnp.broadcast_to(oo, (8, 128))


def _final_head(acc3, b3, xn1, xn2, Wlin, blin, Wc1, bc1, Wc2, bc2):
    b3p = jnp.zeros((8, 128), jnp.float32).at[0, :64].set(b3)
    xnp_ = jnp.zeros((8, 128), jnp.float32).at[0, :16].set(xn1).at[1, :16].set(xn2)
    blp = jnp.zeros((8, 128), jnp.float32).at[0, :64].set(blin)
    bc1p = jnp.zeros((8, 128), jnp.float32).at[0, :16].set(bc1)
    wc2p = jnp.zeros((16, 128), jnp.float32).at[:, :3].set(Wc2)
    bc2p = jnp.zeros((8, 128), jnp.float32).at[0, :3].set(bc2)
    out = pl.pallas_call(
        _f_body,
        out_shape=jax.ShapeDtypeStruct((8, 128), jnp.float32),
    )(acc3.reshape(2, NP, 80), b3p, xnp_, Wlin, blp, Wc1, bc1p, wc2p, bc2p)
    return out[0:1, 0:3]



def _sc_layer(wa, li, h_flat, ss_flat, sd_flat, pk, carr):
    mesh = plsc.VectorSubcoreMesh(core_axis_name="c", subcore_axis_name="s")

    @functools.partial(
        pl.kernel,
        mesh=mesh,
        compiler_params=pltpu.CompilerParams(
            needs_layout_passes=False, use_tc_tiling_on_sc=False),
        out_type=jax.ShapeDtypeStruct((2 * NP, wa), jnp.float32),
        scratch_types=[
            pltpu.VMEM((NTAB,), jnp.float32),
            pltpu.VMEM((NTAB,), jnp.float32),
            pltpu.VMEM((3, CH), jnp.int32),
            pltpu.VMEM((3, CH), jnp.int32),
            pltpu.VMEM((CH,), jnp.int32),
            pltpu.VMEM((CH,), jnp.int32),
            pltpu.VMEM((CH,), jnp.float32),
            pltpu.VMEM((CH, wa), jnp.float32),
            pltpu.VMEM((CH, wa), jnp.float32),
            pltpu.VMEM((16,), jnp.float32),
            pltpu.VMEM_SHARED((NA, wa), jnp.float32),
            pltpu.SemaphoreType.DMA,
            pltpu.SemaphoreType.DMA,
            pltpu.SemaphoreType.DMA,
            pltpu.SemaphoreType.DMA,
            pltpu.SemaphoreType.DMA,
        ],
    )
    def body(h_hbm, ss_hbm, sd_hbm, pk_hbm, c_hbm, acc_hbm,
             ss_t, sd_t, eb0, eb1, dst0, dst1, ex_a, rows0, rows1, cbuf,
             accsh, semh0, semh1, sems0, sems1, seme):
        g = lax.axis_index("c")
        s = lax.axis_index("s")
        wid = g * NT + s
        goff = g * NP
        pltpu.sync_copy(ss_hbm.at[pl.ds(goff, NTAB)], ss_t)
        pltpu.sync_copy(sd_hbm.at[pl.ds(goff, NTAB)], sd_t)
        pltpu.sync_copy(c_hbm, cbuf)

        zv = jnp.zeros((16,), jnp.float32)

        def zrow(i, carry):
            for k in range(wa // 16):
                rows1[i, pl.ds(k * 16, 16)] = zv
            return carry

        lax.fori_loop(0, CH, zrow, 0)

        def zcp(i, carry):
            pltpu.sync_copy(rows1, accsh.at[pl.ds(s * RPT + i * CH, CH)])
            return carry

        lax.fori_loop(0, RPT // CH, zcp, 0)
        pltpu.sync_copy(rows1.at[pl.ds(0, RPT % CH)],
                        accsh.at[pl.ds(s * RPT + (RPT // CH) * CH, RPT % CH)])
        plsc.subcore_barrier()

        cvec = plsc.load_gather(cbuf, [jnp.full((16,), li, jnp.int32)])

        def compute_ex(eb_ref, dst_ref):
            for v in range(CH // 16):
                sl = pl.ds(v * 16, 16)
                sidx = eb_ref[0, sl] - goff
                didx = eb_ref[1, sl]
                dst_ref[sl] = didx
                ebv = plsc.bitcast(eb_ref[2, sl], jnp.float32)
                ssg = plsc.load_gather(ss_t, [sidx])
                sdg = plsc.load_gather(sd_t, [didx])
                t = ssg + sdg + ebv * cvec
                t = jnp.where(t > 0, t, t * 0.2)
                ex_a[sl] = jnp.exp(t)

        def scale(rows):
            @plsc.parallel_loop(0, CH, step=1, unroll=4)
            def _(r):
                exr = plsc.load_gather(ex_a, [jnp.full((16,), r, jnp.int32)])
                for k in range(wa // 16):
                    ksl = pl.ds(k * 16, 16)
                    rows[r, ksl] = rows[r, ksl] * exr

        pltpu.sync_copy(pk_hbm.at[wid, 0], eb0)
        pltpu.make_async_copy(pk_hbm.at[wid, 1], eb1, seme).start()
        pltpu.make_async_copy(h_hbm.at[eb0.at[0]], rows0, semh0).start()

        def pair(q, carry):
            compute_ex(eb0, dst0)
            pltpu.make_async_copy(h_hbm.at[eb0.at[0]], rows0, semh0).wait()
            pltpu.make_async_copy(pk_hbm.at[wid, 2 * q + 1], eb1, seme).wait()

            @pl.when(q > 0)
            def _():
                pltpu.make_async_copy(rows1, accsh.at[pl.ds(0, CH)], sems1).wait()

            pltpu.make_async_copy(h_hbm.at[eb1.at[0]], rows1, semh1).start()
            nx0 = jnp.minimum(2 * q + 2, NCH - 1)
            pltpu.make_async_copy(pk_hbm.at[wid, nx0], eb0, seme).start()
            pltpu.make_async_copy(rows0, accsh.at[pl.ds(0, CH)], sems0).start()
            compute_ex(eb1, dst1)
            pltpu.make_async_copy(h_hbm.at[eb1.at[0]], rows1, semh1).wait()
            pltpu.make_async_copy(pk_hbm.at[wid, nx0], eb0, seme).wait()
            pltpu.make_async_copy(rows0, accsh.at[pl.ds(0, CH)], sems0).wait()
            nx1 = jnp.minimum(2 * q + 2, NCH - 1)
            pltpu.make_async_copy(h_hbm.at[eb0.at[0]], rows0, semh0).start()
            nx2 = jnp.minimum(2 * q + 3, NCH - 1)
            pltpu.make_async_copy(pk_hbm.at[wid, nx2], eb1, seme).start()
            pltpu.make_async_copy(rows1, accsh.at[pl.ds(0, CH)], sems1).start()
            return carry

        lax.fori_loop(0, NCH // 2, pair, 0)
        pltpu.make_async_copy(rows1, accsh.at[pl.ds(0, CH)], sems1).wait()
        pltpu.make_async_copy(h_hbm.at[eb0.at[0]], rows0, semh0).wait()
        pltpu.make_async_copy(pk_hbm.at[wid, 0], eb1, seme).wait()
        plsc.subcore_barrier()
        pltpu.sync_copy(accsh.at[pl.ds(s * RPT, RPT)],
                        acc_hbm.at[pl.ds(goff + s * RPT, RPT)])

    return body(h_flat, ss_flat, sd_flat, pk, carr)



def _prep_edges(ei, ecol):
    src = jnp.concatenate([ei[0], jnp.arange(N, dtype=jnp.int32)])
    dst = jnp.concatenate([ei[1], jnp.arange(N, dtype=jnp.int32)])
    eb = jnp.concatenate(
        [ecol[:, 0], jnp.full((N,), jnp.mean(ecol[:, 0]), jnp.float32)])
    pad = EG - src.shape[0]
    src = jnp.concatenate([src, jnp.full((pad,), N, jnp.int32)])
    dst = jnp.concatenate([dst, jnp.full((pad,), N, jnp.int32)])
    eb = jnp.concatenate([eb, jnp.zeros((pad,), jnp.float32)])
    return src, dst, eb


def kernel(x1, x2, edge_index1, edge_index2, x_norm2_1, x_norm2_2,
           edge_col1, edge_col2,
           W1, as1, ad1, We1, ae1, b1,
           W2, as2, ad2, We2, ae2, b2,
           W3, as3, ad3, We3, ae3, b3,
           Wlin, blin, Wc1, bc1, Wc2, bc2):
    s1, d1, e1 = _prep_edges(edge_index1, edge_col1)
    s2, d2, e2 = _prep_edges(edge_index2, edge_col2)

    def pack(src, dst, eb):
        tri = jnp.stack([src, dst, lax.bitcast_convert_type(eb, jnp.int32)])
        return tri.reshape(3, NT, NCH, CH).transpose(1, 2, 0, 3)

    pk = jnp.concatenate([pack(s1, d1, e1), pack(s2 + NP, d2, e2)])
    carr = jnp.concatenate([
        (We1[0] * ae1).sum()[None], (We2[0] * ae2).sum()[None],
        (We3[0] * ae3).sum()[None], jnp.zeros((13,), jnp.float32)])

    xs = jnp.zeros((2, NP, 128), jnp.float32)
    xs = xs.at[0, :N].set(x1).at[1, :N].set(x2)

    h, ss, sd = _dense_layer(xs, W1, as1, ad1, None, 128, 128, first=True)
    acc = _sc_layer(144, 0, h, ss, sd, pk, carr)

    h, ss, sd = _dense_layer(acc.reshape(2, NP, 144), W2, as2, ad2, b1,
                             128, 128, first=False)
    acc = _sc_layer(144, 1, h, ss, sd, pk, carr)

    h, ss, sd = _dense_layer(acc.reshape(2, NP, 144), W3, as3, ad3, b2,
                             128, 64, first=False)
    acc = _sc_layer(80, 2, h, ss, sd, pk, carr)

    return _final_head(acc, b3, x_norm2_1, x_norm2_2, Wlin, blin, Wc1, bc1,
                       Wc2, bc2)

# --- scband reference (transcript-rebuilt; emitter-appended) ---
"""Pipeline reference for scband-spatial-model-6116033429578 (READ-ONLY COPY).

The authoritative reference and input builder live on the scoring server;
editing this copy changes nothing except your own understanding.
"""

import jax, jax.numpy as jnp
import numpy as np

N_NODES = 10000
E_EDGES = 320000
D_IN = 128
N1, N2, N3, N4, N5, L, NUM_CLASSES, EDGE_DIM = 128, 128, 64, 64, 16, 16, 3, 1


def setup_inputs(seed: int = 0):
    key = jax.random.key(seed)
    k = lambda i: jax.random.fold_in(key, i)
    inp = {}
    inp['x1'] = jax.random.normal(k(0), (N_NODES, D_IN), dtype=jnp.float32)
    inp['x2'] = jax.random.normal(k(1), (N_NODES, D_IN), dtype=jnp.float32)
    inp['edge_index1'] = jax.random.randint(k(2), (2, E_EDGES), 0, N_NODES, dtype=jnp.int32)
    inp['edge_index2'] = jax.random.randint(k(3), (2, E_EDGES), 0, N_NODES, dtype=jnp.int32)
    inp['x_norm2_1'] = jax.random.normal(k(4), (L,), dtype=jnp.float32)
    inp['x_norm2_2'] = jax.random.normal(k(5), (L,), dtype=jnp.float32)
    inp['edge_col1'] = jax.random.normal(k(6), (E_EDGES, EDGE_DIM), dtype=jnp.float32)
    inp['edge_col2'] = jax.random.normal(k(7), (E_EDGES, EDGE_DIM), dtype=jnp.float32)
    i = 8
    for li, (di, do) in enumerate([(D_IN, N1), (N1, N2), (N2, N3)], start=1):
        s = 1.0 / np.sqrt(di)
        inp['W%d' % li] = jax.random.normal(k(i), (di, do), dtype=jnp.float32) * s; i += 1
        inp['as%d' % li] = jax.random.normal(k(i), (do,), dtype=jnp.float32) * 0.1; i += 1
        inp['ad%d' % li] = jax.random.normal(k(i), (do,), dtype=jnp.float32) * 0.1; i += 1
        inp['We%d' % li] = jax.random.normal(k(i), (EDGE_DIM, do), dtype=jnp.float32) * 0.1; i += 1
        inp['ae%d' % li] = jax.random.normal(k(i), (do,), dtype=jnp.float32) * 0.1; i += 1
        inp['b%d' % li] = jnp.zeros((do,), dtype=jnp.float32)
    inp['Wlin'] = jax.random.normal(k(i), (N3 + L, N4), dtype=jnp.float32) / np.sqrt(N3 + L); i += 1
    inp['blin'] = jnp.zeros((N4,), dtype=jnp.float32)
    inp['Wc1'] = jax.random.normal(k(i), (2 * N4, N5), dtype=jnp.float32) / np.sqrt(2 * N4); i += 1
    inp['bc1'] = jnp.zeros((N5,), dtype=jnp.float32)
    inp['Wc2'] = jax.random.normal(k(i), (N5, NUM_CLASSES), dtype=jnp.float32) / np.sqrt(N5); i += 1
    inp['bc2'] = jnp.zeros((NUM_CLASSES,), dtype=jnp.float32)
    return inp


def _gat_layer(x, src, dst, ea, W, a_s, a_d, We, a_e, b):
    # PyG GATConv (heads=1, edge_dim) in eval mode, self-loops already added
    N = x.shape[0]
    h = x @ W
    alpha = (h * a_s).sum(-1)[src] + (h * a_d).sum(-1)[dst] + ((ea @ We) * a_e).sum(-1)
    alpha = jax.nn.leaky_relu(alpha, 0.2)
    amax = jax.lax.stop_gradient(jax.ops.segment_max(alpha, dst, num_segments=N))
    ex = jnp.exp(alpha - amax[dst])
    den = jax.ops.segment_sum(ex, dst, num_segments=N)
    coef = ex / (den[dst] + 1e-16)
    return jax.ops.segment_sum(h[src] * coef[:, None], dst, num_segments=N) + b


def _process_graph(x, edge_index, ea, p):
    N = x.shape[0]
    loop = jnp.arange(N, dtype=edge_index.dtype)
    src = jnp.concatenate([edge_index[0], loop])
    dst = jnp.concatenate([edge_index[1], loop])
    # self-loop edge_attr fill_value='mean' (PyG default with edge_dim)
    ea_full = jnp.concatenate([ea, jnp.broadcast_to(jnp.mean(ea, axis=0, keepdims=True), (N, ea.shape[1]))], axis=0)
    for li in (1, 2, 3):
        x = jax.nn.elu(_gat_layer(x, src, dst, ea_full, p['W%d' % li], p['as%d' % li], p['ad%d' % li], p['We%d' % li], p['ae%d' % li], p['b%d' % li]))
    # dropout p=0.2 is identity in eval mode
    return x.mean(axis=0)


def _forward(p):
    g1 = _process_graph(p['x1'], p['edge_index1'], p['edge_col1'], p)
    g2 = _process_graph(p['x2'], p['edge_index2'], p['edge_col2'], p)
    x1 = jnp.concatenate([g1, p['x_norm2_1']]) @ p['Wlin'] + p['blin']
    x2 = jnp.concatenate([g2, p['x_norm2_2']]) @ p['Wlin'] + p['blin']
    x = jnp.concatenate([x1, x2])
    h = jax.nn.relu(x @ p['Wc1'] + p['bc1'])
    return (h @ p['Wc2'] + p['bc2'])[None, :]


def reference(x1, x2, edge_index1, edge_index2, x_norm2_1, x_norm2_2,
              edge_col1, edge_col2,
              W1, as1, ad1, We1, ae1, b1,
              W2, as2, ad2, We2, ae2, b2,
              W3, as3, ad3, We3, ae3, b3,
              Wlin, blin, Wc1, bc1, Wc2, bc2):
    # returns class_logits of shape [1, num_classes] (goal_information=False)
    inp = dict(locals())
    return _forward(inp)

if __name__ == "__main__":
    import jax
    _d = setup_inputs()
    print(jax.jit(kernel)(*tuple(_d.values())))

</pallas_src>

<mosaic_0001>
#map = affine_map<(d0, d1) -> (0, 0)>
#map1 = affine_map<(d0, d1) -> (0)>
#map2 = affine_map<(d0, d1) -> (0, 0, 0, 0)>
module attributes {stable_mosaic.version = 14 : i64} {
  func.func @body(%arg0: i32, %arg1: i32, %arg2: memref<20480x144xf32, #tpu.memory_space<hbm>>, %arg3: memref<20480xf32, #tpu.memory_space<hbm>>, %arg4: memref<20480xf32, #tpu.memory_space<hbm>>, %arg5: memref<32x324x3x64xi32, #tpu.memory_space<hbm>>, %arg6: memref<16xf32, #tpu.memory_space<hbm>>, %arg7: memref<20480x144xf32, #tpu.memory_space<hbm>>, %arg8: memref<10048xf32, #tpu.memory_space<vmem>>, %arg9: memref<10048xf32, #tpu.memory_space<vmem>>, %arg10: memref<3x64xi32, #tpu.memory_space<vmem>>, %arg11: memref<3x64xi32, #tpu.memory_space<vmem>>, %arg12: memref<64xi32, #tpu.memory_space<vmem>>, %arg13: memref<64xi32, #tpu.memory_space<vmem>>, %arg14: memref<64xf32, #tpu.memory_space<vmem>>, %arg15: memref<64x144xf32, #tpu.memory_space<vmem>>, %arg16: memref<64x144xf32, #tpu.memory_space<vmem>>, %arg17: memref<16xf32, #tpu.memory_space<vmem>>, %arg18: memref<10112x144xf32, #tpu.memory_space<vmem_shared>>, %arg19: memref<!tpu.dma_semaphore, #tpu.memory_space<semaphore_mem>>, %arg20: memref<!tpu.dma_semaphore, #tpu.memory_space<semaphore_mem>>, %arg21: memref<!tpu.dma_semaphore, #tpu.memory_space<semaphore_mem>>, %arg22: memref<!tpu.dma_semaphore, #tpu.memory_space<semaphore_mem>>, %arg23: memref<!tpu.dma_semaphore, #tpu.memory_space<semaphore_mem>>) attributes {dimension_semantics = [#tpu.dimension_semantics<core_parallel>, #tpu.dimension_semantics<subcore_parallel>], iteration_bounds = array<i64: 2, 16>, scalar_prefetch = 0 : i64, scratch_operands = 16 : i64, tpu.core_type = #tpu.core_type<sc_vector_subcore>, window_params = [{transform_indices = #map}, {transform_indices = #map1}, {transform_indices = #map1}, {transform_indices = #map2}, {transform_indices = #map1}, {transform_indices = #map}]} {
    %mul3A = arith.constant 16 : i32
    %mul3A_0 = arith.muli %arg0, %mul3A : i32
    %add3A = arith.addi %mul3A_0, %arg1 : i32
    %mul3A_1 = arith.constant 10240 : i32
    %mul3A_2 = arith.muli %arg0, %mul3A_1 : i32
    "tpu.region"() ({
      %run_scoped3A_69 = tpu.sem_alloc : memref<!tpu.dma_semaphore, #tpu.memory_space<semaphore_mem>>
      %dma_start3A_70 = tpu.memref_slice %arg3[%mul3A_2] : memref<20480xf32, #tpu.memory_space<hbm>> -> memref<10048xf32, #tpu.memory_space<hbm>>
      %dma_start3A_71 = tpu.memref_slice %arg3[%mul3A_2] : memref<20480xf32, #tpu.memory_space<hbm>> -> memref<10048xf32, #tpu.memory_space<hbm>>
      tpu.enqueue_dma source(%dma_start3A_71 : memref<10048xf32, #tpu.memory_space<hbm>>) target(%arg8 : memref<10048xf32, #tpu.memory_space<vmem>>) target_semaphore(%run_scoped3A_69 : memref<!tpu.dma_semaphore, #tpu.memory_space<semaphore_mem>>)
      %dma_wait3A_72 = tpu.memref_slice %arg3[%mul3A_2] : memref<20480xf32, #tpu.memory_space<hbm>> -> memref<10048xf32, #tpu.memory_space<hbm>>
      %dma_wait3A_73 = tpu.memref_slice %arg3[%mul3A_2] : memref<20480xf32, #tpu.memory_space<hbm>> -> memref<10048xf32, #tpu.memory_space<hbm>>
      tpu.wait_dma2 semaphore(%run_scoped3A_69 : memref<!tpu.dma_semaphore, #tpu.memory_space<semaphore_mem>>) src(%dma_wait3A_73 : memref<10048xf32, #tpu.memory_space<hbm>>) dst(%arg8 : memref<10048xf32, #tpu.memory_space<vmem>>)
      tpu.yield
    }) : () -> ()
    "tpu.region"() ({
      %run_scoped3A_69 = tpu.sem_alloc : memref<!tpu.dma_semaphore, #tpu.memory_space<semaphore_mem>>
      %dma_start3A_70 = tpu.memref_slice %arg4[%mul3A_2] : memref<20480xf32, #tpu.memory_space<hbm>> -> memref<10048xf32, #tpu.memory_space<hbm>>
      %dma_start3A_71 = tpu.memref_slice %arg4[%mul3A_2] : memref<20480xf32, #tpu.memory_space<hbm>> -> memref<10048xf32, #tpu.memory_space<hbm>>
      tpu.enqueue_dma source(%dma_start3A_71 : memref<10048xf32, #tpu.memory_space<hbm>>) target(%arg9 : memref<10048xf32, #tpu.memory_space<vmem>>) target_semaphore(%run_scoped3A_69 : memref<!tpu.dma_semaphore, #tpu.memory_space<semaphore_mem>>)
      %dma_wait3A_72 = tpu.memref_slice %arg4[%mul3A_2] : memref<20480xf32, #tpu.memory_space<hbm>> -> memref<10048xf32, #tpu.memory_space<hbm>>
      %dma_wait3A_73 = tpu.memref_slice %arg4[%mul3A_2] : memref<20480xf32, #tpu.memory_space<hbm>> -> memref<10048xf32, #tpu.memory_space<hbm>>
      tpu.wait_dma2 semaphore(%run_scoped3A_69 : memref<!tpu.dma_semaphore, #tpu.memory_space<semaphore_mem>>) src(%dma_wait3A_73 : memref<10048xf32, #tpu.memory_space<hbm>>) dst(%arg9 : memref<10048xf32, #tpu.memory_space<vmem>>)
      tpu.yield
    }) : () -> ()
    "tpu.region"() ({
      %run_scoped3A_69 = tpu.sem_alloc : memref<!tpu.dma_semaphore, #tpu.memory_space<semaphore_mem>>
      tpu.enqueue_dma source(%arg6 : memref<16xf32, #tpu.memory_space<hbm>>) target(%arg17 : memref<16xf32, #tpu.memory_space<vmem>>) target_semaphore(%run_scoped3A_69 : memref<!tpu.dma_semaphore, #tpu.memory_space<semaphore_mem>>)
      tpu.wait_dma2 semaphore(%run_scoped3A_69 : memref<!tpu.dma_semaphore, #tpu.memory_space<semaphore_mem>>) src(%arg6 : memref<16xf32, #tpu.memory_space<hbm>>) dst(%arg17 : memref<16xf32, #tpu.memory_space<vmem>>)
      tpu.yield
    }) : () -> ()
    %broadcast_in_dim3A = arith.constant 0.000000e+00 : f32
    %broadcast_in_dim3A_3 = vector.broadcast %broadcast_in_dim3A : f32 to vector<16xf32>
    %scan3A = arith.constant 0 : i32
    %scan3A_4 = arith.constant 0 : i32
    %scan3A_5 = arith.constant 64 : i32
    %scan3A_6 = arith.addi %scan3A_4, %scan3A_5 : i32
    %scan3A_7 = arith.constant 1 : i32
    scf.for %scan3A_69 = %scan3A_4 to %scan3A_6 step %scan3A_7  : i32 {
      %swap3A = arith.index_cast %scan3A_69 : i32 to index
      %swap3A_70 = arith.constant 0 : index
      %swap3A_71 = tpu.vector_load %arg16[%swap3A, %swap3A_70] {strides = array<i32>} : memref<64x144xf32, #tpu.memory_space<vmem>>, vector<16xf32>,
      tpu.vector_store %arg16[%swap3A, %swap3A_70], %broadcast_in_dim3A_3 {strides = array<i32>} : memref<64x144xf32, #tpu.memory_space<vmem>>, vector<16xf32>,
      %swap3A_72 = arith.index_cast %scan3A_69 : i32 to index
      %swap3A_73 = arith.constant 16 : index
      %swap3A_74 = tpu.vector_load %arg16[%swap3A_72, %swap3A_73] {strides = array<i32>} : memref<64x144xf32, #tpu.memory_space<vmem>>, vector<16xf32>,
      tpu.vector_store %arg16[%swap3A_72, %swap3A_73], %broadcast_in_dim3A_3 {strides = array<i32>} : memref<64x144xf32, #tpu.memory_space<vmem>>, vector<16xf32>,
      %swap3A_75 = arith.index_cast %scan3A_69 : i32 to index
      %swap3A_76 = arith.constant 32 : index
      %swap3A_77 = tpu.vector_load %arg16[%swap3A_75, %swap3A_76] {strides = array<i32>} : memref<64x144xf32, #tpu.memory_space<vmem>>, vector<16xf32>,
      tpu.vector_store %arg16[%swap3A_75, %swap3A_76], %broadcast_in_dim3A_3 {strides = array<i32>} : memref<64x144xf32, #tpu.memory_space<vmem>>, vector<16xf32>,
      %swap3A_78 = arith.index_cast %scan3A_69 : i32 to index
      %swap3A_79 = arith.constant 48 : index
      %swap3A_80 = tpu.vector_load %arg16[%swap3A_78, %swap3A_79] {strides = array<i32>} : memref<64x144xf32, #tpu.memory_space<vmem>>, vector<16xf32>,
      tpu.vector_store %arg16[%swap3A_78, %swap3A_79], %broadcast_in_dim3A_3 {strides = array<i32>} : memref<64x144xf32, #tpu.memory_space<vmem>>, vector<16xf32>,
      %swap3A_81 = arith.index_cast %scan3A_69 : i32 to index
      %swap3A_82 = arith.constant 64 : index
      %swap3A_83 = tpu.vector_load %arg16[%swap3A_81, %swap3A_82] {strides = array<i32>} : memref<64x144xf32, #tpu.memory_space<vmem>>, vector<16xf32>,
      tpu.vector_store %arg16[%swap3A_81, %swap3A_82], %broadcast_in_dim3A_3 {strides = array<i32>} : memref<64x144xf32, #tpu.memory_space<vmem>>, vector<16xf32>,
      %swap3A_84 = arith.index_cast %scan3A_69 : i32 to index
      %swap3A_85 = arith.constant 80 : index
      %swap3A_86 = tpu.vector_load %arg16[%swap3A_84, %swap3A_85] {strides = array<i32>} : memref<64x144xf32, #tpu.memory_space<vmem>>, vector<16xf32>,
      tpu.vector_store %arg16[%swap3A_84, %swap3A_85], %broadcast_in_dim3A_3 {strides = array<i32>} : memref<64x144xf32, #tpu.memory_space<vmem>>, vector<16xf32>,
      %swap3A_87 = arith.index_cast %scan3A_69 : i32 to index
      %swap3A_88 = arith.constant 96 : index
      %swap3A_89 = tpu.vector_load %arg16[%swap3A_87, %swap3A_88] {strides = array<i32>} : memref<64x144xf32, #tpu.memory_space<vmem>>, vector<16xf32>,
      tpu.vector_store %arg16[%swap3A_87, %swap3A_88], %broadcast_in_dim3A_3 {strides = array<i32>} : memref<64x144xf32, #tpu.memory_space<vmem>>, vector<16xf32>,
      %swap3A_90 = arith.index_cast %scan3A_69 : i32 to index
      %swap3A_91 = arith.constant 112 : index
      %swap3A_92 = tpu.vector_load %arg16[%swap3A_90, %swap3A_91] {strides = array<i32>} : memref<64x144xf32, #tpu.memory_space<vmem>>, vector<16xf32>,
      tpu.vector_store %arg16[%swap3A_90, %swap3A_91], %broadcast_in_dim3A_3 {strides = array<i32>} : memref<64x144xf32, #tpu.memory_space<vmem>>, vector<16xf32>,
      %swap3A_93 = arith.index_cast %scan3A_69 : i32 to index
      %swap3A_94 = arith.constant 128 : index
      %swap3A_95 = tpu.vector_load %arg16[%swap3A_93, %swap3A_94] {strides = array<i32>} : memref<64x144xf32, #tpu.memory_space<vmem>>, vector<16xf32>,
      tpu.vector_store %arg16[%swap3A_93, %swap3A_94], %broadcast_in_dim3A_3 {strides = array<i32>} : memref<64x144xf32, #tpu.memory_space<vmem>>, vector<16xf32>,
    }
    %scan3A_8 = arith.constant 64 : i32
    %scan3A_9 = arith.constant 0 : i32
    %scan3A_10 = arith.constant 0 : i32
    %scan3A_11 = arith.constant 9 : i32
    %scan3A_12 = arith.addi %scan3A_10, %scan3A_11 : i32
    %scan3A_13 = arith.constant 1 : i32
    scf.for %scan3A_69 = %scan3A_10 to %scan3A_12 step %scan3A_13  : i32 {
      %mul3A_70 = arith.constant 632 : i32
      %mul3A_71 = arith.muli %arg1, %mul3A_70 : i32
      %mul3A_72 = arith.constant 64 : i32
      %mul3A_73 = arith.muli %scan3A_69, %mul3A_72 : i32
      %add3A_74 = arith.addi %mul3A_71, %mul3A_73 : i32
      "tpu.region"() ({
        %run_scoped3A_75 = tpu.sem_alloc : memref<!tpu.dma_semaphore, #tpu.memory_space<semaphore_mem>>
        %dma_start3A_76 = arith.constant 0 : i32
        %dma_start3A_77 = tpu.memref_slice %arg18[%add3A_74, %dma_start3A_76] : memref<10112x144xf32, #tpu.memory_space<vmem_shared>> -> memref<64x144xf32, #tpu.memory_space<vmem_shared>>
        %dma_start3A_78 = arith.constant 0 : i32
        %dma_start3A_79 = tpu.memref_slice %arg18[%add3A_74, %dma_start3A_78] : memref<10112x144xf32, #tpu.memory_space<vmem_shared>> -> memref<64x144xf32, #tpu.memory_space<vmem_shared>>
        tpu.enqueue_dma source(%arg16 : memref<64x144xf32, #tpu.memory_space<vmem>>) target(%dma_start3A_79 : memref<64x144xf32, #tpu.memory_space<vmem_shared>>) target_semaphore(%run_scoped3A_75 : memref<!tpu.dma_semaphore, #tpu.memory_space<semaphore_mem>>)
        %dma_wait3A_80 = arith.constant 0 : i32
        %dma_wait3A_81 = tpu.memref_slice %arg18[%add3A_74, %dma_wait3A_80] : memref<10112x144xf32, #tpu.memory_space<vmem_shared>> -> memref<64x144xf32, #tpu.memory_space<vmem_shared>>
        %dma_wait3A_82 = arith.constant 0 : i32
        %dma_wait3A_83 = tpu.memref_slice %arg18[%add3A_74, %dma_wait3A_82] : memref<10112x144xf32, #tpu.memory_space<vmem_shared>> -> memref<64x144xf32, #tpu.memory_space<vmem_shared>>
        tpu.wait_dma2 semaphore(%run_scoped3A_75 : memref<!tpu.dma_semaphore, #tpu.memory_space<semaphore_mem>>) src(%arg16 : memref<64x144xf32, #tpu.memory_space<vmem>>) dst(%dma_wait3A_83 : memref<64x144xf32, #tpu.memory_space<vmem_shared>>)
        tpu.yield
      }) : () -> ()
    }
    %scan3A_14 = arith.constant 9 : i32
    %mul3A_15 = arith.constant 632 : i32
    %mul3A_16 = arith.muli %arg1, %mul3A_15 : i32
    %add3A_17 = arith.constant 576 : i32
    %add3A_18 = arith.addi %mul3A_16, %add3A_17 : i32
    "tpu.region"() ({
      %run_scoped3A_69 = tpu.sem_alloc : memref<!tpu.dma_semaphore, #tpu.memory_space<semaphore_mem>>
      %dma_start3A_70 = arith.constant 0 : i32
      %dma_start3A_71 = arith.constant 0 : i32
      %dma_start3A_72 = tpu.memref_slice %arg16[%dma_start3A_70, %dma_start3A_71] : memref<64x144xf32, #tpu.memory_space<vmem>> -> memref<56x144xf32, #tpu.memory_space<vmem>>
      %dma_start3A_73 = arith.constant 0 : i32
      %dma_start3A_74 = tpu.memref_slice %arg18[%add3A_18, %dma_start3A_73] : memref<10112x144xf32, #tpu.memory_space<vmem_shared>> -> memref<56x144xf32, #tpu.memory_space<vmem_shared>>
      %dma_start3A_75 = arith.constant 0 : i32
      %dma_start3A_76 = tpu.memref_slice %arg18[%add3A_18, %dma_start3A_75] : memref<10112x144xf32, #tpu.memory_space<vmem_shared>> -> memref<56x144xf32, #tpu.memory_space<vmem_shared>>
      %dma_start3A_77 = arith.constant 0 : i32
      %dma_start3A_78 = arith.constant 0 : i32
      %dma_start3A_79 = tpu.memref_slice %arg16[%dma_start3A_77, %dma_start3A_78] : memref<64x144xf32, #tpu.memory_space<vmem>> -> memref<56x144xf32, #tpu.memory_space<vmem>>
      tpu.enqueue_dma source(%dma_start3A_79 : memref<56x144xf32, #tpu.memory_space<vmem>>) target(%dma_start3A_76 : memref<56x144xf32, #tpu.memory_space<vmem_shared>>) target_semaphore(%run_scoped3A_69 : memref<!tpu.dma_semaphore, #tpu.memory_space<semaphore_mem>>)
      %dma_wait3A_80 = arith.constant 0 : i32
      %dma_wait3A_81 = arith.constant 0 : i32
      %dma_wait3A_82 = tpu.memref_slice %arg16[%dma_wait3A_80, %dma_wait3A_81] : memref<64x144xf32, #tpu.memory_space<vmem>> -> memref<56x144xf32, #tpu.memory_space<vmem>>
      %dma_wait3A_83 = arith.constant 0 : i32
      %dma_wait3A_84 = tpu.memref_slice %arg18[%add3A_18, %dma_wait3A_83] : memref<10112x144xf32, #tpu.memory_space<vmem_shared>> -> memref<56x144xf32, #tpu.memory_space<vmem_shared>>
      %dma_wait3A_85 = arith.constant 0 : i32
      %dma_wait3A_86 = tpu.memref_slice %arg18[%add3A_18, %dma_wait3A_85] : memref<10112x144xf32, #tpu.memory_space<vmem_shared>> -> memref<56x144xf32, #tpu.memory_space<vmem_shared>>
      %dma_wait3A_87 = arith.constant 0 : i32
      %dma_wait3A_88 = arith.constant 0 : i32
      %dma_wait3A_89 = tpu.memref_slice %arg16[%dma_wait3A_87, %dma_wait3A_88] : memref<64x144xf32, #tpu.memory_space<vmem>> -> memref<56x144xf32, #tpu.memory_space<vmem>>
      tpu.wait_dma2 semaphore(%run_scoped3A_69 : memref<!tpu.dma_semaphore, #tpu.memory_space<semaphore_mem>>) src(%dma_wait3A_89 : memref<56x144xf32, #tpu.memory_space<vmem>>) dst(%dma_wait3A_86 : memref<56x144xf32, #tpu.memory_space<vmem_shared>>)
      tpu.yield
    }) : () -> ()
    %barrier3A = arith.constant 0 : index
    tpu.barrier barrier_id(%barrier3A)
    %broadcast_in_dim3A_19 = arith.constant 1 : i32
    %broadcast_in_dim3A_20 = vector.broadcast %broadcast_in_dim3A_19 : i32 to vector<16xi32>
    %gather3A = tpu.vector_load_idx %arg17[%broadcast_in_dim3A_20] : memref<16xf32, #tpu.memory_space<vmem>>[vector<16xi32>], vector<16xf32>,
    %run_scoped3A = arith.constant 0 : i32
    "tpu.region"() ({
      %run_scoped3A_69 = tpu.sem_alloc : memref<!tpu.dma_semaphore, #tpu.memory_space<semaphore_mem>>
      %dma_start3A_70 = arith.constant 0 : i32
      %dma_start3A_71 = arith.constant 0 : i32
      %dma_start3A_72 = tpu.memref_slice %arg5[%add3A, %run_scoped3A, %dma_start3A_70, %dma_start3A_71] : memref<32x324x3x64xi32, #tpu.memory_space<hbm>> -> memref<1x1x3x64xi32, #tpu.memory_space<hbm>>
      %dma_start3A_73 = tpu.memref_squeeze %dma_start3A_72 : memref<1x1x3x64xi32, #tpu.memory_space<hbm>> -> memref<3x64xi32, #tpu.memory_space<hbm>>
      %dma_start3A_74 = arith.constant 0 : i32
      %dma_start3A_75 = arith.constant 0 : i32
      %dma_start3A_76 = tpu.memref_slice %arg5[%add3A, %run_scoped3A, %dma_start3A_74, %dma_start3A_75] : memref<32x324x3x64xi32, #tpu.memory_space<hbm>> -> memref<1x1x3x64xi32, #tpu.memory_space<hbm>>
      %dma_start3A_77 = tpu.memref_squeeze %dma_start3A_76 : memref<1x1x3x64xi32, #tpu.memory_space<hbm>> -> memref<3x64xi32, #tpu.memory_space<hbm>>
      tpu.enqueue_dma source(%dma_start3A_77 : memref<3x64xi32, #tpu.memory_space<hbm>>) target(%arg10 : memref<3x64xi32, #tpu.memory_space<vmem>>) target_semaphore(%run_scoped3A_69 : memref<!tpu.dma_semaphore, #tpu.memory_space<semaphore_mem>>)
      %dma_wait3A_78 = arith.constant 0 : i32
      %dma_wait3A_79 = arith.constant 0 : i32
      %dma_wait3A_80 = tpu.memref_slice %arg5[%add3A, %run_scoped3A, %dma_wait3A_78, %dma_wait3A_79] : memref<32x324x3x64xi32, #tpu.memory_space<hbm>> -> memref<1x1x3x64xi32, #tpu.memory_space<hbm>>
      %dma_wait3A_81 = tpu.memref_squeeze %dma_wait3A_80 : memref<1x1x3x64xi32, #tpu.memory_space<hbm>> -> memref<3x64xi32, #tpu.memory_space<hbm>>
      %dma_wait3A_82 = arith.constant 0 : i32
      %dma_wait3A_83 = arith.constant 0 : i32
      %dma_wait3A_84 = tpu.memref_slice %arg5[%add3A, %run_scoped3A, %dma_wait3A_82, %dma_wait3A_83] : memref<32x324x3x64xi32, #tpu.memory_space<hbm>> -> memref<1x1x3x64xi32, #tpu.memory_space<hbm>>
      %dma_wait3A_85 = tpu.memref_squeeze %dma_wait3A_84 : memref<1x1x3x64xi32, #tpu.memory_space<hbm>> -> memref<3x64xi32, #tpu.memory_space<hbm>>
      tpu.wait_dma2 semaphore(%run_scoped3A_69 : memref<!tpu.dma_semaphore, #tpu.memory_space<semaphore_mem>>) src(%dma_wait3A_85 : memref<3x64xi32, #tpu.memory_space<hbm>>) dst(%arg10 : memref<3x64xi32, #tpu.memory_space<vmem>>)
      tpu.yield
    }) : () -> ()
    %dma_start3A = arith.constant 1 : i32
    %dma_start3A_21 = arith.constant 0 : i32
    %dma_start3A_22 = arith.constant 0 : i32
    %dma_start3A_23 = tpu.memref_slice %arg5[%add3A, %dma_start3A, %dma_start3A_21, %dma_start3A_22] : memref<32x324x3x64xi32, #tpu.memory_space<hbm>> -> memref<1x1x3x64xi32, #tpu.memory_space<hbm>>
    %dma_start3A_24 = tpu.memref_squeeze %dma_start3A_23 : memref<1x1x3x64xi32, #tpu.memory_space<hbm>> -> memref<3x64xi32, #tpu.memory_space<hbm>>
    %dma_start3A_25 = arith.constant 0 : i32
    %dma_start3A_26 = arith.constant 0 : i32
    %dma_start3A_27 = tpu.memref_slice %arg5[%add3A, %dma_start3A, %dma_start3A_25, %dma_start3A_26] : memref<32x324x3x64xi32, #tpu.memory_space<hbm>> -> memref<1x1x3x64xi32, #tpu.memory_space<hbm>>
    %dma_start3A_28 = tpu.memref_squeeze %dma_start3A_27 : memref<1x1x3x64xi32, #tpu.memory_space<hbm>> -> memref<3x64xi32, #tpu.memory_space<hbm>>
    tpu.enqueue_dma source(%dma_start3A_28 : memref<3x64xi32, #tpu.memory_space<hbm>>) target(%arg11 : memref<3x64xi32, #tpu.memory_space<vmem>>) target_semaphore(%arg23 : memref<!tpu.dma_semaphore, #tpu.memory_space<semaphore_mem>>)
    %dma_start3A_29 = arith.constant 0 : i32
    %dma_start3A_30 = arith.constant 0 : i32
    %dma_start3A_31 = tpu.memref_slice %arg10[%dma_start3A_29, %dma_start3A_30] : memref<3x64xi32, #tpu.memory_space<vmem>> -> memref<1x64xi32, #tpu.memory_space<vmem>>
    %dma_start3A_32 = tpu.memref_squeeze %dma_start3A_31 : memref<1x64xi32, #tpu.memory_space<vmem>> -> memref<64xi32, #tpu.memory_space<vmem>>
    %dma_start3A_33 = arith.constant 0 : i32
    %dma_start3A_34 = arith.constant 0 : i32
    %dma_start3A_35 = tpu.memref_slice %arg2[%dma_start3A_33, %dma_start3A_34] : memref<20480x144xf32, #tpu.memory_space<hbm>> -> memref<20480x144xf32, #tpu.memory_space<hbm>>
    tpu.enqueue_indirect_dma source(%dma_start3A_35 : memref<20480x144xf32, #tpu.memory_space<hbm>>) target(%arg15 : memref<64x144xf32, #tpu.memory_space<vmem>>) offsets(%dma_start3A_32 : memref<64xi32, #tpu.memory_space<vmem>>) semaphore(%arg19 : memref<!tpu.dma_semaphore, #tpu.memory_space<semaphore_mem>>)
    %scan3A_36 = arith.constant 0 : i32
    %scan3A_37 = arith.constant 0 : i32
    %scan3A_38 = arith.constant 162 : i32
    %scan3A_39 = arith.addi %scan3A_37, %scan3A_38 : i32
    %scan3A_40 = arith.constant 1 : i32
    scf.for %scan3A_69 = %scan3A_37 to %scan3A_39 step %scan3A_40  : i32 {
      %get3A = arith.constant 0 : i32
      %get3A_70 = arith.index_cast %get3A : i32 to index
      %get3A_71 = arith.constant 0 : index
      %get3A_72 = tpu.vector_load %arg10[%get3A_70, %get3A_71] {strides = array<i32>} : memref<3x64xi32, #tpu.memory_space<vmem>>, vector<16xi32>,
      %sub3A = vector.broadcast %mul3A_2 : i32 to vector<16xi32>
      %sub3A_73 = arith.subi %get3A_72, %sub3A : vector<16xi32>
      %get3A_74 = arith.constant 1 : i32
      %get3A_75 = arith.index_cast %get3A_74 : i32 to index
      %get3A_76 = arith.constant 0 : index
      %get3A_77 = tpu.vector_load %arg10[%get3A_75, %get3A_76] {strides = array<i32>} : memref<3x64xi32, #tpu.memory_space<vmem>>, vector<16xi32>,
      %swap3A = arith.constant 0 : index
      %swap3A_78 = tpu.vector_load %arg12[%swap3A] {strides = array<i32>} : memref<64xi32, #tpu.memory_space<vmem>>, vector<16xi32>,
      tpu.vector_store %arg12[%swap3A], %get3A_77 {strides = array<i32>} : memref<64xi32, #tpu.memory_space<vmem>>, vector<16xi32>,
      %get3A_79 = arith.constant 2 : i32
      %get3A_80 = arith.index_cast %get3A_79 : i32 to index
      %get3A_81 = arith.constant 0 : index
      %get3A_82 = tpu.vector_load %arg10[%get3A_80, %get3A_81] {strides = array<i32>} : memref<3x64xi32, #tpu.memory_space<vmem>>, vector<16xi32>,
      %bitcast3A = vector.bitcast %get3A_82 : vector<16xi32> to vector<16xf32>
      %gather3A_83 = tpu.vector_load_idx %arg8[%sub3A_73] : memref<10048xf32, #tpu.memory_space<vmem>>[vector<16xi32>], vector<16xf32>,
      %gather3A_84 = tpu.vector_load_idx %arg9[%get3A_77] : memref<10048xf32, #tpu.memory_space<vmem>>[vector<16xi32>], vector<16xf32>,
      %add3A_85 = arith.addf %gather3A_83, %gather3A_84 : vector<16xf32>
      %mul3A_86 = arith.mulf %bitcast3A, %gather3A : vector<16xf32>
      %add3A_87 = arith.addf %add3A_85, %mul3A_86 : vector<16xf32>
      %gt3A = arith.constant 0.000000e+00 : f32
      %gt3A_88 = vector.broadcast %gt3A : f32 to vector<16xf32>
      %gt3A_89 = arith.cmpf ogt, %add3A_87, %gt3A_88 : vector<16xf32>
      %mul3A_90 = arith.constant 2.000000e-01 : f32
      %mul3A_91 = vector.broadcast %mul3A_90 : f32 to vector<16xf32>
      %mul3A_92 = arith.mulf %add3A_87, %mul3A_91 : vector<16xf32>
      %select_n3A = arith.select %gt3A_89, %add3A_87, %mul3A_92 : vector<16xi1>, vector<16xf32>
      %exp3A = math.exp %select_n3A : vector<16xf32>
      %swap3A_93 = arith.constant 0 : index
      %swap3A_94 = tpu.vector_load %arg14[%swap3A_93] {strides = array<i32>} : memref<64xf32, #tpu.memory_space<vmem>>, vector<16xf32>,
      tpu.vector_store %arg14[%swap3A_93], %exp3A {strides = array<i32>} : memref<64xf32, #tpu.memory_space<vmem>>, vector<16xf32>,
      %get3A_95 = arith.constant 0 : i32
      %get3A_96 = arith.index_cast %get3A_95 : i32 to index
      %get3A_97 = arith.constant 16 : index
      %get3A_98 = tpu.vector_load %arg10[%get3A_96, %get3A_97] {strides = array<i32>} : memref<3x64xi32, #tpu.memory_space<vmem>>, vector<16xi32>,
      %sub3A_99 = vector.broadcast %mul3A_2 : i32 to vector<16xi32>
      %sub3A_100 = arith.subi %get3A_98, %sub3A_99 : vector<16xi32>
      %get3A_101 = arith.constant 1 : i32
      %get3A_102 = arith.index_cast %get3A_101 : i32 to index
      %get3A_103 = arith.constant 16 : index
      %get3A_104 = tpu.vector_load %arg10[%get3A_102, %get3A_103] {strides = array<i32>} : memref<3x64xi32, #tpu.memory_space<vmem>>, vector<16xi32>,
      %swap3A_105 = arith.constant 16 : index
      %swap3A_106 = tpu.vector_load %arg12[%swap3A_105] {strides = array<i32>} : memref<64xi32, #tpu.memory_space<vmem>>, vector<16xi32>,
      tpu.vector_store %arg12[%swap3A_105], %get3A_104 {strides = array<i32>} : memref<64xi32, #tpu.memory_space<vmem>>, vector<16xi32>,
      %get3A_107 = arith.constant 2 : i32
      %get3A_108 = arith.index_cast %get3A_107 : i32 to index
      %get3A_109 = arith.constant 16 : index
      %get3A_110 = tpu.vector_load %arg10[%get3A_108, %get3A_109] {strides = array<i32>} : memref<3x64xi32, #tpu.memory_space<vmem>>, vector<16xi32>,
      %bitcast3A_111 = vector.bitcast %get3A_110 : vector<16xi32> to vector<16xf32>
      %gather3A_112 = tpu.vector_load_idx %arg8[%sub3A_100] : memref<10048xf32, #tpu.memory_space<vmem>>[vector<16xi32>], vector<16xf32>,
      %gather3A_113 = tpu.vector_load_idx %arg9[%get3A_104] : memref<10048xf32, #tpu.memory_space<vmem>>[vector<16xi32>], vector<16xf32>,
      %add3A_114 = arith.addf %gather3A_112, %gather3A_113 : vector<16xf32>
      %mul3A_115 = arith.mulf %bitcast3A_111, %gather3A : vector<16xf32>
      %add3A_116 = arith.addf %add3A_114, %mul3A_115 : vector<16xf32>
      %gt3A_117 = arith.constant 0.000000e+00 : f32
      %gt3A_118 = vector.broadcast %gt3A_117 : f32 to vector<16xf32>
      %gt3A_119 = arith.cmpf ogt, %add3A_116, %gt3A_118 : vector<16xf32>
      %mul3A_120 = arith.constant 2.000000e-01 : f32
      %mul3A_121 = vector.broadcast %mul3A_120 : f32 to vector<16xf32>
      %mul3A_122 = arith.mulf %add3A_116, %mul3A_121 : vector<16xf32>
      %select_n3A_123 = arith.select %gt3A_119, %add3A_116, %mul3A_122 : vector<16xi1>, vector<16xf32>
      %exp3A_124 = math.exp %select_n3A_123 : vector<16xf32>
      %swap3A_125 = arith.constant 16 : index
      %swap3A_126 = tpu.vector_load %arg14[%swap3A_125] {strides = array<i32>} : memref<64xf32, #tpu.memory_space<vmem>>, vector<16xf32>,
      tpu.vector_store %arg14[%swap3A_125], %exp3A_124 {strides = array<i32>} : memref<64xf32, #tpu.memory_space<vmem>>, vector<16xf32>,
      %get3A_127 = arith.constant 0 : i32
      %get3A_128 = arith.index_cast %get3A_127 : i32 to index
      %get3A_129 = arith.constant 32 : index
      %get3A_130 = tpu.vector_load %arg10[%get3A_128, %get3A_129] {strides = array<i32>} : memref<3x64xi32, #tpu.memory_space<vmem>>, vector<16xi32>,
      %sub3A_131 = vector.broadcast %mul3A_2 : i32 to vector<16xi32>
      %sub3A_132 = arith.subi %get3A_130, %sub3A_131 : vector<16xi32>
      %get3A_133 = arith.constant 1 : i32
      %get3A_134 = arith.index_cast %get3A_133 : i32 to index
      %get3A_135 = arith.constant 32 : index
      %get3A_136 = tpu.vector_load %arg10[%get3A_134, %get3A_135] {strides = array<i32>} : memref<3x64xi32, #tpu.memory_space<vmem>>, vector<16xi32>,
      %swap3A_137 = arith.constant 32 : index
      %swap3A_138 = tpu.vector_load %arg12[%swap3A_137] {strides = array<i32>} : memref<64xi32, #tpu.memory_space<vmem>>, vector<16xi32>,
      tpu.vector_store %arg12[%swap3A_137], %get3A_136 {strides = array<i32>} : memref<64xi32, #tpu.memory_space<vmem>>, vector<16xi32>,
      %get3A_139 = arith.constant 2 : i32
      %get3A_140 = arith.index_cast %get3A_139 : i32 to index
      %get3A_141 = arith.constant 32 : index
      %get3A_142 = tpu.vector_load %arg10[%get3A_140, %get3A_141] {strides = array<i32>} : memref<3x64xi32, #tpu.memory_space<vmem>>, vector<16xi32>,
      %bitcast3A_143 = vector.bitcast %get3A_142 : vector<16xi32> to vector<16xf32>
      %gather3A_144 = tpu.vector_load_idx %arg8[%sub3A_132] : memref<10048xf32, #tpu.memory_space<vmem>>[vector<16xi32>], vector<16xf32>,
      %gather3A_145 = tpu.vector_load_idx %arg9[%get3A_136] : memref<10048xf32, #tpu.memory_space<vmem>>[vector<16xi32>], vector<16xf32>,
      %add3A_146 = arith.addf %gather3A_144, %gather3A_145 : vector<16xf32>
      %mul3A_147 = arith.mulf %bitcast3A_143, %gather3A : vector<16xf32>
      %add3A_148 = arith.addf %add3A_146, %mul3A_147 : vector<16xf32>
      %gt3A_149 = arith.constant 0.000000e+00 : f32
      %gt3A_150 = vector.broadcast %gt3A_149 : f32 to vector<16xf32>
      %gt3A_151 = arith.cmpf ogt, %add3A_148, %gt3A_150 : vector<16xf32>
      %mul3A_152 = arith.constant 2.000000e-01 : f32
      %mul3A_153 = vector.broadcast %mul3A_152 : f32 to vector<16xf32>
      %mul3A_154 = arith.mulf %add3A_148, %mul3A_153 : vector<16xf32>
      %select_n3A_155 = arith.select %gt3A_151, %add3A_148, %mul3A_154 : vector<16xi1>, vector<16xf32>
      %exp3A_156 = math.exp %select_n3A_155 : vector<16xf32>
      %swap3A_157 = arith.constant 32 : index
      %swap3A_158 = tpu.vector_load %arg14[%swap3A_157] {strides = array<i32>} : memref<64xf32, #tpu.memory_space<vmem>>, vector<16xf32>,
      tpu.vector_store %arg14[%swap3A_157], %exp3A_156 {strides = array<i32>} : memref<64xf32, #tpu.memory_space<vmem>>, vector<16xf32>,
      %get3A_159 = arith.constant 0 : i32
      %get3A_160 = arith.index_cast %get3A_159 : i32 to index
      %get3A_161 = arith.constant 48 : index
      %get3A_162 = tpu.vector_load %arg10[%get3A_160, %get3A_161] {strides = array<i32>} : memref<3x64xi32, #tpu.memory_space<vmem>>, vector<16xi32>,
      %sub3A_163 = vector.broadcast %mul3A_2 : i32 to vector<16xi32>
      %sub3A_164 = arith.subi %get3A_162, %sub3A_163 : vector<16xi32>
      %get3A_165 = arith.constant 1 : i32
      %get3A_166 = arith.index_cast %get3A_165 : i32 to index
      %get3A_167 = arith.constant 48 : index
      %get3A_168 = tpu.vector_load %arg10[%get3A_166, %get3A_167] {strides = array<i32>} : memref<3x64xi32, #tpu.memory_space<vmem>>, vector<16xi32>,
      %swap3A_169 = arith.constant 48 : index
      %swap3A_170 = tpu.vector_load %arg12[%swap3A_169] {strides = array<i32>} : memref<64xi32, #tpu.memory_space<vmem>>, vector<16xi32>,
      tpu.vector_store %arg12[%swap3A_169], %get3A_168 {strides = array<i32>} : memref<64xi32, #tpu.memory_space<vmem>>, vector<16xi32>,
      %get3A_171 = arith.constant 2 : i32
      %get3A_172 = arith.index_cast %get3A_171 : i32 to index
      %get3A_173 = arith.constant 48 : index
      %get3A_174 = tpu.vector_load %arg10[%get3A_172, %get3A_173] {strides = array<i32>} : memref<3x64xi32, #tpu.memory_space<vmem>>, vector<16xi32>,
      %bitcast3A_175 = vector.bitcast %get3A_174 : vector<16xi32> to vector<16xf32>
      %gather3A_176 = tpu.vector_load_idx %arg8[%sub3A_164] : memref<10048xf32, #tpu.memory_space<vmem>>[vector<16xi32>], vector<16xf32>,
      %gather3A_177 = tpu.vector_load_idx %arg9[%get3A_168] : memref<10048xf32, #tpu.memory_space<vmem>>[vector<16xi32>], vector<16xf32>,
      %add3A_178 = arith.addf %gather3A_176, %gather3A_177 : vector<16xf32>
      %mul3A_179 = arith.mulf %bitcast3A_175, %gather3A : vector<16xf32>
      %add3A_180 = arith.addf %add3A_178, %mul3A_179 : vector<16xf32>
      %gt3A_181 = arith.constant 0.000000e+00 : f32
      %gt3A_182 = vector.broadcast %gt3A_181 : f32 to vector<16xf32>
      %gt3A_183 = arith.cmpf ogt, %add3A_180, %gt3A_182 : vector<16xf32>
      %mul3A_184 = arith.constant 2.000000e-01 : f32
      %mul3A_185 = vector.broadcast %mul3A_184 : f32 to vector<16xf32>
      %mul3A_186 = arith.mulf %add3A_180, %mul3A_185 : vector<16xf32>
      %select_n3A_187 = arith.select %gt3A_183, %add3A_180, %mul3A_186 : vector<16xi1>, vector<16xf32>
      %exp3A_188 = math.exp %select_n3A_187 : vector<16xf32>
      %swap3A_189 = arith.constant 48 : index
      %swap3A_190 = tpu.vector_load %arg14[%swap3A_189] {strides = array<i32>} : memref<64xf32, #tpu.memory_space<vmem>>, vector<16xf32>,
      tpu.vector_store %arg14[%swap3A_189], %exp3A_188 {strides = array<i32>} : memref<64xf32, #tpu.memory_space<vmem>>, vector<16xf32>,
      %dma_wait3A_191 = arith.constant 0 : i32
      %dma_wait3A_192 = arith.constant 0 : i32
      %dma_wait3A_193 = tpu.memref_slice %arg10[%dma_wait3A_191, %dma_wait3A_192] : memref<3x64xi32, #tpu.memory_space<vmem>> -> memref<1x64xi32, #tpu.memory_space<vmem>>
      %dma_wait3A_194 = tpu.memref_squeeze %dma_wait3A_193 : memref<1x64xi32, #tpu.memory_space<vmem>> -> memref<64xi32, #tpu.memory_space<vmem>>
      %dma_wait3A_195 = arith.constant 0 : i32
      %dma_wait3A_196 = arith.constant 0 : i32
      %dma_wait3A_197 = tpu.memref_slice %arg2[%dma_wait3A_195, %dma_wait3A_196] : memref<20480x144xf32, #tpu.memory_space<hbm>> -> memref<20480x144xf32, #tpu.memory_space<hbm>>
      tpu.wait_indirect_dma semaphore(%arg19 : memref<!tpu.dma_semaphore, #tpu.memory_space<semaphore_mem>>) src(%dma_wait3A_197 : memref<20480x144xf32, #tpu.memory_space<hbm>>) dst(%arg15 : memref<64x144xf32, #tpu.memory_space<vmem>>)
      %mul3A_198 = arith.constant 2 : i32
      %mul3A_199 = arith.muli %mul3A_198, %scan3A_69 : i32
      %add3A_200 = arith.constant 1 : i32
      %add3A_201 = arith.addi %mul3A_199, %add3A_200 : i32
      %dma_wait3A_202 = arith.constant 0 : i32
      %dma_wait3A_203 = arith.constant 0 : i32
      %dma_wait3A_204 = tpu.memref_slice %arg5[%add3A, %add3A_201, %dma_wait3A_202, %dma_wait3A_203] : memref<32x324x3x64xi32, #tpu.memory_space<hbm>> -> memref<1x1x3x64xi32, #tpu.memory_space<hbm>>
      %dma_wait3A_205 = tpu.memref_squeeze %dma_wait3A_204 : memref<1x1x3x64xi32, #tpu.memory_space<hbm>> -> memref<3x64xi32, #tpu.memory_space<hbm>>
      %dma_wait3A_206 = arith.constant 0 : i32
      %dma_wait3A_207 = arith.constant 0 : i32
      %dma_wait3A_208 = tpu.memref_slice %arg5[%add3A, %add3A_201, %dma_wait3A_206, %dma_wait3A_207] : memref<32x324x3x64xi32, #tpu.memory_space<hbm>> -> memref<1x1x3x64xi32, #tpu.memory_space<hbm>>
      %dma_wait3A_209 = tpu.memref_squeeze %dma_wait3A_208 : memref<1x1x3x64xi32, #tpu.memory_space<hbm>> -> memref<3x64xi32, #tpu.memory_space<hbm>>
      tpu.wait_dma2 semaphore(%arg23 : memref<!tpu.dma_semaphore, #tpu.memory_space<semaphore_mem>>) src(%dma_wait3A_209 : memref<3x64xi32, #tpu.memory_space<hbm>>) dst(%arg11 : memref<3x64xi32, #tpu.memory_space<vmem>>)
      %gt3A_210 = arith.constant 0 : i32
      %gt3A_211 = arith.cmpi sgt, %scan3A_69, %gt3A_210 : i32
      %convert_element_type3A = arith.extui %gt3A_211 : i1 to i32
      %cond3A = arith.constant 0 : i32
      %cond3A_212 = arith.cmpi ne, %convert_element_type3A, %cond3A : i32
      scf.if %cond3A_212 {
        %dma_wait3A_421 = arith.constant 0 : i32
        %dma_wait3A_422 = arith.constant 0 : i32
        %dma_wait3A_423 = tpu.memref_slice %arg18[%dma_wait3A_421, %dma_wait3A_422] : memref<10112x144xf32, #tpu.memory_space<vmem_shared>> -> memref<64x144xf32, #tpu.memory_space<vmem_shared>>
        %dma_wait3A_424 = arith.constant 0 : i32
        %dma_wait3A_425 = arith.constant 0 : i32
        %dma_wait3A_426 = tpu.memref_slice %arg18[%dma_wait3A_424, %dma_wait3A_425] : memref<10112x144xf32, #tpu.memory_space<vmem_shared>> -> memref<64x144xf32, #tpu.memory_space<vmem_shared>>
        tpu.wait_dma2 semaphore(%arg22 : memref<!tpu.dma_semaphore, #tpu.memory_space<semaphore_mem>>) src(%arg16 : memref<64x144xf32, #tpu.memory_space<vmem>>) dst(%dma_wait3A_426 : memref<64x144xf32, #tpu.memory_space<vmem_shared>>)
      } else {
      }
      %dma_start3A_213 = arith.constant 0 : i32
      %dma_start3A_214 = arith.constant 0 : i32
      %dma_start3A_215 = tpu.memref_slice %arg11[%dma_start3A_213, %dma_start3A_214] : memref<3x64xi32, #tpu.memory_space<vmem>> -> memref<1x64xi32, #tpu.memory_space<vmem>>
      %dma_start3A_216 = tpu.memref_squeeze %dma_start3A_215 : memref<1x64xi32, #tpu.memory_space<vmem>> -> memref<64xi32, #tpu.memory_space<vmem>>
      %dma_start3A_217 = arith.constant 0 : i32
      %dma_start3A_218 = arith.constant 0 : i32
      %dma_start3A_219 = tpu.memref_slice %arg2[%dma_start3A_217, %dma_start3A_218] : memref<20480x144xf32, #tpu.memory_space<hbm>> -> memref<20480x144xf32, #tpu.memory_space<hbm>>
      tpu.enqueue_indirect_dma source(%dma_start3A_219 : memref<20480x144xf32, #tpu.memory_space<hbm>>) target(%arg16 : memref<64x144xf32, #tpu.memory_space<vmem>>) offsets(%dma_start3A_216 : memref<64xi32, #tpu.memory_space<vmem>>) semaphore(%arg20 : memref<!tpu.dma_semaphore, #tpu.memory_space<semaphore_mem>>)
      %mul3A_220 = arith.constant 2 : i32
      %mul3A_221 = arith.muli %mul3A_220, %scan3A_69 : i32
      %add3A_222 = arith.constant 2 : i32
      %add3A_223 = arith.addi %mul3A_221, %add3A_222 : i32
      %min3A = arith.constant 323 : i32
      %min3A_224 = arith.minsi %add3A_223, %min3A : i32
      %dma_start3A_225 = arith.constant 0 : i32
      %dma_start3A_226 = arith.constant 0 : i32
      %dma_start3A_227 = tpu.memref_slice %arg5[%add3A, %min3A_224, %dma_start3A_225, %dma_start3A_226] : memref<32x324x3x64xi32, #tpu.memory_space<hbm>> -> memref<1x1x3x64xi32, #tpu.memory_space<hbm>>
      %dma_start3A_228 = tpu.memref_squeeze %dma_start3A_227 : memref<1x1x3x64xi32, #tpu.memory_space<hbm>> -> memref<3x64xi32, #tpu.memory_space<hbm>>
      %dma_start3A_229 = arith.constant 0 : i32
      %dma_start3A_230 = arith.constant 0 : i32
      %dma_start3A_231 = tpu.memref_slice %arg5[%add3A, %min3A_224, %dma_start3A_229, %dma_start3A_230] : memref<32x324x3x64xi32, #tpu.memory_space<hbm>> -> memref<1x1x3x64xi32, #tpu.memory_space<hbm>>
      %dma_start3A_232 = tpu.memref_squeeze %dma_start3A_231 : memref<1x1x3x64xi32, #tpu.memory_space<hbm>> -> memref<3x64xi32, #tpu.memory_space<hbm>>
      tpu.enqueue_dma source(%dma_start3A_232 : memref<3x64xi32, #tpu.memory_space<hbm>>) target(%arg10 : memref<3x64xi32, #tpu.memory_space<vmem>>) target_semaphore(%arg23 : memref<!tpu.dma_semaphore, #tpu.memory_space<semaphore_mem>>)
      %dma_start3A_233 = arith.constant 0 : i32
      %dma_start3A_234 = arith.constant 0 : i32
      %dma_start3A_235 = tpu.memref_slice %arg18[%dma_start3A_233, %dma_start3A_234] : memref<10112x144xf32, #tpu.memory_space<vmem_shared>> -> memref<64x144xf32, #tpu.memory_space<vmem_shared>>
      %dma_start3A_236 = arith.constant 0 : i32
      %dma_start3A_237 = arith.constant 0 : i32
      %dma_start3A_238 = tpu.memref_slice %arg18[%dma_start3A_236, %dma_start3A_237] : memref<10112x144xf32, #tpu.memory_space<vmem_shared>> -> memref<64x144xf32, #tpu.memory_space<vmem_shared>>
      tpu.enqueue_dma source(%arg15 : memref<64x144xf32, #tpu.memory_space<vmem>>) target(%dma_start3A_238 : memref<64x144xf32, #tpu.memory_space<vmem_shared>>) target_semaphore(%arg21 : memref<!tpu.dma_semaphore, #tpu.memory_space<semaphore_mem>>)
      %get3A_239 = arith.constant 0 : i32
      %get3A_240 = arith.index_cast %get3A_239 : i32 to index
      %get3A_241 = arith.constant 0 : index
      %get3A_242 = tpu.vector_load %arg11[%get3A_240, %get3A_241] {strides = array<i32>} : memref<3x64xi32, #tpu.memory_space<vmem>>, vector<16xi32>,
      %sub3A_243 = vector.broadcast %mul3A_2 : i32 to vector<16xi32>
      %sub3A_244 = arith.subi %get3A_242, %sub3A_243 : vector<16xi32>
      %get3A_245 = arith.constant 1 : i32
      %get3A_246 = arith.index_cast %get3A_245 : i32 to index
      %get3A_247 = arith.constant 0 : index
      %get3A_248 = tpu.vector_load %arg11[%get3A_246, %get3A_247] {strides = array<i32>} : memref<3x64xi32, #tpu.memory_space<vmem>>, vector<16xi32>,
      %swap3A_249 = arith.constant 0 : index
      %swap3A_250 = tpu.vector_load %arg13[%swap3A_249] {strides = array<i32>} : memref<64xi32, #tpu.memory_space<vmem>>, vector<16xi32>,
      tpu.vector_store %arg13[%swap3A_249], %get3A_248 {strides = array<i32>} : memref<64xi32, #tpu.memory_space<vmem>>, vector<16xi32>,
      %get3A_251 = arith.constant 2 : i32
      %get3A_252 = arith.index_cast %get3A_251 : i32 to index
      %get3A_253 = arith.constant 0 : index
      %get3A_254 = tpu.vector_load %arg11[%get3A_252, %get3A_253] {strides = array<i32>} : memref<3x64xi32, #tpu.memory_space<vmem>>, vector<16xi32>,
      %bitcast3A_255 = vector.bitcast %get3A_254 : vector<16xi32> to vector<16xf32>
      %gather3A_256 = tpu.vector_load_idx %arg8[%sub3A_244] : memref<10048xf32, #tpu.memory_space<vmem>>[vector<16xi32>], vector<16xf32>,
      %gather3A_257 = tpu.vector_load_idx %arg9[%get3A_248] : memref<10048xf32, #tpu.memory_space<vmem>>[vector<16xi32>], vector<16xf32>,
      %add3A_258 = arith.addf %gather3A_256, %gather3A_257 : vector<16xf32>
      %mul3A_259 = arith.mulf %bitcast3A_255, %gather3A : vector<16xf32>
      %add3A_260 = arith.addf %add3A_258, %mul3A_259 : vector<16xf32>
      %gt3A_261 = arith.constant 0.000000e+00 : f32
      %gt3A_262 = vector.broadcast %gt3A_261 : f32 to vector<16xf32>
      %gt3A_263 = arith.cmpf ogt, %add3A_260, %gt3A_262 : vector<16xf32>
      %mul3A_264 = arith.constant 2.000000e-01 : f32
      %mul3A_265 = vector.broadcast %mul3A_264 : f32 to vector<16xf32>
      %mul3A_266 = arith.mulf %add3A_260, %mul3A_265 : vector<16xf32>
      %select_n3A_267 = arith.select %gt3A_263, %add3A_260, %mul3A_266 : vector<16xi1>, vector<16xf32>
      %exp3A_268 = math.exp %select_n3A_267 : vector<16xf32>
      %swap3A_269 = arith.constant 0 : index
      %swap3A_270 = tpu.vector_load %arg14[%swap3A_269] {strides = array<i32>} : memref<64xf32, #tpu.memory_space<vmem>>, vector<16xf32>,
      tpu.vector_store %arg14[%swap3A_269], %exp3A_268 {strides = array<i32>} : memref<64xf32, #tpu.memory_space<vmem>>, vector<16xf32>,
      %get3A_271 = arith.constant 0 : i32
      %get3A_272 = arith.index_cast %get3A_271 : i32 to index
      %get3A_273 = arith.constant 16 : index
      %get3A_274 = tpu.vector_load %arg11[%get3A_272, %get3A_273] {strides = array<i32>} : memref<3x64xi32, #tpu.memory_space<vmem>>, vector<16xi32>,
      %sub3A_275 = vector.broadcast %mul3A_2 : i32 to vector<16xi32>
      %sub3A_276 = arith.subi %get3A_274, %sub3A_275 : vector<16xi32>
      %get3A_277 = arith.constant 1 : i32
      %get3A_278 = arith.index_cast %get3A_277 : i32 to index
      %get3A_279 = arith.constant 16 : index
      %get3A_280 = tpu.vector_load %arg11[%get3A_278, %get3A_279] {strides = array<i32>} : memref<3x64xi32, #tpu.memory_space<vmem>>, vector<16xi32>,
      %swap3A_281 = arith.constant 16 : index
      %swap3A_282 = tpu.vector_load %arg13[%swap3A_281] {strides = array<i32>} : memref<64xi32, #tpu.memory_space<vmem>>, vector<16xi32>,
      tpu.vector_store %arg13[%swap3A_281], %get3A_280 {strides = array<i32>} : memref<64xi32, #tpu.memory_space<vmem>>, vector<16xi32>,
      %get3A_283 = arith.constant 2 : i32
      %get3A_284 = arith.index_cast %get3A_283 : i32 to index
      %get3A_285 = arith.constant 16 : index
      %get3A_286 = tpu.vector_load %arg11[%get3A_284, %get3A_285] {strides = array<i32>} : memref<3x64xi32, #tpu.memory_space<vmem>>, vector<16xi32>,
      %bitcast3A_287 = vector.bitcast %get3A_286 : vector<16xi32> to vector<16xf32>
      %gather3A_288 = tpu.vector_load_idx %arg8[%sub3A_276] : memref<10048xf32, #tpu.memory_space<vmem>>[vector<16xi32>], vector<16xf32>,
      %gather3A_289 = tpu.vector_load_idx %arg9[%get3A_280] : memref<10048xf32, #tpu.memory_space<vmem>>[vector<16xi32>], vector<16xf32>,
      %add3A_290 = arith.addf %gather3A_288, %gather3A_289 : vector<16xf32>
      %mul3A_291 = arith.mulf %bitcast3A_287, %gather3A : vector<16xf32>
      %add3A_292 = arith.addf %add3A_290, %mul3A_291 : vector<16xf32>
      %gt3A_293 = arith.constant 0.000000e+00 : f32
      %gt3A_294 = vector.broadcast %gt3A_293 : f32 to vector<16xf32>
      %gt3A_295 = arith.cmpf ogt, %add3A_292, %gt3A_294 : vector<16xf32>
      %mul3A_296 = arith.constant 2.000000e-01 : f32
      %mul3A_297 = vector.broadcast %mul3A_296 : f32 to vector<16xf32>
      %mul3A_298 = arith.mulf %add3A_292, %mul3A_297 : vector<16xf32>
      %select_n3A_299 = arith.select %gt3A_295, %add3A_292, %mul3A_298 : vector<16xi1>, vector<16xf32>
      %exp3A_300 = math.exp %select_n3A_299 : vector<16xf32>
      %swap3A_301 = arith.constant 16 : index
      %swap3A_302 = tpu.vector_load %arg14[%swap3A_301] {strides = array<i32>} : memref<64xf32, #tpu.memory_space<vmem>>, vector<16xf32>,
      tpu.vector_store %arg14[%swap3A_301], %exp3A_300 {strides = array<i32>} : memref<64xf32, #tpu.memory_space<vmem>>, vector<16xf32>,
      %get3A_303 = arith.constant 0 : i32
      %get3A_304 = arith.index_cast %get3A_303 : i32 to index
      %get3A_305 = arith.constant 32 : index
      %get3A_306 = tpu.vector_load %arg11[%get3A_304, %get3A_305] {strides = array<i32>} : memref<3x64xi32, #tpu.memory_space<vmem>>, vector<16xi32>,
      %sub3A_307 = vector.broadcast %mul3A_2 : i32 to vector<16xi32>
      %sub3A_308 = arith.subi %get3A_306, %sub3A_307 : vector<16xi32>
      %get3A_309 = arith.constant 1 : i32
      %get3A_310 = arith.index_cast %get3A_309 : i32 to index
      %get3A_311 = arith.constant 32 : index
      %get3A_312 = tpu.vector_load %arg11[%get3A_310, %get3A_311] {strides = array<i32>} : memref<3x64xi32, #tpu.memory_space<vmem>>, vector<16xi32>,
      %swap3A_313 = arith.constant 32 : index
      %swap3A_314 = tpu.vector_load %arg13[%swap3A_313] {strides = array<i32>} : memref<64xi32, #tpu.memory_space<vmem>>, vector<16xi32>,
      tpu.vector_store %arg13[%swap3A_313], %get3A_312 {strides = array<i32>} : memref<64xi32, #tpu.memory_space<vmem>>, vector<16xi32>,
      %get3A_315 = arith.constant 2 : i32
      %get3A_316 = arith.index_cast %get3A_315 : i32 to index
      %get3A_317 = arith.constant 32 : index
      %get3A_318 = tpu.vector_load %arg11[%get3A_316, %get3A_317] {strides = array<i32>} : memref<3x64xi32, #tpu.memory_space<vmem>>, vector<16xi32>,
      %bitcast3A_319 = vector.bitcast %get3A_318 : vector<16xi32> to vector<16xf32>
      %gather3A_320 = tpu.vector_load_idx %arg8[%sub3A_308] : memref<10048xf32, #tpu.memory_space<vmem>>[vector<16xi32>], vector<16xf32>,
      %gather3A_321 = tpu.vector_load_idx %arg9[%get3A_312] : memref<10048xf32, #tpu.memory_space<vmem>>[vector<16xi32>], vector<16xf32>,
      %add3A_322 = arith.addf %gather3A_320, %gather3A_321 : vector<16xf32>
      %mul3A_323 = arith.mulf %bitcast3A_319, %gather3A : vector<16xf32>
      %add3A_324 = arith.addf %add3A_322, %mul3A_323 : vector<16xf32>
      %gt3A_325 = arith.constant 0.000000e+00 : f32
      %gt3A_326 = vector.broadcast %gt3A_325 : f32 to vector<16xf32>
      %gt3A_327 = arith.cmpf ogt, %add3A_324, %gt3A_326 : vector<16xf32>
      %mul3A_328 = arith.constant 2.000000e-01 : f32
      %mul3A_329 = vector.broadcast %mul3A_328 : f32 to vector<16xf32>
      %mul3A_330 = arith.mulf %add3A_324, %mul3A_329 : vector<16xf32>
      %select_n3A_331 = arith.select %gt3A_327, %add3A_324, %mul3A_330 : vector<16xi1>, vector<16xf32>
      %exp3A_332 = math.exp %select_n3A_331 : vector<16xf32>
      %swap3A_333 = arith.constant 32 : index
      %swap3A_334 = tpu.vector_load %arg14[%swap3A_333] {strides = array<i32>} : memref<64xf32, #tpu.memory_space<vmem>>, vector<16xf32>,
      tpu.vector_store %arg14[%swap3A_333], %exp3A_332 {strides = array<i32>} : memref<64xf32, #tpu.memory_space<vmem>>, vector<16xf32>,
      %get3A_335 = arith.constant 0 : i32
      %get3A_336 = arith.index_cast %get3A_335 : i32 to index
      %get3A_337 = arith.constant 48 : index
      %get3A_338 = tpu.vector_load %arg11[%get3A_336, %get3A_337] {strides = array<i32>} : memref<3x64xi32, #tpu.memory_space<vmem>>, vector<16xi32>,
      %sub3A_339 = vector.broadcast %mul3A_2 : i32 to vector<16xi32>
      %sub3A_340 = arith.subi %get3A_338, %sub3A_339 : vector<16xi32>
      %get3A_341 = arith.constant 1 : i32
      %get3A_342 = arith.index_cast %get3A_341 : i32 to index
      %get3A_343 = arith.constant 48 : index
      %get3A_344 = tpu.vector_load %arg11[%get3A_342, %get3A_343] {strides = array<i32>} : memref<3x64xi32, #tpu.memory_space<vmem>>, vector<16xi32>,
      %swap3A_345 = arith.constant 48 : index
      %swap3A_346 = tpu.vector_load %arg13[%swap3A_345] {strides = array<i32>} : memref<64xi32, #tpu.memory_space<vmem>>, vector<16xi32>,
      tpu.vector_store %arg13[%swap3A_345], %get3A_344 {strides = array<i32>} : memref<64xi32, #tpu.memory_space<vmem>>, vector<16xi32>,
      %get3A_347 = arith.constant 2 : i32
      %get3A_348 = arith.index_cast %get3A_347 : i32 to index
      %get3A_349 = arith.constant 48 : index
      %get3A_350 = tpu.vector_load %arg11[%get3A_348, %get3A_349] {strides = array<i32>} : memref<3x64xi32, #tpu.memory_space<vmem>>, vector<16xi32>,
      %bitcast3A_351 = vector.bitcast %get3A_350 : vector<16xi32> to vector<16xf32>
      %gather3A_352 = tpu.vector_load_idx %arg8[%sub3A_340] : memref<10048xf32, #tpu.memory_space<vmem>>[vector<16xi32>], vector<16xf32>,
      %gather3A_353 = tpu.vector_load_idx %arg9[%get3A_344] : memref<10048xf32, #tpu.memory_space<vmem>>[vector<16xi32>], vector<16xf32>,
      %add3A_354 = arith.addf %gather3A_352, %gather3A_353 : vector<16xf32>
      %mul3A_355 = arith.mulf %bitcast3A_351, %gather3A : vector<16xf32>
      %add3A_356 = arith.addf %add3A_354, %mul3A_355 : vector<16xf32>
      %gt3A_357 = arith.constant 0.000000e+00 : f32
      %gt3A_358 = vector.broadcast %gt3A_357 : f32 to vector<16xf32>
      %gt3A_359 = arith.cmpf ogt, %add3A_356, %gt3A_358 : vector<16xf32>
      %mul3A_360 = arith.constant 2.000000e-01 : f32
      %mul3A_361 = vector.broadcast %mul3A_360 : f32 to vector<16xf32>
      %mul3A_362 = arith.mulf %add3A_356, %mul3A_361 : vector<16xf32>
      %select_n3A_363 = arith.select %gt3A_359, %add3A_356, %mul3A_362 : vector<16xi1>, vector<16xf32>
      %exp3A_364 = math.exp %select_n3A_363 : vector<16xf32>
      %swap3A_365 = arith.constant 48 : index
      %swap3A_366 = tpu.vector_load %arg14[%swap3A_365] {strides = array<i32>} : memref<64xf32, #tpu.memory_space<vmem>>, vector<16xf32>,
      tpu.vector_store %arg14[%swap3A_365], %exp3A_364 {strides = array<i32>} : memref<64xf32, #tpu.memory_space<vmem>>, vector<16xf32>,
      %dma_wait3A_367 = arith.constant 0 : i32
      %dma_wait3A_368 = arith.constant 0 : i32
      %dma_wait3A_369 = tpu.memref_slice %arg11[%dma_wait3A_367, %dma_wait3A_368] : memref<3x64xi32, #tpu.memory_space<vmem>> -> memref<1x64xi32, #tpu.memory_space<vmem>>
      %dma_wait3A_370 = tpu.memref_squeeze %dma_wait3A_369 : memref<1x64xi32, #tpu.memory_space<vmem>> -> memref<64xi32, #tpu.memory_space<vmem>>
      %dma_wait3A_371 = arith.constant 0 : i32
      %dma_wait3A_372 = arith.constant 0 : i32
      %dma_wait3A_373 = tpu.memref_slice %arg2[%dma_wait3A_371, %dma_wait3A_372] : memref<20480x144xf32, #tpu.memory_space<hbm>> -> memref<20480x144xf32, #tpu.memory_space<hbm>>
      tpu.wait_indirect_dma semaphore(%arg20 : memref<!tpu.dma_semaphore, #tpu.memory_space<semaphore_mem>>) src(%dma_wait3A_373 : memref<20480x144xf32, #tpu.memory_space<hbm>>) dst(%arg16 : memref<64x144xf32, #tpu.memory_space<vmem>>)
      %dma_wait3A_374 = arith.constant 0 : i32
      %dma_wait3A_375 = arith.constant 0 : i32
      %dma_wait3A_376 = tpu.memref_slice %arg5[%add3A, %min3A_224, %dma_wait3A_374, %dma_wait3A_375] : memref<32x324x3x64xi32, #tpu.memory_space<hbm>> -> memref<1x1x3x64xi32, #tpu.memory_space<hbm>>
      %dma_wait3A_377 = tpu.memref_squeeze %dma_wait3A_376 : memref<1x1x3x64xi32, #tpu.memory_space<hbm>> -> memref<3x64xi32, #tpu.memory_space<hbm>>
      %dma_wait3A_378 = arith.constant 0 : i32
      %dma_wait3A_379 = arith.constant 0 : i32
      %dma_wait3A_380 = tpu.memref_slice %arg5[%add3A, %min3A_224, %dma_wait3A_378, %dma_wait3A_379] : memref<32x324x3x64xi32, #tpu.memory_space<hbm>> -> memref<1x1x3x64xi32, #tpu.memory_space<hbm>>
      %dma_wait3A_381 = tpu.memref_squeeze %dma_wait3A_380 : memref<1x1x3x64xi32, #tpu.memory_space<hbm>> -> memref<3x64xi32, #tpu.memory_space<hbm>>
      tpu.wait_dma2 semaphore(%arg23 : memref<!tpu.dma_semaphore, #tpu.memory_space<semaphore_mem>>) src(%dma_wait3A_381 : memref<3x64xi32, #tpu.memory_space<hbm>>) dst(%arg10 : memref<3x64xi32, #tpu.memory_space<vmem>>)
      %dma_wait3A_382 = arith.constant 0 : i32
      %dma_wait3A_383 = arith.constant 0 : i32
      %dma_wait3A_384 = tpu.memref_slice %arg18[%dma_wait3A_382, %dma_wait3A_383] : memref<10112x144xf32, #tpu.memory_space<vmem_shared>> -> memref<64x144xf32, #tpu.memory_space<vmem_shared>>
      %dma_wait3A_385 = arith.constant 0 : i32
      %dma_wait3A_386 = arith.constant 0 : i32
      %dma_wait3A_387 = tpu.memref_slice %arg18[%dma_wait3A_385, %dma_wait3A_386] : memref<10112x144xf32, #tpu.memory_space<vmem_shared>> -> memref<64x144xf32, #tpu.memory_space<vmem_shared>>
      tpu.wait_dma2 semaphore(%arg21 : memref<!tpu.dma_semaphore, #tpu.memory_space<semaphore_mem>>) src(%arg15 : memref<64x144xf32, #tpu.memory_space<vmem>>) dst(%dma_wait3A_387 : memref<64x144xf32, #tpu.memory_space<vmem_shared>>)
      %mul3A_388 = arith.constant 2 : i32
      %mul3A_389 = arith.muli %mul3A_388, %scan3A_69 : i32
      %add3A_390 = arith.constant 2 : i32
      %add3A_391 = arith.addi %mul3A_389, %add3A_390 : i32
      %min3A_392 = arith.constant 323 : i32
      %min3A_393 = arith.minsi %add3A_391, %min3A_392 : i32
      %dma_start3A_394 = arith.constant 0 : i32
      %dma_start3A_395 = arith.constant 0 : i32
      %dma_start3A_396 = tpu.memref_slice %arg10[%dma_start3A_394, %dma_start3A_395] : memref<3x64xi32, #tpu.memory_space<vmem>> -> memref<1x64xi32, #tpu.memory_space<vmem>>
      %dma_start3A_397 = tpu.memref_squeeze %dma_start3A_396 : memref<1x64xi32, #tpu.memory_space<vmem>> -> memref<64xi32, #tpu.memory_space<vmem>>
      %dma_start3A_398 = arith.constant 0 : i32
      %dma_start3A_399 = arith.constant 0 : i32
      %dma_start3A_400 = tpu.memref_slice %arg2[%dma_start3A_398, %dma_start3A_399] : memref<20480x144xf32, #tpu.memory_space<hbm>> -> memref<20480x144xf32, #tpu.memory_space<hbm>>
      tpu.enqueue_indirect_dma source(%dma_start3A_400 : memref<20480x144xf32, #tpu.memory_space<hbm>>) target(%arg15 : memref<64x144xf32, #tpu.memory_space<vmem>>) offsets(%dma_start3A_397 : memref<64xi32, #tpu.memory_space<vmem>>) semaphore(%arg19 : memref<!tpu.dma_semaphore, #tpu.memory_space<semaphore_mem>>)
      %mul3A_401 = arith.constant 2 : i32
      %mul3A_402 = arith.muli %mul3A_401, %scan3A_69 : i32
      %add3A_403 = arith.constant 3 : i32
      %add3A_404 = arith.addi %mul3A_402, %add3A_403 : i32
      %min3A_405 = arith.constant 323 : i32
      %min3A_406 = arith.minsi %add3A_404, %min3A_405 : i32
      %dma_start3A_407 = arith.constant 0 : i32
      %dma_start3A_408 = arith.constant 0 : i32
      %dma_start3A_409 = tpu.memref_slice %arg5[%add3A, %min3A_406, %dma_start3A_407, %dma_start3A_408] : memref<32x324x3x64xi32, #tpu.memory_space<hbm>> -> memref<1x1x3x64xi32, #tpu.memory_space<hbm>>
      %dma_start3A_410 = tpu.memref_squeeze %dma_start3A_409 : memref<1x1x3x64xi32, #tpu.memory_space<hbm>> -> memref<3x64xi32, #tpu.memory_space<hbm>>
      %dma_start3A_411 = arith.constant 0 : i32
      %dma_start3A_412 = arith.constant 0 : i32
      %dma_start3A_413 = tpu.memref_slice %arg5[%add3A, %min3A_406, %dma_start3A_411, %dma_start3A_412] : memref<32x324x3x64xi32, #tpu.memory_space<hbm>> -> memref<1x1x3x64xi32, #tpu.memory_space<hbm>>
      %dma_start3A_414 = tpu.memref_squeeze %dma_start3A_413 : memref<1x1x3x64xi32, #tpu.memory_space<hbm>> -> memref<3x64xi32, #tpu.memory_space<hbm>>
      tpu.enqueue_dma source(%dma_start3A_414 : memref<3x64xi32, #tpu.memory_space<hbm>>) target(%arg11 : memref<3x64xi32, #tpu.memory_space<vmem>>) target_semaphore(%arg23 : memref<!tpu.dma_semaphore, #tpu.memory_space<semaphore_mem>>)
      %dma_start3A_415 = arith.constant 0 : i32
      %dma_start3A_416 = arith.constant 0 : i32
      %dma_start3A_417 = tpu.memref_slice %arg18[%dma_start3A_415, %dma_start3A_416] : memref<10112x144xf32, #tpu.memory_space<vmem_shared>> -> memref<64x144xf32, #tpu.memory_space<vmem_shared>>
      %dma_start3A_418 = arith.constant 0 : i32
      %dma_start3A_419 = arith.constant 0 : i32
      %dma_start3A_420 = tpu.memref_slice %arg18[%dma_start3A_418, %dma_start3A_419] : memref<10112x144xf32, #tpu.memory_space<vmem_shared>> -> memref<64x144xf32, #tpu.memory_space<vmem_shared>>
      tpu.enqueue_dma source(%arg16 : memref<64x144xf32, #tpu.memory_space<vmem>>) target(%dma_start3A_420 : memref<64x144xf32, #tpu.memory_space<vmem_shared>>) target_semaphore(%arg22 : memref<!tpu.dma_semaphore, #tpu.memory_space<semaphore_mem>>)
    }
    %scan3A_41 = arith.constant 162 : i32
    %dma_wait3A = arith.constant 0 : i32
    %dma_wait3A_42 = arith.constant 0 : i32
    %dma_wait3A_43 = tpu.memref_slice %arg18[%dma_wait3A, %dma_wait3A_42] : memref<10112x144xf32, #tpu.memory_space<vmem_shared>> -> memref<64x144xf32, #tpu.memory_space<vmem_shared>>
    %dma_wait3A_44 = arith.constant 0 : i32
    %dma_wait3A_45 = arith.constant 0 : i32
    %dma_wait3A_46 = tpu.memref_slice %arg18[%dma_wait3A_44, %dma_wait3A_45] : memref<10112x144xf32, #tpu.memory_space<vmem_shared>> -> memref<64x144xf32, #tpu.memory_space<vmem_shared>>
    tpu.wait_dma2 semaphore(%arg22 : memref<!tpu.dma_semaphore, #tpu.memory_space<semaphore_mem>>) src(%arg16 : memref<64x144xf32, #tpu.memory_space<vmem>>) dst(%dma_wait3A_46 : memref<64x144xf32, #tpu.memory_space<vmem_shared>>)
    %dma_wait3A_47 = arith.constant 0 : i32
    %dma_wait3A_48 = arith.constant 0 : i32
    %dma_wait3A_49 = tpu.memref_slice %arg10[%dma_wait3A_47, %dma_wait3A_48] : memref<3x64xi32, #tpu.memory_space<vmem>> -> memref<1x64xi32, #tpu.memory_space<vmem>>
    %dma_wait3A_50 = tpu.memref_squeeze %dma_wait3A_49 : memref<1x64xi32, #tpu.memory_space<vmem>> -> memref<64xi32, #tpu.memory_space<vmem>>
    %dma_wait3A_51 = arith.constant 0 : i32
    %dma_wait3A_52 = arith.constant 0 : i32
    %dma_wait3A_53 = tpu.memref_slice %arg2[%dma_wait3A_51, %dma_wait3A_52] : memref<20480x144xf32, #tpu.memory_space<hbm>> -> memref<20480x144xf32, #tpu.memory_space<hbm>>
    tpu.wait_indirect_dma semaphore(%arg19 : memref<!tpu.dma_semaphore, #tpu.memory_space<semaphore_mem>>) src(%dma_wait3A_53 : memref<20480x144xf32, #tpu.memory_space<hbm>>) dst(%arg15 : memref<64x144xf32, #tpu.memory_space<vmem>>)
    %dma_wait3A_54 = arith.constant 0 : i32
    %dma_wait3A_55 = arith.constant 0 : i32
    %dma_wait3A_56 = arith.constant 0 : i32
    %dma_wait3A_57 = tpu.memref_slice %arg5[%add3A, %dma_wait3A_54, %dma_wait3A_55, %dma_wait3A_56] : memref<32x324x3x64xi32, #tpu.memory_space<hbm>> -> memref<1x1x3x64xi32, #tpu.memory_space<hbm>>
    %dma_wait3A_58 = tpu.memref_squeeze %dma_wait3A_57 : memref<1x1x3x64xi32, #tpu.memory_space<hbm>> -> memref<3x64xi32, #tpu.memory_space<hbm>>
    %dma_wait3A_59 = arith.constant 0 : i32
    %dma_wait3A_60 = arith.constant 0 : i32
    %dma_wait3A_61 = tpu.memref_slice %arg5[%add3A, %dma_wait3A_54, %dma_wait3A_59, %dma_wait3A_60] : memref<32x324x3x64xi32, #tpu.memory_space<hbm>> -> memref<1x1x3x64xi32, #tpu.memory_space<hbm>>
    %dma_wait3A_62 = tpu.memref_squeeze %dma_wait3A_61 : memref<1x1x3x64xi32, #tpu.memory_space<hbm>> -> memref<3x64xi32, #tpu.memory_space<hbm>>
    tpu.wait_dma2 semaphore(%arg23 : memref<!tpu.dma_semaphore, #tpu.memory_space<semaphore_mem>>) src(%dma_wait3A_62 : memref<3x64xi32, #tpu.memory_space<hbm>>) dst(%arg11 : memref<3x64xi32, #tpu.memory_space<vmem>>)
    %barrier3A_63 = arith.constant 0 : index
    tpu.barrier barrier_id(%barrier3A_63)
    %mul3A_64 = arith.constant 632 : i32
    %mul3A_65 = arith.muli %arg1, %mul3A_64 : i32
    %mul3A_66 = arith.constant 632 : i32
    %mul3A_67 = arith.muli %arg1, %mul3A_66 : i32
    %add3A_68 = arith.addi %mul3A_2, %mul3A_67 : i32
    "tpu.region"() ({
      %run_scoped3A_69 = tpu.sem_alloc : memref<!tpu.dma_semaphore, #tpu.memory_space<semaphore_mem>>
      %dma_start3A_70 = arith.constant 0 : i32
      %dma_start3A_71 = tpu.memref_slice %arg7[%add3A_68, %dma_start3A_70] : memref<20480x144xf32, #tpu.memory_space<hbm>> -> memref<632x144xf32, #tpu.memory_space<hbm>>
      %dma_start3A_72 = arith.constant 0 : i32
      %dma_start3A_73 = tpu.memref_slice %arg18[%mul3A_65, %dma_start3A_72] : memref<10112x144xf32, #tpu.memory_space<vmem_shared>> -> memref<632x144xf32, #tpu.memory_space<vmem_shared>>
      tpu.enqueue_dma source(%dma_start3A_73 : memref<632x144xf32, #tpu.memory_space<vmem_shared>>) target(%dma_start3A_71 : memref<632x144xf32, #tpu.memory_space<hbm>>) target_semaphore(%run_scoped3A_69 : memref<!tpu.dma_semaphore, #tpu.memory_space<semaphore_mem>>)
      %dma_wait3A_74 = arith.constant 0 : i32
      %dma_wait3A_75 = tpu.memref_slice %arg7[%add3A_68, %dma_wait3A_74] : memref<20480x144xf32, #tpu.memory_space<hbm>> -> memref<632x144xf32, #tpu.memory_space<hbm>>
      %dma_wait3A_76 = arith.constant 0 : i32
      %dma_wait3A_77 = tpu.memref_slice %arg18[%mul3A_65, %dma_wait3A_76] : memref<10112x144xf32, #tpu.memory_space<vmem_shared>> -> memref<632x144xf32, #tpu.memory_space<vmem_shared>>
      tpu.wait_dma2 semaphore(%run_scoped3A_69 : memref<!tpu.dma_semaphore, #tpu.memory_space<semaphore_mem>>) src(%dma_wait3A_77 : memref<632x144xf32, #tpu.memory_space<vmem_shared>>) dst(%dma_wait3A_75 : memref<632x144xf32, #tpu.memory_space<hbm>>)
      tpu.yield
    }) : () -> ()
    return
  }
}

#map = affine_map<(d0, d1) -> (0, 0)>
#map1 = affine_map<(d0, d1) -> (0)>
#map2 = affine_map<(d0, d1) -> (0, 0, 0, 0)>
module attributes {stable_mosaic.version = 14 : i64} {
  func.func @body(%arg0: i32, %arg1: i32, %arg2: memref<20480x144xf32, #tpu.memory_space<hbm>>, %arg3: memref<20480xf32, #tpu.memory_space<hbm>>, %arg4: memref<20480xf32, #tpu.memory_space<hbm>>, %arg5: memref<32x324x3x64xi32, #tpu.memory_space<hbm>>, %arg6: memref<16xf32, #tpu.memory_space<hbm>>, %arg7: memref<20480x144xf32, #tpu.memory_space<hbm>>, %arg8: memref<10048xf32, #tpu.memory_space<vmem>>, %arg9: memref<10048xf32, #tpu.memory_space<vmem>>, %arg10: memref<3x64xi32, #tpu.memory_space<vmem>>, %arg11: memref<3x64xi32, #tpu.memory_space<vmem>>, %arg12: memref<64xi32, #tpu.memory_space<vmem>>, %arg13: memref<64xi32, #tpu.memory_space<vmem>>, %arg14: memref<64xf32, #tpu.memory_space<vmem>>, %arg15: memref<64x144xf32, #tpu.memory_space<vmem>>, %arg16: memref<64x144xf32, #tpu.memory_space<vmem>>, %arg17: memref<16xf32, #tpu.memory_space<vmem>>, %arg18: memref<10112x144xf32, #tpu.memory_space<vmem_shared>>, %arg19: memref<!tpu.dma_semaphore, #tpu.memory_space<semaphore_mem>>, %arg20: memref<!tpu.dma_semaphore, #tpu.memory_space<semaphore_mem>>, %arg21: memref<!tpu.dma_semaphore, #tpu.memory_space<semaphore_mem>>, %arg22: memref<!tpu.dma_semaphore, #tpu.memory_space<semaphore_mem>>, %arg23: memref<!tpu.dma_semaphore, #tpu.memory_space<semaphore_mem>>) attributes {dimension_semantics = [#tpu.dimension_semantics<core_parallel>, #tpu.dimension_semantics<subcore_parallel>], iteration_bounds = array<i64: 2, 16>, scalar_prefetch = 0 : i64, scratch_operands = 16 : i64, tpu.core_type = #tpu.core_type<sc_vector_subcore>, window_params = [{transform_indices = #map}, {transform_indices = #map1}, {transform_indices = #map1}, {transform_indices = #map2}, {transform_indices = #map1}, {transform_indices = #map}]} {
    %mul3A = arith.constant 16 : i32
    %mul3A_0 = arith.muli %arg0, %mul3A : i32
    %add3A = arith.addi %mul3A_0, %arg1 : i32
    %mul3A_1 = arith.constant 10240 : i32
    %mul3A_2 = arith.muli %arg0, %mul3A_1 : i32
    "tpu.region"() ({
      %run_scoped3A_69 = tpu.sem_alloc : memref<!tpu.dma_semaphore, #tpu.memory_space<semaphore_mem>>
      %dma_start3A_70 = tpu.memref_slice %arg3[%mul3A_2] : memref<20480xf32, #tpu.memory_space<hbm>> -> memref<10048xf32, #tpu.memory_space<hbm>>
      %dma_start3A_71 = tpu.memref_slice %arg3[%mul3A_2] : memref<20480xf32, #tpu.memory_space<hbm>> -> memref<10048xf32, #tpu.memory_space<hbm>>
      tpu.enqueue_dma source(%dma_start3A_71 : memref<10048xf32, #tpu.memory_space<hbm>>) target(%arg8 : memref<10048xf32, #tpu.memory_space<vmem>>) target_semaphore(%run_scoped3A_69 : memref<!tpu.dma_semaphore, #tpu.memory_space<semaphore_mem>>)
      %dma_wait3A_72 = tpu.memref_slice %arg3[%mul3A_2] : memref<20480xf32, #tpu.memory_space<hbm>> -> memref<10048xf32, #tpu.memory_space<hbm>>
      %dma_wait3A_73 = tpu.memref_slice %arg3[%mul3A_2] : memref<20480xf32, #tpu.memory_space<hbm>> -> memref<10048xf32, #tpu.memory_space<hbm>>
      tpu.wait_dma2 semaphore(%run_scoped3A_69 : memref<!tpu.dma_semaphore, #tpu.memory_space<semaphore_mem>>) src(%dma_wait3A_73 : memref<10048xf32, #tpu.memory_space<hbm>>) dst(%arg8 : memref<10048xf32, #tpu.memory_space<vmem>>)
      tpu.yield
    }) : () -> ()
    "tpu.region"() ({
      %run_scoped3A_69 = tpu.sem_alloc : memref<!tpu.dma_semaphore, #tpu.memory_space<semaphore_mem>>
      %dma_start3A_70 = tpu.memref_slice %arg4[%mul3A_2] : memref<20480xf32, #tpu.memory_space<hbm>> -> memref<10048xf32, #tpu.memory_space<hbm>>
      %dma_start3A_71 = tpu.memref_slice %arg4[%mul3A_2] : memref<20480xf32, #tpu.memory_space<hbm>> -> memref<10048xf32, #tpu.memory_space<hbm>>
      tpu.enqueue_dma source(%dma_start3A_71 : memref<10048xf32, #tpu.memory_space<hbm>>) target(%arg9 : memref<10048xf32, #tpu.memory_space<vmem>>) target_semaphore(%run_scoped3A_69 : memref<!tpu.dma_semaphore, #tpu.memory_space<semaphore_mem>>)
      %dma_wait3A_72 = tpu.memref_slice %arg4[%mul3A_2] : memref<20480xf32, #tpu.memory_space<hbm>> -> memref<10048xf32, #tpu.memory_space<hbm>>
      %dma_wait3A_73 = tpu.memref_slice %arg4[%mul3A_2] : memref<20480xf32, #tpu.memory_space<hbm>> -> memref<10048xf32, #tpu.memory_space<hbm>>
      tpu.wait_dma2 semaphore(%run_scoped3A_69 : memref<!tpu.dma_semaphore, #tpu.memory_space<semaphore_mem>>) src(%dma_wait3A_73 : memref<10048xf32, #tpu.memory_space<hbm>>) dst(%arg9 : memref<10048xf32, #tpu.memory_space<vmem>>)
      tpu.yield
    }) : () -> ()
    "tpu.region"() ({
      %run_scoped3A_69 = tpu.sem_alloc : memref<!tpu.dma_semaphore, #tpu.memory_space<semaphore_mem>>
      tpu.enqueue_dma source(%arg6 : memref<16xf32, #tpu.memory_space<hbm>>) target(%arg17 : memref<16xf32, #tpu.memory_space<vmem>>) target_semaphore(%run_scoped3A_69 : memref<!tpu.dma_semaphore, #tpu.memory_space<semaphore_mem>>)
      tpu.wait_dma2 semaphore(%run_scoped3A_69 : memref<!tpu.dma_semaphore, #tpu.memory_space<semaphore_mem>>) src(%arg6 : memref<16xf32, #tpu.memory_space<hbm>>) dst(%arg17 : memref<16xf32, #tpu.memory_space<vmem>>)
      tpu.yield
    }) : () -> ()
    %broadcast_in_dim3A = arith.constant 0.000000e+00 : f32
    %broadcast_in_dim3A_3 = vector.broadcast %broadcast_in_dim3A : f32 to vector<16xf32>
    %scan3A = arith.constant 0 : i32
    %scan3A_4 = arith.constant 0 : i32
    %scan3A_5 = arith.constant 64 : i32
    %scan3A_6 = arith.addi %scan3A_4, %scan3A_5 : i32
    %scan3A_7 = arith.constant 1 : i32
    scf.for %scan3A_69 = %scan3A_4 to %scan3A_6 step %scan3A_7  : i32 {
      %swap3A = arith.index_cast %scan3A_69 : i32 to index
      %swap3A_70 = arith.constant 0 : index
      %swap3A_71 = tpu.vector_load %arg16[%swap3A, %swap3A_70] {strides = array<i32>} : memref<64x144xf32, #tpu.memory_space<vmem>>, vector<16xf32>,
      tpu.vector_store %arg16[%swap3A, %swap3A_70], %broadcast_in_dim3A_3 {strides = array<i32>} : memref<64x144xf32, #tpu.memory_space<vmem>>, vector<16xf32>,
      %swap3A_72 = arith.index_cast %scan3A_69 : i32 to index
      %swap3A_73 = arith.constant 16 : index
      %swap3A_74 = tpu.vector_load %arg16[%swap3A_72, %swap3A_73] {strides = array<i32>} : memref<64x144xf32, #tpu.memory_space<vmem>>, vector<16xf32>,
      tpu.vector_store %arg16[%swap3A_72, %swap3A_73], %broadcast_in_dim3A_3 {strides = array<i32>} : memref<64x144xf32, #tpu.memory_space<vmem>>, vector<16xf32>,
      %swap3A_75 = arith.index_cast %scan3A_69 : i32 to index
      %swap3A_76 = arith.constant 32 : index
      %swap3A_77 = tpu.vector_load %arg16[%swap3A_75, %swap3A_76] {strides = array<i32>} : memref<64x144xf32, #tpu.memory_space<vmem>>, vector<16xf32>,
      tpu.vector_store %arg16[%swap3A_75, %swap3A_76], %broadcast_in_dim3A_3 {strides = array<i32>} : memref<64x144xf32, #tpu.memory_space<vmem>>, vector<16xf32>,
      %swap3A_78 = arith.index_cast %scan3A_69 : i32 to index
      %swap3A_79 = arith.constant 48 : index
      %swap3A_80 = tpu.vector_load %arg16[%swap3A_78, %swap3A_79] {strides = array<i32>} : memref<64x144xf32, #tpu.memory_space<vmem>>, vector<16xf32>,
      tpu.vector_store %arg16[%swap3A_78, %swap3A_79], %broadcast_in_dim3A_3 {strides = array<i32>} : memref<64x144xf32, #tpu.memory_space<vmem>>, vector<16xf32>,
      %swap3A_81 = arith.index_cast %scan3A_69 : i32 to index
      %swap3A_82 = arith.constant 64 : index
      %swap3A_83 = tpu.vector_load %arg16[%swap3A_81, %swap3A_82] {strides = array<i32>} : memref<64x144xf32, #tpu.memory_space<vmem>>, vector<16xf32>,
      tpu.vector_store %arg16[%swap3A_81, %swap3A_82], %broadcast_in_dim3A_3 {strides = array<i32>} : memref<64x144xf32, #tpu.memory_space<vmem>>, vector<16xf32>,
      %swap3A_84 = arith.index_cast %scan3A_69 : i32 to index
      %swap3A_85 = arith.constant 80 : index
      %swap3A_86 = tpu.vector_load %arg16[%swap3A_84, %swap3A_85] {strides = array<i32>} : memref<64x144xf32, #tpu.memory_space<vmem>>, vector<16xf32>,
      tpu.vector_store %arg16[%swap3A_84, %swap3A_85], %broadcast_in_dim3A_3 {strides = array<i32>} : memref<64x144xf32, #tpu.memory_space<vmem>>, vector<16xf32>,
      %swap3A_87 = arith.index_cast %scan3A_69 : i32 to index
      %swap3A_88 = arith.constant 96 : index
      %swap3A_89 = tpu.vector_load %arg16[%swap3A_87, %swap3A_88] {strides = array<i32>} : memref<64x144xf32, #tpu.memory_space<vmem>>, vector<16xf32>,
      tpu.vector_store %arg16[%swap3A_87, %swap3A_88], %broadcast_in_dim3A_3 {strides = array<i32>} : memref<64x144xf32, #tpu.memory_space<vmem>>, vector<16xf32>,
      %swap3A_90 = arith.index_cast %scan3A_69 : i32 to index
      %swap3A_91 = arith.constant 112 : index
      %swap3A_92 = tpu.vector_load %arg16[%swap3A_90, %swap3A_91] {strides = array<i32>} : memref<64x144xf32, #tpu.memory_space<vmem>>, vector<16xf32>,
      tpu.vector_store %arg16[%swap3A_90, %swap3A_91], %broadcast_in_dim3A_3 {strides = array<i32>} : memref<64x144xf32, #tpu.memory_space<vmem>>, vector<16xf32>,
      %swap3A_93 = arith.index_cast %scan3A_69 : i32 to index
      %swap3A_94 = arith.constant 128 : index
      %swap3A_95 = tpu.vector_load %arg16[%swap3A_93, %swap3A_94] {strides = array<i32>} : memref<64x144xf32, #tpu.memory_space<vmem>>, vector<16xf32>,
      tpu.vector_store %arg16[%swap3A_93, %swap3A_94], %broadcast_in_dim3A_3 {strides = array<i32>} : memref<64x144xf32, #tpu.memory_space<vmem>>, vector<16xf32>,
    }
    %scan3A_8 = arith.constant 64 : i32
    %scan3A_9 = arith.constant 0 : i32
    %scan3A_10 = arith.constant 0 : i32
    %scan3A_11 = arith.constant 9 : i32
    %scan3A_12 = arith.addi %scan3A_10, %scan3A_11 : i32
    %scan3A_13 = arith.constant 1 : i32
    scf.for %scan3A_69 = %scan3A_10 to %scan3A_12 step %scan3A_13  : i32 {
      %mul3A_70 = arith.constant 632 : i32
      %mul3A_71 = arith.muli %arg1, %mul3A_70 : i32
      %mul3A_72 = arith.constant 64 : i32
      %mul3A_73 = arith.muli %scan3A_69, %mul3A_72 : i32
      %add3A_74 = arith.addi %mul3A_71, %mul3A_73 : i32
      "tpu.region"() ({
        %run_scoped3A_75 = tpu.sem_alloc : memref<!tpu.dma_semaphore, #tpu.memory_space<semaphore_mem>>
        %dma_start3A_76 = arith.constant 0 : i32
        %dma_start3A_77 = tpu.memref_slice %arg18[%add3A_74, %dma_start3A_76] : memref<10112x144xf32, #tpu.memory_space<vmem_shared>> -> memref<64x144xf32, #tpu.memory_space<vmem_shared>>
        %dma_start3A_78 = arith.constant 0 : i32
        %dma_start3A_79 = tpu.memref_slice %arg18[%add3A_74, %dma_start3A_78] : memref<10112x144xf32, #tpu.memory_space<vmem_shared>> -> memref<64x144xf32, #tpu.memory_space<vmem_shared>>
        tpu.enqueue_dma source(%arg16 : memref<64x144xf32, #tpu.memory_space<vmem>>) target(%dma_start3A_79 : memref<64x144xf32, #tpu.memory_space<vmem_shared>>) target_semaphore(%run_scoped3A_75 : memref<!tpu.dma_semaphore, #tpu.memory_space<semaphore_mem>>)
        %dma_wait3A_80 = arith.constant 0 : i32
        %dma_wait3A_81 = tpu.memref_slice %arg18[%add3A_74, %dma_wait3A_80] : memref<10112x144xf32, #tpu.memory_space<vmem_shared>> -> memref<64x144xf32, #tpu.memory_space<vmem_shared>>
        %dma_wait3A_82 = arith.constant 0 : i32
        %dma_wait3A_83 = tpu.memref_slice %arg18[%add3A_74, %dma_wait3A_82] : memref<10112x144xf32, #tpu.memory_space<vmem_shared>> -> memref<64x144xf32, #tpu.memory_space<vmem_shared>>
        tpu.wait_dma2 semaphore(%run_scoped3A_75 : memref<!tpu.dma_semaphore, #tpu.memory_space<semaphore_mem>>) src(%arg16 : memref<64x144xf32, #tpu.memory_space<vmem>>) dst(%dma_wait3A_83 : memref<64x144xf32, #tpu.memory_space<vmem_shared>>)
        tpu.yield
      }) : () -> ()
    }
    %scan3A_14 = arith.constant 9 : i32
    %mul3A_15 = arith.constant 632 : i32
    %mul3A_16 = arith.muli %arg1, %mul3A_15 : i32
    %add3A_17 = arith.constant 576 : i32
    %add3A_18 = arith.addi %mul3A_16, %add3A_17 : i32
    "tpu.region"() ({
      %run_scoped3A_69 = tpu.sem_alloc : memref<!tpu.dma_semaphore, #tpu.memory_space<semaphore_mem>>
      %dma_start3A_70 = arith.constant 0 : i32
      %dma_start3A_71 = arith.constant 0 : i32
      %dma_start3A_72 = tpu.memref_slice %arg16[%dma_start3A_70, %dma_start3A_71] : memref<64x144xf32, #tpu.memory_space<vmem>> -> memref<56x144xf32, #tpu.memory_space<vmem>>
      %dma_start3A_73 = arith.constant 0 : i32
      %dma_start3A_74 = tpu.memref_slice %arg18[%add3A_18, %dma_start3A_73] : memref<10112x144xf32, #tpu.memory_space<vmem_shared>> -> memref<56x144xf32, #tpu.memory_space<vmem_shared>>
      %dma_start3A_75 = arith.constant 0 : i32
      %dma_start3A_76 = tpu.memref_slice %arg18[%add3A_18, %dma_start3A_75] : memref<10112x144xf32, #tpu.memory_space<vmem_shared>> -> memref<56x144xf32, #tpu.memory_space<vmem_shared>>
      %dma_start3A_77 = arith.constant 0 : i32
      %dma_start3A_78 = arith.constant 0 : i32
      %dma_start3A_79 = tpu.memref_slice %arg16[%dma_start3A_77, %dma_start3A_78] : memref<64x144xf32, #tpu.memory_space<vmem>> -> memref<56x144xf32, #tpu.memory_space<vmem>>
      tpu.enqueue_dma source(%dma_start3A_79 : memref<56x144xf32, #tpu.memory_space<vmem>>) target(%dma_start3A_76 : memref<56x144xf32, #tpu.memory_space<vmem_shared>>) target_semaphore(%run_scoped3A_69 : memref<!tpu.dma_semaphore, #tpu.memory_space<semaphore_mem>>)
      %dma_wait3A_80 = arith.constant 0 : i32
      %dma_wait3A_81 = arith.constant 0 : i32
      %dma_wait3A_82 = tpu.memref_slice %arg16[%dma_wait3A_80, %dma_wait3A_81] : memref<64x144xf32, #tpu.memory_space<vmem>> -> memref<56x144xf32, #tpu.memory_space<vmem>>
      %dma_wait3A_83 = arith.constant 0 : i32
      %dma_wait3A_84 = tpu.memref_slice %arg18[%add3A_18, %dma_wait3A_83] : memref<10112x144xf32, #tpu.memory_space<vmem_shared>> -> memref<56x144xf32, #tpu.memory_space<vmem_shared>>
      %dma_wait3A_85 = arith.constant 0 : i32
      %dma_wait3A_86 = tpu.memref_slice %arg18[%add3A_18, %dma_wait3A_85] : memref<10112x144xf32, #tpu.memory_space<vmem_shared>> -> memref<56x144xf32, #tpu.memory_space<vmem_shared>>
      %dma_wait3A_87 = arith.constant 0 : i32
      %dma_wait3A_88 = arith.constant 0 : i32
      %dma_wait3A_89 = tpu.memref_slice %arg16[%dma_wait3A_87, %dma_wait3A_88] : memref<64x144xf32, #tpu.memory_space<vmem>> -> memref<56x144xf32, #tpu.memory_space<vmem>>
      tpu.wait_dma2 semaphore(%run_scoped3A_69 : memref<!tpu.dma_semaphore, #tpu.memory_space<semaphore_mem>>) src(%dma_wait3A_89 : memref<56x144xf32, #tpu.memory_space<vmem>>) dst(%dma_wait3A_86 : memref<56x144xf32, #tpu.memory_space<vmem_shared>>)
      tpu.yield
    }) : () -> ()
    %barrier3A = arith.constant 0 : index
    tpu.barrier barrier_id(%barrier3A)
    %broadcast_in_dim3A_19 = arith.constant 0 : i32
    %broadcast_in_dim3A_20 = vector.broadcast %broadcast_in_dim3A_19 : i32 to vector<16xi32>
    %gather3A = tpu.vector_load_idx %arg17[%broadcast_in_dim3A_20] : memref<16xf32, #tpu.memory_space<vmem>>[vector<16xi32>], vector<16xf32>,
    %run_scoped3A = arith.constant 0 : i32
    "tpu.region"() ({
      %run_scoped3A_69 = tpu.sem_alloc : memref<!tpu.dma_semaphore, #tpu.memory_space<semaphore_mem>>
      %dma_start3A_70 = arith.constant 0 : i32
      %dma_start3A_71 = arith.constant 0 : i32
      %dma_start3A_72 = tpu.memref_slice %arg5[%add3A, %run_scoped3A, %dma_start3A_70, %dma_start3A_71] : memref<32x324x3x64xi32, #tpu.memory_space<hbm>> -> memref<1x1x3x64xi32, #tpu.memory_space<hbm>>
      %dma_start3A_73 = tpu.memref_squeeze %dma_start3A_72 : memref<1x1x3x64xi32, #tpu.memory_space<hbm>> -> memref<3x64xi32, #tpu.memory_space<hbm>>
      %dma_start3A_74 = arith.constant 0 : i32
      %dma_start3A_75 = arith.constant 0 : i32
      %dma_start3A_76 = tpu.memref_slice %arg5[%add3A, %run_scoped3A, %dma_start3A_74, %dma_start3A_75] : memref<32x324x3x64xi32, #tpu.memory_space<hbm>> -> memref<1x1x3x64xi32, #tpu.memory_space<hbm>>
      %dma_start3A_77 = tpu.memref_squeeze %dma_start3A_76 : memref<1x1x3x64xi32, #tpu.memory_space<hbm>> -> memref<3x64xi32, #tpu.memory_space<hbm>>
      tpu.enqueue_dma source(%dma_start3A_77 : memref<3x64xi32, #tpu.memory_space<hbm>>) target(%arg10 : memref<3x64xi32, #tpu.memory_space<vmem>>) target_semaphore(%run_scoped3A_69 : memref<!tpu.dma_semaphore, #tpu.memory_space<semaphore_mem>>)
      %dma_wait3A_78 = arith.constant 0 : i32
      %dma_wait3A_79 = arith.constant 0 : i32
      %dma_wait3A_80 = tpu.memref_slice %arg5[%add3A, %run_scoped3A, %dma_wait3A_78, %dma_wait3A_79] : memref<32x324x3x64xi32, #tpu.memory_space<hbm>> -> memref<1x1x3x64xi32, #tpu.memory_space<hbm>>
      %dma_wait3A_81 = tpu.memref_squeeze %dma_wait3A_80 : memref<1x1x3x64xi32, #tpu.memory_space<hbm>> -> memref<3x64xi32, #tpu.memory_space<hbm>>
      %dma_wait3A_82 = arith.constant 0 : i32
      %dma_wait3A_83 = arith.constant 0 : i32
      %dma_wait3A_84 = tpu.memref_slice %arg5[%add3A, %run_scoped3A, %dma_wait3A_82, %dma_wait3A_83] : memref<32x324x3x64xi32, #tpu.memory_space<hbm>> -> memref<1x1x3x64xi32, #tpu.memory_space<hbm>>
      %dma_wait3A_85 = tpu.memref_squeeze %dma_wait3A_84 : memref<1x1x3x64xi32, #tpu.memory_space<hbm>> -> memref<3x64xi32, #tpu.memory_space<hbm>>
      tpu.wait_dma2 semaphore(%run_scoped3A_69 : memref<!tpu.dma_semaphore, #tpu.memory_space<semaphore_mem>>) src(%dma_wait3A_85 : memref<3x64xi32, #tpu.memory_space<hbm>>) dst(%arg10 : memref<3x64xi32, #tpu.memory_space<vmem>>)
      tpu.yield
    }) : () -> ()
    %dma_start3A = arith.constant 1 : i32
    %dma_start3A_21 = arith.constant 0 : i32
    %dma_start3A_22 = arith.constant 0 : i32
    %dma_start3A_23 = tpu.memref_slice %arg5[%add3A, %dma_start3A, %dma_start3A_21, %dma_start3A_22] : memref<32x324x3x64xi32, #tpu.memory_space<hbm>> -> memref<1x1x3x64xi32, #tpu.memory_space<hbm>>
    %dma_start3A_24 = tpu.memref_squeeze %dma_start3A_23 : memref<1x1x3x64xi32, #tpu.memory_space<hbm>> -> memref<3x64xi32, #tpu.memory_space<hbm>>
    %dma_start3A_25 = arith.constant 0 : i32
    %dma_start3A_26 = arith.constant 0 : i32
    %dma_start3A_27 = tpu.memref_slice %arg5[%add3A, %dma_start3A, %dma_start3A_25, %dma_start3A_26] : memref<32x324x3x64xi32, #tpu.memory_space<hbm>> -> memref<1x1x3x64xi32, #tpu.memory_space<hbm>>
    %dma_start3A_28 = tpu.memref_squeeze %dma_start3A_27 : memref<1x1x3x64xi32, #tpu.memory_space<hbm>> -> memref<3x64xi32, #tpu.memory_space<hbm>>
    tpu.enqueue_dma source(%dma_start3A_28 : memref<3x64xi32, #tpu.memory_space<hbm>>) target(%arg11 : memref<3x64xi32, #tpu.memory_space<vmem>>) target_semaphore(%arg23 : memref<!tpu.dma_semaphore, #tpu.memory_space<semaphore_mem>>)
    %dma_start3A_29 = arith.constant 0 : i32
    %dma_start3A_30 = arith.constant 0 : i32
    %dma_start3A_31 = tpu.memref_slice %arg10[%dma_start3A_29, %dma_start3A_30] : memref<3x64xi32, #tpu.memory_space<vmem>> -> memref<1x64xi32, #tpu.memory_space<vmem>>
    %dma_start3A_32 = tpu.memref_squeeze %dma_start3A_31 : memref<1x64xi32, #tpu.memory_space<vmem>> -> memref<64xi32, #tpu.memory_space<vmem>>
    %dma_start3A_33 = arith.constant 0 : i32
    %dma_start3A_34 = arith.constant 0 : i32
    %dma_start3A_35 = tpu.memref_slice %arg2[%dma_start3A_33, %dma_start3A_34] : memref<20480x144xf32, #tpu.memory_space<hbm>> -> memref<20480x144xf32, #tpu.memory_space<hbm>>
    tpu.enqueue_indirect_dma source(%dma_start3A_35 : memref<20480x144xf32, #tpu.memory_space<hbm>>) target(%arg15 : memref<64x144xf32, #tpu.memory_space<vmem>>) offsets(%dma_start3A_32 : memref<64xi32, #tpu.memory_space<vmem>>) semaphore(%arg19 : memref<!tpu.dma_semaphore, #tpu.memory_space<semaphore_mem>>)
    %scan3A_36 = arith.constant 0 : i32
    %scan3A_37 = arith.constant 0 : i32
    %scan3A_38 = arith.constant 162 : i32
    %scan3A_39 = arith.addi %scan3A_37, %scan3A_38 : i32
    %scan3A_40 = arith.constant 1 : i32
    scf.for %scan3A_69 = %scan3A_37 to %scan3A_39 step %scan3A_40  : i32 {
      %get3A = arith.constant 0 : i32
      %get3A_70 = arith.index_cast %get3A : i32 to index
      %get3A_71 = arith.constant 0 : index
      %get3A_72 = tpu.vector_load %arg10[%get3A_70, %get3A_71] {strides = array<i32>} : memref<3x64xi32, #tpu.memory_space<vmem>>, vector<16xi32>,
      %sub3A = vector.broadcast %mul3A_2 : i32 to vector<16xi32>
      %sub3A_73 = arith.subi %get3A_72, %sub3A : vector<16xi32>
      %get3A_74 = arith.constant 1 : i32
      %get3A_75 = arith.index_cast %get3A_74 : i32 to index
      %get3A_76 = arith.constant 0 : index
      %get3A_77 = tpu.vector_load %arg10[%get3A_75, %get3A_76] {strides = array<i32>} : memref<3x64xi32, #tpu.memory_space<vmem>>, vector<16xi32>,
      %swap3A = arith.constant 0 : index
      %swap3A_78 = tpu.vector_load %arg12[%swap3A] {strides = array<i32>} : memref<64xi32, #tpu.memory_space<vmem>>, vector<16xi32>,
      tpu.vector_store %arg12[%swap3A], %get3A_77 {strides = array<i32>} : memref<64xi32, #tpu.memory_space<vmem>>, vector<16xi32>,
      %get3A_79 = arith.constant 2 : i32
      %get3A_80 = arith.index_cast %get3A_79 : i32 to index
      %get3A_81 = arith.constant 0 : index
      %get3A_82 = tpu.vector_load %arg10[%get3A_80, %get3A_81] {strides = array<i32>} : memref<3x64xi32, #tpu.memory_space<vmem>>, vector<16xi32>,
      %bitcast3A = vector.bitcast %get3A_82 : vector<16xi32> to vector<16xf32>
      %gather3A_83 = tpu.vector_load_idx %arg8[%sub3A_73] : memref<10048xf32, #tpu.memory_space<vmem>>[vector<16xi32>], vector<16xf32>,
      %gather3A_84 = tpu.vector_load_idx %arg9[%get3A_77] : memref<10048xf32, #tpu.memory_space<vmem>>[vector<16xi32>], vector<16xf32>,
      %add3A_85 = arith.addf %gather3A_83, %gather3A_84 : vector<16xf32>
      %mul3A_86 = arith.mulf %bitcast3A, %gather3A : vector<16xf32>
      %add3A_87 = arith.addf %add3A_85, %mul3A_86 : vector<16xf32>
      %gt3A = arith.constant 0.000000e+00 : f32
      %gt3A_88 = vector.broadcast %gt3A : f32 to vector<16xf32>
      %gt3A_89 = arith.cmpf ogt, %add3A_87, %gt3A_88 : vector<16xf32>
      %mul3A_90 = arith.constant 2.000000e-01 : f32
      %mul3A_91 = vector.broadcast %mul3A_90 : f32 to vector<16xf32>
      %mul3A_92 = arith.mulf %add3A_87, %mul3A_91 : vector<16xf32>
      %select_n3A = arith.select %gt3A_89, %add3A_87, %mul3A_92 : vector<16xi1>, vector<16xf32>
      %exp3A = math.exp %select_n3A : vector<16xf32>
      %swap3A_93 = arith.constant 0 : index
      %swap3A_94 = tpu.vector_load %arg14[%swap3A_93] {strides = array<i32>} : memref<64xf32, #tpu.memory_space<vmem>>, vector<16xf32>,
      tpu.vector_store %arg14[%swap3A_93], %exp3A {strides = array<i32>} : memref<64xf32, #tpu.memory_space<vmem>>, vector<16xf32>,
      %get3A_95 = arith.constant 0 : i32
      %get3A_96 = arith.index_cast %get3A_95 : i32 to index
      %get3A_97 = arith.constant 16 : index
      %get3A_98 = tpu.vector_load %arg10[%get3A_96, %get3A_97] {strides = array<i32>} : memref<3x64xi32, #tpu.memory_space<vmem>>, vector<16xi32>,
      %sub3A_99 = vector.broadcast %mul3A_2 : i32 to vector<16xi32>
      %sub3A_100 = arith.subi %get3A_98, %sub3A_99 : vector<16xi32>
      %get3A_101 = arith.constant 1 : i32
      %get3A_102 = arith.index_cast %get3A_101 : i32 to index
      %get3A_103 = arith.constant 16 : index
      %get3A_104 = tpu.vector_load %arg10[%get3A_102, %get3A_103] {strides = array<i32>} : memref<3x64xi32, #tpu.memory_space<vmem>>, vector<16xi32>,
      %swap3A_105 = arith.constant 16 : index
      %swap3A_106 = tpu.vector_load %arg12[%swap3A_105] {strides = array<i32>} : memref<64xi32, #tpu.memory_space<vmem>>, vector<16xi32>,
      tpu.vector_store %arg12[%swap3A_105], %get3A_104 {strides = array<i32>} : memref<64xi32, #tpu.memory_space<vmem>>, vector<16xi32>,
      %get3A_107 = arith.constant 2 : i32
      %get3A_108 = arith.index_cast %get3A_107 : i32 to index
      %get3A_109 = arith.constant 16 : index
      %get3A_110 = tpu.vector_load %arg10[%get3A_108, %get3A_109] {strides = array<i32>} : memref<3x64xi32, #tpu.memory_space<vmem>>, vector<16xi32>,
      %bitcast3A_111 = vector.bitcast %get3A_110 : vector<16xi32> to vector<16xf32>
      %gather3A_112 = tpu.vector_load_idx %arg8[%sub3A_100] : memref<10048xf32, #tpu.memory_space<vmem>>[vector<16xi32>], vector<16xf32>,
      %gather3A_113 = tpu.vector_load_idx %arg9[%get3A_104] : memref<10048xf32, #tpu.memory_space<vmem>>[vector<16xi32>], vector<16xf32>,
      %add3A_114 = arith.addf %gather3A_112, %gather3A_113 : vector<16xf32>
      %mul3A_115 = arith.mulf %bitcast3A_111, %gather3A : vector<16xf32>
      %add3A_116 = arith.addf %add3A_114, %mul3A_115 : vector<16xf32>
      %gt3A_117 = arith.constant 0.000000e+00 : f32
      %gt3A_118 = vector.broadcast %gt3A_117 : f32 to vector<16xf32>
      %gt3A_119 = arith.cmpf ogt, %add3A_116, %gt3A_118 : vector<16xf32>
      %mul3A_120 = arith.constant 2.000000e-01 : f32
      %mul3A_121 = vector.broadcast %mul3A_120 : f32 to vector<16xf32>
      %mul3A_122 = arith.mulf %add3A_116, %mul3A_121 : vector<16xf32>
      %select_n3A_123 = arith.select %gt3A_119, %add3A_116, %mul3A_122 : vector<16xi1>, vector<16xf32>
      %exp3A_124 = math.exp %select_n3A_123 : vector<16xf32>
      %swap3A_125 = arith.constant 16 : index
      %swap3A_126 = tpu.vector_load %arg14[%swap3A_125] {strides = array<i32>} : memref<64xf32, #tpu.memory_space<vmem>>, vector<16xf32>,
      tpu.vector_store %arg14[%swap3A_125], %exp3A_124 {strides = array<i32>} : memref<64xf32, #tpu.memory_space<vmem>>, vector<16xf32>,
      %get3A_127 = arith.constant 0 : i32
      %get3A_128 = arith.index_cast %get3A_127 : i32 to index
      %get3A_129 = arith.constant 32 : index
      %get3A_130 = tpu.vector_load %arg10[%get3A_128, %get3A_129] {strides = array<i32>} : memref<3x64xi32, #tpu.memory_space<vmem>>, vector<16xi32>,
      %sub3A_131 = vector.broadcast %mul3A_2 : i32 to vector<16xi32>
      %sub3A_132 = arith.subi %get3A_130, %sub3A_131 : vector<16xi32>
      %get3A_133 = arith.constant 1 : i32
      %get3A_134 = arith.index_cast %get3A_133 : i32 to index
      %get3A_135 = arith.constant 32 : index
      %get3A_136 = tpu.vector_load %arg10[%get3A_134, %get3A_135] {strides = array<i32>} : memref<3x64xi32, #tpu.memory_space<vmem>>, vector<16xi32>,
      %swap3A_137 = arith.constant 32 : index
      %swap3A_138 = tpu.vector_load %arg12[%swap3A_137] {strides = array<i32>} : memref<64xi32, #tpu.memory_space<vmem>>, vector<16xi32>,
      tpu.vector_store %arg12[%swap3A_137], %get3A_136 {strides = array<i32>} : memref<64xi32, #tpu.memory_space<vmem>>, vector<16xi32>,
      %get3A_139 = arith.constant 2 : i32
      %get3A_140 = arith.index_cast %get3A_139 : i32 to index
      %get3A_141 = arith.constant 32 : index
      %get3A_142 = tpu.vector_load %arg10[%get3A_140, %get3A_141] {strides = array<i32>} : memref<3x64xi32, #tpu.memory_space<vmem>>, vector<16xi32>,
      %bitcast3A_143 = vector.bitcast %get3A_142 : vector<16xi32> to vector<16xf32>
      %gather3A_144 = tpu.vector_load_idx %arg8[%sub3A_132] : memref<10048xf32, #tpu.memory_space<vmem>>[vector<16xi32>], vector<16xf32>,
      %gather3A_145 = tpu.vector_load_idx %arg9[%get3A_136] : memref<10048xf32, #tpu.memory_space<vmem>>[vector<16xi32>], vector<16xf32>,
      %add3A_146 = arith.addf %gather3A_144, %gather3A_145 : vector<16xf32>
      %mul3A_147 = arith.mulf %bitcast3A_143, %gather3A : vector<16xf32>
      %add3A_148 = arith.addf %add3A_146, %mul3A_147 : vector<16xf32>
      %gt3A_149 = arith.constant 0.000000e+00 : f32
      %gt3A_150 = vector.broadcast %gt3A_149 : f32 to vector<16xf32>
      %gt3A_151 = arith.cmpf ogt, %add3A_148, %gt3A_150 : vector<16xf32>
      %mul3A_152 = arith.constant 2.000000e-01 : f32
      %mul3A_153 = vector.broadcast %mul3A_152 : f32 to vector<16xf32>
      %mul3A_154 = arith.mulf %add3A_148, %mul3A_153 : vector<16xf32>
      %select_n3A_155 = arith.select %gt3A_151, %add3A_148, %mul3A_154 : vector<16xi1>, vector<16xf32>
      %exp3A_156 = math.exp %select_n3A_155 : vector<16xf32>
      %swap3A_157 = arith.constant 32 : index
      %swap3A_158 = tpu.vector_load %arg14[%swap3A_157] {strides = array<i32>} : memref<64xf32, #tpu.memory_space<vmem>>, vector<16xf32>,
      tpu.vector_store %arg14[%swap3A_157], %exp3A_156 {strides = array<i32>} : memref<64xf32, #tpu.memory_space<vmem>>, vector<16xf32>,
      %get3A_159 = arith.constant 0 : i32
      %get3A_160 = arith.index_cast %get3A_159 : i32 to index
      %get3A_161 = arith.constant 48 : index
      %get3A_162 = tpu.vector_load %arg10[%get3A_160, %get3A_161] {strides = array<i32>} : memref<3x64xi32, #tpu.memory_space<vmem>>, vector<16xi32>,
      %sub3A_163 = vector.broadcast %mul3A_2 : i32 to vector<16xi32>
      %sub3A_164 = arith.subi %get3A_162, %sub3A_163 : vector<16xi32>
      %get3A_165 = arith.constant 1 : i32
      %get3A_166 = arith.index_cast %get3A_165 : i32 to index
      %get3A_167 = arith.constant 48 : index
      %get3A_168 = tpu.vector_load %arg10[%get3A_166, %get3A_167] {strides = array<i32>} : memref<3x64xi32, #tpu.memory_space<vmem>>, vector<16xi32>,
      %swap3A_169 = arith.constant 48 : index
      %swap3A_170 = tpu.vector_load %arg12[%swap3A_169] {strides = array<i32>} : memref<64xi32, #tpu.memory_space<vmem>>, vector<16xi32>,
      tpu.vector_store %arg12[%swap3A_169], %get3A_168 {strides = array<i32>} : memref<64xi32, #tpu.memory_space<vmem>>, vector<16xi32>,
      %get3A_171 = arith.constant 2 : i32
      %get3A_172 = arith.index_cast %get3A_171 : i32 to index
      %get3A_173 = arith.constant 48 : index
      %get3A_174 = tpu.vector_load %arg10[%get3A_172, %get3A_173] {strides = array<i32>} : memref<3x64xi32, #tpu.memory_space<vmem>>, vector<16xi32>,
      %bitcast3A_175 = vector.bitcast %get3A_174 : vector<16xi32> to vector<16xf32>
      %gather3A_176 = tpu.vector_load_idx %arg8[%sub3A_164] : memref<10048xf32, #tpu.memory_space<vmem>>[vector<16xi32>], vector<16xf32>,
      %gather3A_177 = tpu.vector_load_idx %arg9[%get3A_168] : memref<10048xf32, #tpu.memory_space<vmem>>[vector<16xi32>], vector<16xf32>,
      %add3A_178 = arith.addf %gather3A_176, %gather3A_177 : vector<16xf32>
      %mul3A_179 = arith.mulf %bitcast3A_175, %gather3A : vector<16xf32>
      %add3A_180 = arith.addf %add3A_178, %mul3A_179 : vector<16xf32>
      %gt3A_181 = arith.constant 0.000000e+00 : f32
      %gt3A_182 = vector.broadcast %gt3A_181 : f32 to vector<16xf32>
      %gt3A_183 = arith.cmpf ogt, %add3A_180, %gt3A_182 : vector<16xf32>
      %mul3A_184 = arith.constant 2.000000e-01 : f32
      %mul3A_185 = vector.broadcast %mul3A_184 : f32 to vector<16xf32>
      %mul3A_186 = arith.mulf %add3A_180, %mul3A_185 : vector<16xf32>
      %select_n3A_187 = arith.select %gt3A_183, %add3A_180, %mul3A_186 : vector<16xi1>, vector<16xf32>
      %exp3A_188 = math.exp %select_n3A_187 : vector<16xf32>
      %swap3A_189 = arith.constant 48 : index
      %swap3A_190 = tpu.vector_load %arg14[%swap3A_189] {strides = array<i32>} : memref<64xf32, #tpu.memory_space<vmem>>, vector<16xf32>,
      tpu.vector_store %arg14[%swap3A_189], %exp3A_188 {strides = array<i32>} : memref<64xf32, #tpu.memory_space<vmem>>, vector<16xf32>,
      %dma_wait3A_191 = arith.constant 0 : i32
      %dma_wait3A_192 = arith.constant 0 : i32
      %dma_wait3A_193 = tpu.memref_slice %arg10[%dma_wait3A_191, %dma_wait3A_192] : memref<3x64xi32, #tpu.memory_space<vmem>> -> memref<1x64xi32, #tpu.memory_space<vmem>>
      %dma_wait3A_194 = tpu.memref_squeeze %dma_wait3A_193 : memref<1x64xi32, #tpu.memory_space<vmem>> -> memref<64xi32, #tpu.memory_space<vmem>>
      %dma_wait3A_195 = arith.constant 0 : i32
      %dma_wait3A_196 = arith.constant 0 : i32
      %dma_wait3A_197 = tpu.memref_slice %arg2[%dma_wait3A_195, %dma_wait3A_196] : memref<20480x144xf32, #tpu.memory_space<hbm>> -> memref<20480x144xf32, #tpu.memory_space<hbm>>
      tpu.wait_indirect_dma semaphore(%arg19 : memref<!tpu.dma_semaphore, #tpu.memory_space<semaphore_mem>>) src(%dma_wait3A_197 : memref<20480x144xf32, #tpu.memory_space<hbm>>) dst(%arg15 : memref<64x144xf32, #tpu.memory_space<vmem>>)
      %mul3A_198 = arith.constant 2 : i32
      %mul3A_199 = arith.muli %mul3A_198, %scan3A_69 : i32
      %add3A_200 = arith.constant 1 : i32
      %add3A_201 = arith.addi %mul3A_199, %add3A_200 : i32
      %dma_wait3A_202 = arith.constant 0 : i32
      %dma_wait3A_203 = arith.constant 0 : i32
      %dma_wait3A_204 = tpu.memref_slice %arg5[%add3A, %add3A_201, %dma_wait3A_202, %dma_wait3A_203] : memref<32x324x3x64xi32, #tpu.memory_space<hbm>> -> memref<1x1x3x64xi32, #tpu.memory_space<hbm>>
      %dma_wait3A_205 = tpu.memref_squeeze %dma_wait3A_204 : memref<1x1x3x64xi32, #tpu.memory_space<hbm>> -> memref<3x64xi32, #tpu.memory_space<hbm>>
      %dma_wait3A_206 = arith.constant 0 : i32
      %dma_wait3A_207 = arith.constant 0 : i32
      %dma_wait3A_208 = tpu.memref_slice %arg5[%add3A, %add3A_201, %dma_wait3A_206, %dma_wait3A_207] : memref<32x324x3x64xi32, #tpu.memory_space<hbm>> -> memref<1x1x3x64xi32, #tpu.memory_space<hbm>>
      %dma_wait3A_209 = tpu.memref_squeeze %dma_wait3A_208 : memref<1x1x3x64xi32, #tpu.memory_space<hbm>> -> memref<3x64xi32, #tpu.memory_space<hbm>>
      tpu.wait_dma2 semaphore(%arg23 : memref<!tpu.dma_semaphore, #tpu.memory_space<semaphore_mem>>) src(%dma_wait3A_209 : memref<3x64xi32, #tpu.memory_space<hbm>>) dst(%arg11 : memref<3x64xi32, #tpu.memory_space<vmem>>)
      %gt3A_210 = arith.constant 0 : i32
      %gt3A_211 = arith.cmpi sgt, %scan3A_69, %gt3A_210 : i32
      %convert_element_type3A = arith.extui %gt3A_211 : i1 to i32
      %cond3A = arith.constant 0 : i32
      %cond3A_212 = arith.cmpi ne, %convert_element_type3A, %cond3A : i32
      scf.if %cond3A_212 {
        %dma_wait3A_421 = arith.constant 0 : i32
        %dma_wait3A_422 = arith.constant 0 : i32
        %dma_wait3A_423 = tpu.memref_slice %arg18[%dma_wait3A_421, %dma_wait3A_422] : memref<10112x144xf32, #tpu.memory_space<vmem_shared>> -> memref<64x144xf32, #tpu.memory_space<vmem_shared>>
        %dma_wait3A_424 = arith.constant 0 : i32
        %dma_wait3A_425 = arith.constant 0 : i32
        %dma_wait3A_426 = tpu.memref_slice %arg18[%dma_wait3A_424, %dma_wait3A_425] : memref<10112x144xf32, #tpu.memory_space<vmem_shared>> -> memref<64x144xf32, #tpu.memory_space<vmem_shared>>
        tpu.wait_dma2 semaphore(%arg22 : memref<!tpu.dma_semaphore, #tpu.memory_space<semaphore_mem>>) src(%arg16 : memref<64x144xf32, #tpu.memory_space<vmem>>) dst(%dma_wait3A_426 : memref<64x144xf32, #tpu.memory_space<vmem_shared>>)
      } else {
      }
      %dma_start3A_213 = arith.constant 0 : i32
      %dma_start3A_214 = arith.constant 0 : i32
      %dma_start3A_215 = tpu.memref_slice %arg11[%dma_start3A_213, %dma_start3A_214] : memref<3x64xi32, #tpu.memory_space<vmem>> -> memref<1x64xi32, #tpu.memory_space<vmem>>
      %dma_start3A_216 = tpu.memref_squeeze %dma_start3A_215 : memref<1x64xi32, #tpu.memory_space<vmem>> -> memref<64xi32, #tpu.memory_space<vmem>>
      %dma_start3A_217 = arith.constant 0 : i32
      %dma_start3A_218 = arith.constant 0 : i32
      %dma_start3A_219 = tpu.memref_slice %arg2[%dma_start3A_217, %dma_start3A_218] : memref<20480x144xf32, #tpu.memory_space<hbm>> -> memref<20480x144xf32, #tpu.memory_space<hbm>>
      tpu.enqueue_indirect_dma source(%dma_start3A_219 : memref<20480x144xf32, #tpu.memory_space<hbm>>) target(%arg16 : memref<64x144xf32, #tpu.memory_space<vmem>>) offsets(%dma_start3A_216 : memref<64xi32, #tpu.memory_space<vmem>>) semaphore(%arg20 : memref<!tpu.dma_semaphore, #tpu.memory_space<semaphore_mem>>)
      %mul3A_220 = arith.constant 2 : i32
      %mul3A_221 = arith.muli %mul3A_220, %scan3A_69 : i32
      %add3A_222 = arith.constant 2 : i32
      %add3A_223 = arith.addi %mul3A_221, %add3A_222 : i32
      %min3A = arith.constant 323 : i32
      %min3A_224 = arith.minsi %add3A_223, %min3A : i32
      %dma_start3A_225 = arith.constant 0 : i32
      %dma_start3A_226 = arith.constant 0 : i32
      %dma_start3A_227 = tpu.memref_slice %arg5[%add3A, %min3A_224, %dma_start3A_225, %dma_start3A_226] : memref<32x324x3x64xi32, #tpu.memory_space<hbm>> -> memref<1x1x3x64xi32, #tpu.memory_space<hbm>>
      %dma_start3A_228 = tpu.memref_squeeze %dma_start3A_227 : memref<1x1x3x64xi32, #tpu.memory_space<hbm>> -> memref<3x64xi32, #tpu.memory_space<hbm>>
      %dma_start3A_229 = arith.constant 0 : i32
      %dma_start3A_230 = arith.constant 0 : i32
      %dma_start3A_231 = tpu.memref_slice %arg5[%add3A, %min3A_224, %dma_start3A_229, %dma_start3A_230] : memref<32x324x3x64xi32, #tpu.memory_space<hbm>> -> memref<1x1x3x64xi32, #tpu.memory_space<hbm>>
      %dma_start3A_232 = tpu.memref_squeeze %dma_start3A_231 : memref<1x1x3x64xi32, #tpu.memory_space<hbm>> -> memref<3x64xi32, #tpu.memory_space<hbm>>
      tpu.enqueue_dma source(%dma_start3A_232 : memref<3x64xi32, #tpu.memory_space<hbm>>) target(%arg10 : memref<3x64xi32, #tpu.memory_space<vmem>>) target_semaphore(%arg23 : memref<!tpu.dma_semaphore, #tpu.memory_space<semaphore_mem>>)
      %dma_start3A_233 = arith.constant 0 : i32
      %dma_start3A_234 = arith.constant 0 : i32
      %dma_start3A_235 = tpu.memref_slice %arg18[%dma_start3A_233, %dma_start3A_234] : memref<10112x144xf32, #tpu.memory_space<vmem_shared>> -> memref<64x144xf32, #tpu.memory_space<vmem_shared>>
      %dma_start3A_236 = arith.constant 0 : i32
      %dma_start3A_237 = arith.constant 0 : i32
      %dma_start3A_238 = tpu.memref_slice %arg18[%dma_start3A_236, %dma_start3A_237] : memref<10112x144xf32, #tpu.memory_space<vmem_shared>> -> memref<64x144xf32, #tpu.memory_space<vmem_shared>>
      tpu.enqueue_dma source(%arg15 : memref<64x144xf32, #tpu.memory_space<vmem>>) target(%dma_start3A_238 : memref<64x144xf32, #tpu.memory_space<vmem_shared>>) target_semaphore(%arg21 : memref<!tpu.dma_semaphore, #tpu.memory_space<semaphore_mem>>)
      %get3A_239 = arith.constant 0 : i32
      %get3A_240 = arith.index_cast %get3A_239 : i32 to index
      %get3A_241 = arith.constant 0 : index
      %get3A_242 = tpu.vector_load %arg11[%get3A_240, %get3A_241] {strides = array<i32>} : memref<3x64xi32, #tpu.memory_space<vmem>>, vector<16xi32>,
      %sub3A_243 = vector.broadcast %mul3A_2 : i32 to vector<16xi32>
      %sub3A_244 = arith.subi %get3A_242, %sub3A_243 : vector<16xi32>
      %get3A_245 = arith.constant 1 : i32
      %get3A_246 = arith.index_cast %get3A_245 : i32 to index
      %get3A_247 = arith.constant 0 : index
      %get3A_248 = tpu.vector_load %arg11[%get3A_246, %get3A_247] {strides = array<i32>} : memref<3x64xi32, #tpu.memory_space<vmem>>, vector<16xi32>,
      %swap3A_249 = arith.constant 0 : index
      %swap3A_250 = tpu.vector_load %arg13[%swap3A_249] {strides = array<i32>} : memref<64xi32, #tpu.memory_space<vmem>>, vector<16xi32>,
      tpu.vector_store %arg13[%swap3A_249], %get3A_248 {strides = array<i32>} : memref<64xi32, #tpu.memory_space<vmem>>, vector<16xi32>,
      %get3A_251 = arith.constant 2 : i32
      %get3A_252 = arith.index_cast %get3A_251 : i32 to index
      %get3A_253 = arith.constant 0 : index
      %get3A_254 = tpu.vector_load %arg11[%get3A_252, %get3A_253] {strides = array<i32>} : memref<3x64xi32, #tpu.memory_space<vmem>>, vector<16xi32>,
      %bitcast3A_255 = vector.bitcast %get3A_254 : vector<16xi32> to vector<16xf32>
      %gather3A_256 = tpu.vector_load_idx %arg8[%sub3A_244] : memref<10048xf32, #tpu.memory_space<vmem>>[vector<16xi32>], vector<16xf32>,
      %gather3A_257 = tpu.vector_load_idx %arg9[%get3A_248] : memref<10048xf32, #tpu.memory_space<vmem>>[vector<16xi32>], vector<16xf32>,
      %add3A_258 = arith.addf %gather3A_256, %gather3A_257 : vector<16xf32>
      %mul3A_259 = arith.mulf %bitcast3A_255, %gather3A : vector<16xf32>
      %add3A_260 = arith.addf %add3A_258, %mul3A_259 : vector<16xf32>
      %gt3A_261 = arith.constant 0.000000e+00 : f32
      %gt3A_262 = vector.broadcast %gt3A_261 : f32 to vector<16xf32>
      %gt3A_263 = arith.cmpf ogt, %add3A_260, %gt3A_262 : vector<16xf32>
      %mul3A_264 = arith.constant 2.000000e-01 : f32
      %mul3A_265 = vector.broadcast %mul3A_264 : f32 to vector<16xf32>
      %mul3A_266 = arith.mulf %add3A_260, %mul3A_265 : vector<16xf32>
      %select_n3A_267 = arith.select %gt3A_263, %add3A_260, %mul3A_266 : vector<16xi1>, vector<16xf32>
      %exp3A_268 = math.exp %select_n3A_267 : vector<16xf32>
      %swap3A_269 = arith.constant 0 : index
      %swap3A_270 = tpu.vector_load %arg14[%swap3A_269] {strides = array<i32>} : memref<64xf32, #tpu.memory_space<vmem>>, vector<16xf32>,
      tpu.vector_store %arg14[%swap3A_269], %exp3A_268 {strides = array<i32>} : memref<64xf32, #tpu.memory_space<vmem>>, vector<16xf32>,
      %get3A_271 = arith.constant 0 : i32
      %get3A_272 = arith.index_cast %get3A_271 : i32 to index
      %get3A_273 = arith.constant 16 : index
      %get3A_274 = tpu.vector_load %arg11[%get3A_272, %get3A_273] {strides = array<i32>} : memref<3x64xi32, #tpu.memory_space<vmem>>, vector<16xi32>,
      %sub3A_275 = vector.broadcast %mul3A_2 : i32 to vector<16xi32>
      %sub3A_276 = arith.subi %get3A_274, %sub3A_275 : vector<16xi32>
      %get3A_277 = arith.constant 1 : i32
      %get3A_278 = arith.index_cast %get3A_277 : i32 to index
      %get3A_279 = arith.constant 16 : index
      %get3A_280 = tpu.vector_load %arg11[%get3A_278, %get3A_279] {strides = array<i32>} : memref<3x64xi32, #tpu.memory_space<vmem>>, vector<16xi32>,
      %swap3A_281 = arith.constant 16 : index
      %swap3A_282 = tpu.vector_load %arg13[%swap3A_281] {strides = array<i32>} : memref<64xi32, #tpu.memory_space<vmem>>, vector<16xi32>,
      tpu.vector_store %arg13[%swap3A_281], %get3A_280 {strides = array<i32>} : memref<64xi32, #tpu.memory_space<vmem>>, vector<16xi32>,
      %get3A_283 = arith.constant 2 : i32
      %get3A_284 = arith.index_cast %get3A_283 : i32 to index
      %get3A_285 = arith.constant 16 : index
      %get3A_286 = tpu.vector_load %arg11[%get3A_284, %get3A_285] {strides = array<i32>} : memref<3x64xi32, #tpu.memory_space<vmem>>, vector<16xi32>,
      %bitcast3A_287 = vector.bitcast %get3A_286 : vector<16xi32> to vector<16xf32>
      %gather3A_288 = tpu.vector_load_idx %arg8[%sub3A_276] : memref<10048xf32, #tpu.memory_space<vmem>>[vector<16xi32>], vector<16xf32>,
      %gather3A_289 = tpu.vector_load_idx %arg9[%get3A_280] : memref<10048xf32, #tpu.memory_space<vmem>>[vector<16xi32>], vector<16xf32>,
      %add3A_290 = arith.addf %gather3A_288, %gather3A_289 : vector<16xf32>
      %mul3A_291 = arith.mulf %bitcast3A_287, %gather3A : vector<16xf32>
      %add3A_292 = arith.addf %add3A_290, %mul3A_291 : vector<16xf32>
      %gt3A_293 = arith.constant 0.000000e+00 : f32
      %gt3A_294 = vector.broadcast %gt3A_293 : f32 to vector<16xf32>
      %gt3A_295 = arith.cmpf ogt, %add3A_292, %gt3A_294 : vector<16xf32>
      %mul3A_296 = arith.constant 2.000000e-01 : f32
      %mul3A_297 = vector.broadcast %mul3A_296 : f32 to vector<16xf32>
      %mul3A_298 = arith.mulf %add3A_292, %mul3A_297 : vector<16xf32>
      %select_n3A_299 = arith.select %gt3A_295, %add3A_292, %mul3A_298 : vector<16xi1>, vector<16xf32>
      %exp3A_300 = math.exp %select_n3A_299 : vector<16xf32>
      %swap3A_301 = arith.constant 16 : index
      %swap3A_302 = tpu.vector_load %arg14[%swap3A_301] {strides = array<i32>} : memref<64xf32, #tpu.memory_space<vmem>>, vector<16xf32>,
      tpu.vector_store %arg14[%swap3A_301], %exp3A_300 {strides = array<i32>} : memref<64xf32, #tpu.memory_space<vmem>>, vector<16xf32>,
      %get3A_303 = arith.constant 0 : i32
      %get3A_304 = arith.index_cast %get3A_303 : i32 to index
      %get3A_305 = arith.constant 32 : index
      %get3A_306 = tpu.vector_load %arg11[%get3A_304, %get3A_305] {strides = array<i32>} : memref<3x64xi32, #tpu.memory_space<vmem>>, vector<16xi32>,
      %sub3A_307 = vector.broadcast %mul3A_2 : i32 to vector<16xi32>
      %sub3A_308 = arith.subi %get3A_306, %sub3A_307 : vector<16xi32>
      %get3A_309 = arith.constant 1 : i32
      %get3A_310 = arith.index_cast %get3A_309 : i32 to index
      %get3A_311 = arith.constant 32 : index
      %get3A_312 = tpu.vector_load %arg11[%get3A_310, %get3A_311] {strides = array<i32>} : memref<3x64xi32, #tpu.memory_space<vmem>>, vector<16xi32>,
      %swap3A_313 = arith.constant 32 : index
      %swap3A_314 = tpu.vector_load %arg13[%swap3A_313] {strides = array<i32>} : memref<64xi32, #tpu.memory_space<vmem>>, vector<16xi32>,
      tpu.vector_store %arg13[%swap3A_313], %get3A_312 {strides = array<i32>} : memref<64xi32, #tpu.memory_space<vmem>>, vector<16xi32>,
      %get3A_315 = arith.constant 2 : i32
      %get3A_316 = arith.index_cast %get3A_315 : i32 to index
      %get3A_317 = arith.constant 32 : index
      %get3A_318 = tpu.vector_load %arg11[%get3A_316, %get3A_317] {strides = array<i32>} : memref<3x64xi32, #tpu.memory_space<vmem>>, vector<16xi32>,
      %bitcast3A_319 = vector.bitcast %get3A_318 : vector<16xi32> to vector<16xf32>
      %gather3A_320 = tpu.vector_load_idx %arg8[%sub3A_308] : memref<10048xf32, #tpu.memory_space<vmem>>[vector<16xi32>], vector<16xf32>,
      %gather3A_321 = tpu.vector_load_idx %arg9[%get3A_312] : memref<10048xf32, #tpu.memory_space<vmem>>[vector<16xi32>], vector<16xf32>,
      %add3A_322 = arith.addf %gather3A_320, %gather3A_321 : vector<16xf32>
      %mul3A_323 = arith.mulf %bitcast3A_319, %gather3A : vector<16xf32>
      %add3A_324 = arith.addf %add3A_322, %mul3A_323 : vector<16xf32>
      %gt3A_325 = arith.constant 0.000000e+00 : f32
      %gt3A_326 = vector.broadcast %gt3A_325 : f32 to vector<16xf32>
      %gt3A_327 = arith.cmpf ogt, %add3A_324, %gt3A_326 : vector<16xf32>
      %mul3A_328 = arith.constant 2.000000e-01 : f32
      %mul3A_329 = vector.broadcast %mul3A_328 : f32 to vector<16xf32>
      %mul3A_330 = arith.mulf %add3A_324, %mul3A_329 : vector<16xf32>
      %select_n3A_331 = arith.select %gt3A_327, %add3A_324, %mul3A_330 : vector<16xi1>, vector<16xf32>
      %exp3A_332 = math.exp %select_n3A_331 : vector<16xf32>
      %swap3A_333 = arith.constant 32 : index
      %swap3A_334 = tpu.vector_load %arg14[%swap3A_333] {strides = array<i32>} : memref<64xf32, #tpu.memory_space<vmem>>, vector<16xf32>,
      tpu.vector_store %arg14[%swap3A_333], %exp3A_332 {strides = array<i32>} : memref<64xf32, #tpu.memory_space<vmem>>, vector<16xf32>,
      %get3A_335 = arith.constant 0 : i32
      %get3A_336 = arith.index_cast %get3A_335 : i32 to index
      %get3A_337 = arith.constant 48 : index
      %get3A_338 = tpu.vector_load %arg11[%get3A_336, %get3A_337] {strides = array<i32>} : memref<3x64xi32, #tpu.memory_space<vmem>>, vector<16xi32>,
      %sub3A_339 = vector.broadcast %mul3A_2 : i32 to vector<16xi32>
      %sub3A_340 = arith.subi %get3A_338, %sub3A_339 : vector<16xi32>
      %get3A_341 = arith.constant 1 : i32
      %get3A_342 = arith.index_cast %get3A_341 : i32 to index
      %get3A_343 = arith.constant 48 : index
      %get3A_344 = tpu.vector_load %arg11[%get3A_342, %get3A_343] {strides = array<i32>} : memref<3x64xi32, #tpu.memory_space<vmem>>, vector<16xi32>,
      %swap3A_345 = arith.constant 48 : index
      %swap3A_346 = tpu.vector_load %arg13[%swap3A_345] {strides = array<i32>} : memref<64xi32, #tpu.memory_space<vmem>>, vector<16xi32>,
      tpu.vector_store %arg13[%swap3A_345], %get3A_344 {strides = array<i32>} : memref<64xi32, #tpu.memory_space<vmem>>, vector<16xi32>,
      %get3A_347 = arith.constant 2 : i32
      %get3A_348 = arith.index_cast %get3A_347 : i32 to index
      %get3A_349 = arith.constant 48 : index
      %get3A_350 = tpu.vector_load %arg11[%get3A_348, %get3A_349] {strides = array<i32>} : memref<3x64xi32, #tpu.memory_space<vmem>>, vector<16xi32>,
      %bitcast3A_351 = vector.bitcast %get3A_350 : vector<16xi32> to vector<16xf32>
      %gather3A_352 = tpu.vector_load_idx %arg8[%sub3A_340] : memref<10048xf32, #tpu.memory_space<vmem>>[vector<16xi32>], vector<16xf32>,
      %gather3A_353 = tpu.vector_load_idx %arg9[%get3A_344] : memref<10048xf32, #tpu.memory_space<vmem>>[vector<16xi32>], vector<16xf32>,
      %add3A_354 = arith.addf %gather3A_352, %gather3A_353 : vector<16xf32>
      %mul3A_355 = arith.mulf %bitcast3A_351, %gather3A : vector<16xf32>
      %add3A_356 = arith.addf %add3A_354, %mul3A_355 : vector<16xf32>
      %gt3A_357 = arith.constant 0.000000e+00 : f32
      %gt3A_358 = vector.broadcast %gt3A_357 : f32 to vector<16xf32>
      %gt3A_359 = arith.cmpf ogt, %add3A_356, %gt3A_358 : vector<16xf32>
      %mul3A_360 = arith.constant 2.000000e-01 : f32
      %mul3A_361 = vector.broadcast %mul3A_360 : f32 to vector<16xf32>
      %mul3A_362 = arith.mulf %add3A_356, %mul3A_361 : vector<16xf32>
      %select_n3A_363 = arith.select %gt3A_359, %add3A_356, %mul3A_362 : vector<16xi1>, vector<16xf32>
      %exp3A_364 = math.exp %select_n3A_363 : vector<16xf32>
      %swap3A_365 = arith.constant 48 : index
      %swap3A_366 = tpu.vector_load %arg14[%swap3A_365] {strides = array<i32>} : memref<64xf32, #tpu.memory_space<vmem>>, vector<16xf32>,
      tpu.vector_store %arg14[%swap3A_365], %exp3A_364 {strides = array<i32>} : memref<64xf32, #tpu.memory_space<vmem>>, vector<16xf32>,
      %dma_wait3A_367 = arith.constant 0 : i32
      %dma_wait3A_368 = arith.constant 0 : i32
      %dma_wait3A_369 = tpu.memref_slice %arg11[%dma_wait3A_367, %dma_wait3A_368] : memref<3x64xi32, #tpu.memory_space<vmem>> -> memref<1x64xi32, #tpu.memory_space<vmem>>
      %dma_wait3A_370 = tpu.memref_squeeze %dma_wait3A_369 : memref<1x64xi32, #tpu.memory_space<vmem>> -> memref<64xi32, #tpu.memory_space<vmem>>
      %dma_wait3A_371 = arith.constant 0 : i32
      %dma_wait3A_372 = arith.constant 0 : i32
      %dma_wait3A_373 = tpu.memref_slice %arg2[%dma_wait3A_371, %dma_wait3A_372] : memref<20480x144xf32, #tpu.memory_space<hbm>> -> memref<20480x144xf32, #tpu.memory_space<hbm>>
      tpu.wait_indirect_dma semaphore(%arg20 : memref<!tpu.dma_semaphore, #tpu.memory_space<semaphore_mem>>) src(%dma_wait3A_373 : memref<20480x144xf32, #tpu.memory_space<hbm>>) dst(%arg16 : memref<64x144xf32, #tpu.memory_space<vmem>>)
      %dma_wait3A_374 = arith.constant 0 : i32
      %dma_wait3A_375 = arith.constant 0 : i32
      %dma_wait3A_376 = tpu.memref_slice %arg5[%add3A, %min3A_224, %dma_wait3A_374, %dma_wait3A_375] : memref<32x324x3x64xi32, #tpu.memory_space<hbm>> -> memref<1x1x3x64xi32, #tpu.memory_space<hbm>>
      %dma_wait3A_377 = tpu.memref_squeeze %dma_wait3A_376 : memref<1x1x3x64xi32, #tpu.memory_space<hbm>> -> memref<3x64xi32, #tpu.memory_space<hbm>>
      %dma_wait3A_378 = arith.constant 0 : i32
      %dma_wait3A_379 = arith.constant 0 : i32
      %dma_wait3A_380 = tpu.memref_slice %arg5[%add3A, %min3A_224, %dma_wait3A_378, %dma_wait3A_379] : memref<32x324x3x64xi32, #tpu.memory_space<hbm>> -> memref<1x1x3x64xi32, #tpu.memory_space<hbm>>
      %dma_wait3A_381 = tpu.memref_squeeze %dma_wait3A_380 : memref<1x1x3x64xi32, #tpu.memory_space<hbm>> -> memref<3x64xi32, #tpu.memory_space<hbm>>
      tpu.wait_dma2 semaphore(%arg23 : memref<!tpu.dma_semaphore, #tpu.memory_space<semaphore_mem>>) src(%dma_wait3A_381 : memref<3x64xi32, #tpu.memory_space<hbm>>) dst(%arg10 : memref<3x64xi32, #tpu.memory_space<vmem>>)
      %dma_wait3A_382 = arith.constant 0 : i32
      %dma_wait3A_383 = arith.constant 0 : i32
      %dma_wait3A_384 = tpu.memref_slice %arg18[%dma_wait3A_382, %dma_wait3A_383] : memref<10112x144xf32, #tpu.memory_space<vmem_shared>> -> memref<64x144xf32, #tpu.memory_space<vmem_shared>>
      %dma_wait3A_385 = arith.constant 0 : i32
      %dma_wait3A_386 = arith.constant 0 : i32
      %dma_wait3A_387 = tpu.memref_slice %arg18[%dma_wait3A_385, %dma_wait3A_386] : memref<10112x144xf32, #tpu.memory_space<vmem_shared>> -> memref<64x144xf32, #tpu.memory_space<vmem_shared>>
      tpu.wait_dma2 semaphore(%arg21 : memref<!tpu.dma_semaphore, #tpu.memory_space<semaphore_mem>>) src(%arg15 : memref<64x144xf32, #tpu.memory_space<vmem>>) dst(%dma_wait3A_387 : memref<64x144xf32, #tpu.memory_space<vmem_shared>>)
      %mul3A_388 = arith.constant 2 : i32
      %mul3A_389 = arith.muli %mul3A_388, %scan3A_69 : i32
      %add3A_390 = arith.constant 2 : i32
      %add3A_391 = arith.addi %mul3A_389, %add3A_390 : i32
      %min3A_392 = arith.constant 323 : i32
      %min3A_393 = arith.minsi %add3A_391, %min3A_392 : i32
      %dma_start3A_394 = arith.constant 0 : i32
      %dma_start3A_395 = arith.constant 0 : i32
      %dma_start3A_396 = tpu.memref_slice %arg10[%dma_start3A_394, %dma_start3A_395] : memref<3x64xi32, #tpu.memory_space<vmem>> -> memref<1x64xi32, #tpu.memory_space<vmem>>
      %dma_start3A_397 = tpu.memref_squeeze %dma_start3A_396 : memref<1x64xi32, #tpu.memory_space<vmem>> -> memref<64xi32, #tpu.memory_space<vmem>>
      %dma_start3A_398 = arith.constant 0 : i32
      %dma_start3A_399 = arith.constant 0 : i32
      %dma_start3A_400 = tpu.memref_slice %arg2[%dma_start3A_398, %dma_start3A_399] : memref<20480x144xf32, #tpu.memory_space<hbm>> -> memref<20480x144xf32, #tpu.memory_space<hbm>>
      tpu.enqueue_indirect_dma source(%dma_start3A_400 : memref<20480x144xf32, #tpu.memory_space<hbm>>) target(%arg15 : memref<64x144xf32, #tpu.memory_space<vmem>>) offsets(%dma_start3A_397 : memref<64xi32, #tpu.memory_space<vmem>>) semaphore(%arg19 : memref<!tpu.dma_semaphore, #tpu.memory_space<semaphore_mem>>)
      %mul3A_401 = arith.constant 2 : i32
      %mul3A_402 = arith.muli %mul3A_401, %scan3A_69 : i32
      %add3A_403 = arith.constant 3 : i32
      %add3A_404 = arith.addi %mul3A_402, %add3A_403 : i32
      %min3A_405 = arith.constant 323 : i32
      %min3A_406 = arith.minsi %add3A_404, %min3A_405 : i32
      %dma_start3A_407 = arith.constant 0 : i32
      %dma_start3A_408 = arith.constant 0 : i32
      %dma_start3A_409 = tpu.memref_slice %arg5[%add3A, %min3A_406, %dma_start3A_407, %dma_start3A_408] : memref<32x324x3x64xi32, #tpu.memory_space<hbm>> -> memref<1x1x3x64xi32, #tpu.memory_space<hbm>>
      %dma_start3A_410 = tpu.memref_squeeze %dma_start3A_409 : memref<1x1x3x64xi32, #tpu.memory_space<hbm>> -> memref<3x64xi32, #tpu.memory_space<hbm>>
      %dma_start3A_411 = arith.constant 0 : i32
      %dma_start3A_412 = arith.constant 0 : i32
      %dma_start3A_413 = tpu.memref_slice %arg5[%add3A, %min3A_406, %dma_start3A_411, %dma_start3A_412] : memref<32x324x3x64xi32, #tpu.memory_space<hbm>> -> memref<1x1x3x64xi32, #tpu.memory_space<hbm>>
      %dma_start3A_414 = tpu.memref_squeeze %dma_start3A_413 : memref<1x1x3x64xi32, #tpu.memory_space<hbm>> -> memref<3x64xi32, #tpu.memory_space<hbm>>
      tpu.enqueue_dma source(%dma_start3A_414 : memref<3x64xi32, #tpu.memory_space<hbm>>) target(%arg11 : memref<3x64xi32, #tpu.memory_space<vmem>>) target_semaphore(%arg23 : memref<!tpu.dma_semaphore, #tpu.memory_space<semaphore_mem>>)
      %dma_start3A_415 = arith.constant 0 : i32
      %dma_start3A_416 = arith.constant 0 : i32
      %dma_start3A_417 = tpu.memref_slice %arg18[%dma_start3A_415, %dma_start3A_416] : memref<10112x144xf32, #tpu.memory_space<vmem_shared>> -> memref<64x144xf32, #tpu.memory_space<vmem_shared>>
      %dma_start3A_418 = arith.constant 0 : i32
      %dma_start3A_419 = arith.constant 0 : i32
      %dma_start3A_420 = tpu.memref_slice %arg18[%dma_start3A_418, %dma_start3A_419] : memref<10112x144xf32, #tpu.memory_space<vmem_shared>> -> memref<64x144xf32, #tpu.memory_space<vmem_shared>>
      tpu.enqueue_dma source(%arg16 : memref<64x144xf32, #tpu.memory_space<vmem>>) target(%dma_start3A_420 : memref<64x144xf32, #tpu.memory_space<vmem_shared>>) target_semaphore(%arg22 : memref<!tpu.dma_semaphore, #tpu.memory_space<semaphore_mem>>)
    }
    %scan3A_41 = arith.constant 162 : i32
    %dma_wait3A = arith.constant 0 : i32
    %dma_wait3A_42 = arith.constant 0 : i32
    %dma_wait3A_43 = tpu.memref_slice %arg18[%dma_wait3A, %dma_wait3A_42] : memref<10112x144xf32, #tpu.memory_space<vmem_shared>> -> memref<64x144xf32, #tpu.memory_space<vmem_shared>>
    %dma_wait3A_44 = arith.constant 0 : i32
    %dma_wait3A_45 = arith.constant 0 : i32
    %dma_wait3A_46 = tpu.memref_slice %arg18[%dma_wait3A_44, %dma_wait3A_45] : memref<10112x144xf32, #tpu.memory_space<vmem_shared>> -> memref<64x144xf32, #tpu.memory_space<vmem_shared>>
    tpu.wait_dma2 semaphore(%arg22 : memref<!tpu.dma_semaphore, #tpu.memory_space<semaphore_mem>>) src(%arg16 : memref<64x144xf32, #tpu.memory_space<vmem>>) dst(%dma_wait3A_46 : memref<64x144xf32, #tpu.memory_space<vmem_shared>>)
    %dma_wait3A_47 = arith.constant 0 : i32
    %dma_wait3A_48 = arith.constant 0 : i32
    %dma_wait3A_49 = tpu.memref_slice %arg10[%dma_wait3A_47, %dma_wait3A_48] : memref<3x64xi32, #tpu.memory_space<vmem>> -> memref<1x64xi32, #tpu.memory_space<vmem>>
    %dma_wait3A_50 = tpu.memref_squeeze %dma_wait3A_49 : memref<1x64xi32, #tpu.memory_space<vmem>> -> memref<64xi32, #tpu.memory_space<vmem>>
    %dma_wait3A_51 = arith.constant 0 : i32
    %dma_wait3A_52 = arith.constant 0 : i32
    %dma_wait3A_53 = tpu.memref_slice %arg2[%dma_wait3A_51, %dma_wait3A_52] : memref<20480x144xf32, #tpu.memory_space<hbm>> -> memref<20480x144xf32, #tpu.memory_space<hbm>>
    tpu.wait_indirect_dma semaphore(%arg19 : memref<!tpu.dma_semaphore, #tpu.memory_space<semaphore_mem>>) src(%dma_wait3A_53 : memref<20480x144xf32, #tpu.memory_space<hbm>>) dst(%arg15 : memref<64x144xf32, #tpu.memory_space<vmem>>)
    %dma_wait3A_54 = arith.constant 0 : i32
    %dma_wait3A_55 = arith.constant 0 : i32
    %dma_wait3A_56 = arith.constant 0 : i32
    %dma_wait3A_57 = tpu.memref_slice %arg5[%add3A, %dma_wait3A_54, %dma_wait3A_55, %dma_wait3A_56] : memref<32x324x3x64xi32, #tpu.memory_space<hbm>> -> memref<1x1x3x64xi32, #tpu.memory_space<hbm>>
    %dma_wait3A_58 = tpu.memref_squeeze %dma_wait3A_57 : memref<1x1x3x64xi32, #tpu.memory_space<hbm>> -> memref<3x64xi32, #tpu.memory_space<hbm>>
    %dma_wait3A_59 = arith.constant 0 : i32
    %dma_wait3A_60 = arith.constant 0 : i32
    %dma_wait3A_61 = tpu.memref_slice %arg5[%add3A, %dma_wait3A_54, %dma_wait3A_59, %dma_wait3A_60] : memref<32x324x3x64xi32, #tpu.memory_space<hbm>> -> memref<1x1x3x64xi32, #tpu.memory_space<hbm>>
    %dma_wait3A_62 = tpu.memref_squeeze %dma_wait3A_61 : memref<1x1x3x64xi32, #tpu.memory_space<hbm>> -> memref<3x64xi32, #tpu.memory_space<hbm>>
    tpu.wait_dma2 semaphore(%arg23 : memref<!tpu.dma_semaphore, #tpu.memory_space<semaphore_mem>>) src(%dma_wait3A_62 : memref<3x64xi32, #tpu.memory_space<hbm>>) dst(%arg11 : memref<3x64xi32, #tpu.memory_space<vmem>>)
    %barrier3A_63 = arith.constant 0 : index
    tpu.barrier barrier_id(%barrier3A_63)
    %mul3A_64 = arith.constant 632 : i32
    %mul3A_65 = arith.muli %arg1, %mul3A_64 : i32
    %mul3A_66 = arith.constant 632 : i32
    %mul3A_67 = arith.muli %arg1, %mul3A_66 : i32
    %add3A_68 = arith.addi %mul3A_2, %mul3A_67 : i32
    "tpu.region"() ({
      %run_scoped3A_69 = tpu.sem_alloc : memref<!tpu.dma_semaphore, #tpu.memory_space<semaphore_mem>>
      %dma_start3A_70 = arith.constant 0 : i32
      %dma_start3A_71 = tpu.memref_slice %arg7[%add3A_68, %dma_start3A_70] : memref<20480x144xf32, #tpu.memory_space<hbm>> -> memref<632x144xf32, #tpu.memory_space<hbm>>
      %dma_start3A_72 = arith.constant 0 : i32
      %dma_start3A_73 = tpu.memref_slice %arg18[%mul3A_65, %dma_start3A_72] : memref<10112x144xf32, #tpu.memory_space<vmem_shared>> -> memref<632x144xf32, #tpu.memory_space<vmem_shared>>
      tpu.enqueue_dma source(%dma_start3A_73 : memref<632x144xf32, #tpu.memory_space<vmem_shared>>) target(%dma_start3A_71 : memref<632x144xf32, #tpu.memory_space<hbm>>) target_semaphore(%run_scoped3A_69 : memref<!tpu.dma_semaphore, #tpu.memory_space<semaphore_mem>>)
      %dma_wait3A_74 = arith.constant 0 : i32
      %dma_wait3A_75 = tpu.memref_slice %arg7[%add3A_68, %dma_wait3A_74] : memref<20480x144xf32, #tpu.memory_space<hbm>> -> memref<632x144xf32, #tpu.memory_space<hbm>>
      %dma_wait3A_76 = arith.constant 0 : i32
      %dma_wait3A_77 = tpu.memref_slice %arg18[%mul3A_65, %dma_wait3A_76] : memref<10112x144xf32, #tpu.memory_space<vmem_shared>> -> memref<632x144xf32, #tpu.memory_space<vmem_shared>>
      tpu.wait_dma2 semaphore(%run_scoped3A_69 : memref<!tpu.dma_semaphore, #tpu.memory_space<semaphore_mem>>) src(%dma_wait3A_77 : memref<632x144xf32, #tpu.memory_space<vmem_shared>>) dst(%dma_wait3A_75 : memref<632x144xf32, #tpu.memory_space<hbm>>)
      tpu.yield
    }) : () -> ()
    return
  }
}

#map = affine_map<(d0, d1) -> (0, 0)>
#map1 = affine_map<(d0, d1) -> (0)>
#map2 = affine_map<(d0, d1) -> (0, 0, 0, 0)>
module attributes {stable_mosaic.version = 14 : i64} {
  func.func @body(%arg0: i32, %arg1: i32, %arg2: memref<20480x80xf32, #tpu.memory_space<hbm>>, %arg3: memref<20480xf32, #tpu.memory_space<hbm>>, %arg4: memref<20480xf32, #tpu.memory_space<hbm>>, %arg5: memref<32x324x3x64xi32, #tpu.memory_space<hbm>>, %arg6: memref<16xf32, #tpu.memory_space<hbm>>, %arg7: memref<20480x80xf32, #tpu.memory_space<hbm>>, %arg8: memref<10048xf32, #tpu.memory_space<vmem>>, %arg9: memref<10048xf32, #tpu.memory_space<vmem>>, %arg10: memref<3x64xi32, #tpu.memory_space<vmem>>, %arg11: memref<3x64xi32, #tpu.memory_space<vmem>>, %arg12: memref<64xi32, #tpu.memory_space<vmem>>, %arg13: memref<64xi32, #tpu.memory_space<vmem>>, %arg14: memref<64xf32, #tpu.memory_space<vmem>>, %arg15: memref<64x80xf32, #tpu.memory_space<vmem>>, %arg16: memref<64x80xf32, #tpu.memory_space<vmem>>, %arg17: memref<16xf32, #tpu.memory_space<vmem>>, %arg18: memref<10112x80xf32, #tpu.memory_space<vmem_shared>>, %arg19: memref<!tpu.dma_semaphore, #tpu.memory_space<semaphore_mem>>, %arg20: memref<!tpu.dma_semaphore, #tpu.memory_space<semaphore_mem>>, %arg21: memref<!tpu.dma_semaphore, #tpu.memory_space<semaphore_mem>>, %arg22: memref<!tpu.dma_semaphore, #tpu.memory_space<semaphore_mem>>, %arg23: memref<!tpu.dma_semaphore, #tpu.memory_space<semaphore_mem>>) attributes {dimension_semantics = [#tpu.dimension_semantics<core_parallel>, #tpu.dimension_semantics<subcore_parallel>], iteration_bounds = array<i64: 2, 16>, scalar_prefetch = 0 : i64, scratch_operands = 16 : i64, tpu.core_type = #tpu.core_type<sc_vector_subcore>, window_params = [{transform_indices = #map}, {transform_indices = #map1}, {transform_indices = #map1}, {transform_indices = #map2}, {transform_indices = #map1}, {transform_indices = #map}]} {
    %mul3A = arith.constant 16 : i32
    %mul3A_0 = arith.muli %arg0, %mul3A : i32
    %add3A = arith.addi %mul3A_0, %arg1 : i32
    %mul3A_1 = arith.constant 10240 : i32
    %mul3A_2 = arith.muli %arg0, %mul3A_1 : i32
    "tpu.region"() ({
      %run_scoped3A_69 = tpu.sem_alloc : memref<!tpu.dma_semaphore, #tpu.memory_space<semaphore_mem>>
      %dma_start3A_70 = tpu.memref_slice %arg3[%mul3A_2] : memref<20480xf32, #tpu.memory_space<hbm>> -> memref<10048xf32, #tpu.memory_space<hbm>>
      %dma_start3A_71 = tpu.memref_slice %arg3[%mul3A_2] : memref<20480xf32, #tpu.memory_space<hbm>> -> memref<10048xf32, #tpu.memory_space<hbm>>
      tpu.enqueue_dma source(%dma_start3A_71 : memref<10048xf32, #tpu.memory_space<hbm>>) target(%arg8 : memref<10048xf32, #tpu.memory_space<vmem>>) target_semaphore(%run_scoped3A_69 : memref<!tpu.dma_semaphore, #tpu.memory_space<semaphore_mem>>)
      %dma_wait3A_72 = tpu.memref_slice %arg3[%mul3A_2] : memref<20480xf32, #tpu.memory_space<hbm>> -> memref<10048xf32, #tpu.memory_space<hbm>>
      %dma_wait3A_73 = tpu.memref_slice %arg3[%mul3A_2] : memref<20480xf32, #tpu.memory_space<hbm>> -> memref<10048xf32, #tpu.memory_space<hbm>>
      tpu.wait_dma2 semaphore(%run_scoped3A_69 : memref<!tpu.dma_semaphore, #tpu.memory_space<semaphore_mem>>) src(%dma_wait3A_73 : memref<10048xf32, #tpu.memory_space<hbm>>) dst(%arg8 : memref<10048xf32, #tpu.memory_space<vmem>>)
      tpu.yield
    }) : () -> ()
    "tpu.region"() ({
      %run_scoped3A_69 = tpu.sem_alloc : memref<!tpu.dma_semaphore, #tpu.memory_space<semaphore_mem>>
      %dma_start3A_70 = tpu.memref_slice %arg4[%mul3A_2] : memref<20480xf32, #tpu.memory_space<hbm>> -> memref<10048xf32, #tpu.memory_space<hbm>>
      %dma_start3A_71 = tpu.memref_slice %arg4[%mul3A_2] : memref<20480xf32, #tpu.memory_space<hbm>> -> memref<10048xf32, #tpu.memory_space<hbm>>
      tpu.enqueue_dma source(%dma_start3A_71 : memref<10048xf32, #tpu.memory_space<hbm>>) target(%arg9 : memref<10048xf32, #tpu.memory_space<vmem>>) target_semaphore(%run_scoped3A_69 : memref<!tpu.dma_semaphore, #tpu.memory_space<semaphore_mem>>)
      %dma_wait3A_72 = tpu.memref_slice %arg4[%mul3A_2] : memref<20480xf32, #tpu.memory_space<hbm>> -> memref<10048xf32, #tpu.memory_space<hbm>>
      %dma_wait3A_73 = tpu.memref_slice %arg4[%mul3A_2] : memref<20480xf32, #tpu.memory_space<hbm>> -> memref<10048xf32, #tpu.memory_space<hbm>>
      tpu.wait_dma2 semaphore(%run_scoped3A_69 : memref<!tpu.dma_semaphore, #tpu.memory_space<semaphore_mem>>) src(%dma_wait3A_73 : memref<10048xf32, #tpu.memory_space<hbm>>) dst(%arg9 : memref<10048xf32, #tpu.memory_space<vmem>>)
      tpu.yield
    }) : () -> ()
    "tpu.region"() ({
      %run_scoped3A_69 = tpu.sem_alloc : memref<!tpu.dma_semaphore, #tpu.memory_space<semaphore_mem>>
      tpu.enqueue_dma source(%arg6 : memref<16xf32, #tpu.memory_space<hbm>>) target(%arg17 : memref<16xf32, #tpu.memory_space<vmem>>) target_semaphore(%run_scoped3A_69 : memref<!tpu.dma_semaphore, #tpu.memory_space<semaphore_mem>>)
      tpu.wait_dma2 semaphore(%run_scoped3A_69 : memref<!tpu.dma_semaphore, #tpu.memory_space<semaphore_mem>>) src(%arg6 : memref<16xf32, #tpu.memory_space<hbm>>) dst(%arg17 : memref<16xf32, #tpu.memory_space<vmem>>)
      tpu.yield
    }) : () -> ()
    %broadcast_in_dim3A = arith.constant 0.000000e+00 : f32
    %broadcast_in_dim3A_3 = vector.broadcast %broadcast_in_dim3A : f32 to vector<16xf32>
    %scan3A = arith.constant 0 : i32
    %scan3A_4 = arith.constant 0 : i32
    %scan3A_5 = arith.constant 64 : i32
    %scan3A_6 = arith.addi %scan3A_4, %scan3A_5 : i32
    %scan3A_7 = arith.constant 1 : i32
    scf.for %scan3A_69 = %scan3A_4 to %scan3A_6 step %scan3A_7  : i32 {
      %swap3A = arith.index_cast %scan3A_69 : i32 to index
      %swap3A_70 = arith.constant 0 : index
      %swap3A_71 = tpu.vector_load %arg16[%swap3A, %swap3A_70] {strides = array<i32>} : memref<64x80xf32, #tpu.memory_space<vmem>>, vector<16xf32>,
      tpu.vector_store %arg16[%swap3A, %swap3A_70], %broadcast_in_dim3A_3 {strides = array<i32>} : memref<64x80xf32, #tpu.memory_space<vmem>>, vector<16xf32>,
      %swap3A_72 = arith.index_cast %scan3A_69 : i32 to index
      %swap3A_73 = arith.constant 16 : index
      %swap3A_74 = tpu.vector_load %arg16[%swap3A_72, %swap3A_73] {strides = array<i32>} : memref<64x80xf32, #tpu.memory_space<vmem>>, vector<16xf32>,
      tpu.vector_store %arg16[%swap3A_72, %swap3A_73], %broadcast_in_dim3A_3 {strides = array<i32>} : memref<64x80xf32, #tpu.memory_space<vmem>>, vector<16xf32>,
      %swap3A_75 = arith.index_cast %scan3A_69 : i32 to index
      %swap3A_76 = arith.constant 32 : index
      %swap3A_77 = tpu.vector_load %arg16[%swap3A_75, %swap3A_76] {strides = array<i32>} : memref<64x80xf32, #tpu.memory_space<vmem>>, vector<16xf32>,
      tpu.vector_store %arg16[%swap3A_75, %swap3A_76], %broadcast_in_dim3A_3 {strides = array<i32>} : memref<64x80xf32, #tpu.memory_space<vmem>>, vector<16xf32>,
      %swap3A_78 = arith.index_cast %scan3A_69 : i32 to index
      %swap3A_79 = arith.constant 48 : index
      %swap3A_80 = tpu.vector_load %arg16[%swap3A_78, %swap3A_79] {strides = array<i32>} : memref<64x80xf32, #tpu.memory_space<vmem>>, vector<16xf32>,
      tpu.vector_store %arg16[%swap3A_78, %swap3A_79], %broadcast_in_dim3A_3 {strides = array<i32>} : memref<64x80xf32, #tpu.memory_space<vmem>>, vector<16xf32>,
      %swap3A_81 = arith.index_cast %scan3A_69 : i32 to index
      %swap3A_82 = arith.constant 64 : index
      %swap3A_83 = tpu.vector_load %arg16[%swap3A_81, %swap3A_82] {strides = array<i32>} : memref<64x80xf32, #tpu.memory_space<vmem>>, vector<16xf32>,
      tpu.vector_store %arg16[%swap3A_81, %swap3A_82], %broadcast_in_dim3A_3 {strides = array<i32>} : memref<64x80xf32, #tpu.memory_space<vmem>>, vector<16xf32>,
    }
    %scan3A_8 = arith.constant 64 : i32
    %scan3A_9 = arith.constant 0 : i32
    %scan3A_10 = arith.constant 0 : i32
    %scan3A_11 = arith.constant 9 : i32
    %scan3A_12 = arith.addi %scan3A_10, %scan3A_11 : i32
    %scan3A_13 = arith.constant 1 : i32
    scf.for %scan3A_69 = %scan3A_10 to %scan3A_12 step %scan3A_13  : i32 {
      %mul3A_70 = arith.constant 632 : i32
      %mul3A_71 = arith.muli %arg1, %mul3A_70 : i32
      %mul3A_72 = arith.constant 64 : i32
      %mul3A_73 = arith.muli %scan3A_69, %mul3A_72 : i32
      %add3A_74 = arith.addi %mul3A_71, %mul3A_73 : i32
      "tpu.region"() ({
        %run_scoped3A_75 = tpu.sem_alloc : memref<!tpu.dma_semaphore, #tpu.memory_space<semaphore_mem>>
        %dma_start3A_76 = arith.constant 0 : i32
        %dma_start3A_77 = tpu.memref_slice %arg18[%add3A_74, %dma_start3A_76] : memref<10112x80xf32, #tpu.memory_space<vmem_shared>> -> memref<64x80xf32, #tpu.memory_space<vmem_shared>>
        %dma_start3A_78 = arith.constant 0 : i32
        %dma_start3A_79 = tpu.memref_slice %arg18[%add3A_74, %dma_start3A_78] : memref<10112x80xf32, #tpu.memory_space<vmem_shared>> -> memref<64x80xf32, #tpu.memory_space<vmem_shared>>
        tpu.enqueue_dma source(%arg16 : memref<64x80xf32, #tpu.memory_space<vmem>>) target(%dma_start3A_79 : memref<64x80xf32, #tpu.memory_space<vmem_shared>>) target_semaphore(%run_scoped3A_75 : memref<!tpu.dma_semaphore, #tpu.memory_space<semaphore_mem>>)
        %dma_wait3A_80 = arith.constant 0 : i32
        %dma_wait3A_81 = tpu.memref_slice %arg18[%add3A_74, %dma_wait3A_80] : memref<10112x80xf32, #tpu.memory_space<vmem_shared>> -> memref<64x80xf32, #tpu.memory_space<vmem_shared>>
        %dma_wait3A_82 = arith.constant 0 : i32
        %dma_wait3A_83 = tpu.memref_slice %arg18[%add3A_74, %dma_wait3A_82] : memref<10112x80xf32, #tpu.memory_space<vmem_shared>> -> memref<64x80xf32, #tpu.memory_space<vmem_shared>>
        tpu.wait_dma2 semaphore(%run_scoped3A_75 : memref<!tpu.dma_semaphore, #tpu.memory_space<semaphore_mem>>) src(%arg16 : memref<64x80xf32, #tpu.memory_space<vmem>>) dst(%dma_wait3A_83 : memref<64x80xf32, #tpu.memory_space<vmem_shared>>)
        tpu.yield
      }) : () -> ()
    }
    %scan3A_14 = arith.constant 9 : i32
    %mul3A_15 = arith.constant 632 : i32
    %mul3A_16 = arith.muli %arg1, %mul3A_15 : i32
    %add3A_17 = arith.constant 576 : i32
    %add3A_18 = arith.addi %mul3A_16, %add3A_17 : i32
    "tpu.region"() ({
      %run_scoped3A_69 = tpu.sem_alloc : memref<!tpu.dma_semaphore, #tpu.memory_space<semaphore_mem>>
      %dma_start3A_70 = arith.constant 0 : i32
      %dma_start3A_71 = arith.constant 0 : i32
      %dma_start3A_72 = tpu.memref_slice %arg16[%dma_start3A_70, %dma_start3A_71] : memref<64x80xf32, #tpu.memory_space<vmem>> -> memref<56x80xf32, #tpu.memory_space<vmem>>
      %dma_start3A_73 = arith.constant 0 : i32
      %dma_start3A_74 = tpu.memref_slice %arg18[%add3A_18, %dma_start3A_73] : memref<10112x80xf32, #tpu.memory_space<vmem_shared>> -> memref<56x80xf32, #tpu.memory_space<vmem_shared>>
      %dma_start3A_75 = arith.constant 0 : i32
      %dma_start3A_76 = tpu.memref_slice %arg18[%add3A_18, %dma_start3A_75] : memref<10112x80xf32, #tpu.memory_space<vmem_shared>> -> memref<56x80xf32, #tpu.memory_space<vmem_shared>>
      %dma_start3A_77 = arith.constant 0 : i32
      %dma_start3A_78 = arith.constant 0 : i32
      %dma_start3A_79 = tpu.memref_slice %arg16[%dma_start3A_77, %dma_start3A_78] : memref<64x80xf32, #tpu.memory_space<vmem>> -> memref<56x80xf32, #tpu.memory_space<vmem>>
      tpu.enqueue_dma source(%dma_start3A_79 : memref<56x80xf32, #tpu.memory_space<vmem>>) target(%dma_start3A_76 : memref<56x80xf32, #tpu.memory_space<vmem_shared>>) target_semaphore(%run_scoped3A_69 : memref<!tpu.dma_semaphore, #tpu.memory_space<semaphore_mem>>)
      %dma_wait3A_80 = arith.constant 0 : i32
      %dma_wait3A_81 = arith.constant 0 : i32
      %dma_wait3A_82 = tpu.memref_slice %arg16[%dma_wait3A_80, %dma_wait3A_81] : memref<64x80xf32, #tpu.memory_space<vmem>> -> memref<56x80xf32, #tpu.memory_space<vmem>>
      %dma_wait3A_83 = arith.constant 0 : i32
      %dma_wait3A_84 = tpu.memref_slice %arg18[%add3A_18, %dma_wait3A_83] : memref<10112x80xf32, #tpu.memory_space<vmem_shared>> -> memref<56x80xf32, #tpu.memory_space<vmem_shared>>
      %dma_wait3A_85 = arith.constant 0 : i32
      %dma_wait3A_86 = tpu.memref_slice %arg18[%add3A_18, %dma_wait3A_85] : memref<10112x80xf32, #tpu.memory_space<vmem_shared>> -> memref<56x80xf32, #tpu.memory_space<vmem_shared>>
      %dma_wait3A_87 = arith.constant 0 : i32
      %dma_wait3A_88 = arith.constant 0 : i32
      %dma_wait3A_89 = tpu.memref_slice %arg16[%dma_wait3A_87, %dma_wait3A_88] : memref<64x80xf32, #tpu.memory_space<vmem>> -> memref<56x80xf32, #tpu.memory_space<vmem>>
      tpu.wait_dma2 semaphore(%run_scoped3A_69 : memref<!tpu.dma_semaphore, #tpu.memory_space<semaphore_mem>>) src(%dma_wait3A_89 : memref<56x80xf32, #tpu.memory_space<vmem>>) dst(%dma_wait3A_86 : memref<56x80xf32, #tpu.memory_space<vmem_shared>>)
      tpu.yield
    }) : () -> ()
    %barrier3A = arith.constant 0 : index
    tpu.barrier barrier_id(%barrier3A)
    %broadcast_in_dim3A_19 = arith.constant 2 : i32
    %broadcast_in_dim3A_20 = vector.broadcast %broadcast_in_dim3A_19 : i32 to vector<16xi32>
    %gather3A = tpu.vector_load_idx %arg17[%broadcast_in_dim3A_20] : memref<16xf32, #tpu.memory_space<vmem>>[vector<16xi32>], vector<16xf32>,
    %run_scoped3A = arith.constant 0 : i32
    "tpu.region"() ({
      %run_scoped3A_69 = tpu.sem_alloc : memref<!tpu.dma_semaphore, #tpu.memory_space<semaphore_mem>>
      %dma_start3A_70 = arith.constant 0 : i32
      %dma_start3A_71 = arith.constant 0 : i32
      %dma_start3A_72 = tpu.memref_slice %arg5[%add3A, %run_scoped3A, %dma_start3A_70, %dma_start3A_71] : memref<32x324x3x64xi32, #tpu.memory_space<hbm>> -> memref<1x1x3x64xi32, #tpu.memory_space<hbm>>
      %dma_start3A_73 = tpu.memref_squeeze %dma_start3A_72 : memref<1x1x3x64xi32, #tpu.memory_space<hbm>> -> memref<3x64xi32, #tpu.memory_space<hbm>>
      %dma_start3A_74 = arith.constant 0 : i32
      %dma_start3A_75 = arith.constant 0 : i32
      %dma_start3A_76 = tpu.memref_slice %arg5[%add3A, %run_scoped3A, %dma_start3A_74, %dma_start3A_75] : memref<32x324x3x64xi32, #tpu.memory_space<hbm>> -> memref<1x1x3x64xi32, #tpu.memory_space<hbm>>
      %dma_start3A_77 = tpu.memref_squeeze %dma_start3A_76 : memref<1x1x3x64xi32, #tpu.memory_space<hbm>> -> memref<3x64xi32, #tpu.memory_space<hbm>>
      tpu.enqueue_dma source(%dma_start3A_77 : memref<3x64xi32, #tpu.memory_space<hbm>>) target(%arg10 : memref<3x64xi32, #tpu.memory_space<vmem>>) target_semaphore(%run_scoped3A_69 : memref<!tpu.dma_semaphore, #tpu.memory_space<semaphore_mem>>)
      %dma_wait3A_78 = arith.constant 0 : i32
      %dma_wait3A_79 = arith.constant 0 : i32
      %dma_wait3A_80 = tpu.memref_slice %arg5[%add3A, %run_scoped3A, %dma_wait3A_78, %dma_wait3A_79] : memref<32x324x3x64xi32, #tpu.memory_space<hbm>> -> memref<1x1x3x64xi32, #tpu.memory_space<hbm>>
      %dma_wait3A_81 = tpu.memref_squeeze %dma_wait3A_80 : memref<1x1x3x64xi32, #tpu.memory_space<hbm>> -> memref<3x64xi32, #tpu.memory_space<hbm>>
      %dma_wait3A_82 = arith.constant 0 : i32
      %dma_wait3A_83 = arith.constant 0 : i32
      %dma_wait3A_84 = tpu.memref_slice %arg5[%add3A, %run_scoped3A, %dma_wait3A_82, %dma_wait3A_83] : memref<32x324x3x64xi32, #tpu.memory_space<hbm>> -> memref<1x1x3x64xi32, #tpu.memory_space<hbm>>
      %dma_wait3A_85 = tpu.memref_squeeze %dma_wait3A_84 : memref<1x1x3x64xi32, #tpu.memory_space<hbm>> -> memref<3x64xi32, #tpu.memory_space<hbm>>
      tpu.wait_dma2 semaphore(%run_scoped3A_69 : memref<!tpu.dma_semaphore, #tpu.memory_space<semaphore_mem>>) src(%dma_wait3A_85 : memref<3x64xi32, #tpu.memory_space<hbm>>) dst(%arg10 : memref<3x64xi32, #tpu.memory_space<vmem>>)
      tpu.yield
    }) : () -> ()
    %dma_start3A = arith.constant 1 : i32
    %dma_start3A_21 = arith.constant 0 : i32
    %dma_start3A_22 = arith.constant 0 : i32
    %dma_start3A_23 = tpu.memref_slice %arg5[%add3A, %dma_start3A, %dma_start3A_21, %dma_start3A_22] : memref<32x324x3x64xi32, #tpu.memory_space<hbm>> -> memref<1x1x3x64xi32, #tpu.memory_space<hbm>>
    %dma_start3A_24 = tpu.memref_squeeze %dma_start3A_23 : memref<1x1x3x64xi32, #tpu.memory_space<hbm>> -> memref<3x64xi32, #tpu.memory_space<hbm>>
    %dma_start3A_25 = arith.constant 0 : i32
    %dma_start3A_26 = arith.constant 0 : i32
    %dma_start3A_27 = tpu.memref_slice %arg5[%add3A, %dma_start3A, %dma_start3A_25, %dma_start3A_26] : memref<32x324x3x64xi32, #tpu.memory_space<hbm>> -> memref<1x1x3x64xi32, #tpu.memory_space<hbm>>
    %dma_start3A_28 = tpu.memref_squeeze %dma_start3A_27 : memref<1x1x3x64xi32, #tpu.memory_space<hbm>> -> memref<3x64xi32, #tpu.memory_space<hbm>>
    tpu.enqueue_dma source(%dma_start3A_28 : memref<3x64xi32, #tpu.memory_space<hbm>>) target(%arg11 : memref<3x64xi32, #tpu.memory_space<vmem>>) target_semaphore(%arg23 : memref<!tpu.dma_semaphore, #tpu.memory_space<semaphore_mem>>)
    %dma_start3A_29 = arith.constant 0 : i32
    %dma_start3A_30 = arith.constant 0 : i32
    %dma_start3A_31 = tpu.memref_slice %arg10[%dma_start3A_29, %dma_start3A_30] : memref<3x64xi32, #tpu.memory_space<vmem>> -> memref<1x64xi32, #tpu.memory_space<vmem>>
    %dma_start3A_32 = tpu.memref_squeeze %dma_start3A_31 : memref<1x64xi32, #tpu.memory_space<vmem>> -> memref<64xi32, #tpu.memory_space<vmem>>
    %dma_start3A_33 = arith.constant 0 : i32
    %dma_start3A_34 = arith.constant 0 : i32
    %dma_start3A_35 = tpu.memref_slice %arg2[%dma_start3A_33, %dma_start3A_34] : memref<20480x80xf32, #tpu.memory_space<hbm>> -> memref<20480x80xf32, #tpu.memory_space<hbm>>
    tpu.enqueue_indirect_dma source(%dma_start3A_35 : memref<20480x80xf32, #tpu.memory_space<hbm>>) target(%arg15 : memref<64x80xf32, #tpu.memory_space<vmem>>) offsets(%dma_start3A_32 : memref<64xi32, #tpu.memory_space<vmem>>) semaphore(%arg19 : memref<!tpu.dma_semaphore, #tpu.memory_space<semaphore_mem>>)
    %scan3A_36 = arith.constant 0 : i32
    %scan3A_37 = arith.constant 0 : i32
    %scan3A_38 = arith.constant 162 : i32
    %scan3A_39 = arith.addi %scan3A_37, %scan3A_38 : i32
    %scan3A_40 = arith.constant 1 : i32
    scf.for %scan3A_69 = %scan3A_37 to %scan3A_39 step %scan3A_40  : i32 {
      %get3A = arith.constant 0 : i32
      %get3A_70 = arith.index_cast %get3A : i32 to index
      %get3A_71 = arith.constant 0 : index
      %get3A_72 = tpu.vector_load %arg10[%get3A_70, %get3A_71] {strides = array<i32>} : memref<3x64xi32, #tpu.memory_space<vmem>>, vector<16xi32>,
      %sub3A = vector.broadcast %mul3A_2 : i32 to vector<16xi32>
      %sub3A_73 = arith.subi %get3A_72, %sub3A : vector<16xi32>
      %get3A_74 = arith.constant 1 : i32
      %get3A_75 = arith.index_cast %get3A_74 : i32 to index
      %get3A_76 = arith.constant 0 : index
      %get3A_77 = tpu.vector_load %arg10[%get3A_75, %get3A_76] {strides = array<i32>} : memref<3x64xi32, #tpu.memory_space<vmem>>, vector<16xi32>,
      %swap3A = arith.constant 0 : index
      %swap3A_78 = tpu.vector_load %arg12[%swap3A] {strides = array<i32>} : memref<64xi32, #tpu.memory_space<vmem>>, vector<16xi32>,
      tpu.vector_store %arg12[%swap3A], %get3A_77 {strides = array<i32>} : memref<64xi32, #tpu.memory_space<vmem>>, vector<16xi32>,
      %get3A_79 = arith.constant 2 : i32
      %get3A_80 = arith.index_cast %get3A_79 : i32 to index
      %get3A_81 = arith.constant 0 : index
      %get3A_82 = tpu.vector_load %arg10[%get3A_80, %get3A_81] {strides = array<i32>} : memref<3x64xi32, #tpu.memory_space<vmem>>, vector<16xi32>,
      %bitcast3A = vector.bitcast %get3A_82 : vector<16xi32> to vector<16xf32>
      %gather3A_83 = tpu.vector_load_idx %arg8[%sub3A_73] : memref<10048xf32, #tpu.memory_space<vmem>>[vector<16xi32>], vector<16xf32>,
      %gather3A_84 = tpu.vector_load_idx %arg9[%get3A_77] : memref<10048xf32, #tpu.memory_space<vmem>>[vector<16xi32>], vector<16xf32>,
      %add3A_85 = arith.addf %gather3A_83, %gather3A_84 : vector<16xf32>
      %mul3A_86 = arith.mulf %bitcast3A, %gather3A : vector<16xf32>
      %add3A_87 = arith.addf %add3A_85, %mul3A_86 : vector<16xf32>
      %gt3A = arith.constant 0.000000e+00 : f32
      %gt3A_88 = vector.broadcast %gt3A : f32 to vector<16xf32>
      %gt3A_89 = arith.cmpf ogt, %add3A_87, %gt3A_88 : vector<16xf32>
      %mul3A_90 = arith.constant 2.000000e-01 : f32
      %mul3A_91 = vector.broadcast %mul3A_90 : f32 to vector<16xf32>
      %mul3A_92 = arith.mulf %add3A_87, %mul3A_91 : vector<16xf32>
      %select_n3A = arith.select %gt3A_89, %add3A_87, %mul3A_92 : vector<16xi1>, vector<16xf32>
      %exp3A = math.exp %select_n3A : vector<16xf32>
      %swap3A_93 = arith.constant 0 : index
      %swap3A_94 = tpu.vector_load %arg14[%swap3A_93] {strides = array<i32>} : memref<64xf32, #tpu.memory_space<vmem>>, vector<16xf32>,
      tpu.vector_store %arg14[%swap3A_93], %exp3A {strides = array<i32>} : memref<64xf32, #tpu.memory_space<vmem>>, vector<16xf32>,
      %get3A_95 = arith.constant 0 : i32
      %get3A_96 = arith.index_cast %get3A_95 : i32 to index
      %get3A_97 = arith.constant 16 : index
      %get3A_98 = tpu.vector_load %arg10[%get3A_96, %get3A_97] {strides = array<i32>} : memref<3x64xi32, #tpu.memory_space<vmem>>, vector<16xi32>,
      %sub3A_99 = vector.broadcast %mul3A_2 : i32 to vector<16xi32>
      %sub3A_100 = arith.subi %get3A_98, %sub3A_99 : vector<16xi32>
      %get3A_101 = arith.constant 1 : i32
      %get3A_102 = arith.index_cast %get3A_101 : i32 to index
      %get3A_103 = arith.constant 16 : index
      %get3A_104 = tpu.vector_load %arg10[%get3A_102, %get3A_103] {strides = array<i32>} : memref<3x64xi32, #tpu.memory_space<vmem>>, vector<16xi32>,
      %swap3A_105 = arith.constant 16 : index
      %swap3A_106 = tpu.vector_load %arg12[%swap3A_105] {strides = array<i32>} : memref<64xi32, #tpu.memory_space<vmem>>, vector<16xi32>,
      tpu.vector_store %arg12[%swap3A_105], %get3A_104 {strides = array<i32>} : memref<64xi32, #tpu.memory_space<vmem>>, vector<16xi32>,
      %get3A_107 = arith.constant 2 : i32
      %get3A_108 = arith.index_cast %get3A_107 : i32 to index
      %get3A_109 = arith.constant 16 : index
      %get3A_110 = tpu.vector_load %arg10[%get3A_108, %get3A_109] {strides = array<i32>} : memref<3x64xi32, #tpu.memory_space<vmem>>, vector<16xi32>,
      %bitcast3A_111 = vector.bitcast %get3A_110 : vector<16xi32> to vector<16xf32>
      %gather3A_112 = tpu.vector_load_idx %arg8[%sub3A_100] : memref<10048xf32, #tpu.memory_space<vmem>>[vector<16xi32>], vector<16xf32>,
      %gather3A_113 = tpu.vector_load_idx %arg9[%get3A_104] : memref<10048xf32, #tpu.memory_space<vmem>>[vector<16xi32>], vector<16xf32>,
      %add3A_114 = arith.addf %gather3A_112, %gather3A_113 : vector<16xf32>
      %mul3A_115 = arith.mulf %bitcast3A_111, %gather3A : vector<16xf32>
      %add3A_116 = arith.addf %add3A_114, %mul3A_115 : vector<16xf32>
      %gt3A_117 = arith.constant 0.000000e+00 : f32
      %gt3A_118 = vector.broadcast %gt3A_117 : f32 to vector<16xf32>
      %gt3A_119 = arith.cmpf ogt, %add3A_116, %gt3A_118 : vector<16xf32>
      %mul3A_120 = arith.constant 2.000000e-01 : f32
      %mul3A_121 = vector.broadcast %mul3A_120 : f32 to vector<16xf32>
      %mul3A_122 = arith.mulf %add3A_116, %mul3A_121 : vector<16xf32>
      %select_n3A_123 = arith.select %gt3A_119, %add3A_116, %mul3A_122 : vector<16xi1>, vector<16xf32>
      %exp3A_124 = math.exp %select_n3A_123 : vector<16xf32>
      %swap3A_125 = arith.constant 16 : index
      %swap3A_126 = tpu.vector_load %arg14[%swap3A_125] {strides = array<i32>} : memref<64xf32, #tpu.memory_space<vmem>>, vector<16xf32>,
      tpu.vector_store %arg14[%swap3A_125], %exp3A_124 {strides = array<i32>} : memref<64xf32, #tpu.memory_space<vmem>>, vector<16xf32>,
      %get3A_127 = arith.constant 0 : i32
      %get3A_128 = arith.index_cast %get3A_127 : i32 to index
      %get3A_129 = arith.constant 32 : index
      %get3A_130 = tpu.vector_load %arg10[%get3A_128, %get3A_129] {strides = array<i32>} : memref<3x64xi32, #tpu.memory_space<vmem>>, vector<16xi32>,
      %sub3A_131 = vector.broadcast %mul3A_2 : i32 to vector<16xi32>
      %sub3A_132 = arith.subi %get3A_130, %sub3A_131 : vector<16xi32>
      %get3A_133 = arith.constant 1 : i32
      %get3A_134 = arith.index_cast %get3A_133 : i32 to index
      %get3A_135 = arith.constant 32 : index
      %get3A_136 = tpu.vector_load %arg10[%get3A_134, %get3A_135] {strides = array<i32>} : memref<3x64xi32, #tpu.memory_space<vmem>>, vector<16xi32>,
      %swap3A_137 = arith.constant 32 : index
      %swap3A_138 = tpu.vector_load %arg12[%swap3A_137] {strides = array<i32>} : memref<64xi32, #tpu.memory_space<vmem>>, vector<16xi32>,
      tpu.vector_store %arg12[%swap3A_137], %get3A_136 {strides = array<i32>} : memref<64xi32, #tpu.memory_space<vmem>>, vector<16xi32>,
      %get3A_139 = arith.constant 2 : i32
      %get3A_140 = arith.index_cast %get3A_139 : i32 to index
      %get3A_141 = arith.constant 32 : index
      %get3A_142 = tpu.vector_load %arg10[%get3A_140, %get3A_141] {strides = array<i32>} : memref<3x64xi32, #tpu.memory_space<vmem>>, vector<16xi32>,
      %bitcast3A_143 = vector.bitcast %get3A_142 : vector<16xi32> to vector<16xf32>
      %gather3A_144 = tpu.vector_load_idx %arg8[%sub3A_132] : memref<10048xf32, #tpu.memory_space<vmem>>[vector<16xi32>], vector<16xf32>,
      %gather3A_145 = tpu.vector_load_idx %arg9[%get3A_136] : memref<10048xf32, #tpu.memory_space<vmem>>[vector<16xi32>], vector<16xf32>,
      %add3A_146 = arith.addf %gather3A_144, %gather3A_145 : vector<16xf32>
      %mul3A_147 = arith.mulf %bitcast3A_143, %gather3A : vector<16xf32>
      %add3A_148 = arith.addf %add3A_146, %mul3A_147 : vector<16xf32>
      %gt3A_149 = arith.constant 0.000000e+00 : f32
      %gt3A_150 = vector.broadcast %gt3A_149 : f32 to vector<16xf32>
      %gt3A_151 = arith.cmpf ogt, %add3A_148, %gt3A_150 : vector<16xf32>
      %mul3A_152 = arith.constant 2.000000e-01 : f32
      %mul3A_153 = vector.broadcast %mul3A_152 : f32 to vector<16xf32>
      %mul3A_154 = arith.mulf %add3A_148, %mul3A_153 : vector<16xf32>
      %select_n3A_155 = arith.select %gt3A_151, %add3A_148, %mul3A_154 : vector<16xi1>, vector<16xf32>
      %exp3A_156 = math.exp %select_n3A_155 : vector<16xf32>
      %swap3A_157 = arith.constant 32 : index
      %swap3A_158 = tpu.vector_load %arg14[%swap3A_157] {strides = array<i32>} : memref<64xf32, #tpu.memory_space<vmem>>, vector<16xf32>,
      tpu.vector_store %arg14[%swap3A_157], %exp3A_156 {strides = array<i32>} : memref<64xf32, #tpu.memory_space<vmem>>, vector<16xf32>,
      %get3A_159 = arith.constant 0 : i32
      %get3A_160 = arith.index_cast %get3A_159 : i32 to index
      %get3A_161 = arith.constant 48 : index
      %get3A_162 = tpu.vector_load %arg10[%get3A_160, %get3A_161] {strides = array<i32>} : memref<3x64xi32, #tpu.memory_space<vmem>>, vector<16xi32>,
      %sub3A_163 = vector.broadcast %mul3A_2 : i32 to vector<16xi32>
      %sub3A_164 = arith.subi %get3A_162, %sub3A_163 : vector<16xi32>
      %get3A_165 = arith.constant 1 : i32
      %get3A_166 = arith.index_cast %get3A_165 : i32 to index
      %get3A_167 = arith.constant 48 : index
      %get3A_168 = tpu.vector_load %arg10[%get3A_166, %get3A_167] {strides = array<i32>} : memref<3x64xi32, #tpu.memory_space<vmem>>, vector<16xi32>,
      %swap3A_169 = arith.constant 48 : index
      %swap3A_170 = tpu.vector_load %arg12[%swap3A_169] {strides = array<i32>} : memref<64xi32, #tpu.memory_space<vmem>>, vector<16xi32>,
      tpu.vector_store %arg12[%swap3A_169], %get3A_168 {strides = array<i32>} : memref<64xi32, #tpu.memory_space<vmem>>, vector<16xi32>,
      %get3A_171 = arith.constant 2 : i32
      %get3A_172 = arith.index_cast %get3A_171 : i32 to index
      %get3A_173 = arith.constant 48 : index
      %get3A_174 = tpu.vector_load %arg10[%get3A_172, %get3A_173] {strides = array<i32>} : memref<3x64xi32, #tpu.memory_space<vmem>>, vector<16xi32>,
      %bitcast3A_175 = vector.bitcast %get3A_174 : vector<16xi32> to vector<16xf32>
      %gather3A_176 = tpu.vector_load_idx %arg8[%sub3A_164] : memref<10048xf32, #tpu.memory_space<vmem>>[vector<16xi32>], vector<16xf32>,
      %gather3A_177 = tpu.vector_load_idx %arg9[%get3A_168] : memref<10048xf32, #tpu.memory_space<vmem>>[vector<16xi32>], vector<16xf32>,
      %add3A_178 = arith.addf %gather3A_176, %gather3A_177 : vector<16xf32>
      %mul3A_179 = arith.mulf %bitcast3A_175, %gather3A : vector<16xf32>
      %add3A_180 = arith.addf %add3A_178, %mul3A_179 : vector<16xf32>
      %gt3A_181 = arith.constant 0.000000e+00 : f32
      %gt3A_182 = vector.broadcast %gt3A_181 : f32 to vector<16xf32>
      %gt3A_183 = arith.cmpf ogt, %add3A_180, %gt3A_182 : vector<16xf32>
      %mul3A_184 = arith.constant 2.000000e-01 : f32
      %mul3A_185 = vector.broadcast %mul3A_184 : f32 to vector<16xf32>
      %mul3A_186 = arith.mulf %add3A_180, %mul3A_185 : vector<16xf32>
      %select_n3A_187 = arith.select %gt3A_183, %add3A_180, %mul3A_186 : vector<16xi1>, vector<16xf32>
      %exp3A_188 = math.exp %select_n3A_187 : vector<16xf32>
      %swap3A_189 = arith.constant 48 : index
      %swap3A_190 = tpu.vector_load %arg14[%swap3A_189] {strides = array<i32>} : memref<64xf32, #tpu.memory_space<vmem>>, vector<16xf32>,
      tpu.vector_store %arg14[%swap3A_189], %exp3A_188 {strides = array<i32>} : memref<64xf32, #tpu.memory_space<vmem>>, vector<16xf32>,
      %dma_wait3A_191 = arith.constant 0 : i32
      %dma_wait3A_192 = arith.constant 0 : i32
      %dma_wait3A_193 = tpu.memref_slice %arg10[%dma_wait3A_191, %dma_wait3A_192] : memref<3x64xi32, #tpu.memory_space<vmem>> -> memref<1x64xi32, #tpu.memory_space<vmem>>
      %dma_wait3A_194 = tpu.memref_squeeze %dma_wait3A_193 : memref<1x64xi32, #tpu.memory_space<vmem>> -> memref<64xi32, #tpu.memory_space<vmem>>
      %dma_wait3A_195 = arith.constant 0 : i32
      %dma_wait3A_196 = arith.constant 0 : i32
      %dma_wait3A_197 = tpu.memref_slice %arg2[%dma_wait3A_195, %dma_wait3A_196] : memref<20480x80xf32, #tpu.memory_space<hbm>> -> memref<20480x80xf32, #tpu.memory_space<hbm>>
      tpu.wait_indirect_dma semaphore(%arg19 : memref<!tpu.dma_semaphore, #tpu.memory_space<semaphore_mem>>) src(%dma_wait3A_197 : memref<20480x80xf32, #tpu.memory_space<hbm>>) dst(%arg15 : memref<64x80xf32, #tpu.memory_space<vmem>>)
      %mul3A_198 = arith.constant 2 : i32
      %mul3A_199 = arith.muli %mul3A_198, %scan3A_69 : i32
      %add3A_200 = arith.constant 1 : i32
      %add3A_201 = arith.addi %mul3A_199, %add3A_200 : i32
      %dma_wait3A_202 = arith.constant 0 : i32
      %dma_wait3A_203 = arith.constant 0 : i32
      %dma_wait3A_204 = tpu.memref_slice %arg5[%add3A, %add3A_201, %dma_wait3A_202, %dma_wait3A_203] : memref<32x324x3x64xi32, #tpu.memory_space<hbm>> -> memref<1x1x3x64xi32, #tpu.memory_space<hbm>>
      %dma_wait3A_205 = tpu.memref_squeeze %dma_wait3A_204 : memref<1x1x3x64xi32, #tpu.memory_space<hbm>> -> memref<3x64xi32, #tpu.memory_space<hbm>>
      %dma_wait3A_206 = arith.constant 0 : i32
      %dma_wait3A_207 = arith.constant 0 : i32
      %dma_wait3A_208 = tpu.memref_slice %arg5[%add3A, %add3A_201, %dma_wait3A_206, %dma_wait3A_207] : memref<32x324x3x64xi32, #tpu.memory_space<hbm>> -> memref<1x1x3x64xi32, #tpu.memory_space<hbm>>
      %dma_wait3A_209 = tpu.memref_squeeze %dma_wait3A_208 : memref<1x1x3x64xi32, #tpu.memory_space<hbm>> -> memref<3x64xi32, #tpu.memory_space<hbm>>
      tpu.wait_dma2 semaphore(%arg23 : memref<!tpu.dma_semaphore, #tpu.memory_space<semaphore_mem>>) src(%dma_wait3A_209 : memref<3x64xi32, #tpu.memory_space<hbm>>) dst(%arg11 : memref<3x64xi32, #tpu.memory_space<vmem>>)
      %gt3A_210 = arith.constant 0 : i32
      %gt3A_211 = arith.cmpi sgt, %scan3A_69, %gt3A_210 : i32
      %convert_element_type3A = arith.extui %gt3A_211 : i1 to i32
      %cond3A = arith.constant 0 : i32
      %cond3A_212 = arith.cmpi ne, %convert_element_type3A, %cond3A : i32
      scf.if %cond3A_212 {
        %dma_wait3A_421 = arith.constant 0 : i32
        %dma_wait3A_422 = arith.constant 0 : i32
        %dma_wait3A_423 = tpu.memref_slice %arg18[%dma_wait3A_421, %dma_wait3A_422] : memref<10112x80xf32, #tpu.memory_space<vmem_shared>> -> memref<64x80xf32, #tpu.memory_space<vmem_shared>>
        %dma_wait3A_424 = arith.constant 0 : i32
        %dma_wait3A_425 = arith.constant 0 : i32
        %dma_wait3A_426 = tpu.memref_slice %arg18[%dma_wait3A_424, %dma_wait3A_425] : memref<10112x80xf32, #tpu.memory_space<vmem_shared>> -> memref<64x80xf32, #tpu.memory_space<vmem_shared>>
        tpu.wait_dma2 semaphore(%arg22 : memref<!tpu.dma_semaphore, #tpu.memory_space<semaphore_mem>>) src(%arg16 : memref<64x80xf32, #tpu.memory_space<vmem>>) dst(%dma_wait3A_426 : memref<64x80xf32, #tpu.memory_space<vmem_shared>>)
      } else {
      }
      %dma_start3A_213 = arith.constant 0 : i32
      %dma_start3A_214 = arith.constant 0 : i32
      %dma_start3A_215 = tpu.memref_slice %arg11[%dma_start3A_213, %dma_start3A_214] : memref<3x64xi32, #tpu.memory_space<vmem>> -> memref<1x64xi32, #tpu.memory_space<vmem>>
      %dma_start3A_216 = tpu.memref_squeeze %dma_start3A_215 : memref<1x64xi32, #tpu.memory_space<vmem>> -> memref<64xi32, #tpu.memory_space<vmem>>
      %dma_start3A_217 = arith.constant 0 : i32
      %dma_start3A_218 = arith.constant 0 : i32
      %dma_start3A_219 = tpu.memref_slice %arg2[%dma_start3A_217, %dma_start3A_218] : memref<20480x80xf32, #tpu.memory_space<hbm>> -> memref<20480x80xf32, #tpu.memory_space<hbm>>
      tpu.enqueue_indirect_dma source(%dma_start3A_219 : memref<20480x80xf32, #tpu.memory_space<hbm>>) target(%arg16 : memref<64x80xf32, #tpu.memory_space<vmem>>) offsets(%dma_start3A_216 : memref<64xi32, #tpu.memory_space<vmem>>) semaphore(%arg20 : memref<!tpu.dma_semaphore, #tpu.memory_space<semaphore_mem>>)
      %mul3A_220 = arith.constant 2 : i32
      %mul3A_221 = arith.muli %mul3A_220, %scan3A_69 : i32
      %add3A_222 = arith.constant 2 : i32
      %add3A_223 = arith.addi %mul3A_221, %add3A_222 : i32
      %min3A = arith.constant 323 : i32
      %min3A_224 = arith.minsi %add3A_223, %min3A : i32
      %dma_start3A_225 = arith.constant 0 : i32
      %dma_start3A_226 = arith.constant 0 : i32
      %dma_start3A_227 = tpu.memref_slice %arg5[%add3A, %min3A_224, %dma_start3A_225, %dma_start3A_226] : memref<32x324x3x64xi32, #tpu.memory_space<hbm>> -> memref<1x1x3x64xi32, #tpu.memory_space<hbm>>
      %dma_start3A_228 = tpu.memref_squeeze %dma_start3A_227 : memref<1x1x3x64xi32, #tpu.memory_space<hbm>> -> memref<3x64xi32, #tpu.memory_space<hbm>>
      %dma_start3A_229 = arith.constant 0 : i32
      %dma_start3A_230 = arith.constant 0 : i32
      %dma_start3A_231 = tpu.memref_slice %arg5[%add3A, %min3A_224, %dma_start3A_229, %dma_start3A_230] : memref<32x324x3x64xi32, #tpu.memory_space<hbm>> -> memref<1x1x3x64xi32, #tpu.memory_space<hbm>>
      %dma_start3A_232 = tpu.memref_squeeze %dma_start3A_231 : memref<1x1x3x64xi32, #tpu.memory_space<hbm>> -> memref<3x64xi32, #tpu.memory_space<hbm>>
      tpu.enqueue_dma source(%dma_start3A_232 : memref<3x64xi32, #tpu.memory_space<hbm>>) target(%arg10 : memref<3x64xi32, #tpu.memory_space<vmem>>) target_semaphore(%arg23 : memref<!tpu.dma_semaphore, #tpu.memory_space<semaphore_mem>>)
      %dma_start3A_233 = arith.constant 0 : i32
      %dma_start3A_234 = arith.constant 0 : i32
      %dma_start3A_235 = tpu.memref_slice %arg18[%dma_start3A_233, %dma_start3A_234] : memref<10112x80xf32, #tpu.memory_space<vmem_shared>> -> memref<64x80xf32, #tpu.memory_space<vmem_shared>>
      %dma_start3A_236 = arith.constant 0 : i32
      %dma_start3A_237 = arith.constant 0 : i32
      %dma_start3A_238 = tpu.memref_slice %arg18[%dma_start3A_236, %dma_start3A_237] : memref<10112x80xf32, #tpu.memory_space<vmem_shared>> -> memref<64x80xf32, #tpu.memory_space<vmem_shared>>
      tpu.enqueue_dma source(%arg15 : memref<64x80xf32, #tpu.memory_space<vmem>>) target(%dma_start3A_238 : memref<64x80xf32, #tpu.memory_space<vmem_shared>>) target_semaphore(%arg21 : memref<!tpu.dma_semaphore, #tpu.memory_space<semaphore_mem>>)
      %get3A_239 = arith.constant 0 : i32
      %get3A_240 = arith.index_cast %get3A_239 : i32 to index
      %get3A_241 = arith.constant 0 : index
      %get3A_242 = tpu.vector_load %arg11[%get3A_240, %get3A_241] {strides = array<i32>} : memref<3x64xi32, #tpu.memory_space<vmem>>, vector<16xi32>,
      %sub3A_243 = vector.broadcast %mul3A_2 : i32 to vector<16xi32>
      %sub3A_244 = arith.subi %get3A_242, %sub3A_243 : vector<16xi32>
      %get3A_245 = arith.constant 1 : i32
      %get3A_246 = arith.index_cast %get3A_245 : i32 to index
      %get3A_247 = arith.constant 0 : index
      %get3A_248 = tpu.vector_load %arg11[%get3A_246, %get3A_247] {strides = array<i32>} : memref<3x64xi32, #tpu.memory_space<vmem>>, vector<16xi32>,
      %swap3A_249 = arith.constant 0 : index
      %swap3A_250 = tpu.vector_load %arg13[%swap3A_249] {strides = array<i32>} : memref<64xi32, #tpu.memory_space<vmem>>, vector<16xi32>,
      tpu.vector_store %arg13[%swap3A_249], %get3A_248 {strides = array<i32>} : memref<64xi32, #tpu.memory_space<vmem>>, vector<16xi32>,
      %get3A_251 = arith.constant 2 : i32
      %get3A_252 = arith.index_cast %get3A_251 : i32 to index
      %get3A_253 = arith.constant 0 : index
      %get3A_254 = tpu.vector_load %arg11[%get3A_252, %get3A_253] {strides = array<i32>} : memref<3x64xi32, #tpu.memory_space<vmem>>, vector<16xi32>,
      %bitcast3A_255 = vector.bitcast %get3A_254 : vector<16xi32> to vector<16xf32>
      %gather3A_256 = tpu.vector_load_idx %arg8[%sub3A_244] : memref<10048xf32, #tpu.memory_space<vmem>>[vector<16xi32>], vector<16xf32>,
      %gather3A_257 = tpu.vector_load_idx %arg9[%get3A_248] : memref<10048xf32, #tpu.memory_space<vmem>>[vector<16xi32>], vector<16xf32>,
      %add3A_258 = arith.addf %gather3A_256, %gather3A_257 : vector<16xf32>
      %mul3A_259 = arith.mulf %bitcast3A_255, %gather3A : vector<16xf32>
      %add3A_260 = arith.addf %add3A_258, %mul3A_259 : vector<16xf32>
      %gt3A_261 = arith.constant 0.000000e+00 : f32
      %gt3A_262 = vector.broadcast %gt3A_261 : f32 to vector<16xf32>
      %gt3A_263 = arith.cmpf ogt, %add3A_260, %gt3A_262 : vector<16xf32>
      %mul3A_264 = arith.constant 2.000000e-01 : f32
      %mul3A_265 = vector.broadcast %mul3A_264 : f32 to vector<16xf32>
      %mul3A_266 = arith.mulf %add3A_260, %mul3A_265 : vector<16xf32>
      %select_n3A_267 = arith.select %gt3A_263, %add3A_260, %mul3A_266 : vector<16xi1>, vector<16xf32>
      %exp3A_268 = math.exp %select_n3A_267 : vector<16xf32>
      %swap3A_269 = arith.constant 0 : index
      %swap3A_270 = tpu.vector_load %arg14[%swap3A_269] {strides = array<i32>} : memref<64xf32, #tpu.memory_space<vmem>>, vector<16xf32>,
      tpu.vector_store %arg14[%swap3A_269], %exp3A_268 {strides = array<i32>} : memref<64xf32, #tpu.memory_space<vmem>>, vector<16xf32>,
      %get3A_271 = arith.constant 0 : i32
      %get3A_272 = arith.index_cast %get3A_271 : i32 to index
      %get3A_273 = arith.constant 16 : index
      %get3A_274 = tpu.vector_load %arg11[%get3A_272, %get3A_273] {strides = array<i32>} : memref<3x64xi32, #tpu.memory_space<vmem>>, vector<16xi32>,
      %sub3A_275 = vector.broadcast %mul3A_2 : i32 to vector<16xi32>
      %sub3A_276 = arith.subi %get3A_274, %sub3A_275 : vector<16xi32>
      %get3A_277 = arith.constant 1 : i32
      %get3A_278 = arith.index_cast %get3A_277 : i32 to index
      %get3A_279 = arith.constant 16 : index
      %get3A_280 = tpu.vector_load %arg11[%get3A_278, %get3A_279] {strides = array<i32>} : memref<3x64xi32, #tpu.memory_space<vmem>>, vector<16xi32>,
      %swap3A_281 = arith.constant 16 : index
      %swap3A_282 = tpu.vector_load %arg13[%swap3A_281] {strides = array<i32>} : memref<64xi32, #tpu.memory_space<vmem>>, vector<16xi32>,
      tpu.vector_store %arg13[%swap3A_281], %get3A_280 {strides = array<i32>} : memref<64xi32, #tpu.memory_space<vmem>>, vector<16xi32>,
      %get3A_283 = arith.constant 2 : i32
      %get3A_284 = arith.index_cast %get3A_283 : i32 to index
      %get3A_285 = arith.constant 16 : index
      %get3A_286 = tpu.vector_load %arg11[%get3A_284, %get3A_285] {strides = array<i32>} : memref<3x64xi32, #tpu.memory_space<vmem>>, vector<16xi32>,
      %bitcast3A_287 = vector.bitcast %get3A_286 : vector<16xi32> to vector<16xf32>
      %gather3A_288 = tpu.vector_load_idx %arg8[%sub3A_276] : memref<10048xf32, #tpu.memory_space<vmem>>[vector<16xi32>], vector<16xf32>,
      %gather3A_289 = tpu.vector_load_idx %arg9[%get3A_280] : memref<10048xf32, #tpu.memory_space<vmem>>[vector<16xi32>], vector<16xf32>,
      %add3A_290 = arith.addf %gather3A_288, %gather3A_289 : vector<16xf32>
      %mul3A_291 = arith.mulf %bitcast3A_287, %gather3A : vector<16xf32>
      %add3A_292 = arith.addf %add3A_290, %mul3A_291 : vector<16xf32>
      %gt3A_293 = arith.constant 0.000000e+00 : f32
      %gt3A_294 = vector.broadcast %gt3A_293 : f32 to vector<16xf32>
      %gt3A_295 = arith.cmpf ogt, %add3A_292, %gt3A_294 : vector<16xf32>
      %mul3A_296 = arith.constant 2.000000e-01 : f32
      %mul3A_297 = vector.broadcast %mul3A_296 : f32 to vector<16xf32>
      %mul3A_298 = arith.mulf %add3A_292, %mul3A_297 : vector<16xf32>
      %select_n3A_299 = arith.select %gt3A_295, %add3A_292, %mul3A_298 : vector<16xi1>, vector<16xf32>
      %exp3A_300 = math.exp %select_n3A_299 : vector<16xf32>
      %swap3A_301 = arith.constant 16 : index
      %swap3A_302 = tpu.vector_load %arg14[%swap3A_301] {strides = array<i32>} : memref<64xf32, #tpu.memory_space<vmem>>, vector<16xf32>,
      tpu.vector_store %arg14[%swap3A_301], %exp3A_300 {strides = array<i32>} : memref<64xf32, #tpu.memory_space<vmem>>, vector<16xf32>,
      %get3A_303 = arith.constant 0 : i32
      %get3A_304 = arith.index_cast %get3A_303 : i32 to index
      %get3A_305 = arith.constant 32 : index
      %get3A_306 = tpu.vector_load %arg11[%get3A_304, %get3A_305] {strides = array<i32>} : memref<3x64xi32, #tpu.memory_space<vmem>>, vector<16xi32>,
      %sub3A_307 = vector.broadcast %mul3A_2 : i32 to vector<16xi32>
      %sub3A_308 = arith.subi %get3A_306, %sub3A_307 : vector<16xi32>
      %get3A_309 = arith.constant 1 : i32
      %get3A_310 = arith.index_cast %get3A_309 : i32 to index
      %get3A_311 = arith.constant 32 : index
      %get3A_312 = tpu.vector_load %arg11[%get3A_310, %get3A_311] {strides = array<i32>} : memref<3x64xi32, #tpu.memory_space<vmem>>, vector<16xi32>,
      %swap3A_313 = arith.constant 32 : index
      %swap3A_314 = tpu.vector_load %arg13[%swap3A_313] {strides = array<i32>} : memref<64xi32, #tpu.memory_space<vmem>>, vector<16xi32>,
      tpu.vector_store %arg13[%swap3A_313], %get3A_312 {strides = array<i32>} : memref<64xi32, #tpu.memory_space<vmem>>, vector<16xi32>,
      %get3A_315 = arith.constant 2 : i32
      %get3A_316 = arith.index_cast %get3A_315 : i32 to index
      %get3A_317 = arith.constant 32 : index
      %get3A_318 = tpu.vector_load %arg11[%get3A_316, %get3A_317] {strides = array<i32>} : memref<3x64xi32, #tpu.memory_space<vmem>>, vector<16xi32>,
      %bitcast3A_319 = vector.bitcast %get3A_318 : vector<16xi32> to vector<16xf32>
      %gather3A_320 = tpu.vector_load_idx %arg8[%sub3A_308] : memref<10048xf32, #tpu.memory_space<vmem>>[vector<16xi32>], vector<16xf32>,
      %gather3A_321 = tpu.vector_load_idx %arg9[%get3A_312] : memref<10048xf32, #tpu.memory_space<vmem>>[vector<16xi32>], vector<16xf32>,
      %add3A_322 = arith.addf %gather3A_320, %gather3A_321 : vector<16xf32>
      %mul3A_323 = arith.mulf %bitcast3A_319, %gather3A : vector<16xf32>
      %add3A_324 = arith.addf %add3A_322, %mul3A_323 : vector<16xf32>
      %gt3A_325 = arith.constant 0.000000e+00 : f32
      %gt3A_326 = vector.broadcast %gt3A_325 : f32 to vector<16xf32>
      %gt3A_327 = arith.cmpf ogt, %add3A_324, %gt3A_326 : vector<16xf32>
      %mul3A_328 = arith.constant 2.000000e-01 : f32
      %mul3A_329 = vector.broadcast %mul3A_328 : f32 to vector<16xf32>
      %mul3A_330 = arith.mulf %add3A_324, %mul3A_329 : vector<16xf32>
      %select_n3A_331 = arith.select %gt3A_327, %add3A_324, %mul3A_330 : vector<16xi1>, vector<16xf32>
      %exp3A_332 = math.exp %select_n3A_331 : vector<16xf32>
      %swap3A_333 = arith.constant 32 : index
      %swap3A_334 = tpu.vector_load %arg14[%swap3A_333] {strides = array<i32>} : memref<64xf32, #tpu.memory_space<vmem>>, vector<16xf32>,
      tpu.vector_store %arg14[%swap3A_333], %exp3A_332 {strides = array<i32>} : memref<64xf32, #tpu.memory_space<vmem>>, vector<16xf32>,
      %get3A_335 = arith.constant 0 : i32
      %get3A_336 = arith.index_cast %get3A_335 : i32 to index
      %get3A_337 = arith.constant 48 : index
      %get3A_338 = tpu.vector_load %arg11[%get3A_336, %get3A_337] {strides = array<i32>} : memref<3x64xi32, #tpu.memory_space<vmem>>, vector<16xi32>,
      %sub3A_339 = vector.broadcast %mul3A_2 : i32 to vector<16xi32>
      %sub3A_340 = arith.subi %get3A_338, %sub3A_339 : vector<16xi32>
      %get3A_341 = arith.constant 1 : i32
      %get3A_342 = arith.index_cast %get3A_341 : i32 to index
      %get3A_343 = arith.constant 48 : index
      %get3A_344 = tpu.vector_load %arg11[%get3A_342, %get3A_343] {strides = array<i32>} : memref<3x64xi32, #tpu.memory_space<vmem>>, vector<16xi32>,
      %swap3A_345 = arith.constant 48 : index
      %swap3A_346 = tpu.vector_load %arg13[%swap3A_345] {strides = array<i32>} : memref<64xi32, #tpu.memory_space<vmem>>, vector<16xi32>,
      tpu.vector_store %arg13[%swap3A_345], %get3A_344 {strides = array<i32>} : memref<64xi32, #tpu.memory_space<vmem>>, vector<16xi32>,
      %get3A_347 = arith.constant 2 : i32
      %get3A_348 = arith.index_cast %get3A_347 : i32 to index
      %get3A_349 = arith.constant 48 : index
      %get3A_350 = tpu.vector_load %arg11[%get3A_348, %get3A_349] {strides = array<i32>} : memref<3x64xi32, #tpu.memory_space<vmem>>, vector<16xi32>,
      %bitcast3A_351 = vector.bitcast %get3A_350 : vector<16xi32> to vector<16xf32>
      %gather3A_352 = tpu.vector_load_idx %arg8[%sub3A_340] : memref<10048xf32, #tpu.memory_space<vmem>>[vector<16xi32>], vector<16xf32>,
      %gather3A_353 = tpu.vector_load_idx %arg9[%get3A_344] : memref<10048xf32, #tpu.memory_space<vmem>>[vector<16xi32>], vector<16xf32>,
      %add3A_354 = arith.addf %gather3A_352, %gather3A_353 : vector<16xf32>
      %mul3A_355 = arith.mulf %bitcast3A_351, %gather3A : vector<16xf32>
      %add3A_356 = arith.addf %add3A_354, %mul3A_355 : vector<16xf32>
      %gt3A_357 = arith.constant 0.000000e+00 : f32
      %gt3A_358 = vector.broadcast %gt3A_357 : f32 to vector<16xf32>
      %gt3A_359 = arith.cmpf ogt, %add3A_356, %gt3A_358 : vector<16xf32>
      %mul3A_360 = arith.constant 2.000000e-01 : f32
      %mul3A_361 = vector.broadcast %mul3A_360 : f32 to vector<16xf32>
      %mul3A_362 = arith.mulf %add3A_356, %mul3A_361 : vector<16xf32>
      %select_n3A_363 = arith.select %gt3A_359, %add3A_356, %mul3A_362 : vector<16xi1>, vector<16xf32>
      %exp3A_364 = math.exp %select_n3A_363 : vector<16xf32>
      %swap3A_365 = arith.constant 48 : index
      %swap3A_366 = tpu.vector_load %arg14[%swap3A_365] {strides = array<i32>} : memref<64xf32, #tpu.memory_space<vmem>>, vector<16xf32>,
      tpu.vector_store %arg14[%swap3A_365], %exp3A_364 {strides = array<i32>} : memref<64xf32, #tpu.memory_space<vmem>>, vector<16xf32>,
      %dma_wait3A_367 = arith.constant 0 : i32
      %dma_wait3A_368 = arith.constant 0 : i32
      %dma_wait3A_369 = tpu.memref_slice %arg11[%dma_wait3A_367, %dma_wait3A_368] : memref<3x64xi32, #tpu.memory_space<vmem>> -> memref<1x64xi32, #tpu.memory_space<vmem>>
      %dma_wait3A_370 = tpu.memref_squeeze %dma_wait3A_369 : memref<1x64xi32, #tpu.memory_space<vmem>> -> memref<64xi32, #tpu.memory_space<vmem>>
      %dma_wait3A_371 = arith.constant 0 : i32
      %dma_wait3A_372 = arith.constant 0 : i32
      %dma_wait3A_373 = tpu.memref_slice %arg2[%dma_wait3A_371, %dma_wait3A_372] : memref<20480x80xf32, #tpu.memory_space<hbm>> -> memref<20480x80xf32, #tpu.memory_space<hbm>>
      tpu.wait_indirect_dma semaphore(%arg20 : memref<!tpu.dma_semaphore, #tpu.memory_space<semaphore_mem>>) src(%dma_wait3A_373 : memref<20480x80xf32, #tpu.memory_space<hbm>>) dst(%arg16 : memref<64x80xf32, #tpu.memory_space<vmem>>)
      %dma_wait3A_374 = arith.constant 0 : i32
      %dma_wait3A_375 = arith.constant 0 : i32
      %dma_wait3A_376 = tpu.memref_slice %arg5[%add3A, %min3A_224, %dma_wait3A_374, %dma_wait3A_375] : memref<32x324x3x64xi32, #tpu.memory_space<hbm>> -> memref<1x1x3x64xi32, #tpu.memory_space<hbm>>
      %dma_wait3A_377 = tpu.memref_squeeze %dma_wait3A_376 : memref<1x1x3x64xi32, #tpu.memory_space<hbm>> -> memref<3x64xi32, #tpu.memory_space<hbm>>
      %dma_wait3A_378 = arith.constant 0 : i32
      %dma_wait3A_379 = arith.constant 0 : i32
      %dma_wait3A_380 = tpu.memref_slice %arg5[%add3A, %min3A_224, %dma_wait3A_378, %dma_wait3A_379] : memref<32x324x3x64xi32, #tpu.memory_space<hbm>> -> memref<1x1x3x64xi32, #tpu.memory_space<hbm>>
      %dma_wait3A_381 = tpu.memref_squeeze %dma_wait3A_380 : memref<1x1x3x64xi32, #tpu.memory_space<hbm>> -> memref<3x64xi32, #tpu.memory_space<hbm>>
      tpu.wait_dma2 semaphore(%arg23 : memref<!tpu.dma_semaphore, #tpu.memory_space<semaphore_mem>>) src(%dma_wait3A_381 : memref<3x64xi32, #tpu.memory_space<hbm>>) dst(%arg10 : memref<3x64xi32, #tpu.memory_space<vmem>>)
      %dma_wait3A_382 = arith.constant 0 : i32
      %dma_wait3A_383 = arith.constant 0 : i32
      %dma_wait3A_384 = tpu.memref_slice %arg18[%dma_wait3A_382, %dma_wait3A_383] : memref<10112x80xf32, #tpu.memory_space<vmem_shared>> -> memref<64x80xf32, #tpu.memory_space<vmem_shared>>
      %dma_wait3A_385 = arith.constant 0 : i32
      %dma_wait3A_386 = arith.constant 0 : i32
      %dma_wait3A_387 = tpu.memref_slice %arg18[%dma_wait3A_385, %dma_wait3A_386] : memref<10112x80xf32, #tpu.memory_space<vmem_shared>> -> memref<64x80xf32, #tpu.memory_space<vmem_shared>>
      tpu.wait_dma2 semaphore(%arg21 : memref<!tpu.dma_semaphore, #tpu.memory_space<semaphore_mem>>) src(%arg15 : memref<64x80xf32, #tpu.memory_space<vmem>>) dst(%dma_wait3A_387 : memref<64x80xf32, #tpu.memory_space<vmem_shared>>)
      %mul3A_388 = arith.constant 2 : i32
      %mul3A_389 = arith.muli %mul3A_388, %scan3A_69 : i32
      %add3A_390 = arith.constant 2 : i32
      %add3A_391 = arith.addi %mul3A_389, %add3A_390 : i32
      %min3A_392 = arith.constant 323 : i32
      %min3A_393 = arith.minsi %add3A_391, %min3A_392 : i32
      %dma_start3A_394 = arith.constant 0 : i32
      %dma_start3A_395 = arith.constant 0 : i32
      %dma_start3A_396 = tpu.memref_slice %arg10[%dma_start3A_394, %dma_start3A_395] : memref<3x64xi32, #tpu.memory_space<vmem>> -> memref<1x64xi32, #tpu.memory_space<vmem>>
      %dma_start3A_397 = tpu.memref_squeeze %dma_start3A_396 : memref<1x64xi32, #tpu.memory_space<vmem>> -> memref<64xi32, #tpu.memory_space<vmem>>
      %dma_start3A_398 = arith.constant 0 : i32
      %dma_start3A_399 = arith.constant 0 : i32
      %dma_start3A_400 = tpu.memref_slice %arg2[%dma_start3A_398, %dma_start3A_399] : memref<20480x80xf32, #tpu.memory_space<hbm>> -> memref<20480x80xf32, #tpu.memory_space<hbm>>
      tpu.enqueue_indirect_dma source(%dma_start3A_400 : memref<20480x80xf32, #tpu.memory_space<hbm>>) target(%arg15 : memref<64x80xf32, #tpu.memory_space<vmem>>) offsets(%dma_start3A_397 : memref<64xi32, #tpu.memory_space<vmem>>) semaphore(%arg19 : memref<!tpu.dma_semaphore, #tpu.memory_space<semaphore_mem>>)
      %mul3A_401 = arith.constant 2 : i32
      %mul3A_402 = arith.muli %mul3A_401, %scan3A_69 : i32
      %add3A_403 = arith.constant 3 : i32
      %add3A_404 = arith.addi %mul3A_402, %add3A_403 : i32
      %min3A_405 = arith.constant 323 : i32
      %min3A_406 = arith.minsi %add3A_404, %min3A_405 : i32
      %dma_start3A_407 = arith.constant 0 : i32
      %dma_start3A_408 = arith.constant 0 : i32
      %dma_start3A_409 = tpu.memref_slice %arg5[%add3A, %min3A_406, %dma_start3A_407, %dma_start3A_408] : memref<32x324x3x64xi32, #tpu.memory_space<hbm>> -> memref<1x1x3x64xi32, #tpu.memory_space<hbm>>
      %dma_start3A_410 = tpu.memref_squeeze %dma_start3A_409 : memref<1x1x3x64xi32, #tpu.memory_space<hbm>> -> memref<3x64xi32, #tpu.memory_space<hbm>>
      %dma_start3A_411 = arith.constant 0 : i32
      %dma_start3A_412 = arith.constant 0 : i32
      %dma_start3A_413 = tpu.memref_slice %arg5[%add3A, %min3A_406, %dma_start3A_411, %dma_start3A_412] : memref<32x324x3x64xi32, #tpu.memory_space<hbm>> -> memref<1x1x3x64xi32, #tpu.memory_space<hbm>>
      %dma_start3A_414 = tpu.memref_squeeze %dma_start3A_413 : memref<1x1x3x64xi32, #tpu.memory_space<hbm>> -> memref<3x64xi32, #tpu.memory_space<hbm>>
      tpu.enqueue_dma source(%dma_start3A_414 : memref<3x64xi32, #tpu.memory_space<hbm>>) target(%arg11 : memref<3x64xi32, #tpu.memory_space<vmem>>) target_semaphore(%arg23 : memref<!tpu.dma_semaphore, #tpu.memory_space<semaphore_mem>>)
      %dma_start3A_415 = arith.constant 0 : i32
      %dma_start3A_416 = arith.constant 0 : i32
      %dma_start3A_417 = tpu.memref_slice %arg18[%dma_start3A_415, %dma_start3A_416] : memref<10112x80xf32, #tpu.memory_space<vmem_shared>> -> memref<64x80xf32, #tpu.memory_space<vmem_shared>>
      %dma_start3A_418 = arith.constant 0 : i32
      %dma_start3A_419 = arith.constant 0 : i32
      %dma_start3A_420 = tpu.memref_slice %arg18[%dma_start3A_418, %dma_start3A_419] : memref<10112x80xf32, #tpu.memory_space<vmem_shared>> -> memref<64x80xf32, #tpu.memory_space<vmem_shared>>
      tpu.enqueue_dma source(%arg16 : memref<64x80xf32, #tpu.memory_space<vmem>>) target(%dma_start3A_420 : memref<64x80xf32, #tpu.memory_space<vmem_shared>>) target_semaphore(%arg22 : memref<!tpu.dma_semaphore, #tpu.memory_space<semaphore_mem>>)
    }
    %scan3A_41 = arith.constant 162 : i32
    %dma_wait3A = arith.constant 0 : i32
    %dma_wait3A_42 = arith.constant 0 : i32
    %dma_wait3A_43 = tpu.memref_slice %arg18[%dma_wait3A, %dma_wait3A_42] : memref<10112x80xf32, #tpu.memory_space<vmem_shared>> -> memref<64x80xf32, #tpu.memory_space<vmem_shared>>
    %dma_wait3A_44 = arith.constant 0 : i32
    %dma_wait3A_45 = arith.constant 0 : i32
    %dma_wait3A_46 = tpu.memref_slice %arg18[%dma_wait3A_44, %dma_wait3A_45] : memref<10112x80xf32, #tpu.memory_space<vmem_shared>> -> memref<64x80xf32, #tpu.memory_space<vmem_shared>>
    tpu.wait_dma2 semaphore(%arg22 : memref<!tpu.dma_semaphore, #tpu.memory_space<semaphore_mem>>) src(%arg16 : memref<64x80xf32, #tpu.memory_space<vmem>>) dst(%dma_wait3A_46 : memref<64x80xf32, #tpu.memory_space<vmem_shared>>)
    %dma_wait3A_47 = arith.constant 0 : i32
    %dma_wait3A_48 = arith.constant 0 : i32
    %dma_wait3A_49 = tpu.memref_slice %arg10[%dma_wait3A_47, %dma_wait3A_48] : memref<3x64xi32, #tpu.memory_space<vmem>> -> memref<1x64xi32, #tpu.memory_space<vmem>>
    %dma_wait3A_50 = tpu.memref_squeeze %dma_wait3A_49 : memref<1x64xi32, #tpu.memory_space<vmem>> -> memref<64xi32, #tpu.memory_space<vmem>>
    %dma_wait3A_51 = arith.constant 0 : i32
    %dma_wait3A_52 = arith.constant 0 : i32
    %dma_wait3A_53 = tpu.memref_slice %arg2[%dma_wait3A_51, %dma_wait3A_52] : memref<20480x80xf32, #tpu.memory_space<hbm>> -> memref<20480x80xf32, #tpu.memory_space<hbm>>
    tpu.wait_indirect_dma semaphore(%arg19 : memref<!tpu.dma_semaphore, #tpu.memory_space<semaphore_mem>>) src(%dma_wait3A_53 : memref<20480x80xf32, #tpu.memory_space<hbm>>) dst(%arg15 : memref<64x80xf32, #tpu.memory_space<vmem>>)
    %dma_wait3A_54 = arith.constant 0 : i32
    %dma_wait3A_55 = arith.constant 0 : i32
    %dma_wait3A_56 = arith.constant 0 : i32
    %dma_wait3A_57 = tpu.memref_slice %arg5[%add3A, %dma_wait3A_54, %dma_wait3A_55, %dma_wait3A_56] : memref<32x324x3x64xi32, #tpu.memory_space<hbm>> -> memref<1x1x3x64xi32, #tpu.memory_space<hbm>>
    %dma_wait3A_58 = tpu.memref_squeeze %dma_wait3A_57 : memref<1x1x3x64xi32, #tpu.memory_space<hbm>> -> memref<3x64xi32, #tpu.memory_space<hbm>>
    %dma_wait3A_59 = arith.constant 0 : i32
    %dma_wait3A_60 = arith.constant 0 : i32
    %dma_wait3A_61 = tpu.memref_slice %arg5[%add3A, %dma_wait3A_54, %dma_wait3A_59, %dma_wait3A_60] : memref<32x324x3x64xi32, #tpu.memory_space<hbm>> -> memref<1x1x3x64xi32, #tpu.memory_space<hbm>>
    %dma_wait3A_62 = tpu.memref_squeeze %dma_wait3A_61 : memref<1x1x3x64xi32, #tpu.memory_space<hbm>> -> memref<3x64xi32, #tpu.memory_space<hbm>>
    tpu.wait_dma2 semaphore(%arg23 : memref<!tpu.dma_semaphore, #tpu.memory_space<semaphore_mem>>) src(%dma_wait3A_62 : memref<3x64xi32, #tpu.memory_space<hbm>>) dst(%arg11 : memref<3x64xi32, #tpu.memory_space<vmem>>)
    %barrier3A_63 = arith.constant 0 : index
    tpu.barrier barrier_id(%barrier3A_63)
    %mul3A_64 = arith.constant 632 : i32
    %mul3A_65 = arith.muli %arg1, %mul3A_64 : i32
    %mul3A_66 = arith.constant 632 : i32
    %mul3A_67 = arith.muli %arg1, %mul3A_66 : i32
    %add3A_68 = arith.addi %mul3A_2, %mul3A_67 : i32
    "tpu.region"() ({
      %run_scoped3A_69 = tpu.sem_alloc : memref<!tpu.dma_semaphore, #tpu.memory_space<semaphore_mem>>
      %dma_start3A_70 = arith.constant 0 : i32
      %dma_start3A_71 = tpu.memref_slice %arg7[%add3A_68, %dma_start3A_70] : memref<20480x80xf32, #tpu.memory_space<hbm>> -> memref<632x80xf32, #tpu.memory_space<hbm>>
      %dma_start3A_72 = arith.constant 0 : i32
      %dma_start3A_73 = tpu.memref_slice %arg18[%mul3A_65, %dma_start3A_72] : memref<10112x80xf32, #tpu.memory_space<vmem_shared>> -> memref<632x80xf32, #tpu.memory_space<vmem_shared>>
      tpu.enqueue_dma source(%dma_start3A_73 : memref<632x80xf32, #tpu.memory_space<vmem_shared>>) target(%dma_start3A_71 : memref<632x80xf32, #tpu.memory_space<hbm>>) target_semaphore(%run_scoped3A_69 : memref<!tpu.dma_semaphore, #tpu.memory_space<semaphore_mem>>)
      %dma_wait3A_74 = arith.constant 0 : i32
      %dma_wait3A_75 = tpu.memref_slice %arg7[%add3A_68, %dma_wait3A_74] : memref<20480x80xf32, #tpu.memory_space<hbm>> -> memref<632x80xf32, #tpu.memory_space<hbm>>
      %dma_wait3A_76 = arith.constant 0 : i32
      %dma_wait3A_77 = tpu.memref_slice %arg18[%mul3A_65, %dma_wait3A_76] : memref<10112x80xf32, #tpu.memory_space<vmem_shared>> -> memref<632x80xf32, #tpu.memory_space<vmem_shared>>
      tpu.wait_dma2 semaphore(%run_scoped3A_69 : memref<!tpu.dma_semaphore, #tpu.memory_space<semaphore_mem>>) src(%dma_wait3A_77 : memref<632x80xf32, #tpu.memory_space<vmem_shared>>) dst(%dma_wait3A_75 : memref<632x80xf32, #tpu.memory_space<hbm>>)
      tpu.yield
    }) : () -> ()
    return
  }
}

module attributes {stable_mosaic.version = 14 : i64} {
  func.func @_a1_body(%arg0: i32, %arg1: i32, %arg2: memref<1x1024x128xf32, #tpu.memory_space<vmem>>, %arg3: memref<128x128xf32, #tpu.memory_space<vmem>>, %arg4: memref<8x128xf32, #tpu.memory_space<vmem>>, %arg5: memref<8x128xf32, #tpu.memory_space<vmem>>, %arg6: memref<1x1024x144xf32, #tpu.memory_space<vmem>>, %arg7: memref<1x8x128xf32, #tpu.memory_space<vmem>>, %arg8: memref<1x8x128xf32, #tpu.memory_space<vmem>>) attributes {dimension_semantics = [#tpu.dimension_semantics<arbitrary>, #tpu.dimension_semantics<arbitrary>], iteration_bounds = array<i64: 2, 10>, scalar_prefetch = 0 : i64, scratch_operands = 0 : i64, tpu.core_type = #tpu.core_type<tc>, window_params = [{transform_indices = @transform_0, window_bounds = array<i64: 1, 1024, 128>}, {pipeline_mode = #tpu.pipeline_mode<synchronous>, transform_indices = @transform_1, window_bounds = array<i64: 128, 128>}, {pipeline_mode = #tpu.pipeline_mode<synchronous>, transform_indices = @transform_2, window_bounds = array<i64: 8, 128>}, {pipeline_mode = #tpu.pipeline_mode<synchronous>, transform_indices = @transform_3, window_bounds = array<i64: 8, 128>}, {transform_indices = @transform_4, window_bounds = array<i64: 1, 1024, 144>}, {transform_indices = @transform_5, window_bounds = array<i64: 1, 8, 128>}, {transform_indices = @transform_6, window_bounds = array<i64: 1, 8, 128>}]} {
    %get3A = arith.constant 0 : index
    %get3A_0 = arith.constant 0 : index
    %get3A_1 = arith.constant 0 : index
    %get3A_2 = vector.load %arg2[%get3A, %get3A_0, %get3A_1] : memref<1x1024x128xf32, #tpu.memory_space<vmem>>, vector<1x1024x128xf32>
    %get3A_3 = vector.shape_cast %get3A_2 : vector<1x1024x128xf32> to vector<1024x128xf32>
    %get3A_4 = arith.constant 0 : index
    %get3A_5 = arith.constant 0 : index
    %get3A_6 = vector.load %arg3[%get3A_4, %get3A_5] : memref<128x128xf32, #tpu.memory_space<vmem>>, vector<128x128xf32>
    %dot_general3A = arith.constant dense<0.000000e+00> : vector<1024x128xf32>
    %dot_general3A_7 = tpu.matmul %get3A_3, %get3A_6, %dot_general3A {dimension_numbers = #tpu.dot_dimension_numbers<[1], [0], [0], [1], [0, 0, 1, 1], [], []>, transpose_lhs_hint = false} : vector<1024x128xf32>, vector<128x128xf32>, vector<1024x128xf32> -> vector<1024x128xf32>
    %iota3A = tpu.iota {dimensions = array<i32: 1>} : vector<1024x16xi32>
    %eq3A = arith.constant 0 : i32
    %eq3A_8 = vector.broadcast %eq3A : i32 to vector<1024x16xi32>
    %eq3A_9 = arith.cmpi eq, %iota3A, %eq3A_8 : vector<1024x16xi32>
    %convert_element_type3A = arith.extui %eq3A_9 : vector<1024x16xi1> to vector<1024x16xi32>
    %convert_element_type3A_10 = arith.sitofp %convert_element_type3A : vector<1024x16xi32> to vector<1024x16xf32>
    %concatenate3A = tpu.concatenate %dot_general3A_7, %convert_element_type3A_10 in 1 : vector<1024x128xf32>, vector<1024x16xf32> -> vector<1024x144xf32>
    %swap3A = arith.constant 0 : index
    %swap3A_11 = arith.constant 0 : index
    %swap3A_12 = arith.constant 0 : index
    %swap3A_13 = vector.load %arg6[%swap3A, %swap3A_11, %swap3A_12] : memref<1x1024x144xf32, #tpu.memory_space<vmem>>, vector<1x1024x144xf32>
    %swap3A_14 = vector.shape_cast %swap3A_13 : vector<1x1024x144xf32> to vector<1024x144xf32>
    %swap3A_15 = vector.shape_cast %concatenate3A : vector<1024x144xf32> to vector<1x1024x144xf32>
    tpu.vector_store %arg6[%swap3A, %swap3A_11, %swap3A_12], %swap3A_15 {strides = array<i32>} : memref<1x1024x144xf32, #tpu.memory_space<vmem>>, vector<1x1024x144xf32>,
    %get3A_16 = arith.constant 0 : index
    %get3A_17 = arith.constant 0 : index
    %get3A_18 = vector.load %arg4[%get3A_16, %get3A_17] : memref<8x128xf32, #tpu.memory_space<vmem>>, vector<1x128xf32>
    %mul3A = vector.broadcast %get3A_18 : vector<1x128xf32> to vector<1024x128xf32>
    %mul3A_19 = arith.mulf %dot_general3A_7, %mul3A : vector<1024x128xf32>
    %reduce_sum3A = arith.constant dense<0.000000e+00> : vector<1024xf32>
    %reduce_sum3A_20 = vector.multi_reduction <add>, %mul3A_19, %reduce_sum3A [1] : vector<1024x128xf32> to vector<1024xf32>
    %reshape3A = vector.shape_cast %reduce_sum3A_20 : vector<1024xf32> to vector<8x128xf32>
    %swap3A_21 = arith.constant 0 : index
    %swap3A_22 = arith.constant 0 : index
    %swap3A_23 = arith.constant 0 : index
    %swap3A_24 = vector.load %arg7[%swap3A_21, %swap3A_22, %swap3A_23] : memref<1x8x128xf32, #tpu.memory_space<vmem>>, vector<1x8x128xf32>
    %swap3A_25 = vector.shape_cast %swap3A_24 : vector<1x8x128xf32> to vector<8x128xf32>
    %swap3A_26 = vector.shape_cast %reshape3A : vector<8x128xf32> to vector<1x8x128xf32>
    tpu.vector_store %arg7[%swap3A_21, %swap3A_22, %swap3A_23], %swap3A_26 {strides = array<i32>} : memref<1x8x128xf32, #tpu.memory_space<vmem>>, vector<1x8x128xf32>,
    %get3A_27 = arith.constant 0 : index
    %get3A_28 = arith.constant 0 : index
    %get3A_29 = vector.load %arg5[%get3A_27, %get3A_28] : memref<8x128xf32, #tpu.memory_space<vmem>>, vector<1x128xf32>
    %mul3A_30 = vector.broadcast %get3A_29 : vector<1x128xf32> to vector<1024x128xf32>
    %mul3A_31 = arith.mulf %dot_general3A_7, %mul3A_30 : vector<1024x128xf32>
    %reduce_sum3A_32 = arith.constant dense<0.000000e+00> : vector<1024xf32>
    %reduce_sum3A_33 = vector.multi_reduction <add>, %mul3A_31, %reduce_sum3A_32 [1] : vector<1024x128xf32> to vector<1024xf32>
    %reshape3A_34 = vector.shape_cast %reduce_sum3A_33 : vector<1024xf32> to vector<8x128xf32>
    %swap3A_35 = arith.constant 0 : index
    %swap3A_36 = arith.constant 0 : index
    %swap3A_37 = arith.constant 0 : index
    %swap3A_38 = vector.load %arg8[%swap3A_35, %swap3A_36, %swap3A_37] : memref<1x8x128xf32, #tpu.memory_space<vmem>>, vector<1x8x128xf32>
    %swap3A_39 = vector.shape_cast %swap3A_38 : vector<1x8x128xf32> to vector<8x128xf32>
    %swap3A_40 = vector.shape_cast %reshape3A_34 : vector<8x128xf32> to vector<1x8x128xf32>
    tpu.vector_store %arg8[%swap3A_35, %swap3A_36, %swap3A_37], %swap3A_40 {strides = array<i32>} : memref<1x8x128xf32, #tpu.memory_space<vmem>>, vector<1x8x128xf32>,
    return
  }
  func.func @transform_0(%arg0: i32, %arg1: i32) -> (i32, i32, i32) {
    %c0_i32 = arith.constant 0 : i32
    %c0_i32_0 = arith.constant 0 : i32
    return %arg0, %arg1, %c0_i32 : i32, i32, i32
  }
  func.func @transform_1(%arg0: i32, %arg1: i32) -> (i32, i32) {
    %c0_i32 = arith.constant 0 : i32
    %c0_i32_0 = arith.constant 0 : i32
    %c0_i32_1 = arith.constant 0 : i32
    return %c0_i32, %c0_i32_0 : i32, i32
  }
  func.func @transform_2(%arg0: i32, %arg1: i32) -> (i32, i32) {
    %c0_i32 = arith.constant 0 : i32
    %c0_i32_0 = arith.constant 0 : i32
    %c0_i32_1 = arith.constant 0 : i32
    return %c0_i32, %c0_i32_0 : i32, i32
  }
  func.func @transform_3(%arg0: i32, %arg1: i32) -> (i32, i32) {
    %c0_i32 = arith.constant 0 : i32
    %c0_i32_0 = arith.constant 0 : i32
    %c0_i32_1 = arith.constant 0 : i32
    return %c0_i32, %c0_i32_0 : i32, i32
  }
  func.func @transform_4(%arg0: i32, %arg1: i32) -> (i32, i32, i32) {
    %c0_i32 = arith.constant 0 : i32
    %c0_i32_0 = arith.constant 0 : i32
    return %arg0, %arg1, %c0_i32 : i32, i32, i32
  }
  func.func @transform_5(%arg0: i32, %arg1: i32) -> (i32, i32, i32) {
    %c0_i32 = arith.constant 0 : i32
    %c0_i32_0 = arith.constant 0 : i32
    return %arg0, %arg1, %c0_i32 : i32, i32, i32
  }
  func.func @transform_6(%arg0: i32, %arg1: i32) -> (i32, i32, i32) {
    %c0_i32 = arith.constant 0 : i32
    %c0_i32_0 = arith.constant 0 : i32
    return %arg0, %arg1, %c0_i32 : i32, i32, i32
  }
}

module attributes {stable_mosaic.version = 14 : i64} {
  func.func @_a23_body(%arg0: i32, %arg1: i32, %arg2: memref<1x1024x144xf32, #tpu.memory_space<vmem>>, %arg3: memref<128x128xf32, #tpu.memory_space<vmem>>, %arg4: memref<8x128xf32, #tpu.memory_space<vmem>>, %arg5: memref<8x128xf32, #tpu.memory_space<vmem>>, %arg6: memref<8x128xf32, #tpu.memory_space<vmem>>, %arg7: memref<1x1024x144xf32, #tpu.memory_space<vmem>>, %arg8: memref<1x8x128xf32, #tpu.memory_space<vmem>>, %arg9: memref<1x8x128xf32, #tpu.memory_space<vmem>>) attributes {dimension_semantics = [#tpu.dimension_semantics<arbitrary>, #tpu.dimension_semantics<arbitrary>], iteration_bounds = array<i64: 2, 10>, scalar_prefetch = 0 : i64, scratch_operands = 0 : i64, tpu.core_type = #tpu.core_type<tc>, window_params = [{transform_indices = @transform_0, window_bounds = array<i64: 1, 1024, 144>}, {pipeline_mode = #tpu.pipeline_mode<synchronous>, transform_indices = @transform_1, window_bounds = array<i64: 128, 128>}, {pipeline_mode = #tpu.pipeline_mode<synchronous>, transform_indices = @transform_2, window_bounds = array<i64: 8, 128>}, {pipeline_mode = #tpu.pipeline_mode<synchronous>, transform_indices = @transform_3, window_bounds = array<i64: 8, 128>}, {pipeline_mode = #tpu.pipeline_mode<synchronous>, transform_indices = @transform_4, window_bounds = array<i64: 8, 128>}, {transform_indices = @transform_5, window_bounds = array<i64: 1, 1024, 144>}, {transform_indices = @transform_6, window_bounds = array<i64: 1, 8, 128>}, {transform_indices = @transform_7, window_bounds = array<i64: 1, 8, 128>}]} {
    %get3A = arith.constant 0 : index
    %get3A_0 = arith.constant 0 : index
    %get3A_1 = arith.constant 0 : index
    %get3A_2 = vector.load %arg2[%get3A, %get3A_0, %get3A_1] : memref<1x1024x144xf32, #tpu.memory_space<vmem>>, vector<1x1024x144xf32>
    %get3A_3 = vector.shape_cast %get3A_2 : vector<1x1024x144xf32> to vector<1024x144xf32>
    %slice3A = vector.extract_strided_slice %get3A_3 {offsets = [0, 0], sizes = [1024, 128], strides = [1, 1]} : vector<1024x144xf32> to vector<1024x128xf32>
    %slice3A_4 = vector.extract_strided_slice %get3A_3 {offsets = [0, 128], sizes = [1024, 1], strides = [1, 1]} : vector<1024x144xf32> to vector<1024x1xf32>
    %add3A = arith.constant 1.000000e-16 : f32
    %add3A_5 = vector.broadcast %add3A : f32 to vector<1024x1xf32>
    %add3A_6 = arith.addf %slice3A_4, %add3A_5 : vector<1024x1xf32>
    %div3A = vector.broadcast %add3A_6 : vector<1024x1xf32> to vector<1024x128xf32>
    %div3A_7 = arith.divf %slice3A, %div3A : vector<1024x128xf32>
    %get3A_8 = arith.constant 0 : index
    %get3A_9 = arith.constant 0 : index
    %get3A_10 = vector.load %arg6[%get3A_8, %get3A_9] : memref<8x128xf32, #tpu.memory_space<vmem>>, vector<1x128xf32>
    %add3A_11 = vector.broadcast %get3A_10 : vector<1x128xf32> to vector<1024x128xf32>
    %add3A_12 = arith.addf %div3A_7, %add3A_11 : vector<1024x128xf32>
    %gt3A = arith.constant 0.000000e+00 : f32
    %gt3A_13 = vector.broadcast %gt3A : f32 to vector<1024x128xf32>
    %gt3A_14 = arith.cmpf ogt, %add3A_12, %gt3A_13 : vector<1024x128xf32>
    %min3A = arith.constant 0.000000e+00 : f32
    %min3A_15 = vector.broadcast %min3A : f32 to vector<1024x128xf32>
    %min3A_16 = arith.minimumf %add3A_12, %min3A_15 : vector<1024x128xf32>
    %exp3A = math.exp %min3A_16 : vector<1024x128xf32>
    %sub3A = arith.constant 1.000000e+00 : f32
    %sub3A_17 = vector.broadcast %sub3A : f32 to vector<1024x128xf32>
    %sub3A_18 = arith.subf %exp3A, %sub3A_17 : vector<1024x128xf32>
    %select_n3A = arith.select %gt3A_14, %add3A_12, %sub3A_18 : vector<1024x128xi1>, vector<1024x128xf32>
    %get3A_19 = arith.constant 0 : index
    %get3A_20 = arith.constant 0 : index
    %get3A_21 = vector.load %arg3[%get3A_19, %get3A_20] : memref<128x128xf32, #tpu.memory_space<vmem>>, vector<128x128xf32>
    %dot_general3A = arith.constant dense<0.000000e+00> : vector<1024x128xf32>
    %dot_general3A_22 = tpu.matmul %select_n3A, %get3A_21, %dot_general3A {dimension_numbers = #tpu.dot_dimension_numbers<[1], [0], [0], [1], [0, 0, 1, 1], [], []>, transpose_lhs_hint = false} : vector<1024x128xf32>, vector<128x128xf32>, vector<1024x128xf32> -> vector<1024x128xf32>
    %iota3A = tpu.iota {dimensions = array<i32: 1>} : vector<1024x16xi32>
    %eq3A = arith.constant 0 : i32
    %eq3A_23 = vector.broadcast %eq3A : i32 to vector<1024x16xi32>
    %eq3A_24 = arith.cmpi eq, %iota3A, %eq3A_23 : vector<1024x16xi32>
    %convert_element_type3A = arith.extui %eq3A_24 : vector<1024x16xi1> to vector<1024x16xi32>
    %convert_element_type3A_25 = arith.sitofp %convert_element_type3A : vector<1024x16xi32> to vector<1024x16xf32>
    %concatenate3A = tpu.concatenate %dot_general3A_22, %convert_element_type3A_25 in 1 : vector<1024x128xf32>, vector<1024x16xf32> -> vector<1024x144xf32>
    %swap3A = arith.constant 0 : index
    %swap3A_26 = arith.constant 0 : index
    %swap3A_27 = arith.constant 0 : index
    %swap3A_28 = vector.load %arg7[%swap3A, %swap3A_26, %swap3A_27] : memref<1x1024x144xf32, #tpu.memory_space<vmem>>, vector<1x1024x144xf32>
    %swap3A_29 = vector.shape_cast %swap3A_28 : vector<1x1024x144xf32> to vector<1024x144xf32>
    %swap3A_30 = vector.shape_cast %concatenate3A : vector<1024x144xf32> to vector<1x1024x144xf32>
    tpu.vector_store %arg7[%swap3A, %swap3A_26, %swap3A_27], %swap3A_30 {strides = array<i32>} : memref<1x1024x144xf32, #tpu.memory_space<vmem>>, vector<1x1024x144xf32>,
    %get3A_31 = arith.constant 0 : index
    %get3A_32 = arith.constant 0 : index
    %get3A_33 = vector.load %arg4[%get3A_31, %get3A_32] : memref<8x128xf32, #tpu.memory_space<vmem>>, vector<1x128xf32>
    %mul3A = vector.broadcast %get3A_33 : vector<1x128xf32> to vector<1024x128xf32>
    %mul3A_34 = arith.mulf %dot_general3A_22, %mul3A : vector<1024x128xf32>
    %reduce_sum3A = arith.constant dense<0.000000e+00> : vector<1024xf32>
    %reduce_sum3A_35 = vector.multi_reduction <add>, %mul3A_34, %reduce_sum3A [1] : vector<1024x128xf32> to vector<1024xf32>
    %reshape3A = vector.shape_cast %reduce_sum3A_35 : vector<1024xf32> to vector<8x128xf32>
    %swap3A_36 = arith.constant 0 : index
    %swap3A_37 = arith.constant 0 : index
    %swap3A_38 = arith.constant 0 : index
    %swap3A_39 = vector.load %arg8[%swap3A_36, %swap3A_37, %swap3A_38] : memref<1x8x128xf32, #tpu.memory_space<vmem>>, vector<1x8x128xf32>
    %swap3A_40 = vector.shape_cast %swap3A_39 : vector<1x8x128xf32> to vector<8x128xf32>
    %swap3A_41 = vector.shape_cast %reshape3A : vector<8x128xf32> to vector<1x8x128xf32>
    tpu.vector_store %arg8[%swap3A_36, %swap3A_37, %swap3A_38], %swap3A_41 {strides = array<i32>} : memref<1x8x128xf32, #tpu.memory_space<vmem>>, vector<1x8x128xf32>,
    %get3A_42 = arith.constant 0 : index
    %get3A_43 = arith.constant 0 : index
    %get3A_44 = vector.load %arg5[%get3A_42, %get3A_43] : memref<8x128xf32, #tpu.memory_space<vmem>>, vector<1x128xf32>
    %mul3A_45 = vector.broadcast %get3A_44 : vector<1x128xf32> to vector<1024x128xf32>
    %mul3A_46 = arith.mulf %dot_general3A_22, %mul3A_45 : vector<1024x128xf32>
    %reduce_sum3A_47 = arith.constant dense<0.000000e+00> : vector<1024xf32>
    %reduce_sum3A_48 = vector.multi_reduction <add>, %mul3A_46, %reduce_sum3A_47 [1] : vector<1024x128xf32> to vector<1024xf32>
    %reshape3A_49 = vector.shape_cast %reduce_sum3A_48 : vector<1024xf32> to vector<8x128xf32>
    %swap3A_50 = arith.constant 0 : index
    %swap3A_51 = arith.constant 0 : index
    %swap3A_52 = arith.constant 0 : index
    %swap3A_53 = vector.load %arg9[%swap3A_50, %swap3A_51, %swap3A_52] : memref<1x8x128xf32, #tpu.memory_space<vmem>>, vector<1x8x128xf32>
    %swap3A_54 = vector.shape_cast %swap3A_53 : vector<1x8x128xf32> to vector<8x128xf32>
    %swap3A_55 = vector.shape_cast %reshape3A_49 : vector<8x128xf32> to vector<1x8x128xf32>
    tpu.vector_store %arg9[%swap3A_50, %swap3A_51, %swap3A_52], %swap3A_55 {strides = array<i32>} : memref<1x8x128xf32, #tpu.memory_space<vmem>>, vector<1x8x128xf32>,
    return
  }
  func.func @transform_0(%arg0: i32, %arg1: i32) -> (i32, i32, i32) {
    %c0_i32 = arith.constant 0 : i32
    %c0_i32_0 = arith.constant 0 : i32
    return %arg0, %arg1, %c0_i32 : i32, i32, i32
  }
  func.func @transform_1(%arg0: i32, %arg1: i32) -> (i32, i32) {
    %c0_i32 = arith.constant 0 : i32
    %c0_i32_0 = arith.constant 0 : i32
    %c0_i32_1 = arith.constant 0 : i32
    return %c0_i32, %c0_i32_0 : i32, i32
  }
  func.func @transform_2(%arg0: i32, %arg1: i32) -> (i32, i32) {
    %c0_i32 = arith.constant 0 : i32
    %c0_i32_0 = arith.constant 0 : i32
    %c0_i32_1 = arith.constant 0 : i32
    return %c0_i32, %c0_i32_0 : i32, i32
  }
  func.func @transform_3(%arg0: i32, %arg1: i32) -> (i32, i32) {
    %c0_i32 = arith.constant 0 : i32
    %c0_i32_0 = arith.constant 0 : i32
    %c0_i32_1 = arith.constant 0 : i32
    return %c0_i32, %c0_i32_0 : i32, i32
  }
  func.func @transform_4(%arg0: i32, %arg1: i32) -> (i32, i32) {
    %c0_i32 = arith.constant 0 : i32
    %c0_i32_0 = arith.constant 0 : i32
    %c0_i32_1 = arith.constant 0 : i32
    return %c0_i32, %c0_i32_0 : i32, i32
  }
  func.func @transform_5(%arg0: i32, %arg1: i32) -> (i32, i32, i32) {
    %c0_i32 = arith.constant 0 : i32
    %c0_i32_0 = arith.constant 0 : i32
    return %arg0, %arg1, %c0_i32 : i32, i32, i32
  }
  func.func @transform_6(%arg0: i32, %arg1: i32) -> (i32, i32, i32) {
    %c0_i32 = arith.constant 0 : i32
    %c0_i32_0 = arith.constant 0 : i32
    return %arg0, %arg1, %c0_i32 : i32, i32, i32
  }
  func.func @transform_7(%arg0: i32, %arg1: i32) -> (i32, i32, i32) {
    %c0_i32 = arith.constant 0 : i32
    %c0_i32_0 = arith.constant 0 : i32
    return %arg0, %arg1, %c0_i32 : i32, i32, i32
  }
}

module attributes {stable_mosaic.version = 14 : i64} {
  func.func @_a23_body(%arg0: i32, %arg1: i32, %arg2: memref<1x1024x144xf32, #tpu.memory_space<vmem>>, %arg3: memref<128x64xf32, #tpu.memory_space<vmem>>, %arg4: memref<8x128xf32, #tpu.memory_space<vmem>>, %arg5: memref<8x128xf32, #tpu.memory_space<vmem>>, %arg6: memref<8x128xf32, #tpu.memory_space<vmem>>, %arg7: memref<1x1024x80xf32, #tpu.memory_space<vmem>>, %arg8: memref<1x8x128xf32, #tpu.memory_space<vmem>>, %arg9: memref<1x8x128xf32, #tpu.memory_space<vmem>>) attributes {dimension_semantics = [#tpu.dimension_semantics<arbitrary>, #tpu.dimension_semantics<arbitrary>], iteration_bounds = array<i64: 2, 10>, scalar_prefetch = 0 : i64, scratch_operands = 0 : i64, tpu.core_type = #tpu.core_type<tc>, window_params = [{transform_indices = @transform_0, window_bounds = array<i64: 1, 1024, 144>}, {pipeline_mode = #tpu.pipeline_mode<synchronous>, transform_indices = @transform_1, window_bounds = array<i64: 128, 64>}, {pipeline_mode = #tpu.pipeline_mode<synchronous>, transform_indices = @transform_2, window_bounds = array<i64: 8, 128>}, {pipeline_mode = #tpu.pipeline_mode<synchronous>, transform_indices = @transform_3, window_bounds = array<i64: 8, 128>}, {pipeline_mode = #tpu.pipeline_mode<synchronous>, transform_indices = @transform_4, window_bounds = array<i64: 8, 128>}, {transform_indices = @transform_5, window_bounds = array<i64: 1, 1024, 80>}, {transform_indices = @transform_6, window_bounds = array<i64: 1, 8, 128>}, {transform_indices = @transform_7, window_bounds = array<i64: 1, 8, 128>}]} {
    %get3A = arith.constant 0 : index
    %get3A_0 = arith.constant 0 : index
    %get3A_1 = arith.constant 0 : index
    %get3A_2 = vector.load %arg2[%get3A, %get3A_0, %get3A_1] : memref<1x1024x144xf32, #tpu.memory_space<vmem>>, vector<1x1024x144xf32>
    %get3A_3 = vector.shape_cast %get3A_2 : vector<1x1024x144xf32> to vector<1024x144xf32>
    %slice3A = vector.extract_strided_slice %get3A_3 {offsets = [0, 0], sizes = [1024, 128], strides = [1, 1]} : vector<1024x144xf32> to vector<1024x128xf32>
    %slice3A_4 = vector.extract_strided_slice %get3A_3 {offsets = [0, 128], sizes = [1024, 1], strides = [1, 1]} : vector<1024x144xf32> to vector<1024x1xf32>
    %add3A = arith.constant 1.000000e-16 : f32
    %add3A_5 = vector.broadcast %add3A : f32 to vector<1024x1xf32>
    %add3A_6 = arith.addf %slice3A_4, %add3A_5 : vector<1024x1xf32>
    %div3A = vector.broadcast %add3A_6 : vector<1024x1xf32> to vector<1024x128xf32>
    %div3A_7 = arith.divf %slice3A, %div3A : vector<1024x128xf32>
    %get3A_8 = arith.constant 0 : index
    %get3A_9 = arith.constant 0 : index
    %get3A_10 = vector.load %arg6[%get3A_8, %get3A_9] : memref<8x128xf32, #tpu.memory_space<vmem>>, vector<1x128xf32>
    %add3A_11 = vector.broadcast %get3A_10 : vector<1x128xf32> to vector<1024x128xf32>
    %add3A_12 = arith.addf %div3A_7, %add3A_11 : vector<1024x128xf32>
    %gt3A = arith.constant 0.000000e+00 : f32
    %gt3A_13 = vector.broadcast %gt3A : f32 to vector<1024x128xf32>
    %gt3A_14 = arith.cmpf ogt, %add3A_12, %gt3A_13 : vector<1024x128xf32>
    %min3A = arith.constant 0.000000e+00 : f32
    %min3A_15 = vector.broadcast %min3A : f32 to vector<1024x128xf32>
    %min3A_16 = arith.minimumf %add3A_12, %min3A_15 : vector<1024x128xf32>
    %exp3A = math.exp %min3A_16 : vector<1024x128xf32>
    %sub3A = arith.constant 1.000000e+00 : f32
    %sub3A_17 = vector.broadcast %sub3A : f32 to vector<1024x128xf32>
    %sub3A_18 = arith.subf %exp3A, %sub3A_17 : vector<1024x128xf32>
    %select_n3A = arith.select %gt3A_14, %add3A_12, %sub3A_18 : vector<1024x128xi1>, vector<1024x128xf32>
    %get3A_19 = arith.constant 0 : index
    %get3A_20 = arith.constant 0 : index
    %get3A_21 = vector.load %arg3[%get3A_19, %get3A_20] : memref<128x64xf32, #tpu.memory_space<vmem>>, vector<128x64xf32>
    %dot_general3A = arith.constant dense<0.000000e+00> : vector<1024x64xf32>
    %dot_general3A_22 = tpu.matmul %select_n3A, %get3A_21, %dot_general3A {dimension_numbers = #tpu.dot_dimension_numbers<[1], [0], [0], [1], [0, 0, 1, 1], [], []>, transpose_lhs_hint = false} : vector<1024x128xf32>, vector<128x64xf32>, vector<1024x64xf32> -> vector<1024x64xf32>
    %iota3A = tpu.iota {dimensions = array<i32: 1>} : vector<1024x16xi32>
    %eq3A = arith.constant 0 : i32
    %eq3A_23 = vector.broadcast %eq3A : i32 to vector<1024x16xi32>
    %eq3A_24 = arith.cmpi eq, %iota3A, %eq3A_23 : vector<1024x16xi32>
    %convert_element_type3A = arith.extui %eq3A_24 : vector<1024x16xi1> to vector<1024x16xi32>
    %convert_element_type3A_25 = arith.sitofp %convert_element_type3A : vector<1024x16xi32> to vector<1024x16xf32>
    %concatenate3A = tpu.concatenate %dot_general3A_22, %convert_element_type3A_25 in 1 : vector<1024x64xf32>, vector<1024x16xf32> -> vector<1024x80xf32>
    %swap3A = arith.constant 0 : index
    %swap3A_26 = arith.constant 0 : index
    %swap3A_27 = arith.constant 0 : index
    %swap3A_28 = vector.load %arg7[%swap3A, %swap3A_26, %swap3A_27] : memref<1x1024x80xf32, #tpu.memory_space<vmem>>, vector<1x1024x80xf32>
    %swap3A_29 = vector.shape_cast %swap3A_28 : vector<1x1024x80xf32> to vector<1024x80xf32>
    %swap3A_30 = vector.shape_cast %concatenate3A : vector<1024x80xf32> to vector<1x1024x80xf32>
    tpu.vector_store %arg7[%swap3A, %swap3A_26, %swap3A_27], %swap3A_30 {strides = array<i32>} : memref<1x1024x80xf32, #tpu.memory_space<vmem>>, vector<1x1024x80xf32>,
    %get3A_31 = arith.constant 0 : index
    %get3A_32 = arith.constant 0 : index
    %get3A_33 = vector.load %arg4[%get3A_31, %get3A_32] : memref<8x128xf32, #tpu.memory_space<vmem>>, vector<1x64xf32>
    %mul3A = vector.broadcast %get3A_33 : vector<1x64xf32> to vector<1024x64xf32>
    %mul3A_34 = arith.mulf %dot_general3A_22, %mul3A : vector<1024x64xf32>
    %reduce_sum3A = arith.constant dense<0.000000e+00> : vector<1024xf32>
    %reduce_sum3A_35 = vector.multi_reduction <add>, %mul3A_34, %reduce_sum3A [1] : vector<1024x64xf32> to vector<1024xf32>
    %reshape3A = vector.shape_cast %reduce_sum3A_35 : vector<1024xf32> to vector<8x128xf32>
    %swap3A_36 = arith.constant 0 : index
    %swap3A_37 = arith.constant 0 : index
    %swap3A_38 = arith.constant 0 : index
    %swap3A_39 = vector.load %arg8[%swap3A_36, %swap3A_37, %swap3A_38] : memref<1x8x128xf32, #tpu.memory_space<vmem>>, vector<1x8x128xf32>
    %swap3A_40 = vector.shape_cast %swap3A_39 : vector<1x8x128xf32> to vector<8x128xf32>
    %swap3A_41 = vector.shape_cast %reshape3A : vector<8x128xf32> to vector<1x8x128xf32>
    tpu.vector_store %arg8[%swap3A_36, %swap3A_37, %swap3A_38], %swap3A_41 {strides = array<i32>} : memref<1x8x128xf32, #tpu.memory_space<vmem>>, vector<1x8x128xf32>,
    %get3A_42 = arith.constant 0 : index
    %get3A_43 = arith.constant 0 : index
    %get3A_44 = vector.load %arg5[%get3A_42, %get3A_43] : memref<8x128xf32, #tpu.memory_space<vmem>>, vector<1x64xf32>
    %mul3A_45 = vector.broadcast %get3A_44 : vector<1x64xf32> to vector<1024x64xf32>
    %mul3A_46 = arith.mulf %dot_general3A_22, %mul3A_45 : vector<1024x64xf32>
    %reduce_sum3A_47 = arith.constant dense<0.000000e+00> : vector<1024xf32>
    %reduce_sum3A_48 = vector.multi_reduction <add>, %mul3A_46, %reduce_sum3A_47 [1] : vector<1024x64xf32> to vector<1024xf32>
    %reshape3A_49 = vector.shape_cast %reduce_sum3A_48 : vector<1024xf32> to vector<8x128xf32>
    %swap3A_50 = arith.constant 0 : index
    %swap3A_51 = arith.constant 0 : index
    %swap3A_52 = arith.constant 0 : index
    %swap3A_53 = vector.load %arg9[%swap3A_50, %swap3A_51, %swap3A_52] : memref<1x8x128xf32, #tpu.memory_space<vmem>>, vector<1x8x128xf32>
    %swap3A_54 = vector.shape_cast %swap3A_53 : vector<1x8x128xf32> to vector<8x128xf32>
    %swap3A_55 = vector.shape_cast %reshape3A_49 : vector<8x128xf32> to vector<1x8x128xf32>
    tpu.vector_store %arg9[%swap3A_50, %swap3A_51, %swap3A_52], %swap3A_55 {strides = array<i32>} : memref<1x8x128xf32, #tpu.memory_space<vmem>>, vector<1x8x128xf32>,
    return
  }
  func.func @transform_0(%arg0: i32, %arg1: i32) -> (i32, i32, i32) {
    %c0_i32 = arith.constant 0 : i32
    %c0_i32_0 = arith.constant 0 : i32
    return %arg0, %arg1, %c0_i32 : i32, i32, i32
  }
  func.func @transform_1(%arg0: i32, %arg1: i32) -> (i32, i32) {
    %c0_i32 = arith.constant 0 : i32
    %c0_i32_0 = arith.constant 0 : i32
    %c0_i32_1 = arith.constant 0 : i32
    return %c0_i32, %c0_i32_0 : i32, i32
  }
  func.func @transform_2(%arg0: i32, %arg1: i32) -> (i32, i32) {
    %c0_i32 = arith.constant 0 : i32
    %c0_i32_0 = arith.constant 0 : i32
    %c0_i32_1 = arith.constant 0 : i32
    return %c0_i32, %c0_i32_0 : i32, i32
  }
  func.func @transform_3(%arg0: i32, %arg1: i32) -> (i32, i32) {
    %c0_i32 = arith.constant 0 : i32
    %c0_i32_0 = arith.constant 0 : i32
    %c0_i32_1 = arith.constant 0 : i32
    return %c0_i32, %c0_i32_0 : i32, i32
  }
  func.func @transform_4(%arg0: i32, %arg1: i32) -> (i32, i32) {
    %c0_i32 = arith.constant 0 : i32
    %c0_i32_0 = arith.constant 0 : i32
    %c0_i32_1 = arith.constant 0 : i32
    return %c0_i32, %c0_i32_0 : i32, i32
  }
  func.func @transform_5(%arg0: i32, %arg1: i32) -> (i32, i32, i32) {
    %c0_i32 = arith.constant 0 : i32
    %c0_i32_0 = arith.constant 0 : i32
    return %arg0, %arg1, %c0_i32 : i32, i32, i32
  }
  func.func @transform_6(%arg0: i32, %arg1: i32) -> (i32, i32, i32) {
    %c0_i32 = arith.constant 0 : i32
    %c0_i32_0 = arith.constant 0 : i32
    return %arg0, %arg1, %c0_i32 : i32, i32, i32
  }
  func.func @transform_7(%arg0: i32, %arg1: i32) -> (i32, i32, i32) {
    %c0_i32 = arith.constant 0 : i32
    %c0_i32_0 = arith.constant 0 : i32
    return %arg0, %arg1, %c0_i32 : i32, i32, i32
  }
}

module attributes {stable_mosaic.version = 14 : i64} {
  func.func @_f_body(%arg0: memref<2x10240x80xf32, #tpu.memory_space<vmem>>, %arg1: memref<8x128xf32, #tpu.memory_space<vmem>>, %arg2: memref<8x128xf32, #tpu.memory_space<vmem>>, %arg3: memref<80x64xf32, #tpu.memory_space<vmem>>, %arg4: memref<8x128xf32, #tpu.memory_space<vmem>>, %arg5: memref<128x16xf32, #tpu.memory_space<vmem>>, %arg6: memref<8x128xf32, #tpu.memory_space<vmem>>, %arg7: memref<16x128xf32, #tpu.memory_space<vmem>>, %arg8: memref<8x128xf32, #tpu.memory_space<vmem>>, %arg9: memref<8x128xf32, #tpu.memory_space<vmem>>) attributes {dimension_semantics = [], scalar_prefetch = 0 : i64, scratch_operands = 0 : i64, tpu.core_type = #tpu.core_type<tc>} {
    %iota3A = tpu.iota {dimensions = array<i32: 0>} : vector<10240x1xi32>
    %lt3A = arith.constant 10000 : i32
    %lt3A_0 = vector.broadcast %lt3A : i32 to vector<10240x1xi32>
    %lt3A_1 = arith.cmpi slt, %iota3A, %lt3A_0 : vector<10240x1xi32>
    %get3A = arith.constant 0 : index
    %get3A_2 = arith.constant 0 : index
    %get3A_3 = arith.constant 0 : index
    %get3A_4 = vector.load %arg0[%get3A, %get3A_2, %get3A_3] : memref<2x10240x80xf32, #tpu.memory_space<vmem>>, vector<1x10240x80xf32>
    %get3A_5 = vector.shape_cast %get3A_4 : vector<1x10240x80xf32> to vector<10240x80xf32>
    %slice3A = vector.extract_strided_slice %get3A_5 {offsets = [0, 0], sizes = [10240, 64], strides = [1, 1]} : vector<10240x80xf32> to vector<10240x64xf32>
    %slice3A_6 = vector.extract_strided_slice %get3A_5 {offsets = [0, 64], sizes = [10240, 1], strides = [1, 1]} : vector<10240x80xf32> to vector<10240x1xf32>
    %add3A = arith.constant 1.000000e-16 : f32
    %add3A_7 = vector.broadcast %add3A : f32 to vector<10240x1xf32>
    %add3A_8 = arith.addf %slice3A_6, %add3A_7 : vector<10240x1xf32>
    %div3A = vector.broadcast %add3A_8 : vector<10240x1xf32> to vector<10240x64xf32>
    %div3A_9 = arith.divf %slice3A, %div3A : vector<10240x64xf32>
    %get3A_10 = arith.constant 0 : index
    %get3A_11 = arith.constant 0 : index
    %get3A_12 = vector.load %arg1[%get3A_10, %get3A_11] : memref<8x128xf32, #tpu.memory_space<vmem>>, vector<1x64xf32>
    %add3A_13 = vector.broadcast %get3A_12 : vector<1x64xf32> to vector<10240x64xf32>
    %add3A_14 = arith.addf %div3A_9, %add3A_13 : vector<10240x64xf32>
    %gt3A = arith.constant 0.000000e+00 : f32
    %gt3A_15 = vector.broadcast %gt3A : f32 to vector<10240x64xf32>
    %gt3A_16 = arith.cmpf ogt, %add3A_14, %gt3A_15 : vector<10240x64xf32>
    %min3A = arith.constant 0.000000e+00 : f32
    %min3A_17 = vector.broadcast %min3A : f32 to vector<10240x64xf32>
    %min3A_18 = arith.minimumf %add3A_14, %min3A_17 : vector<10240x64xf32>
    %exp3A = math.exp %min3A_18 : vector<10240x64xf32>
    %sub3A = arith.constant 1.000000e+00 : f32
    %sub3A_19 = vector.broadcast %sub3A : f32 to vector<10240x64xf32>
    %sub3A_20 = arith.subf %exp3A, %sub3A_19 : vector<10240x64xf32>
    %select_n3A = arith.select %gt3A_16, %add3A_14, %sub3A_20 : vector<10240x64xi1>, vector<10240x64xf32>
    %jit3A = arith.constant 0.000000e+00 : f32
    %broadcast_in_dim3A = vector.shape_cast %lt3A_1 : vector<10240x1xi1> to vector<10240x1xi1>
    %broadcast_in_dim3A_21 = vector.broadcast %broadcast_in_dim3A : vector<10240x1xi1> to vector<10240x64xi1>
    %broadcast_in_dim3A_22 = vector.broadcast %jit3A : f32 to vector<10240x64xf32>
    %select_n3A_23 = arith.select %broadcast_in_dim3A_21, %select_n3A, %broadcast_in_dim3A_22 : vector<10240x64xi1>, vector<10240x64xf32>
    %reduce_sum3A = arith.constant dense<0.000000e+00> : vector<64xf32>
    %reduce_sum3A_24 = vector.multi_reduction <add>, %select_n3A_23, %reduce_sum3A [0] : vector<10240x64xf32> to vector<64xf32>
    %broadcast_in_dim3A_25 = vector.shape_cast %reduce_sum3A_24 : vector<64xf32> to vector<1x64xf32>
    %mul3A = arith.constant 9.99999974E-5 : f32
    %mul3A_26 = vector.broadcast %mul3A : f32 to vector<1x64xf32>
    %mul3A_27 = arith.mulf %broadcast_in_dim3A_25, %mul3A_26 : vector<1x64xf32>
    %get3A_28 = arith.constant 0 : index
    %get3A_29 = arith.constant 0 : index
    %get3A_30 = vector.load %arg2[%get3A_28, %get3A_29] : memref<8x128xf32, #tpu.memory_space<vmem>>, vector<1x16xf32>
    %concatenate3A = tpu.concatenate %mul3A_27, %get3A_30 in 1 : vector<1x64xf32>, vector<1x16xf32> -> vector<1x80xf32>
    %get3A_31 = arith.constant 0 : index
    %get3A_32 = arith.constant 0 : index
    %get3A_33 = vector.load %arg3[%get3A_31, %get3A_32] : memref<80x64xf32, #tpu.memory_space<vmem>>, vector<80x64xf32>
    %dot_general3A = arith.constant dense<0.000000e+00> : vector<1x64xf32>
    %dot_general3A_34 = tpu.matmul %concatenate3A, %get3A_33, %dot_general3A {dimension_numbers = #tpu.dot_dimension_numbers<[1], [0], [0], [1], [0, 0, 1, 1], [], []>, transpose_lhs_hint = false} : vector<1x80xf32>, vector<80x64xf32>, vector<1x64xf32> -> vector<1x64xf32>
    %get3A_35 = arith.constant 0 : index
    %get3A_36 = arith.constant 0 : index
    %get3A_37 = vector.load %arg4[%get3A_35, %get3A_36] : memref<8x128xf32, #tpu.memory_space<vmem>>, vector<1x64xf32>
    %add3A_38 = arith.addf %dot_general3A_34, %get3A_37 : vector<1x64xf32>
    %get3A_39 = arith.constant 1 : index
    %get3A_40 = arith.constant 0 : index
    %get3A_41 = arith.constant 0 : index
    %get3A_42 = vector.load %arg0[%get3A_39, %get3A_40, %get3A_41] : memref<2x10240x80xf32, #tpu.memory_space<vmem>>, vector<1x10240x80xf32>
    %get3A_43 = vector.shape_cast %get3A_42 : vector<1x10240x80xf32> to vector<10240x80xf32>
    %slice3A_44 = vector.extract_strided_slice %get3A_43 {offsets = [0, 0], sizes = [10240, 64], strides = [1, 1]} : vector<10240x80xf32> to vector<10240x64xf32>
    %slice3A_45 = vector.extract_strided_slice %get3A_43 {offsets = [0, 64], sizes = [10240, 1], strides = [1, 1]} : vector<10240x80xf32> to vector<10240x1xf32>
    %add3A_46 = arith.constant 1.000000e-16 : f32
    %add3A_47 = vector.broadcast %add3A_46 : f32 to vector<10240x1xf32>
    %add3A_48 = arith.addf %slice3A_45, %add3A_47 : vector<10240x1xf32>
    %div3A_49 = vector.broadcast %add3A_48 : vector<10240x1xf32> to vector<10240x64xf32>
    %div3A_50 = arith.divf %slice3A_44, %div3A_49 : vector<10240x64xf32>
    %get3A_51 = arith.constant 0 : index
    %get3A_52 = arith.constant 0 : index
    %get3A_53 = vector.load %arg1[%get3A_51, %get3A_52] : memref<8x128xf32, #tpu.memory_space<vmem>>, vector<1x64xf32>
    %add3A_54 = vector.broadcast %get3A_53 : vector<1x64xf32> to vector<10240x64xf32>
    %add3A_55 = arith.addf %div3A_50, %add3A_54 : vector<10240x64xf32>
    %gt3A_56 = arith.constant 0.000000e+00 : f32
    %gt3A_57 = vector.broadcast %gt3A_56 : f32 to vector<10240x64xf32>
    %gt3A_58 = arith.cmpf ogt, %add3A_55, %gt3A_57 : vector<10240x64xf32>
    %min3A_59 = arith.constant 0.000000e+00 : f32
    %min3A_60 = vector.broadcast %min3A_59 : f32 to vector<10240x64xf32>
    %min3A_61 = arith.minimumf %add3A_55, %min3A_60 : vector<10240x64xf32>
    %exp3A_62 = math.exp %min3A_61 : vector<10240x64xf32>
    %sub3A_63 = arith.constant 1.000000e+00 : f32
    %sub3A_64 = vector.broadcast %sub3A_63 : f32 to vector<10240x64xf32>
    %sub3A_65 = arith.subf %exp3A_62, %sub3A_64 : vector<10240x64xf32>
    %select_n3A_66 = arith.select %gt3A_58, %add3A_55, %sub3A_65 : vector<10240x64xi1>, vector<10240x64xf32>
    %jit3A_67 = arith.constant 0.000000e+00 : f32
    %broadcast_in_dim3A_68 = vector.shape_cast %lt3A_1 : vector<10240x1xi1> to vector<10240x1xi1>
    %broadcast_in_dim3A_69 = vector.broadcast %broadcast_in_dim3A_68 : vector<10240x1xi1> to vector<10240x64xi1>
    %broadcast_in_dim3A_70 = vector.broadcast %jit3A_67 : f32 to vector<10240x64xf32>
    %select_n3A_71 = arith.select %broadcast_in_dim3A_69, %select_n3A_66, %broadcast_in_dim3A_70 : vector<10240x64xi1>, vector<10240x64xf32>
    %reduce_sum3A_72 = arith.constant dense<0.000000e+00> : vector<64xf32>
    %reduce_sum3A_73 = vector.multi_reduction <add>, %select_n3A_71, %reduce_sum3A_72 [0] : vector<10240x64xf32> to vector<64xf32>
    %broadcast_in_dim3A_74 = vector.shape_cast %reduce_sum3A_73 : vector<64xf32> to vector<1x64xf32>
    %mul3A_75 = arith.constant 9.99999974E-5 : f32
    %mul3A_76 = vector.broadcast %mul3A_75 : f32 to vector<1x64xf32>
    %mul3A_77 = arith.mulf %broadcast_in_dim3A_74, %mul3A_76 : vector<1x64xf32>
    %get3A_78 = arith.constant 1 : index
    %get3A_79 = arith.constant 0 : index
    %get3A_80 = vector.load %arg2[%get3A_78, %get3A_79] : memref<8x128xf32, #tpu.memory_space<vmem>>, vector<1x16xf32>
    %concatenate3A_81 = tpu.concatenate %mul3A_77, %get3A_80 in 1 : vector<1x64xf32>, vector<1x16xf32> -> vector<1x80xf32>
    %get3A_82 = arith.constant 0 : index
    %get3A_83 = arith.constant 0 : index
    %get3A_84 = vector.load %arg3[%get3A_82, %get3A_83] : memref<80x64xf32, #tpu.memory_space<vmem>>, vector<80x64xf32>
    %dot_general3A_85 = arith.constant dense<0.000000e+00> : vector<1x64xf32>
    %dot_general3A_86 = tpu.matmul %concatenate3A_81, %get3A_84, %dot_general3A_85 {dimension_numbers = #tpu.dot_dimension_numbers<[1], [0], [0], [1], [0, 0, 1, 1], [], []>, transpose_lhs_hint = false} : vector<1x80xf32>, vector<80x64xf32>, vector<1x64xf32> -> vector<1x64xf32>
    %get3A_87 = arith.constant 0 : index
    %get3A_88 = arith.constant 0 : index
    %get3A_89 = vector.load %arg4[%get3A_87, %get3A_88] : memref<8x128xf32, #tpu.memory_space<vmem>>, vector<1x64xf32>
    %add3A_90 = arith.addf %dot_general3A_86, %get3A_89 : vector<1x64xf32>
    %concatenate3A_91 = tpu.concatenate %add3A_38, %add3A_90 in 1 : vector<1x64xf32>, vector<1x64xf32> -> vector<1x128xf32>
    %get3A_92 = arith.constant 0 : index
    %get3A_93 = arith.constant 0 : index
    %get3A_94 = vector.load %arg5[%get3A_92, %get3A_93] : memref<128x16xf32, #tpu.memory_space<vmem>>, vector<128x16xf32>
    %dot_general3A_95 = arith.constant dense<0.000000e+00> : vector<1x16xf32>
    %dot_general3A_96 = tpu.matmul %concatenate3A_91, %get3A_94, %dot_general3A_95 {dimension_numbers = #tpu.dot_dimension_numbers<[1], [0], [0], [1], [0, 0, 1, 1], [], []>, transpose_lhs_hint = false} : vector<1x128xf32>, vector<128x16xf32>, vector<1x16xf32> -> vector<1x16xf32>
    %get3A_97 = arith.constant 0 : index
    %get3A_98 = arith.constant 0 : index
    %get3A_99 = vector.load %arg6[%get3A_97, %get3A_98] : memref<8x128xf32, #tpu.memory_space<vmem>>, vector<1x16xf32>
    %add3A_100 = arith.addf %dot_general3A_96, %get3A_99 : vector<1x16xf32>
    %max3A = arith.constant 0.000000e+00 : f32
    %max3A_101 = vector.broadcast %max3A : f32 to vector<1x16xf32>
    %max3A_102 = arith.maximumf %add3A_100, %max3A_101 : vector<1x16xf32>
    %get3A_103 = arith.constant 0 : index
    %get3A_104 = arith.constant 0 : index
    %get3A_105 = vector.load %arg7[%get3A_103, %get3A_104] : memref<16x128xf32, #tpu.memory_space<vmem>>, vector<16x128xf32>
    %dot_general3A_106 = arith.constant dense<0.000000e+00> : vector<1x128xf32>
    %dot_general3A_107 = tpu.matmul %max3A_102, %get3A_105, %dot_general3A_106 {dimension_numbers = #tpu.dot_dimension_numbers<[1], [0], [0], [1], [0, 0, 1, 1], [], []>, transpose_lhs_hint = false} : vector<1x16xf32>, vector<16x128xf32>, vector<1x128xf32> -> vector<1x128xf32>
    %get3A_108 = arith.constant 0 : index
    %get3A_109 = arith.constant 0 : index
    %get3A_110 = vector.load %arg8[%get3A_108, %get3A_109] : memref<8x128xf32, #tpu.memory_space<vmem>>, vector<1x128xf32>
    %add3A_111 = arith.addf %dot_general3A_107, %get3A_110 : vector<1x128xf32>
    %broadcast_in_dim3A_112 = vector.shape_cast %add3A_111 : vector<1x128xf32> to vector<1x128xf32>
    %broadcast_in_dim3A_113 = vector.broadcast %broadcast_in_dim3A_112 : vector<1x128xf32> to vector<8x128xf32>
    %swap3A = arith.constant 0 : index
    %swap3A_114 = arith.constant 0 : index
    %swap3A_115 = vector.load %arg9[%swap3A, %swap3A_114] : memref<8x128xf32, #tpu.memory_space<vmem>>, vector<8x128xf32>
    tpu.vector_store %arg9[%swap3A, %swap3A_114], %broadcast_in_dim3A_113 {strides = array<i32>} : memref<8x128xf32, #tpu.memory_space<vmem>>, vector<8x128xf32>,
    return
  }
}

</mosaic_0001>

<sc_bundles>
// kernel: kernel.12.cloned.1.call-start
scs
__scs_entry_jumppad:
0x0: {  	(pc) =	sbr.rel $0x88, $3  }
0x1: {  	(tag) =	ssettag $0x0;
	lr =	simm.s32 $0x1  }
0x2: {  	[smem:$0x3F81] =	sst lr;
	_ =	strace $0xD0000000  }
0x3: {  	_ = 	snop  }
0x4: {  	_ = 	snop  }
0x5: {  	_ = 	snop  }
0x6: {  	_ = 	snop  }
0x7: {  	_ = 	snop  }
__scs_overlays_trampoline_lowered:
0x8: {  	[smem:$0x3F90] =	sst s0  }
0x9: {  	[smem:$0x3F91] =	sst s1  }
0xa: {  	[smem:$0x3F92] =	sst s2  }
0xb: {  	[smem:$0x3F93] =	sst s3  }
0xc: {  	[smem:$0x3F94] =	sst s4  }
0xd: {  	[smem:$0x3F95] =	sst s5  }
0xe: {  	[smem:$0x3F96] =	sst s6  }
0xf: {  	[smem:$0x3F97] =	sst s7  }
0x10: {  	[smem:$0x3F98] =	sst s8  }
0x11: {  	[smem:$0x3F99] =	sst s9;
	s0 =	simm.s32 @!p0 $0x0  }
0x12: {  	s1 =	sld [smem:$0x3F7F];
	s0 =	simm.s32 @p0 $0x1  }
0x13: {  	[smem:$0x3F9A] =	sst s0;
	s0 =	simm.s32 @!p1 $0x0  }
0x14: {  	s2 =	sld [smem:$0x3F7E];
	s0 =	simm.s32 @p1 $0x1  }
0x15: {  	[smem:$0x3F9B] =	sst s0;
	s0 =	simm.s32 @!p2 $0x0  }
0x16: {  	s3 =	sld [smem:$0x3FDB];
	s0 =	simm.s32 @p2 $0x1  }
0x17: {  	s4 =	simm.s32 $0x1BF5;
	[smem:$0x3F9D] =	sst s0  }
0x18: {  	s0 =	sld [smem:$0x3F80];
	_ =	swait.ge [sflag:s4], $0x0  }
0x19: {  	s7 =	sld [smem:$0x3F81]  }
0x1a: {  	s8 =	sadd.s32 $0xFFFFE003, lr  }
0x1b: {  	s9 =	sadd.s32 $0xFFFFFEF7, lr;
	s5 =	simm.s32 $0xFFFFFFFF;
	p2 =	slt.u32 s8, $0xFFFFF086  }
0x1c: {  	p1 =	slt.u32 s9, $0xF7A;
	s5 =	simm.s32 @!p2 $0x0  }
0x1d: {  	s5 =	simm.s32 @p1 $0x1;
	p0 =	seq.s32 s7, s2  }
0x1e: {  	s7 =	smul.u32 @!p0 $0xF7A, s2;
	p2 =	seq.s32 @!p0 s5, $0x0  }
0x1f: {  	s9 =	smul.u32 $0xF7A, s1;
	s8 =	simm.s32 @!p0 $0x1BF5;
	p2 =	por !p2, p0  }
0x20: {  	[sflag:s8] =	ssyncset.s32 @!p0 $0xFFFFF086;
	s6 =	sadd.s32 @!p0 s3, s7;
	s7 =	simm.s32 @!p0 $0x108  }
0x21: {  	s3 =	sadd.s32 s3, s9;
	s6 =	sadd.s32 @!p0 $0x88, s6;
	s7 =	simm.s32 @p2 $0x1082  }
0x22: {  	[simem:s7], [sflag:s8] =	dma.local @!p0 [hbm:s6], $0xF7A  }
0x23: {  	s9 =	sor.u32 $0xD0000000, s2;
	s6 =	simm.s32 $0x108;
	_ =	swait.ge @!p0 [sflag:s8], $0x0  }
0x24: {  	s3 =	sadd.s32 $0x88, s3;
	s6 =	simm.s32 @!p1 $0x1082;
	[sflag:s4] =	ssyncset.s32 $0xFFFFF086  }
0x25: {  	[simem:s6], [sflag:s4] =	dma.local [hbm:s3], $0xF7A  }
0x26: {  	[smem:$0x3F81] =	sst s1;
	(tag) =	ssettag s2;
	_ =	strace s9  }
0x27: {  	s1 =	sld [smem:$0x3F91]  }
0x28: {  	s2 =	sld [smem:$0x3F92]  }
0x29: {  	s4 =	sld [smem:$0x3F94]  }
0x2a: {  	p0 =	seq.s32 s5, $0x0;
	s5 =	sld [smem:$0x3F95]  }
0x2b: {  	s6 =	sld [smem:$0x3F96]  }
0x2c: {  	s7 =	sld [smem:$0x3F97]  }
0x2d: {  	s3 =	simm.s32 $0x108;
	s8 =	sld [smem:$0x3F98]  }
0x2e: {  	s3 =	simm.s32 @!p0 $0x1082;
	s9 =	sld [smem:$0x3F99]  }
0x2f: {  	lr =	sadd.s32 s0, s3;
	s0 =	sld [smem:$0x3F90]  }
0x30: {  	s3 =	sld [smem:$0x3F93]  }
0x31: {  	[smem:$0x3F9C] =	sst s10  }
0x32: {  	s10 =	sld [smem:$0x3F9A];
	_ =	sdelay $0x3  }
0x33: {  	p0 =	seq.s32 s10, $0x1;
	s10 =	sld [smem:$0x3F9C];
	_ =	sdelay $0x3  }
0x34: {  	[smem:$0x3F9C] =	sst s10  }
0x35: {  	s10 =	sld [smem:$0x3F9B];
	_ =	sdelay $0x3  }
0x36: {  	p1 =	seq.s32 s10, $0x1;
	s10 =	sld [smem:$0x3F9C];
	_ =	sdelay $0x3  }
0x37: {  	[smem:$0x3F9C] =	sst s10  }
0x38: {  	s10 =	sld [smem:$0x3F9D]  }
0x39: {  	_ = 	snop;
	(pc) =	sbr.ind lr, $3  }
0x3a: {  	_ = 	snop  }
0x3b: {  	_ = 	snop  }
0x3c: {  	p2 =	seq.s32 s10, $0x1;
	s10 =	sld [smem:$0x3F9C]  }
0x3d: {  	_ =	shalt  }
0x3e: {  	_ =	shalt  }
0x3f: {  	_ =	shalt  }
0x40: {  	_ =	shalt  }
0x41: {  	_ =	shalt  }
0x42: {  	_ =	shalt  }
0x43: {  	_ =	shalt  }
0x44: {  	_ =	shalt  }
0x45: {  	_ =	shalt  }
0x46: {  	_ =	shalt  }
0x47: {  	_ =	shalt  }
0x48: {  	_ =	shalt  }
0x49: {  	_ =	shalt  }
0x4a: {  	_ =	shalt  }
0x4b: {  	_ =	shalt  }
0x4c: {  	_ =	shalt  }
0x4d: {  	_ =	shalt  }
0x4e: {  	_ =	shalt  }
0x4f: {  	_ =	shalt  }
0x50: {  	_ =	shalt  }
0x51: {  	_ =	shalt  }
0x52: {  	_ =	shalt  }
0x53: {  	_ =	shalt  }
0x54: {  	_ =	shalt  }
0x55: {  	_ =	shalt  }
0x56: {  	_ =	shalt  }
0x57: {  	_ =	shalt  }
0x58: {  	_ =	shalt  }
0x59: {  	_ =	shalt  }
0x5a: {  	_ =	shalt  }
0x5b: {  	_ =	shalt  }
0x5c: {  	_ =	shalt  }
0x5d: {  	_ =	shalt  }
0x5e: {  	_ =	shalt  }
0x5f: {  	_ =	shalt  }
0x60: {  	_ =	shalt  }
0x61: {  	_ =	shalt  }
0x62: {  	_ =	shalt  }
0x63: {  	_ =	shalt  }
0x64: {  	_ =	shalt  }
0x65: {  	_ =	shalt  }
0x66: {  	_ =	shalt  }
0x67: {  	_ =	shalt  }
0x68: {  	_ =	shalt  }
0x69: {  	_ =	shalt  }
0x6a: {  	_ =	shalt  }
0x6b: {  	_ =	shalt  }
0x6c: {  	_ =	shalt  }
0x6d: {  	_ =	shalt  }
0x6e: {  	_ =	shalt  }
0x6f: {  	_ =	shalt  }
0x70: {  	_ =	shalt  }
0x71: {  	_ =	shalt  }
0x72: {  	_ =	shalt  }
0x73: {  	_ =	shalt  }
0x74: {  	_ =	shalt  }
0x75: {  	_ =	shalt  }
0x76: {  	_ =	shalt  }
0x77: {  	_ =	shalt  }
0x78: {  	_ =	shalt  }
0x79: {  	_ =	shalt  }
0x7a: {  	_ =	shalt  }
0x7b: {  	_ =	shalt  }
0x7c: {  	_ =	shalt  }
0x7d: {  	_ =	shalt  }
0x7e: {  	_ =	shalt  }
0x7f: {  	_ =	shalt  }
0x80: {  	_ =	shalt  }
0x81: {  	_ =	shalt  }
0x82: {  	_ =	shalt  }
0x83: {  	_ =	shalt  }
0x84: {  	_ =	shalt  }
0x85: {  	_ =	shalt  }
0x86: {  	_ =	shalt  }
0x87: {  	_ =	shalt  }
.Lfunc_end0:
.L_simem_size_0:
called_computation.1_lowered:
.L_overlay_start_0:
0x88: {  	s2 =	sld [smem:$0x3FD9]  }
0x89: {  	s3 =	sld [smem:$0x3FFE];
	_ =	sdelay $0x1  }
0x8a: {  	s1 =	srdreg.scid  }
0x8b: {  	s0 =	sand.u32 $0x1, s1  }
0x8c: {  	s16 =	sshll.u32 s0, $0xA;
	s2 =	sadd.s32 s3, s2  }
0x8d: {  	s2 =	sadd.s32 s2, s16  }
0x8e: {  	[smem:$0x3FA8] =	sst s2  }
0x8f: {  	_ = 	snop  }
0x90: {  	(tm) =	ssettm $0x1  }
0x91: {  	s17 =	sld [smem:$0x3FFB];
	_ =	sdelay $0x3  }
0x92: {  	_ =	strace s17  }
0x93: {  	s2 =	sld [smem:$0x3FFC];
	_ =	sdelay $0x3  }
0x94: {  	_ =	strace s2  }
0x95: {  	s2 =	sld [smem:$0x3FFD];
	_ =	sdelay $0x3  }
0x96: {  	_ =	strace s2  }
0x97: {  	_ =	strace $0x8FFFFFFF  }
0x98: {  	s18 =	sld [smem:$0x3FDB];
	_ =	sdelay $0x1  }
0x99: {  	s19 =	simm.s32 $_scs_section_size  }
0x9a: {  	s4 =	simm.s32 $_size__tile_overlayer_lowered;
	s5 =	simm.s32 $_tile_overlayer_lowered  }
0x9b: {  	s22 =	simm.s32 $0x1BFF;
	s21 =	sshll.u32 s5, $0x1;
	s2 =	sadd.s32 s19, s18  }
0x9c: {  	s6 =	simm.s32 $0x0;
	s20 =	sshll.u32 s4, $0x1;
	s4 =	sadd.s32 s21, s2  }
0x9d: {  	[timem:s6], [sflag:s22] =	dma.local [hbm:s4], s20  }
0x9e: {  	_ =	swait.ge [sflag:s22], s20  }
0x9f: {  	s3 =	ssub.s32 $0x0, s20;
	[sflag:s22] =	ssyncset.done $0x0  }
0xa0: {  	[sflag:s22] =	ssyncadd.s32 s3;
	_ =	sdelay $0x1  }
0xa1: {  	s23 =	simm.s32 $0x1B8B  }
0xa2: {  	_ =	swait.ge [sflag:s23], $0x1  }
0xa3: {  	[sflag:s23] =	ssyncset.done $0x0  }
0xa4: {  	s25 =	simm.s32 $0x1B8E;
	s24 =	sld [smem:$0x3FFE];
	[sflag:s23] =	ssyncadd.s32 $0xFFFFFFFF  }
0xa5: {  	s26 =	simm.s32 $execute0_lowered;
	[smem:$0x3FD2] =	sst s25  }
0xa6: {  	s4 =	sshll.u32 s26, $0x1;
	_ =	strace $0x80000049;
	[dreg:$0x1] =	wrdreg $0xFFFFFFFF  }
0xa7: {  	s28 =	simm.s32 $_size_execute0_lowered;
	s2 =	sadd.s32 s2, s4;
	[dreg:$0x0] =	wrdreg $0x0  }
0xa8: {  	s4 =	sshll.u32 s28, $0x1;
	[dreg:$0x2] =	wrdreg s2  }
0xa9: {  	[dreg:$0x3] =	wrdreg s4  }
0xaa: {  	[dreg:$0x4] =	wrdreg $0xC0  }
0xab: {  	_ =	task [dreg:s6], $0x5FFFF  }
0xac: {  	[dreg:$0x1] =	wrdreg $0xFFFFFFFF  }
0xad: {  	[dreg:$0x0] =	wrdreg $0x60  }
0xae: {  	[dreg:$0x2] =	wrdreg s24  }
0xaf: {  	[dreg:$0x3] =	wrdreg $0x98D00  }
0xb0: {  	[dreg:$0x4] =	wrdreg $0x9  }
0xb1: {  	_ =	task.clear_ibuf [dreg:s6], $0x5FFFF;
	_ =	strace $0x90000049  }
0xb2: {  	s29 =	simm.s32 $0x9;
	_ =	strace $0x8000004B  }
0xb3: {  	_ =	swait.ge [sflag:s29], $0x1  }
0xb4: {  	[sflag:s29] =	ssyncadd.s32 $0xFFFFFFFF  }
0xb5: {  	_ =	strace $0x9000004B  }
0xb6: {  	_ =	sfence  }
0xb7: {  	s30 =	sld [smem:$0x0];
	_ =	sdelay $0x2  }
0xb8: {  	s31 =	sshll.u32 s1, $0xD;
	s1 =	sshrl.u32 s1, $0x2  }
0xb9: {  	s3 =	sand.u32 $0x4000, s31;
	s1 =	sadd.s32 s1, s30  }
0xba: {  	s0 =	sor.u32 s3, s0;
	s1 =	sshll.u32 s1, $0x11  }
0xbb: {  	s0 =	sor.u32 s1, s0  }
0xbc: {  	s0 =	sadd.s32 $0x8F2B, s0  }
0xbd: {  	[sflag:s0] =	ssyncadd.remote.s32 $0x1  }
0xbe: {  	_ =	sfence.sel $0xFFFF  }
0xbf: {  	[dreg:$0x0] =	wrdreg $0xFFFFFFFF;
	(pc) =	sbr.abs _section_cstart, $3  }
0xc0: {  	[dreg:$0x1] =	wrdreg $0xFFFFFFFF  }
0xc1: {  	_ =	task.clear_ibuf [dreg:s6], $0x2FFFF;
	_ =	strace $0x9FFFFFFF  }
0xc2: {  	(tm) =	ssettm $0x7FFFFFFF  }
0xc3: {  	_ =	shalt  }
tec
execute0_lowered:
.L_overlay_start_1:
0x0: {  	(tag) =	ssettag $0x1  }
0x1: {  	s0 =	rddreg [dreg:$0x0]  }
0x2: {  	s1 =	rddreg [dreg:$0x1]  }
0x3: {  	s2 =	srdreg.scid;
	s3 =	simm.s32 $0x0;
	s9 =	stileid.u32  }
0x4: {  	s28 =	simm.s32 $0x98C0;
	s29 =	simm.s32 $0x74C0;
	s30 =	simm.s32 $0x4E80  }
0x5: {  	s31 =	simm.s32 $0x4F40;
	s15 =	simm.s32 $0x0;
	s2 =	sand.u32 $0x1, s2  }
0x6: {  	[smem:$0x7FF] =	sst s3;
	s5 =	smul.u32 $0x278, s9;
	s4 =	sadd.s32 $0x40600, s0  }
0x7: {  	s11 =	sadd.s32 $0x3F000, s0;
	s10 =	smul.u32 $0x2800, s2;
	_ =	strace $0x8000004A  }
0x8: {  	s8 =	sshll.u32 s2, $0x4;
	s2 =	ssub.s32 $0x2, s2;
	[dreg:$0x3] =	wrdreg s11  }
0x9: {  	s8 =	sor.u32 s9, s8;
	s9 =	smul.u32 $0x58E00, s9;
	s18 =	sshrl.u32 s2, $0x1  }
0xa: {  	s6 =	sshrl.u32 s10, $0x3;
	s7 =	sadd.s32 s5, s10;
	s5 =	sadd.s32 $0x2000, s0  }
0xb: {  	s12 =	smul.u32 $0xF300, s8;
	s2 =	ssub.s32 s2, s18;
	v0 =	vmov s10;
	s10 =	simm.s32 $0x3  }
0xc: {  	s6 =	sadd.s32 s6, s0;
	s7 =	smul.u32 $0x12, s7;
	s19 =	sshrl.u32 s9, $0x2  }
0xd: {  	s24 =	smax.u32 s2, $0x1;
	s2 =	simm.s32 $0x50C0;
	s9 =	simm.s32 $0x2  }
0xe: {  	s20 =	sadd.s32 $0x3F200, s6;
	s8 =	sadd.s32 s19, s1;
	s21 =	sshrl.u32 s12, $0x3  }
0xf: {  	s6 =	sadd.s32 $0x3FC00, s6;
	s13 =	sadd.s32 $0x180, s12;
	[dreg:$0x9] =	wrdreg s24  }
0x10: {  	s14 =	sadd.s32 $0x240, s12;
	s12 =	simm.s32 $0x4;
	[dreg:$0x4] =	wrdreg s20  }
0x11: {  	s0 =	sadd.s32 s7, s0;
	[dreg:$0x5] =	wrdreg s6;
	s22 =	sadd.s32 $0x14400, s8  }
0x12: {  	s11 =	sadd.s32 s5, s21;
	s25 =	sadd.s32 $0x2400, s8;
	s26 =	sadd.s32 $0x4800, s8  }
0x13: {  	s19 =	sadd.s32 $0x6C00, s8;
	s20 =	sadd.s32 $0x9000, s8;
	s21 =	sadd.s32 $0xB400, s8  }
0x14: {  	s24 =	sadd.s32 $0x12000, s8;
	s6 =	simm.s32 $0x1;
	[dreg:$0x6] =	wrdreg s22  }
0x15: {  	s7 =	simm.s32 $0x5;
	s23 =	sadd.s32 $0x18, s11;
	[dreg:$0xa] =	wrdreg s25  }
0x16: {  	s0 =	sadd.s32 $0x9A600, s0;
	[dreg:$0xb] =	wrdreg s26;
	s22 =	sadd.s32 $0xD800, s8  }
0x17: {  	s25 =	simm.s32 $0x6;
	s26 =	simm.s32 $0x2740;
	[dreg:$0x7] =	wrdreg s23  }
0x18: {  	v1 =	vimm.f32 $0.0e+00;
	v2 =	vimm.s32 $0x1;
	[dreg:$0x8] =	wrdreg s0;
	s23 =	sadd.s32 $0xFC00, s8;
	s0 =	simm.s32 $0x40  }
.LBB2_1:
0x19: {  	s16 =	rddreg [dreg:$0x4]  }
0x1a: {  	[tilespmem:s3], [sflag:$0x6] =	stream.linear.gather [hbm4b:s16+s3], $0x2740, $0x38;
	[tilespmem:$0x1FC50] =	vst v63  }
0x1b: {  	_ =	swait.ge [sflag:s25], $0x2740  }
0x1c: {  	[sflag:s25] =	ssyncset.done $0x0  }
0x1d: {  	s17 =	rddreg [dreg:$0x5];
	[sflag:s25] =	ssyncadd.s32 $0xFFFFD8C0  }
0x1e: {  	[tilespmem:s26], [sflag:$0x6] =	stream.linear.gather [hbm4b:s17+s3], $0x2740, $0x38;
	[tilespmem:$0x1FC50] =	vst v63  }
0x1f: {  	_ =	swait.ge [sflag:s25], $0x2740  }
0x20: {  	[sflag:s25] =	ssyncset.done $0x0  }
0x21: {  	s18 =	rddreg [dreg:$0x3];
	[sflag:s25] =	ssyncadd.s32 $0xFFFFD8C0  }
0x22: {  	[tilespmem:s28], [sflag:$0x6] =	stream.linear.gather [hbm4b:s18+s3], $0x10, $0x38;
	[tilespmem:$0x1FC50] =	vst v63  }
0x23: {  	_ =	swait.ge [sflag:s25], $0x10  }
0x24: {  	[sflag:s25] =	ssyncset.done $0x0  }
0x25: {  	s16 =	simm.s32 $0x0;
	s17 =	simm.s32 $0x240;
	[sflag:s25] =	ssyncadd.s32 $0xFFFFFFF0  }
.LBB2_2:
0x26: {  	p0 =	sne.s32 s17, $0x8DC0;
	[tilespmem:s16+$0x7540] =	vst v1  }
0x27: {  	[tilespmem:s16+$0x74C0] =	vst v1  }
0x28: {  	[tilespmem:s16+$0x74D0] =	vst v1  }
0x29: {  	[tilespmem:s16+$0x74E0] =	vst v1  }
.Ltmp0:
0x2a: {  	[tilespmem:s16+$0x74F0] =	vst v1;
	(pc) =	sbr.rel @p0 .LBB2_2-.Ltmp0, $4  }
0x2b: {  	[tilespmem:s16+$0x7500] =	vst v1  }
0x2c: {  	[tilespmem:s16+$0x7510] =	vst v1  }
0x2d: {  	[tilespmem:s16+$0x7520] =	vst v1  }
0x2e: {  	[tilespmem:s16+$0x7530] =	vst v1;
	s16 =	sshra.s32 s17, $0x2;
	s17 =	sadd.s32 $0x240, s17  }
0x2f: {  	[tilespmem:s16+$0x7540] =	vst v1  }
0x30: {  	[tilespmem:s16+$0x74C0] =	vst v1  }
0x31: {  	[tilespmem:s16+$0x74D0] =	vst v1  }
0x32: {  	[tilespmem:s16+$0x74E0] =	vst v1  }
0x33: {  	[tilespmem:s16+$0x74F0] =	vst v1  }
0x34: {  	[tilespmem:s16+$0x7500] =	vst v1  }
0x35: {  	[tilespmem:s16+$0x7510] =	vst v1  }
0x36: {  	[tilespmem:s16+$0x7520] =	vst v1  }
0x37: {  	[tilespmem:s16+$0x7530] =	vst v1  }
0x38: {  	[spmem:s8] =	stream.linear.scatter [tilespmem:s29], [sflag:$0x6], $0x2400, $0x38;
	[tilespmem:$0x1FC50] =	vst v63  }
0x39: {  	_ =	swait.ge [sflag:s25], $0x2400  }
0x3a: {  	[sflag:s25] =	ssyncset.done $0x0  }
0x3b: {  	s18 =	rddreg [dreg:$0xa];
	[sflag:s25] =	ssyncadd.s32 $0xFFFFDC00  }
0x3c: {  	[spmem:s18] =	stream.linear.scatter [tilespmem:s29], [sflag:$0x6], $0x2400, $0x38;
	[tilespmem:$0x1FC50] =	vst v63  }
0x3d: {  	_ =	swait.ge [sflag:s25], $0x2400  }
0x3e: {  	[sflag:s25] =	ssyncset.done $0x0  }
0x3f: {  	s17 =	rddreg [dreg:$0xb];
	[sflag:s25] =	ssyncadd.s32 $0xFFFFDC00  }
0x40: {  	[spmem:s17] =	stream.linear.scatter [tilespmem:s29], [sflag:$0x6], $0x2400, $0x38;
	[tilespmem:$0x1FC50] =	vst v63  }
0x41: {  	_ =	swait.ge [sflag:s25], $0x2400  }
0x42: {  	[sflag:s25] =	ssyncset.done $0x0  }
0x43: {  	[sflag:s25] =	ssyncadd.s32 $0xFFFFDC00  }
0x44: {  	[spmem:s19] =	stream.linear.scatter [tilespmem:s29], [sflag:$0x6], $0x2400, $0x38;
	[tilespmem:$0x1FC50] =	vst v63  }
0x45: {  	_ =	swait.ge [sflag:s25], $0x2400  }
0x46: {  	[sflag:s25] =	ssyncset.done $0x0  }
0x47: {  	[sflag:s25] =	ssyncadd.s32 $0xFFFFDC00  }
0x48: {  	[spmem:s20] =	stream.linear.scatter [tilespmem:s29], [sflag:$0x6], $0x2400, $0x38;
	[tilespmem:$0x1FC50] =	vst v63  }
0x49: {  	_ =	swait.ge [sflag:s25], $0x2400  }
0x4a: {  	[sflag:s25] =	ssyncset.done $0x0  }
0x4b: {  	[sflag:s25] =	ssyncadd.s32 $0xFFFFDC00  }
0x4c: {  	[spmem:s21] =	stream.linear.scatter [tilespmem:s29], [sflag:$0x6], $0x2400, $0x38;
	[tilespmem:$0x1FC50] =	vst v63  }
0x4d: {  	_ =	swait.ge [sflag:s25], $0x2400  }
0x4e: {  	[sflag:s25] =	ssyncset.done $0x0  }
0x4f: {  	[sflag:s25] =	ssyncadd.s32 $0xFFFFDC00  }
0x50: {  	[spmem:s22] =	stream.linear.scatter [tilespmem:s29], [sflag:$0x6], $0x2400, $0x38;
	[tilespmem:$0x1FC50] =	vst v63  }
0x51: {  	_ =	swait.ge [sflag:s25], $0x2400  }
0x52: {  	[sflag:s25] =	ssyncset.done $0x0  }
0x53: {  	[sflag:s25] =	ssyncadd.s32 $0xFFFFDC00  }
0x54: {  	[spmem:s23] =	stream.linear.scatter [tilespmem:s29], [sflag:$0x6], $0x2400, $0x38;
	[tilespmem:$0x1FC50] =	vst v63  }
0x55: {  	_ =	swait.ge [sflag:s25], $0x2400  }
0x56: {  	[sflag:s25] =	ssyncset.done $0x0  }
0x57: {  	[sflag:s25] =	ssyncadd.s32 $0xFFFFDC00  }
0x58: {  	[spmem:s24] =	stream.linear.scatter [tilespmem:s29], [sflag:$0x6], $0x2400, $0x38;
	[tilespmem:$0x1FC50] =	vst v63  }
0x59: {  	_ =	swait.ge [sflag:s25], $0x2400  }
0x5a: {  	[sflag:s25] =	ssyncset.done $0x0  }
0x5b: {  	s18 =	rddreg [dreg:$0x6];
	[sflag:s25] =	ssyncadd.s32 $0xFFFFDC00  }
0x5c: {  	[spmem:s18] =	stream.linear.scatter [tilespmem:s29], [sflag:$0x6], $0x1F80, $0x38;
	[tilespmem:$0x1FC50] =	vst v63  }
0x5d: {  	_ =	swait.ge [sflag:s25], $0x1F80  }
0x5e: {  	[sflag:s25] =	ssyncset.done $0x0  }
0x5f: {  	[sflag:s25] =	ssyncadd.s32 $0xFFFFE080  }
0x60: {  	s16 =	simm.s32 $0x0;
	[bflag:$0x0] =	sbarrier.arrive $0xFFFF  }
0x61: {  	v3 =	vld.idx.msk [tilespmem:v2+s28+$0x0], $0xffff;
	[tilespmem:s30], [sflag:$0x6] =	stream.linear.gather [hbm4b:s11+s16], $0xC0, $0x38  }
0x62: {  	_ =	swait.ge [sflag:s25], $0xC0  }
0x63: {  	[sflag:s25] =	ssyncset.done $0x0  }
0x64: {  	s17 =	rddreg [dreg:$0x7];
	[sflag:s25] =	ssyncadd.s32 $0xFFFFFF40  }
0x65: {  	[tilespmem:s31], [sflag:$0x5] =	stream.linear.gather [hbm4b:s17+s16], $0xC0, $0x38;
	[tilespmem:$0x1FC50] =	vst v63  }
0x66: {  	_ = 	snop  }
0x67: {  	[tilespmem:s2], [sflag:$0x1] =	stream.indirect.gather [hbm4b:s4+s0], $0x90, s30, s0, $0xb8;
	[tilespmem:$0x1FC50] =	vst v63  }
.LBB2_4:
0x68: {  	v4 =	vld [tilespmem:$0x4E80];
	_ =	sdelay $0x2  }
0x69: {  	v6 =	vld [tilespmem:$0x4EC0];
	_ =	sdelay $0x1  }
0x6a: {  	v5 =	vsub.s32 v4, v0  }
0x6b: {  	v4 =	vand.u32 $0x7, v4;
	v5 =	vand.u32 $0xFFFFFFF8, v5  }
0x6c: {  	v4 =	vor.u32 v4, v5;
	_ =	sdelay $0x2  }
0x6d: {  	[tilespmem:$0x5000] =	vst v6;
	v5 =	vld [tilespmem:$0x4F00]  }
0x6e: {  	v6 =	vld.idx.msk [tilespmem:v6+s26+$0x0], $0xffff  }
0x6f: {  	v4 =	vld.idx.msk [tilespmem:v4+s3+$0x0], $0xffff;
	_ =	sdelay $0x4  }
0x70: {  	v5 =	vmul.f32 v5, v3;
	v4 =	vadd.f32 v6, v4;
	_ =	sdelay $0x1  }
0x71: {  	v4 =	vadd.f32 v4, v5;
	_ =	sdelay $0x1  }
0x72: {  	v5 =	vmul.f32 $2.000000030e-01, v4  }
0x73: {  	vm0 =	vgt.f32 v4, $0.0e+00  }
0x74: {  	v4 =	vsel vm0, v4, v5  }
0x75: {  	v4 =	vmul.f32 $1.442695020e+00, v4;
	_ =	sdelay $0x1  }
0x76: {  	(erf) = vpow2.f32 v4;
	v4 =	vld [tilespmem:$0x4E90];
	_ =	sdelay $0x2  }
0x77: {  	v57 =	vld [tilespmem:$0x4ED0];
	_ =	sdelay $0x1  }
0x78: {  	v5 =	vsub.s32 v4, v0  }
0x79: {  	v4 =	vand.u32 $0x7, v4;
	v5 =	vand.u32 $0xFFFFFFF8, v5  }
0x7a: {  	v4 =	vor.u32 v4, v5;
	_ =	sdelay $0x1  }
0x7b: {  	[tilespmem:$0x5010] =	vst v57;
	v5 =	vpop (erf)  }
0x7c: {  	[tilespmem:$0x5080] =	vst v5;
	v5 =	vld [tilespmem:$0x4F10]  }
0x7d: {  	v6 =	vld.idx.msk [tilespmem:v57+s26+$0x0], $0xffff  }
0x7e: {  	v4 =	vld.idx.msk [tilespmem:v4+s3+$0x0], $0xffff;
	_ =	sdelay $0x4  }
0x7f: {  	v5 =	vmul.f32 v5, v3;
	v4 =	vadd.f32 v6, v4;
	_ =	sdelay $0x1  }
0x80: {  	v4 =	vadd.f32 v4, v5;
	_ =	sdelay $0x1  }
0x81: {  	v5 =	vmul.f32 $2.000000030e-01, v4  }
0x82: {  	vm9 =	vgt.f32 v4, $0.0e+00  }
0x83: {  	v4 =	vsel vm9, v4, v5  }
0x84: {  	v4 =	vmul.f32 $1.442695020e+00, v4;
	_ =	sdelay $0x1  }
0x85: {  	(erf) = vpow2.f32 v4;
	v4 =	vld [tilespmem:$0x4EA0];
	_ =	sdelay $0x2  }
0x86: {  	v58 =	vld [tilespmem:$0x4EE0];
	_ =	sdelay $0x1  }
0x87: {  	v5 =	vsub.s32 v4, v0  }
0x88: {  	v4 =	vand.u32 $0x7, v4;
	v5 =	vand.u32 $0xFFFFFFF8, v5  }
0x89: {  	v4 =	vor.u32 v4, v5;
	_ =	sdelay $0x1  }
0x8a: {  	[tilespmem:$0x5020] =	vst v58;
	v5 =	vpop (erf)  }
0x8b: {  	[tilespmem:$0x5090] =	vst v5;
	v5 =	vld [tilespmem:$0x4F20]  }
0x8c: {  	v6 =	vld.idx.msk [tilespmem:v58+s26+$0x0], $0xffff  }
0x8d: {  	v4 =	vld.idx.msk [tilespmem:v4+s3+$0x0], $0xffff;
	_ =	sdelay $0x4  }
0x8e: {  	v5 =	vmul.f32 v5, v3;
	v4 =	vadd.f32 v6, v4;
	_ =	sdelay $0x1  }
0x8f: {  	v4 =	vadd.f32 v4, v5;
	_ =	sdelay $0x1  }
0x90: {  	v5 =	vmul.f32 $2.000000030e-01, v4  }
0x91: {  	vm10 =	vgt.f32 v4, $0.0e+00  }
0x92: {  	v4 =	vsel vm10, v4, v5  }
0x93: {  	v4 =	vmul.f32 $1.442695020e+00, v4;
	_ =	sdelay $0x1  }
0x94: {  	(erf) = vpow2.f32 v4;
	v4 =	vld [tilespmem:$0x4EB0];
	_ =	sdelay $0x2  }
0x95: {  	v59 =	vld [tilespmem:$0x4EF0];
	_ =	sdelay $0x1  }
0x96: {  	v5 =	vsub.s32 v4, v0  }
0x97: {  	v4 =	vand.u32 $0x7, v4;
	v5 =	vand.u32 $0xFFFFFFF8, v5  }
0x98: {  	v4 =	vor.u32 v4, v5;
	_ =	sdelay $0x1  }
0x99: {  	[tilespmem:$0x5030] =	vst v59;
	v5 =	vpop (erf)  }
0x9a: {  	[tilespmem:$0x50A0] =	vst v5;
	v5 =	vld [tilespmem:$0x4F30]  }
0x9b: {  	v6 =	vld.idx.msk [tilespmem:v59+s26+$0x0], $0xffff  }
0x9c: {  	v4 =	vld.idx.msk [tilespmem:v4+s3+$0x0], $0xffff;
	_ =	sdelay $0x4  }
0x9d: {  	v5 =	vmul.f32 v5, v3;
	v4 =	vadd.f32 v6, v4;
	_ =	sdelay $0x1  }
0x9e: {  	v4 =	vadd.f32 v4, v5;
	_ =	sdelay $0x1  }
0x9f: {  	v5 =	vmul.f32 $2.000000030e-01, v4  }
0xa0: {  	vm11 =	vgt.f32 v4, $0.0e+00  }
0xa1: {  	v4 =	vsel vm11, v4, v5  }
0xa2: {  	v4 =	vmul.f32 $1.442695020e+00, v4;
	_ =	sdelay $0x1  }
0xa3: {  	(erf) = vpow2.f32 v4;
	_ =	sdelay $0x8  }
0xa4: {  	v4 =	vpop (erf)  }
0xa5: {  	[tilespmem:$0x50B0] =	vst v4  }
0xa6: {  	_ =	swait.ge [sflag:s6], $0x2400  }
0xa7: {  	[sflag:s6] =	ssyncset.done $0x0  }
0xa8: {  	[sflag:s6] =	ssyncadd.s32 $0xFFFFDC00  }
0xa9: {  	_ =	swait.ge [sflag:s7], $0xC0  }
0xaa: {  	p0 =	seq.s32 s16, $0x0;
	[sflag:s7] =	ssyncset.done $0x0  }
0xab: {  	s18 =	smin.u32 s16, $0x141;
	s17 =	simm.s32 @!p0 $0x4;
	[sflag:s7] =	ssyncadd.s32 $0xFFFFFF40  }
0xac: {  	s18 =	smul.u32 $0xC0, s18;
	_ =	swait.ge @!p0 [sflag:s17], $0x2400  }
0xad: {  	[sflag:s17] =	ssyncset.done @!p0 $0x0  }
0xae: {  	[sflag:s17] =	ssyncadd.s32 @!p0 $0xFFFFDC00;
	s17 =	sadd.s32 s18, s13  }
0xaf: {  	[tilespmem:s29], [sflag:$0x2] =	stream.indirect.gather [hbm4b:s4+s0], $0x90, s31, s0, $0xb8;
	[tilespmem:$0x1FC50] =	vst v63  }
0xb0: {  	s17 =	sshrl.u32 s17, $0x3  }
0xb1: {  	s17 =	sadd.s32 s5, s17  }
0xb2: {  	[tilespmem:s30], [sflag:$0x5] =	stream.linear.gather [hbm4b:s17+s3], $0xC0, $0x38;
	[tilespmem:$0x1FC50] =	vst v63  }
0xb3: {  	_ = 	snop  }
0xb4: {  	[spmem:s1] =	stream.linear.scatter [tilespmem:s2], [sflag:$0x3], $0x2400, $0x38;
	[tilespmem:$0x1FC50] =	vst v63  }
0xb5: {  	v4 =	vld [tilespmem:$0x4F40];
	_ =	sdelay $0x2  }
0xb6: {  	v60 =	vld [tilespmem:$0x4F80];
	_ =	sdelay $0x1  }
0xb7: {  	v5 =	vsub.s32 v4, v0  }
0xb8: {  	v4 =	vand.u32 $0x7, v4;
	v5 =	vand.u32 $0xFFFFFFF8, v5  }
0xb9: {  	v4 =	vor.u32 v4, v5;
	_ =	sdelay $0x2  }
0xba: {  	[tilespmem:$0x5040] =	vst v60;
	v5 =	vld [tilespmem:$0x4FC0]  }
0xbb: {  	v6 =	vld.idx.msk [tilespmem:v60+s26+$0x0], $0xffff  }
0xbc: {  	v4 =	vld.idx.msk [tilespmem:v4+s3+$0x0], $0xffff;
	_ =	sdelay $0x4  }
0xbd: {  	v5 =	vmul.f32 v5, v3;
	v4 =	vadd.f32 v6, v4;
	_ =	sdelay $0x1  }
0xbe: {  	v4 =	vadd.f32 v4, v5;
	_ =	sdelay $0x1  }
0xbf: {  	v5 =	vmul.f32 $2.000000030e-01, v4  }
0xc0: {  	vm12 =	vgt.f32 v4, $0.0e+00  }
0xc1: {  	v4 =	vsel vm12, v4, v5  }
0xc2: {  	v4 =	vmul.f32 $1.442695020e+00, v4;
	_ =	sdelay $0x1  }
0xc3: {  	(erf) = vpow2.f32 v4;
	v4 =	vld [tilespmem:$0x4F50];
	_ =	sdelay $0x2  }
0xc4: {  	v61 =	vld [tilespmem:$0x4F90];
	_ =	sdelay $0x1  }
0xc5: {  	v5 =	vsub.s32 v4, v0  }
0xc6: {  	v4 =	vand.u32 $0x7, v4;
	v5 =	vand.u32 $0xFFFFFFF8, v5  }
0xc7: {  	v4 =	vor.u32 v4, v5;
	_ =	sdelay $0x1  }
0xc8: {  	[tilespmem:$0x5050] =	vst v61;
	v5 =	vpop (erf)  }
0xc9: {  	[tilespmem:$0x5080] =	vst v5;
	v5 =	vld [tilespmem:$0x4FD0]  }
0xca: {  	v6 =	vld.idx.msk [tilespmem:v61+s26+$0x0], $0xffff  }
0xcb: {  	v4 =	vld.idx.msk [tilespmem:v4+s3+$0x0], $0xffff;
	_ =	sdelay $0x4  }
0xcc: {  	v5 =	vmul.f32 v5, v3;
	v4 =	vadd.f32 v6, v4;
	_ =	sdelay $0x1  }
0xcd: {  	v4 =	vadd.f32 v4, v5;
	_ =	sdelay $0x1  }
0xce: {  	v5 =	vmul.f32 $2.000000030e-01, v4  }
0xcf: {  	vm13 =	vgt.f32 v4, $0.0e+00  }
0xd0: {  	v4 =	vsel vm13, v4, v5  }
0xd1: {  	v4 =	vmul.f32 $1.442695020e+00, v4;
	_ =	sdelay $0x1  }
0xd2: {  	(erf) = vpow2.f32 v4;
	v4 =	vld [tilespmem:$0x4F60];
	_ =	sdelay $0x2  }
0xd3: {  	v62 =	vld [tilespmem:$0x4FA0];
	_ =	sdelay $0x1  }
0xd4: {  	v5 =	vsub.s32 v4, v0  }
0xd5: {  	v4 =	vand.u32 $0x7, v4;
	v5 =	vand.u32 $0xFFFFFFF8, v5  }
0xd6: {  	v4 =	vor.u32 v4, v5;
	_ =	sdelay $0x1  }
0xd7: {  	[tilespmem:$0x5060] =	vst v62;
	v5 =	vpop (erf)  }
0xd8: {  	[tilespmem:$0x5090] =	vst v5;
	v5 =	vld [tilespmem:$0x4FE0]  }
0xd9: {  	v6 =	vld.idx.msk [tilespmem:v62+s26+$0x0], $0xffff  }
0xda: {  	v4 =	vld.idx.msk [tilespmem:v4+s3+$0x0], $0xffff;
	_ =	sdelay $0x4  }
0xdb: {  	v5 =	vmul.f32 v5, v3;
	v4 =	vadd.f32 v6, v4;
	_ =	sdelay $0x1  }
0xdc: {  	v4 =	vadd.f32 v4, v5;
	_ =	sdelay $0x1  }
0xdd: {  	v5 =	vmul.f32 $2.000000030e-01, v4  }
0xde: {  	vm14 =	vgt.f32 v4, $0.0e+00  }
0xdf: {  	v4 =	vsel vm14, v4, v5  }
0xe0: {  	v4 =	vmul.f32 $1.442695020e+00, v4;
	_ =	sdelay $0x1  }
0xe1: {  	(erf) = vpow2.f32 v4;
	v4 =	vld [tilespmem:$0x4F70];
	_ =	sdelay $0x2  }
0xe2: {  	v63 =	vld [tilespmem:$0x4FB0];
	_ =	sdelay $0x1  }
0xe3: {  	v5 =	vsub.s32 v4, v0  }
0xe4: {  	v4 =	vand.u32 $0x7, v4;
	v5 =	vand.u32 $0xFFFFFFF8, v5  }
0xe5: {  	v4 =	vor.u32 v4, v5;
	_ =	sdelay $0x1  }
0xe6: {  	[tilespmem:$0x5070] =	vst v63;
	v5 =	vpop (erf)  }
0xe7: {  	[tilespmem:$0x50A0] =	vst v5;
	v5 =	vld [tilespmem:$0x4FF0]  }
0xe8: {  	v6 =	vld.idx.msk [tilespmem:v63+s26+$0x0], $0xffff  }
0xe9: {  	v4 =	vld.idx.msk [tilespmem:v4+s3+$0x0], $0xffff;
	_ =	sdelay $0x4  }
0xea: {  	v5 =	vmul.f32 v5, v3;
	v4 =	vadd.f32 v6, v4;
	_ =	sdelay $0x1  }
0xeb: {  	v4 =	vadd.f32 v4, v5;
	_ =	sdelay $0x1  }
0xec: {  	v5 =	vmul.f32 $2.000000030e-01, v4  }
0xed: {  	vm15 =	vgt.f32 v4, $0.0e+00  }
0xee: {  	v4 =	vsel vm15, v4, v5  }
0xef: {  	v4 =	vmul.f32 $1.442695020e+00, v4;
	_ =	sdelay $0x1  }
0xf0: {  	(erf) = vpow2.f32 v4;
	_ =	sdelay $0x8  }
0xf1: {  	v4 =	vpop (erf)  }
0xf2: {  	[tilespmem:$0x50B0] =	vst v4  }
0xf3: {  	_ =	swait.ge [sflag:s9], $0x2400  }
0xf4: {  	[sflag:s9] =	ssyncset.done $0x0  }
0xf5: {  	[sflag:s9] =	ssyncadd.s32 $0xFFFFDC00  }
0xf6: {  	_ =	swait.ge [sflag:s7], $0xC0  }
0xf7: {  	[sflag:s7] =	ssyncset.done $0x0  }
0xf8: {  	s18 =	smin.u32 s16, $0x140;
	[sflag:s7] =	ssyncadd.s32 $0xFFFFFF40  }
0xf9: {  	s17 =	smul.u32 $0xC0, s18;
	_ =	swait.ge [sflag:s10], $0x2400  }
0xfa: {  	s16 =	sadd.s32 $0x2, s16;
	[sflag:s10] =	ssyncset.done $0x0  }
0xfb: {  	p0 =	sne.s32 s16, $0x144;
	s17 =	sadd.s32 s17, s14;
	[sflag:s10] =	ssyncadd.s32 $0xFFFFDC00  }
0xfc: {  	[tilespmem:s2], [sflag:$0x1] =	stream.indirect.gather [hbm4b:s4+s0], $0x90, s30, s0, $0xb8;
	[tilespmem:$0x1FC50] =	vst v63  }
.Ltmp1:
0xfd: {  	s17 =	sshrl.u32 s17, $0x3;
	(pc) =	sbr.rel @p0 .LBB2_4-.Ltmp1, $4  }
0xfe: {  	s17 =	sadd.s32 s5, s17  }
0xff: {  	[tilespmem:s31], [sflag:$0x5] =	stream.linear.gather [hbm4b:s17+s3], $0xC0, $0x38;
	[tilespmem:$0x1FC50] =	vst v63  }
0x100: {  	_ = 	snop  }
0x101: {  	[spmem:s1] =	stream.linear.scatter [tilespmem:s29], [sflag:$0x4], $0x2400, $0x38;
	[tilespmem:$0x1FC50] =	vst v63  }
0x102: {  	_ =	swait.ge [sflag:s12], $0x2400  }
0x103: {  	[sflag:s12] =	ssyncset.done $0x0  }
0x104: {  	[sflag:s12] =	ssyncadd.s32 $0xFFFFDC00  }
0x105: {  	_ =	swait.ge [sflag:s6], $0x2400  }
0x106: {  	[sflag:s6] =	ssyncset.done $0x0  }
0x107: {  	[sflag:s6] =	ssyncadd.s32 $0xFFFFDC00  }
0x108: {  	_ =	swait.ge [sflag:s7], $0xC0  }
0x109: {  	[sflag:s7] =	ssyncset.done $0x0  }
0x10a: {  	s16 =	stileid.u32;
	[sflag:s7] =	ssyncadd.s32 $0xFFFFFF40  }
0x10b: {  	s16 =	sshll.u32 s16, $0x6;
	[bflag:$0x0] =	sbarrier.arrive $0xFFFF  }
0x10c: {  	s17 =	sshrl.u32 s8, $0x3;
	s16 =	sor.u32 $0x1C06, s16;
	s18 =	rddreg [dreg:$0x8]  }
0x10d: {  	[hbm:s18], [sflag:s16] =	dma.local [spmem:s17], $0x2C70  }
0x10e: {  	_ =	swait.ge [sflag:s25], $0x2C70  }
0x10f: {  	s15 =	sadd.s32 $0x1, s15;
	s18 =	rddreg [dreg:$0x9]  }
0x110: {  	p0 =	sne.s32 s15, s18  }
.Ltmp2:
0x111: {  	_ = 	snop;
	(pc) =	sbr.rel @p0 .LBB2_1-.Ltmp2, $3  }
0x112: {  	_ =	sdelay $0x1  }
0x113: {  	[sflag:s25] =	ssyncset.done $0x0  }
0x114: {  	[sflag:s25] =	ssyncadd.s32 $0xFFFFD390  }
0x115: {  	_ =	sfence.sel $0x180000  }
0x116: {  	[bflag:$0x0] =	sbarrier.arrive $0xFFFF  }
0x117: {  	_ =	strace $0x9000004A  }
0x118: {  	s0 =	stileid.u32;
	[bflag:$0x2] =	sbarrier.arrive $0xFFFF  }
0x119: {  	p0 =	sne.s32 s0, $0x0;
	s0 =	rddreg [dreg:$0x2]  }
0x11a: {  	s0 =	sadd.s32 @!p0 $0x100000, s0  }
0x11b: {  	[sflag:s0] =	ssyncadd.tile.s32 @!p0 $0x1;
	_ =	shalt  }
.Lfunc_end2:
_tile_overlayer_lowered:
.L_overlay_start_2:
0x11c: {  	(tag) =	ssettag $0x2  }
0x11d: {  	s0 =	rddreg [dreg:$0x0];
	s2 =	stileid.u32  }
0x11e: {  	s1 =	rddreg [dreg:$0x1];
	p0 =	sne.s32 s2, $0x0  }
0x11f: {  	s3 =	rddreg [dreg:$0x2];
	[bflag:$0x3] =	sbarrier.arrive $0xFFFF;
	s2 =	simm.s32 @!p0 $0x1C06  }
0x120: {  	[timem:s3], [sflag:s2] =	dma.local @!p0 [hbm:s0], s1  }
0x121: {  	s0 =	simm.s32 @!p0 $0x6  }
0x122: {  	_ =	swait.ge @!p0 [sflag:s0], s1  }
0x123: {  	s1 =	ssub.s32 @!p0 $0x0, s1;
	[sflag:s0] =	ssyncset.done @!p0 $0x0  }
0x124: {  	[sflag:s0] =	ssyncadd.s32 @!p0 s1  }
0x125: {  	[bflag:$0x3] =	sbarrier.arrive $0xFFFF  }
0x126: {  	_ =	shalt  }

// kernel: kernel.15.cloned.1.call-start
scs
__scs_entry_jumppad:
0x0: {  	(pc) =	sbr.rel $0x88, $3  }
0x1: {  	(tag) =	ssettag $0x0;
	lr =	simm.s32 $0x1  }
0x2: {  	[smem:$0x3F81] =	sst lr;
	_ =	strace $0xD0000000  }
0x3: {  	_ = 	snop  }
0x4: {  	_ = 	snop  }
0x5: {  	_ = 	snop  }
0x6: {  	_ = 	snop  }
0x7: {  	_ = 	snop  }
__scs_overlays_trampoline_lowered:
0x8: {  	[smem:$0x3F90] =	sst s0  }
0x9: {  	[smem:$0x3F91] =	sst s1  }
0xa: {  	[smem:$0x3F92] =	sst s2  }
0xb: {  	[smem:$0x3F93] =	sst s3  }
0xc: {  	[smem:$0x3F94] =	sst s4  }
0xd: {  	[smem:$0x3F95] =	sst s5  }
0xe: {  	[smem:$0x3F96] =	sst s6  }
0xf: {  	[smem:$0x3F97] =	sst s7  }
0x10: {  	[smem:$0x3F98] =	sst s8  }
0x11: {  	[smem:$0x3F99] =	sst s9;
	s0 =	simm.s32 @!p0 $0x0  }
0x12: {  	s1 =	sld [smem:$0x3F7F];
	s0 =	simm.s32 @p0 $0x1  }
0x13: {  	[smem:$0x3F9A] =	sst s0;
	s0 =	simm.s32 @!p1 $0x0  }
0x14: {  	s2 =	sld [smem:$0x3F7E];
	s0 =	simm.s32 @p1 $0x1  }
0x15: {  	[smem:$0x3F9B] =	sst s0;
	s0 =	simm.s32 @!p2 $0x0  }
0x16: {  	s3 =	sld [smem:$0x3FDB];
	s0 =	simm.s32 @p2 $0x1  }
0x17: {  	s4 =	simm.s32 $0x1BF5;
	[smem:$0x3F9D] =	sst s0  }
0x18: {  	s0 =	sld [smem:$0x3F80];
	_ =	swait.ge [sflag:s4], $0x0  }
0x19: {  	s7 =	sld [smem:$0x3F81]  }
0x1a: {  	s8 =	sadd.s32 $0xFFFFE003, lr  }
0x1b: {  	s9 =	sadd.s32 $0xFFFFFEF7, lr;
	s5 =	simm.s32 $0xFFFFFFFF;
	p2 =	slt.u32 s8, $0xFFFFF086  }
0x1c: {  	p1 =	slt.u32 s9, $0xF7A;
	s5 =	simm.s32 @!p2 $0x0  }
0x1d: {  	s5 =	simm.s32 @p1 $0x1;
	p0 =	seq.s32 s7, s2  }
0x1e: {  	s7 =	smul.u32 @!p0 $0xF7A, s2;
	p2 =	seq.s32 @!p0 s5, $0x0  }
0x1f: {  	s9 =	smul.u32 $0xF7A, s1;
	s8 =	simm.s32 @!p0 $0x1BF5;
	p2 =	por !p2, p0  }
0x20: {  	[sflag:s8] =	ssyncset.s32 @!p0 $0xFFFFF086;
	s6 =	sadd.s32 @!p0 s3, s7;
	s7 =	simm.s32 @!p0 $0x108  }
0x21: {  	s3 =	sadd.s32 s3, s9;
	s6 =	sadd.s32 @!p0 $0x88, s6;
	s7 =	simm.s32 @p2 $0x1082  }
0x22: {  	[simem:s7], [sflag:s8] =	dma.local @!p0 [hbm:s6], $0xF7A  }
0x23: {  	s9 =	sor.u32 $0xD0000000, s2;
	s6 =	simm.s32 $0x108;
	_ =	swait.ge @!p0 [sflag:s8], $0x0  }
0x24: {  	s3 =	sadd.s32 $0x88, s3;
	s6 =	simm.s32 @!p1 $0x1082;
	[sflag:s4] =	ssyncset.s32 $0xFFFFF086  }
0x25: {  	[simem:s6], [sflag:s4] =	dma.local [hbm:s3], $0xF7A  }
0x26: {  	[smem:$0x3F81] =	sst s1;
	(tag) =	ssettag s2;
	_ =	strace s9  }
0x27: {  	s1 =	sld [smem:$0x3F91]  }
0x28: {  	s2 =	sld [smem:$0x3F92]  }
0x29: {  	s4 =	sld [smem:$0x3F94]  }
0x2a: {  	p0 =	seq.s32 s5, $0x0;
	s5 =	sld [smem:$0x3F95]  }
0x2b: {  	s6 =	sld [smem:$0x3F96]  }
0x2c: {  	s7 =	sld [smem:$0x3F97]  }
0x2d: {  	s3 =	simm.s32 $0x108;
	s8 =	sld [smem:$0x3F98]  }
0x2e: {  	s3 =	simm.s32 @!p0 $0x1082;
	s9 =	sld [smem:$0x3F99]  }
0x2f: {  	lr =	sadd.s32 s0, s3;
	s0 =	sld [smem:$0x3F90]  }
0x30: {  	s3 =	sld [smem:$0x3F93]  }
0x31: {  	[smem:$0x3F9C] =	sst s10  }
0x32: {  	s10 =	sld [smem:$0x3F9A];
	_ =	sdelay $0x3  }
0x33: {  	p0 =	seq.s32 s10, $0x1;
	s10 =	sld [smem:$0x3F9C];
	_ =	sdelay $0x3  }
0x34: {  	[smem:$0x3F9C] =	sst s10  }
0x35: {  	s10 =	sld [smem:$0x3F9B];
	_ =	sdelay $0x3  }
0x36: {  	p1 =	seq.s32 s10, $0x1;
	s10 =	sld [smem:$0x3F9C];
	_ =	sdelay $0x3  }
0x37: {  	[smem:$0x3F9C] =	sst s10  }
0x38: {  	s10 =	sld [smem:$0x3F9D]  }
0x39: {  	_ = 	snop;
	(pc) =	sbr.ind lr, $3  }
0x3a: {  	_ = 	snop  }
0x3b: {  	_ = 	snop  }
0x3c: {  	p2 =	seq.s32 s10, $0x1;
	s10 =	sld [smem:$0x3F9C]  }
0x3d: {  	_ =	shalt  }
0x3e: {  	_ =	shalt  }
0x3f: {  	_ =	shalt  }
0x40: {  	_ =	shalt  }
0x41: {  	_ =	shalt  }
0x42: {  	_ =	shalt  }
0x43: {  	_ =	shalt  }
0x44: {  	_ =	shalt  }
0x45: {  	_ =	shalt  }
0x46: {  	_ =	shalt  }
0x47: {  	_ =	shalt  }
0x48: {  	_ =	shalt  }
0x49: {  	_ =	shalt  }
0x4a: {  	_ =	shalt  }
0x4b: {  	_ =	shalt  }
0x4c: {  	_ =	shalt  }
0x4d: {  	_ =	shalt  }
0x4e: {  	_ =	shalt  }
0x4f: {  	_ =	shalt  }
0x50: {  	_ =	shalt  }
0x51: {  	_ =	shalt  }
0x52: {  	_ =	shalt  }
0x53: {  	_ =	shalt  }
0x54: {  	_ =	shalt  }
0x55: {  	_ =	shalt  }
0x56: {  	_ =	shalt  }
0x57: {  	_ =	shalt  }
0x58: {  	_ =	shalt  }
0x59: {  	_ =	shalt  }
0x5a: {  	_ =	shalt  }
0x5b: {  	_ =	shalt  }
0x5c: {  	_ =	shalt  }
0x5d: {  	_ =	shalt  }
0x5e: {  	_ =	shalt  }
0x5f: {  	_ =	shalt  }
0x60: {  	_ =	shalt  }
0x61: {  	_ =	shalt  }
0x62: {  	_ =	shalt  }
0x63: {  	_ =	shalt  }
0x64: {  	_ =	shalt  }
0x65: {  	_ =	shalt  }
0x66: {  	_ =	shalt  }
0x67: {  	_ =	shalt  }
0x68: {  	_ =	shalt  }
0x69: {  	_ =	shalt  }
0x6a: {  	_ =	shalt  }
0x6b: {  	_ =	shalt  }
0x6c: {  	_ =	shalt  }
0x6d: {  	_ =	shalt  }
0x6e: {  	_ =	shalt  }
0x6f: {  	_ =	shalt  }
0x70: {  	_ =	shalt  }
0x71: {  	_ =	shalt  }
0x72: {  	_ =	shalt  }
0x73: {  	_ =	shalt  }
0x74: {  	_ =	shalt  }
0x75: {  	_ =	shalt  }
0x76: {  	_ =	shalt  }
0x77: {  	_ =	shalt  }
0x78: {  	_ =	shalt  }
0x79: {  	_ =	shalt  }
0x7a: {  	_ =	shalt  }
0x7b: {  	_ =	shalt  }
0x7c: {  	_ =	shalt  }
0x7d: {  	_ =	shalt  }
0x7e: {  	_ =	shalt  }
0x7f: {  	_ =	shalt  }
0x80: {  	_ =	shalt  }
0x81: {  	_ =	shalt  }
0x82: {  	_ =	shalt  }
0x83: {  	_ =	shalt  }
0x84: {  	_ =	shalt  }
0x85: {  	_ =	shalt  }
0x86: {  	_ =	shalt  }
0x87: {  	_ =	shalt  }
.Lfunc_end0:
.L_simem_size_0:
called_computation.2_lowered:
.L_overlay_start_0:
0x88: {  	s2 =	sld [smem:$0x3FD9]  }
0x89: {  	s3 =	sld [smem:$0x3FFE];
	_ =	sdelay $0x1  }
0x8a: {  	s1 =	srdreg.scid  }
0x8b: {  	s0 =	sand.u32 $0x1, s1  }
0x8c: {  	s16 =	sshll.u32 s0, $0xA;
	s2 =	sadd.s32 s3, s2  }
0x8d: {  	s2 =	sadd.s32 s2, s16  }
0x8e: {  	[smem:$0x3FA8] =	sst s2  }
0x8f: {  	_ = 	snop  }
0x90: {  	(tm) =	ssettm $0x1  }
0x91: {  	s17 =	sld [smem:$0x3FFB];
	_ =	sdelay $0x3  }
0x92: {  	_ =	strace s17  }
0x93: {  	s2 =	sld [smem:$0x3FFC];
	_ =	sdelay $0x3  }
0x94: {  	_ =	strace s2  }
0x95: {  	s2 =	sld [smem:$0x3FFD];
	_ =	sdelay $0x3  }
0x96: {  	_ =	strace s2  }
0x97: {  	_ =	strace $0x8FFFFFFF  }
0x98: {  	s18 =	sld [smem:$0x3FDB];
	_ =	sdelay $0x1  }
0x99: {  	s19 =	simm.s32 $_scs_section_size  }
0x9a: {  	s4 =	simm.s32 $_size__tile_overlayer_lowered;
	s5 =	simm.s32 $_tile_overlayer_lowered  }
0x9b: {  	s22 =	simm.s32 $0x1BFF;
	s21 =	sshll.u32 s5, $0x1;
	s2 =	sadd.s32 s19, s18  }
0x9c: {  	s6 =	simm.s32 $0x0;
	s20 =	sshll.u32 s4, $0x1;
	s4 =	sadd.s32 s21, s2  }
0x9d: {  	[timem:s6], [sflag:s22] =	dma.local [hbm:s4], s20  }
0x9e: {  	_ =	swait.ge [sflag:s22], s20  }
0x9f: {  	s3 =	ssub.s32 $0x0, s20;
	[sflag:s22] =	ssyncset.done $0x0  }
0xa0: {  	[sflag:s22] =	ssyncadd.s32 s3;
	_ =	sdelay $0x1  }
0xa1: {  	s23 =	simm.s32 $0x1B8B  }
0xa2: {  	_ =	swait.ge [sflag:s23], $0x1  }
0xa3: {  	[sflag:s23] =	ssyncset.done $0x0  }
0xa4: {  	s25 =	simm.s32 $0x1B8E;
	s24 =	sld [smem:$0x3FFE];
	[sflag:s23] =	ssyncadd.s32 $0xFFFFFFFF  }
0xa5: {  	s26 =	simm.s32 $execute0_lowered;
	[smem:$0x3FD2] =	sst s25  }
0xa6: {  	s4 =	sshll.u32 s26, $0x1;
	_ =	strace $0x8000004C;
	[dreg:$0x1] =	wrdreg $0xFFFFFFFF  }
0xa7: {  	s28 =	simm.s32 $_size_execute0_lowered;
	s2 =	sadd.s32 s2, s4;
	[dreg:$0x0] =	wrdreg $0x0  }
0xa8: {  	s4 =	sshll.u32 s28, $0x1;
	[dreg:$0x2] =	wrdreg s2  }
0xa9: {  	[dreg:$0x3] =	wrdreg s4  }
0xaa: {  	[dreg:$0x4] =	wrdreg $0xC0  }
0xab: {  	_ =	task [dreg:s6], $0x5FFFF  }
0xac: {  	[dreg:$0x1] =	wrdreg $0xFFFFFFFF  }
0xad: {  	[dreg:$0x0] =	wrdreg $0x60  }
0xae: {  	[dreg:$0x2] =	wrdreg s24  }
0xaf: {  	[dreg:$0x3] =	wrdreg $0x78D00  }
0xb0: {  	[dreg:$0x4] =	wrdreg $0x9  }
0xb1: {  	_ =	task.clear_ibuf [dreg:s6], $0x5FFFF;
	_ =	strace $0x9000004C  }
0xb2: {  	s29 =	simm.s32 $0x9;
	_ =	strace $0x8000004E  }
0xb3: {  	_ =	swait.ge [sflag:s29], $0x1  }
0xb4: {  	[sflag:s29] =	ssyncadd.s32 $0xFFFFFFFF  }
0xb5: {  	_ =	strace $0x9000004E  }
0xb6: {  	_ =	sfence  }
0xb7: {  	s30 =	sld [smem:$0x0];
	_ =	sdelay $0x2  }
0xb8: {  	s31 =	sshll.u32 s1, $0xD;
	s1 =	sshrl.u32 s1, $0x2  }
0xb9: {  	s3 =	sand.u32 $0x4000, s31;
	s1 =	sadd.s32 s1, s30  }
0xba: {  	s0 =	sor.u32 s3, s0;
	s1 =	sshll.u32 s1, $0x11  }
0xbb: {  	s0 =	sor.u32 s1, s0  }
0xbc: {  	s0 =	sadd.s32 $0x8F2B, s0  }
0xbd: {  	[sflag:s0] =	ssyncadd.remote.s32 $0x1  }
0xbe: {  	_ =	sfence.sel $0xFFFF  }
0xbf: {  	[dreg:$0x0] =	wrdreg $0xFFFFFFFF;
	(pc) =	sbr.abs _section_cstart, $3  }
0xc0: {  	[dreg:$0x1] =	wrdreg $0xFFFFFFFF  }
0xc1: {  	_ =	task.clear_ibuf [dreg:s6], $0x2FFFF;
	_ =	strace $0x9FFFFFFF  }
0xc2: {  	(tm) =	ssettm $0x7FFFFFFF  }
0xc3: {  	_ =	shalt  }
tec
execute0_lowered:
.L_overlay_start_1:
0x0: {  	(tag) =	ssettag $0x1  }
0x1: {  	s0 =	rddreg [dreg:$0x0]  }
0x2: {  	s1 =	rddreg [dreg:$0x1]  }
0x3: {  	s2 =	srdreg.scid;
	s3 =	simm.s32 $0x0;
	s9 =	stileid.u32  }
0x4: {  	s28 =	simm.s32 $0x78C0;
	s29 =	simm.s32 $0x64C0;
	s30 =	simm.s32 $0x4E80  }
0x5: {  	s31 =	simm.s32 $0x4F40;
	s15 =	simm.s32 $0x0;
	s2 =	sand.u32 $0x1, s2  }
0x6: {  	[smem:$0x7FF] =	sst s3;
	s5 =	smul.u32 $0x278, s9;
	s4 =	sadd.s32 $0x40600, s0  }
0x7: {  	s11 =	sadd.s32 $0x3F000, s0;
	s10 =	smul.u32 $0x2800, s2;
	_ =	strace $0x8000004D  }
0x8: {  	s8 =	sshll.u32 s2, $0x4;
	s2 =	ssub.s32 $0x2, s2;
	[dreg:$0x3] =	wrdreg s11  }
0x9: {  	s8 =	sor.u32 s9, s8;
	s9 =	smul.u32 $0x31600, s9;
	s18 =	sshrl.u32 s2, $0x1  }
0xa: {  	s6 =	sshrl.u32 s10, $0x3;
	s7 =	sadd.s32 s5, s10;
	s5 =	sadd.s32 $0x2000, s0  }
0xb: {  	s12 =	smul.u32 $0xF300, s8;
	s2 =	ssub.s32 s2, s18;
	v0 =	vmov s10;
	s10 =	simm.s32 $0x3  }
0xc: {  	s6 =	sadd.s32 s6, s0;
	s7 =	smul.u32 $0xA, s7;
	s19 =	sshrl.u32 s9, $0x2  }
0xd: {  	s24 =	smax.u32 s2, $0x1;
	s2 =	simm.s32 $0x50C0;
	s9 =	simm.s32 $0x2  }
0xe: {  	s20 =	sadd.s32 $0x3F200, s6;
	s8 =	sadd.s32 s19, s1;
	s21 =	sshrl.u32 s12, $0x3  }
0xf: {  	s6 =	sadd.s32 $0x3FC00, s6;
	s13 =	sadd.s32 $0x180, s12;
	[dreg:$0x9] =	wrdreg s24  }
0x10: {  	s14 =	sadd.s32 $0x240, s12;
	s12 =	simm.s32 $0x4;
	[dreg:$0x4] =	wrdreg s20  }
0x11: {  	s0 =	sadd.s32 s7, s0;
	[dreg:$0x5] =	wrdreg s6;
	s22 =	sadd.s32 $0xB400, s8  }
0x12: {  	s11 =	sadd.s32 s5, s21;
	s25 =	sadd.s32 $0x1400, s8;
	s26 =	sadd.s32 $0x2800, s8  }
0x13: {  	s19 =	sadd.s32 $0x3C00, s8;
	s20 =	sadd.s32 $0x5000, s8;
	s21 =	sadd.s32 $0x6400, s8  }
0x14: {  	s24 =	sadd.s32 $0xA000, s8;
	s6 =	simm.s32 $0x1;
	[dreg:$0x6] =	wrdreg s22  }
0x15: {  	s7 =	simm.s32 $0x5;
	s23 =	sadd.s32 $0x18, s11;
	[dreg:$0xa] =	wrdreg s25  }
0x16: {  	s0 =	sadd.s32 $0x72600, s0;
	[dreg:$0xb] =	wrdreg s26;
	s22 =	sadd.s32 $0x7800, s8  }
0x17: {  	s25 =	simm.s32 $0x6;
	s26 =	simm.s32 $0x2740;
	[dreg:$0x7] =	wrdreg s23  }
0x18: {  	v1 =	vimm.f32 $0.0e+00;
	v2 =	vimm.s32 $0x2;
	[dreg:$0x8] =	wrdreg s0;
	s23 =	sadd.s32 $0x8C00, s8;
	s0 =	simm.s32 $0x40  }
.LBB2_1:
0x19: {  	s16 =	rddreg [dreg:$0x4]  }
0x1a: {  	[tilespmem:s3], [sflag:$0x6] =	stream.linear.gather [hbm4b:s16+s3], $0x2740, $0x38;
	[tilespmem:$0x13E50] =	vst v63  }
0x1b: {  	_ =	swait.ge [sflag:s25], $0x2740  }
0x1c: {  	[sflag:s25] =	ssyncset.done $0x0  }
0x1d: {  	s17 =	rddreg [dreg:$0x5];
	[sflag:s25] =	ssyncadd.s32 $0xFFFFD8C0  }
0x1e: {  	[tilespmem:s26], [sflag:$0x6] =	stream.linear.gather [hbm4b:s17+s3], $0x2740, $0x38;
	[tilespmem:$0x13E50] =	vst v63  }
0x1f: {  	_ =	swait.ge [sflag:s25], $0x2740  }
0x20: {  	[sflag:s25] =	ssyncset.done $0x0  }
0x21: {  	s18 =	rddreg [dreg:$0x3];
	[sflag:s25] =	ssyncadd.s32 $0xFFFFD8C0  }
0x22: {  	[tilespmem:s28], [sflag:$0x6] =	stream.linear.gather [hbm4b:s18+s3], $0x10, $0x38;
	[tilespmem:$0x13E50] =	vst v63  }
0x23: {  	_ =	swait.ge [sflag:s25], $0x10  }
0x24: {  	[sflag:s25] =	ssyncset.done $0x0  }
0x25: {  	s16 =	simm.s32 $0x0;
	s17 =	simm.s32 $0x140;
	[sflag:s25] =	ssyncadd.s32 $0xFFFFFFF0  }
.LBB2_2:
0x26: {  	p0 =	sne.s32 s17, $0x4EC0;
	[tilespmem:s16+$0x6500] =	vst v1;
	s18 =	smov.u32 s17;
	s17 =	sadd.s32 $0x140, s17  }
.Ltmp0:
0x27: {  	[tilespmem:s16+$0x64F0] =	vst v1;
	(pc) =	sbr.rel @p0 .LBB2_2-.Ltmp0, $4  }
0x28: {  	[tilespmem:s16+$0x64E0] =	vst v1  }
0x29: {  	[tilespmem:s16+$0x64C0] =	vst v1  }
0x2a: {  	[tilespmem:s16+$0x64D0] =	vst v1  }
0x2b: {  	s16 =	sshra.s32 s18, $0x2  }
0x2c: {  	[tilespmem:s16+$0x6500] =	vst v1  }
0x2d: {  	[tilespmem:s16+$0x64F0] =	vst v1  }
0x2e: {  	[tilespmem:s16+$0x64E0] =	vst v1  }
0x2f: {  	[tilespmem:s16+$0x64C0] =	vst v1  }
0x30: {  	[tilespmem:s16+$0x64D0] =	vst v1  }
0x31: {  	[spmem:s8] =	stream.linear.scatter [tilespmem:s29], [sflag:$0x6], $0x1400, $0x38;
	[tilespmem:$0x13E50] =	vst v63  }
0x32: {  	_ =	swait.ge [sflag:s25], $0x1400  }
0x33: {  	[sflag:s25] =	ssyncset.done $0x0  }
0x34: {  	s18 =	rddreg [dreg:$0xa];
	[sflag:s25] =	ssyncadd.s32 $0xFFFFEC00  }
0x35: {  	[spmem:s18] =	stream.linear.scatter [tilespmem:s29], [sflag:$0x6], $0x1400, $0x38;
	[tilespmem:$0x13E50] =	vst v63  }
0x36: {  	_ =	swait.ge [sflag:s25], $0x1400  }
0x37: {  	[sflag:s25] =	ssyncset.done $0x0  }
0x38: {  	s17 =	rddreg [dreg:$0xb];
	[sflag:s25] =	ssyncadd.s32 $0xFFFFEC00  }
0x39: {  	[spmem:s17] =	stream.linear.scatter [tilespmem:s29], [sflag:$0x6], $0x1400, $0x38;
	[tilespmem:$0x13E50] =	vst v63  }
0x3a: {  	_ =	swait.ge [sflag:s25], $0x1400  }
0x3b: {  	[sflag:s25] =	ssyncset.done $0x0  }
0x3c: {  	[sflag:s25] =	ssyncadd.s32 $0xFFFFEC00  }
0x3d: {  	[spmem:s19] =	stream.linear.scatter [tilespmem:s29], [sflag:$0x6], $0x1400, $0x38;
	[tilespmem:$0x13E50] =	vst v63  }
0x3e: {  	_ =	swait.ge [sflag:s25], $0x1400  }
0x3f: {  	[sflag:s25] =	ssyncset.done $0x0  }
0x40: {  	[sflag:s25] =	ssyncadd.s32 $0xFFFFEC00  }
0x41: {  	[spmem:s20] =	stream.linear.scatter [tilespmem:s29], [sflag:$0x6], $0x1400, $0x38;
	[tilespmem:$0x13E50] =	vst v63  }
0x42: {  	_ =	swait.ge [sflag:s25], $0x1400  }
0x43: {  	[sflag:s25] =	ssyncset.done $0x0  }
0x44: {  	[sflag:s25] =	ssyncadd.s32 $0xFFFFEC00  }
0x45: {  	[spmem:s21] =	stream.linear.scatter [tilespmem:s29], [sflag:$0x6], $0x1400, $0x38;
	[tilespmem:$0x13E50] =	vst v63  }
0x46: {  	_ =	swait.ge [sflag:s25], $0x1400  }
0x47: {  	[sflag:s25] =	ssyncset.done $0x0  }
0x48: {  	[sflag:s25] =	ssyncadd.s32 $0xFFFFEC00  }
0x49: {  	[spmem:s22] =	stream.linear.scatter [tilespmem:s29], [sflag:$0x6], $0x1400, $0x38;
	[tilespmem:$0x13E50] =	vst v63  }
0x4a: {  	_ =	swait.ge [sflag:s25], $0x1400  }
0x4b: {  	[sflag:s25] =	ssyncset.done $0x0  }
0x4c: {  	[sflag:s25] =	ssyncadd.s32 $0xFFFFEC00  }
0x4d: {  	[spmem:s23] =	stream.linear.scatter [tilespmem:s29], [sflag:$0x6], $0x1400, $0x38;
	[tilespmem:$0x13E50] =	vst v63  }
0x4e: {  	_ =	swait.ge [sflag:s25], $0x1400  }
0x4f: {  	[sflag:s25] =	ssyncset.done $0x0  }
0x50: {  	[sflag:s25] =	ssyncadd.s32 $0xFFFFEC00  }
0x51: {  	[spmem:s24] =	stream.linear.scatter [tilespmem:s29], [sflag:$0x6], $0x1400, $0x38;
	[tilespmem:$0x13E50] =	vst v63  }
0x52: {  	_ =	swait.ge [sflag:s25], $0x1400  }
0x53: {  	[sflag:s25] =	ssyncset.done $0x0  }
0x54: {  	s18 =	rddreg [dreg:$0x6];
	[sflag:s25] =	ssyncadd.s32 $0xFFFFEC00  }
0x55: {  	[spmem:s18] =	stream.linear.scatter [tilespmem:s29], [sflag:$0x6], $0x1180, $0x38;
	[tilespmem:$0x13E50] =	vst v63  }
0x56: {  	_ =	swait.ge [sflag:s25], $0x1180  }
0x57: {  	[sflag:s25] =	ssyncset.done $0x0  }
0x58: {  	[sflag:s25] =	ssyncadd.s32 $0xFFFFEE80  }
0x59: {  	s16 =	simm.s32 $0x0;
	[bflag:$0x0] =	sbarrier.arrive $0xFFFF  }
0x5a: {  	v3 =	vld.idx.msk [tilespmem:v2+s28+$0x0], $0xffff;
	[tilespmem:s30], [sflag:$0x6] =	stream.linear.gather [hbm4b:s11+s16], $0xC0, $0x38  }
0x5b: {  	_ =	swait.ge [sflag:s25], $0xC0  }
0x5c: {  	[sflag:s25] =	ssyncset.done $0x0  }
0x5d: {  	s17 =	rddreg [dreg:$0x7];
	[sflag:s25] =	ssyncadd.s32 $0xFFFFFF40  }
0x5e: {  	[tilespmem:s31], [sflag:$0x5] =	stream.linear.gather [hbm4b:s17+s16], $0xC0, $0x38;
	[tilespmem:$0x13E50] =	vst v63  }
0x5f: {  	_ = 	snop  }
0x60: {  	[tilespmem:s2], [sflag:$0x1] =	stream.indirect.gather [hbm4b:s4+s0], $0x50, s30, s0, $0xb8;
	[tilespmem:$0x13E50] =	vst v63  }
.LBB2_4:
0x61: {  	v4 =	vld [tilespmem:$0x4E80];
	_ =	sdelay $0x2  }
0x62: {  	v6 =	vld [tilespmem:$0x4EC0];
	_ =	sdelay $0x1  }
0x63: {  	v5 =	vsub.s32 v4, v0  }
0x64: {  	v4 =	vand.u32 $0x7, v4;
	v5 =	vand.u32 $0xFFFFFFF8, v5  }
0x65: {  	v4 =	vor.u32 v4, v5;
	_ =	sdelay $0x2  }
0x66: {  	[tilespmem:$0x5000] =	vst v6;
	v5 =	vld [tilespmem:$0x4F00]  }
0x67: {  	v6 =	vld.idx.msk [tilespmem:v6+s26+$0x0], $0xffff  }
0x68: {  	v4 =	vld.idx.msk [tilespmem:v4+s3+$0x0], $0xffff;
	_ =	sdelay $0x4  }
0x69: {  	v5 =	vmul.f32 v5, v3;
	v4 =	vadd.f32 v6, v4;
	_ =	sdelay $0x1  }
0x6a: {  	v4 =	vadd.f32 v4, v5;
	_ =	sdelay $0x1  }
0x6b: {  	v5 =	vmul.f32 $2.000000030e-01, v4  }
0x6c: {  	vm0 =	vgt.f32 v4, $0.0e+00  }
0x6d: {  	v4 =	vsel vm0, v4, v5  }
0x6e: {  	v4 =	vmul.f32 $1.442695020e+00, v4;
	_ =	sdelay $0x1  }
0x6f: {  	(erf) = vpow2.f32 v4;
	v4 =	vld [tilespmem:$0x4E90];
	_ =	sdelay $0x2  }
0x70: {  	v57 =	vld [tilespmem:$0x4ED0];
	_ =	sdelay $0x1  }
0x71: {  	v5 =	vsub.s32 v4, v0  }
0x72: {  	v4 =	vand.u32 $0x7, v4;
	v5 =	vand.u32 $0xFFFFFFF8, v5  }
0x73: {  	v4 =	vor.u32 v4, v5;
	_ =	sdelay $0x1  }
0x74: {  	[tilespmem:$0x5010] =	vst v57;
	v5 =	vpop (erf)  }
0x75: {  	[tilespmem:$0x5080] =	vst v5;
	v5 =	vld [tilespmem:$0x4F10]  }
0x76: {  	v6 =	vld.idx.msk [tilespmem:v57+s26+$0x0], $0xffff  }
0x77: {  	v4 =	vld.idx.msk [tilespmem:v4+s3+$0x0], $0xffff;
	_ =	sdelay $0x4  }
0x78: {  	v5 =	vmul.f32 v5, v3;
	v4 =	vadd.f32 v6, v4;
	_ =	sdelay $0x1  }
0x79: {  	v4 =	vadd.f32 v4, v5;
	_ =	sdelay $0x1  }
0x7a: {  	v5 =	vmul.f32 $2.000000030e-01, v4  }
0x7b: {  	vm9 =	vgt.f32 v4, $0.0e+00  }
0x7c: {  	v4 =	vsel vm9, v4, v5  }
0x7d: {  	v4 =	vmul.f32 $1.442695020e+00, v4;
	_ =	sdelay $0x1  }
0x7e: {  	(erf) = vpow2.f32 v4;
	v4 =	vld [tilespmem:$0x4EA0];
	_ =	sdelay $0x2  }
0x7f: {  	v58 =	vld [tilespmem:$0x4EE0];
	_ =	sdelay $0x1  }
0x80: {  	v5 =	vsub.s32 v4, v0  }
0x81: {  	v4 =	vand.u32 $0x7, v4;
	v5 =	vand.u32 $0xFFFFFFF8, v5  }
0x82: {  	v4 =	vor.u32 v4, v5;
	_ =	sdelay $0x1  }
0x83: {  	[tilespmem:$0x5020] =	vst v58;
	v5 =	vpop (erf)  }
0x84: {  	[tilespmem:$0x5090] =	vst v5;
	v5 =	vld [tilespmem:$0x4F20]  }
0x85: {  	v6 =	vld.idx.msk [tilespmem:v58+s26+$0x0], $0xffff  }
0x86: {  	v4 =	vld.idx.msk [tilespmem:v4+s3+$0x0], $0xffff;
	_ =	sdelay $0x4  }
0x87: {  	v5 =	vmul.f32 v5, v3;
	v4 =	vadd.f32 v6, v4;
	_ =	sdelay $0x1  }
0x88: {  	v4 =	vadd.f32 v4, v5;
	_ =	sdelay $0x1  }
0x89: {  	v5 =	vmul.f32 $2.000000030e-01, v4  }
0x8a: {  	vm10 =	vgt.f32 v4, $0.0e+00  }
0x8b: {  	v4 =	vsel vm10, v4, v5  }
0x8c: {  	v4 =	vmul.f32 $1.442695020e+00, v4;
	_ =	sdelay $0x1  }
0x8d: {  	(erf) = vpow2.f32 v4;
	v4 =	vld [tilespmem:$0x4EB0];
	_ =	sdelay $0x2  }
0x8e: {  	v59 =	vld [tilespmem:$0x4EF0];
	_ =	sdelay $0x1  }
0x8f: {  	v5 =	vsub.s32 v4, v0  }
0x90: {  	v4 =	vand.u32 $0x7, v4;
	v5 =	vand.u32 $0xFFFFFFF8, v5  }
0x91: {  	v4 =	vor.u32 v4, v5;
	_ =	sdelay $0x1  }
0x92: {  	[tilespmem:$0x5030] =	vst v59;
	v5 =	vpop (erf)  }
0x93: {  	[tilespmem:$0x50A0] =	vst v5;
	v5 =	vld [tilespmem:$0x4F30]  }
0x94: {  	v6 =	vld.idx.msk [tilespmem:v59+s26+$0x0], $0xffff  }
0x95: {  	v4 =	vld.idx.msk [tilespmem:v4+s3+$0x0], $0xffff;
	_ =	sdelay $0x4  }
0x96: {  	v5 =	vmul.f32 v5, v3;
	v4 =	vadd.f32 v6, v4;
	_ =	sdelay $0x1  }
0x97: {  	v4 =	vadd.f32 v4, v5;
	_ =	sdelay $0x1  }
0x98: {  	v5 =	vmul.f32 $2.000000030e-01, v4  }
0x99: {  	vm11 =	vgt.f32 v4, $0.0e+00  }
0x9a: {  	v4 =	vsel vm11, v4, v5  }
0x9b: {  	v4 =	vmul.f32 $1.442695020e+00, v4;
	_ =	sdelay $0x1  }
0x9c: {  	(erf) = vpow2.f32 v4;
	_ =	sdelay $0x8  }
0x9d: {  	v4 =	vpop (erf)  }
0x9e: {  	[tilespmem:$0x50B0] =	vst v4  }
0x9f: {  	_ =	swait.ge [sflag:s6], $0x1400  }
0xa0: {  	[sflag:s6] =	ssyncset.done $0x0  }
0xa1: {  	[sflag:s6] =	ssyncadd.s32 $0xFFFFEC00  }
0xa2: {  	_ =	swait.ge [sflag:s7], $0xC0  }
0xa3: {  	p0 =	seq.s32 s16, $0x0;
	[sflag:s7] =	ssyncset.done $0x0  }
0xa4: {  	s18 =	smin.u32 s16, $0x141;
	s17 =	simm.s32 @!p0 $0x4;
	[sflag:s7] =	ssyncadd.s32 $0xFFFFFF40  }
0xa5: {  	s18 =	smul.u32 $0xC0, s18;
	_ =	swait.ge @!p0 [sflag:s17], $0x1400  }
0xa6: {  	[sflag:s17] =	ssyncset.done @!p0 $0x0  }
0xa7: {  	[sflag:s17] =	ssyncadd.s32 @!p0 $0xFFFFEC00;
	s17 =	sadd.s32 s18, s13  }
0xa8: {  	[tilespmem:s29], [sflag:$0x2] =	stream.indirect.gather [hbm4b:s4+s0], $0x50, s31, s0, $0xb8;
	[tilespmem:$0x13E50] =	vst v63  }
0xa9: {  	s17 =	sshrl.u32 s17, $0x3  }
0xaa: {  	s17 =	sadd.s32 s5, s17  }
0xab: {  	[tilespmem:s30], [sflag:$0x5] =	stream.linear.gather [hbm4b:s17+s3], $0xC0, $0x38;
	[tilespmem:$0x13E50] =	vst v63  }
0xac: {  	_ = 	snop  }
0xad: {  	[spmem:s1] =	stream.linear.scatter [tilespmem:s2], [sflag:$0x3], $0x1400, $0x38;
	[tilespmem:$0x13E50] =	vst v63  }
0xae: {  	v4 =	vld [tilespmem:$0x4F40];
	_ =	sdelay $0x2  }
0xaf: {  	v60 =	vld [tilespmem:$0x4F80];
	_ =	sdelay $0x1  }
0xb0: {  	v5 =	vsub.s32 v4, v0  }
0xb1: {  	v4 =	vand.u32 $0x7, v4;
	v5 =	vand.u32 $0xFFFFFFF8, v5  }
0xb2: {  	v4 =	vor.u32 v4, v5;
	_ =	sdelay $0x2  }
0xb3: {  	[tilespmem:$0x5040] =	vst v60;
	v5 =	vld [tilespmem:$0x4FC0]  }
0xb4: {  	v6 =	vld.idx.msk [tilespmem:v60+s26+$0x0], $0xffff  }
0xb5: {  	v4 =	vld.idx.msk [tilespmem:v4+s3+$0x0], $0xffff;
	_ =	sdelay $0x4  }
0xb6: {  	v5 =	vmul.f32 v5, v3;
	v4 =	vadd.f32 v6, v4;
	_ =	sdelay $0x1  }
0xb7: {  	v4 =	vadd.f32 v4, v5;
	_ =	sdelay $0x1  }
0xb8: {  	v5 =	vmul.f32 $2.000000030e-01, v4  }
0xb9: {  	vm12 =	vgt.f32 v4, $0.0e+00  }
0xba: {  	v4 =	vsel vm12, v4, v5  }
0xbb: {  	v4 =	vmul.f32 $1.442695020e+00, v4;
	_ =	sdelay $0x1  }
0xbc: {  	(erf) = vpow2.f32 v4;
	v4 =	vld [tilespmem:$0x4F50];
	_ =	sdelay $0x2  }
0xbd: {  	v61 =	vld [tilespmem:$0x4F90];
	_ =	sdelay $0x1  }
0xbe: {  	v5 =	vsub.s32 v4, v0  }
0xbf: {  	v4 =	vand.u32 $0x7, v4;
	v5 =	vand.u32 $0xFFFFFFF8, v5  }
0xc0: {  	v4 =	vor.u32 v4, v5;
	_ =	sdelay $0x1  }
0xc1: {  	[tilespmem:$0x5050] =	vst v61;
	v5 =	vpop (erf)  }
0xc2: {  	[tilespmem:$0x5080] =	vst v5;
	v5 =	vld [tilespmem:$0x4FD0]  }
0xc3: {  	v6 =	vld.idx.msk [tilespmem:v61+s26+$0x0], $0xffff  }
0xc4: {  	v4 =	vld.idx.msk [tilespmem:v4+s3+$0x0], $0xffff;
	_ =	sdelay $0x4  }
0xc5: {  	v5 =	vmul.f32 v5, v3;
	v4 =	vadd.f32 v6, v4;
	_ =	sdelay $0x1  }
0xc6: {  	v4 =	vadd.f32 v4, v5;
	_ =	sdelay $0x1  }
0xc7: {  	v5 =	vmul.f32 $2.000000030e-01, v4  }
0xc8: {  	vm13 =	vgt.f32 v4, $0.0e+00  }
0xc9: {  	v4 =	vsel vm13, v4, v5  }
0xca: {  	v4 =	vmul.f32 $1.442695020e+00, v4;
	_ =	sdelay $0x1  }
0xcb: {  	(erf) = vpow2.f32 v4;
	v4 =	vld [tilespmem:$0x4F60];
	_ =	sdelay $0x2  }
0xcc: {  	v62 =	vld [tilespmem:$0x4FA0];
	_ =	sdelay $0x1  }
0xcd: {  	v5 =	vsub.s32 v4, v0  }
0xce: {  	v4 =	vand.u32 $0x7, v4;
	v5 =	vand.u32 $0xFFFFFFF8, v5  }
0xcf: {  	v4 =	vor.u32 v4, v5;
	_ =	sdelay $0x1  }
0xd0: {  	[tilespmem:$0x5060] =	vst v62;
	v5 =	vpop (erf)  }
0xd1: {  	[tilespmem:$0x5090] =	vst v5;
	v5 =	vld [tilespmem:$0x4FE0]  }
0xd2: {  	v6 =	vld.idx.msk [tilespmem:v62+s26+$0x0], $0xffff  }
0xd3: {  	v4 =	vld.idx.msk [tilespmem:v4+s3+$0x0], $0xffff;
	_ =	sdelay $0x4  }
0xd4: {  	v5 =	vmul.f32 v5, v3;
	v4 =	vadd.f32 v6, v4;
	_ =	sdelay $0x1  }
0xd5: {  	v4 =	vadd.f32 v4, v5;
	_ =	sdelay $0x1  }
0xd6: {  	v5 =	vmul.f32 $2.000000030e-01, v4  }
0xd7: {  	vm14 =	vgt.f32 v4, $0.0e+00  }
0xd8: {  	v4 =	vsel vm14, v4, v5  }
0xd9: {  	v4 =	vmul.f32 $1.442695020e+00, v4;
	_ =	sdelay $0x1  }
0xda: {  	(erf) = vpow2.f32 v4;
	v4 =	vld [tilespmem:$0x4F70];
	_ =	sdelay $0x2  }
0xdb: {  	v63 =	vld [tilespmem:$0x4FB0];
	_ =	sdelay $0x1  }
0xdc: {  	v5 =	vsub.s32 v4, v0  }
0xdd: {  	v4 =	vand.u32 $0x7, v4;
	v5 =	vand.u32 $0xFFFFFFF8, v5  }
0xde: {  	v4 =	vor.u32 v4, v5;
	_ =	sdelay $0x1  }
0xdf: {  	[tilespmem:$0x5070] =	vst v63;
	v5 =	vpop (erf)  }
0xe0: {  	[tilespmem:$0x50A0] =	vst v5;
	v5 =	vld [tilespmem:$0x4FF0]  }
0xe1: {  	v6 =	vld.idx.msk [tilespmem:v63+s26+$0x0], $0xffff  }
0xe2: {  	v4 =	vld.idx.msk [tilespmem:v4+s3+$0x0], $0xffff;
	_ =	sdelay $0x4  }
0xe3: {  	v5 =	vmul.f32 v5, v3;
	v4 =	vadd.f32 v6, v4;
	_ =	sdelay $0x1  }
0xe4: {  	v4 =	vadd.f32 v4, v5;
	_ =	sdelay $0x1  }
0xe5: {  	v5 =	vmul.f32 $2.000000030e-01, v4  }
0xe6: {  	vm15 =	vgt.f32 v4, $0.0e+00  }
0xe7: {  	v4 =	vsel vm15, v4, v5  }
0xe8: {  	v4 =	vmul.f32 $1.442695020e+00, v4;
	_ =	sdelay $0x1  }
0xe9: {  	(erf) = vpow2.f32 v4;
	_ =	sdelay $0x8  }
0xea: {  	v4 =	vpop (erf)  }
0xeb: {  	[tilespmem:$0x50B0] =	vst v4  }
0xec: {  	_ =	swait.ge [sflag:s9], $0x1400  }
0xed: {  	[sflag:s9] =	ssyncset.done $0x0  }
0xee: {  	[sflag:s9] =	ssyncadd.s32 $0xFFFFEC00  }
0xef: {  	_ =	swait.ge [sflag:s7], $0xC0  }
0xf0: {  	[sflag:s7] =	ssyncset.done $0x0  }
0xf1: {  	s18 =	smin.u32 s16, $0x140;
	[sflag:s7] =	ssyncadd.s32 $0xFFFFFF40  }
0xf2: {  	s17 =	smul.u32 $0xC0, s18;
	_ =	swait.ge [sflag:s10], $0x1400  }
0xf3: {  	s16 =	sadd.s32 $0x2, s16;
	[sflag:s10] =	ssyncset.done $0x0  }
0xf4: {  	p0 =	sne.s32 s16, $0x144;
	s17 =	sadd.s32 s17, s14;
	[sflag:s10] =	ssyncadd.s32 $0xFFFFEC00  }
0xf5: {  	[tilespmem:s2], [sflag:$0x1] =	stream.indirect.gather [hbm4b:s4+s0], $0x50, s30, s0, $0xb8;
	[tilespmem:$0x13E50] =	vst v63  }
.Ltmp1:
0xf6: {  	s17 =	sshrl.u32 s17, $0x3;
	(pc) =	sbr.rel @p0 .LBB2_4-.Ltmp1, $4  }
0xf7: {  	s17 =	sadd.s32 s5, s17  }
0xf8: {  	[tilespmem:s31], [sflag:$0x5] =	stream.linear.gather [hbm4b:s17+s3], $0xC0, $0x38;
	[tilespmem:$0x13E50] =	vst v63  }
0xf9: {  	_ = 	snop  }
0xfa: {  	[spmem:s1] =	stream.linear.scatter [tilespmem:s29], [sflag:$0x4], $0x1400, $0x38;
	[tilespmem:$0x13E50] =	vst v63  }
0xfb: {  	_ =	swait.ge [sflag:s12], $0x1400  }
0xfc: {  	[sflag:s12] =	ssyncset.done $0x0  }
0xfd: {  	[sflag:s12] =	ssyncadd.s32 $0xFFFFEC00  }
0xfe: {  	_ =	swait.ge [sflag:s6], $0x1400  }
0xff: {  	[sflag:s6] =	ssyncset.done $0x0  }
0x100: {  	[sflag:s6] =	ssyncadd.s32 $0xFFFFEC00  }
0x101: {  	_ =	swait.ge [sflag:s7], $0xC0  }
0x102: {  	[sflag:s7] =	ssyncset.done $0x0  }
0x103: {  	s16 =	stileid.u32;
	[sflag:s7] =	ssyncadd.s32 $0xFFFFFF40  }
0x104: {  	s16 =	sshll.u32 s16, $0x6;
	[bflag:$0x0] =	sbarrier.arrive $0xFFFF  }
0x105: {  	s17 =	sshrl.u32 s8, $0x3;
	s16 =	sor.u32 $0x1C06, s16;
	s18 =	rddreg [dreg:$0x8]  }
0x106: {  	[hbm:s18], [sflag:s16] =	dma.local [spmem:s17], $0x18B0  }
0x107: {  	_ =	swait.ge [sflag:s25], $0x18B0  }
0x108: {  	s15 =	sadd.s32 $0x1, s15;
	s18 =	rddreg [dreg:$0x9]  }
0x109: {  	p0 =	sne.s32 s15, s18  }
.Ltmp2:
0x10a: {  	_ = 	snop;
	(pc) =	sbr.rel @p0 .LBB2_1-.Ltmp2, $3  }
0x10b: {  	_ =	sdelay $0x1  }
0x10c: {  	[sflag:s25] =	ssyncset.done $0x0  }
0x10d: {  	[sflag:s25] =	ssyncadd.s32 $0xFFFFE750  }
0x10e: {  	_ =	sfence.sel $0x180000  }
0x10f: {  	[bflag:$0x0] =	sbarrier.arrive $0xFFFF  }
0x110: {  	_ =	strace $0x9000004D  }
0x111: {  	s0 =	stileid.u32;
	[bflag:$0x2] =	sbarrier.arrive $0xFFFF  }
0x112: {  	p0 =	sne.s32 s0, $0x0;
	s0 =	rddreg [dreg:$0x2]  }
0x113: {  	s0 =	sadd.s32 @!p0 $0x100000, s0  }
0x114: {  	[sflag:s0] =	ssyncadd.tile.s32 @!p0 $0x1;
	_ =	shalt  }
.Lfunc_end2:
_tile_overlayer_lowered:
.L_overlay_start_2:
0x115: {  	(tag) =	ssettag $0x2  }
0x116: {  	s0 =	rddreg [dreg:$0x0];
	s2 =	stileid.u32  }
0x117: {  	s1 =	rddreg [dreg:$0x1];
	p0 =	sne.s32 s2, $0x0  }
0x118: {  	s3 =	rddreg [dreg:$0x2];
	[bflag:$0x3] =	sbarrier.arrive $0xFFFF;
	s2 =	simm.s32 @!p0 $0x1C06  }
0x119: {  	[timem:s3], [sflag:s2] =	dma.local @!p0 [hbm:s0], s1  }
0x11a: {  	s0 =	simm.s32 @!p0 $0x6  }
0x11b: {  	_ =	swait.ge @!p0 [sflag:s0], s1  }
0x11c: {  	s1 =	ssub.s32 @!p0 $0x0, s1;
	[sflag:s0] =	ssyncset.done @!p0 $0x0  }
0x11d: {  	[sflag:s0] =	ssyncadd.s32 @!p0 s1  }
0x11e: {  	[bflag:$0x3] =	sbarrier.arrive $0xFFFF  }
0x11f: {  	_ =	shalt  }

// kernel: kernel.9.cloned.1.call-start
scs
__scs_entry_jumppad:
0x0: {  	(pc) =	sbr.rel $0x88, $3  }
0x1: {  	(tag) =	ssettag $0x0;
	lr =	simm.s32 $0x1  }
0x2: {  	[smem:$0x3F81] =	sst lr;
	_ =	strace $0xD0000000  }
0x3: {  	_ = 	snop  }
0x4: {  	_ = 	snop  }
0x5: {  	_ = 	snop  }
0x6: {  	_ = 	snop  }
0x7: {  	_ = 	snop  }
__scs_overlays_trampoline_lowered:
0x8: {  	[smem:$0x3F90] =	sst s0  }
0x9: {  	[smem:$0x3F91] =	sst s1  }
0xa: {  	[smem:$0x3F92] =	sst s2  }
0xb: {  	[smem:$0x3F93] =	sst s3  }
0xc: {  	[smem:$0x3F94] =	sst s4  }
0xd: {  	[smem:$0x3F95] =	sst s5  }
0xe: {  	[smem:$0x3F96] =	sst s6  }
0xf: {  	[smem:$0x3F97] =	sst s7  }
0x10: {  	[smem:$0x3F98] =	sst s8  }
0x11: {  	[smem:$0x3F99] =	sst s9;
	s0 =	simm.s32 @!p0 $0x0  }
0x12: {  	s1 =	sld [smem:$0x3F7F];
	s0 =	simm.s32 @p0 $0x1  }
0x13: {  	[smem:$0x3F9A] =	sst s0;
	s0 =	simm.s32 @!p1 $0x0  }
0x14: {  	s2 =	sld [smem:$0x3F7E];
	s0 =	simm.s32 @p1 $0x1  }
0x15: {  	[smem:$0x3F9B] =	sst s0;
	s0 =	simm.s32 @!p2 $0x0  }
0x16: {  	s3 =	sld [smem:$0x3FDB];
	s0 =	simm.s32 @p2 $0x1  }
0x17: {  	s4 =	simm.s32 $0x1BF5;
	[smem:$0x3F9D] =	sst s0  }
0x18: {  	s0 =	sld [smem:$0x3F80];
	_ =	swait.ge [sflag:s4], $0x0  }
0x19: {  	s7 =	sld [smem:$0x3F81]  }
0x1a: {  	s8 =	sadd.s32 $0xFFFFE003, lr  }
0x1b: {  	s9 =	sadd.s32 $0xFFFFFEF7, lr;
	s5 =	simm.s32 $0xFFFFFFFF;
	p2 =	slt.u32 s8, $0xFFFFF086  }
0x1c: {  	p1 =	slt.u32 s9, $0xF7A;
	s5 =	simm.s32 @!p2 $0x0  }
0x1d: {  	s5 =	simm.s32 @p1 $0x1;
	p0 =	seq.s32 s7, s2  }
0x1e: {  	s7 =	smul.u32 @!p0 $0xF7A, s2;
	p2 =	seq.s32 @!p0 s5, $0x0  }
0x1f: {  	s9 =	smul.u32 $0xF7A, s1;
	s8 =	simm.s32 @!p0 $0x1BF5;
	p2 =	por !p2, p0  }
0x20: {  	[sflag:s8] =	ssyncset.s32 @!p0 $0xFFFFF086;
	s6 =	sadd.s32 @!p0 s3, s7;
	s7 =	simm.s32 @!p0 $0x108  }
0x21: {  	s3 =	sadd.s32 s3, s9;
	s6 =	sadd.s32 @!p0 $0x88, s6;
	s7 =	simm.s32 @p2 $0x1082  }
0x22: {  	[simem:s7], [sflag:s8] =	dma.local @!p0 [hbm:s6], $0xF7A  }
0x23: {  	s9 =	sor.u32 $0xD0000000, s2;
	s6 =	simm.s32 $0x108;
	_ =	swait.ge @!p0 [sflag:s8], $0x0  }
0x24: {  	s3 =	sadd.s32 $0x88, s3;
	s6 =	simm.s32 @!p1 $0x1082;
	[sflag:s4] =	ssyncset.s32 $0xFFFFF086  }
0x25: {  	[simem:s6], [sflag:s4] =	dma.local [hbm:s3], $0xF7A  }
0x26: {  	[smem:$0x3F81] =	sst s1;
	(tag) =	ssettag s2;
	_ =	strace s9  }
0x27: {  	s1 =	sld [smem:$0x3F91]  }
0x28: {  	s2 =	sld [smem:$0x3F92]  }
0x29: {  	s4 =	sld [smem:$0x3F94]  }
0x2a: {  	p0 =	seq.s32 s5, $0x0;
	s5 =	sld [smem:$0x3F95]  }
0x2b: {  	s6 =	sld [smem:$0x3F96]  }
0x2c: {  	s7 =	sld [smem:$0x3F97]  }
0x2d: {  	s3 =	simm.s32 $0x108;
	s8 =	sld [smem:$0x3F98]  }
0x2e: {  	s3 =	simm.s32 @!p0 $0x1082;
	s9 =	sld [smem:$0x3F99]  }
0x2f: {  	lr =	sadd.s32 s0, s3;
	s0 =	sld [smem:$0x3F90]  }
0x30: {  	s3 =	sld [smem:$0x3F93]  }
0x31: {  	[smem:$0x3F9C] =	sst s10  }
0x32: {  	s10 =	sld [smem:$0x3F9A];
	_ =	sdelay $0x3  }
0x33: {  	p0 =	seq.s32 s10, $0x1;
	s10 =	sld [smem:$0x3F9C];
	_ =	sdelay $0x3  }
0x34: {  	[smem:$0x3F9C] =	sst s10  }
0x35: {  	s10 =	sld [smem:$0x3F9B];
	_ =	sdelay $0x3  }
0x36: {  	p1 =	seq.s32 s10, $0x1;
	s10 =	sld [smem:$0x3F9C];
	_ =	sdelay $0x3  }
0x37: {  	[smem:$0x3F9C] =	sst s10  }
0x38: {  	s10 =	sld [smem:$0x3F9D]  }
0x39: {  	_ = 	snop;
	(pc) =	sbr.ind lr, $3  }
0x3a: {  	_ = 	snop  }
0x3b: {  	_ = 	snop  }
0x3c: {  	p2 =	seq.s32 s10, $0x1;
	s10 =	sld [smem:$0x3F9C]  }
0x3d: {  	_ =	shalt  }
0x3e: {  	_ =	shalt  }
0x3f: {  	_ =	shalt  }
0x40: {  	_ =	shalt  }
0x41: {  	_ =	shalt  }
0x42: {  	_ =	shalt  }
0x43: {  	_ =	shalt  }
0x44: {  	_ =	shalt  }
0x45: {  	_ =	shalt  }
0x46: {  	_ =	shalt  }
0x47: {  	_ =	shalt  }
0x48: {  	_ =	shalt  }
0x49: {  	_ =	shalt  }
0x4a: {  	_ =	shalt  }
0x4b: {  	_ =	shalt  }
0x4c: {  	_ =	shalt  }
0x4d: {  	_ =	shalt  }
0x4e: {  	_ =	shalt  }
0x4f: {  	_ =	shalt  }
0x50: {  	_ =	shalt  }
0x51: {  	_ =	shalt  }
0x52: {  	_ =	shalt  }
0x53: {  	_ =	shalt  }
0x54: {  	_ =	shalt  }
0x55: {  	_ =	shalt  }
0x56: {  	_ =	shalt  }
0x57: {  	_ =	shalt  }
0x58: {  	_ =	shalt  }
0x59: {  	_ =	shalt  }
0x5a: {  	_ =	shalt  }
0x5b: {  	_ =	shalt  }
0x5c: {  	_ =	shalt  }
0x5d: {  	_ =	shalt  }
0x5e: {  	_ =	shalt  }
0x5f: {  	_ =	shalt  }
0x60: {  	_ =	shalt  }
0x61: {  	_ =	shalt  }
0x62: {  	_ =	shalt  }
0x63: {  	_ =	shalt  }
0x64: {  	_ =	shalt  }
0x65: {  	_ =	shalt  }
0x66: {  	_ =	shalt  }
0x67: {  	_ =	shalt  }
0x68: {  	_ =	shalt  }
0x69: {  	_ =	shalt  }
0x6a: {  	_ =	shalt  }
0x6b: {  	_ =	shalt  }
0x6c: {  	_ =	shalt  }
0x6d: {  	_ =	shalt  }
0x6e: {  	_ =	shalt  }
0x6f: {  	_ =	shalt  }
0x70: {  	_ =	shalt  }
0x71: {  	_ =	shalt  }
0x72: {  	_ =	shalt  }
0x73: {  	_ =	shalt  }
0x74: {  	_ =	shalt  }
0x75: {  	_ =	shalt  }
0x76: {  	_ =	shalt  }
0x77: {  	_ =	shalt  }
0x78: {  	_ =	shalt  }
0x79: {  	_ =	shalt  }
0x7a: {  	_ =	shalt  }
0x7b: {  	_ =	shalt  }
0x7c: {  	_ =	shalt  }
0x7d: {  	_ =	shalt  }
0x7e: {  	_ =	shalt  }
0x7f: {  	_ =	shalt  }
0x80: {  	_ =	shalt  }
0x81: {  	_ =	shalt  }
0x82: {  	_ =	shalt  }
0x83: {  	_ =	shalt  }
0x84: {  	_ =	shalt  }
0x85: {  	_ =	shalt  }
0x86: {  	_ =	shalt  }
0x87: {  	_ =	shalt  }
.Lfunc_end0:
.L_simem_size_0:
called_computation_lowered:
.L_overlay_start_0:
0x88: {  	s2 =	sld [smem:$0x3FD9]  }
0x89: {  	s3 =	sld [smem:$0x3FFE];
	_ =	sdelay $0x1  }
0x8a: {  	s1 =	srdreg.scid  }
0x8b: {  	s0 =	sand.u32 $0x1, s1  }
0x8c: {  	s16 =	sshll.u32 s0, $0xA;
	s2 =	sadd.s32 s3, s2  }
0x8d: {  	s2 =	sadd.s32 s2, s16  }
0x8e: {  	[smem:$0x3FA8] =	sst s2  }
0x8f: {  	_ = 	snop  }
0x90: {  	(tm) =	ssettm $0x1  }
0x91: {  	s17 =	sld [smem:$0x3FFB];
	_ =	sdelay $0x3  }
0x92: {  	_ =	strace s17  }
0x93: {  	s2 =	sld [smem:$0x3FFC];
	_ =	sdelay $0x3  }
0x94: {  	_ =	strace s2  }
0x95: {  	s2 =	sld [smem:$0x3FFD];
	_ =	sdelay $0x3  }
0x96: {  	_ =	strace s2  }
0x97: {  	_ =	strace $0x8FFFFFFF  }
0x98: {  	s18 =	sld [smem:$0x3FDB];
	_ =	sdelay $0x1  }
0x99: {  	s19 =	simm.s32 $_scs_section_size  }
0x9a: {  	s4 =	simm.s32 $_size__tile_overlayer_lowered;
	s5 =	simm.s32 $_tile_overlayer_lowered  }
0x9b: {  	s22 =	simm.s32 $0x1BFF;
	s21 =	sshll.u32 s5, $0x1;
	s2 =	sadd.s32 s19, s18  }
0x9c: {  	s6 =	simm.s32 $0x0;
	s20 =	sshll.u32 s4, $0x1;
	s4 =	sadd.s32 s21, s2  }
0x9d: {  	[timem:s6], [sflag:s22] =	dma.local [hbm:s4], s20  }
0x9e: {  	_ =	swait.ge [sflag:s22], s20  }
0x9f: {  	s3 =	ssub.s32 $0x0, s20;
	[sflag:s22] =	ssyncset.done $0x0  }
0xa0: {  	[sflag:s22] =	ssyncadd.s32 s3;
	_ =	sdelay $0x1  }
0xa1: {  	s23 =	simm.s32 $0x1B8B  }
0xa2: {  	_ =	swait.ge [sflag:s23], $0x1  }
0xa3: {  	[sflag:s23] =	ssyncset.done $0x0  }
0xa4: {  	s25 =	simm.s32 $0x1B8E;
	s24 =	sld [smem:$0x3FFE];
	[sflag:s23] =	ssyncadd.s32 $0xFFFFFFFF  }
0xa5: {  	s26 =	simm.s32 $execute0_lowered;
	[smem:$0x3FD2] =	sst s25  }
0xa6: {  	s4 =	sshll.u32 s26, $0x1;
	_ =	strace $0x80000046;
	[dreg:$0x1] =	wrdreg $0xFFFFFFFF  }
0xa7: {  	s28 =	simm.s32 $_size_execute0_lowered;
	s2 =	sadd.s32 s2, s4;
	[dreg:$0x0] =	wrdreg $0x0  }
0xa8: {  	s4 =	sshll.u32 s28, $0x1;
	[dreg:$0x2] =	wrdreg s2  }
0xa9: {  	[dreg:$0x3] =	wrdreg s4  }
0xaa: {  	[dreg:$0x4] =	wrdreg $0xC0  }
0xab: {  	_ =	task [dreg:s6], $0x5FFFF  }
0xac: {  	[dreg:$0x1] =	wrdreg $0xFFFFFFFF  }
0xad: {  	[dreg:$0x0] =	wrdreg $0x60  }
0xae: {  	[dreg:$0x2] =	wrdreg s24  }
0xaf: {  	[dreg:$0x3] =	wrdreg $0x98D00  }
0xb0: {  	[dreg:$0x4] =	wrdreg $0x9  }
0xb1: {  	_ =	task.clear_ibuf [dreg:s6], $0x5FFFF;
	_ =	strace $0x90000046  }
0xb2: {  	s29 =	simm.s32 $0x9;
	_ =	strace $0x80000048  }
0xb3: {  	_ =	swait.ge [sflag:s29], $0x1  }
0xb4: {  	[sflag:s29] =	ssyncadd.s32 $0xFFFFFFFF  }
0xb5: {  	_ =	strace $0x90000048  }
0xb6: {  	_ =	sfence  }
0xb7: {  	s30 =	sld [smem:$0x0];
	_ =	sdelay $0x2  }
0xb8: {  	s31 =	sshll.u32 s1, $0xD;
	s1 =	sshrl.u32 s1, $0x2  }
0xb9: {  	s3 =	sand.u32 $0x4000, s31;
	s1 =	sadd.s32 s1, s30  }
0xba: {  	s0 =	sor.u32 s3, s0;
	s1 =	sshll.u32 s1, $0x11  }
0xbb: {  	s0 =	sor.u32 s1, s0  }
0xbc: {  	s0 =	sadd.s32 $0x8F2B, s0  }
0xbd: {  	[sflag:s0] =	ssyncadd.remote.s32 $0x1  }
0xbe: {  	_ =	sfence.sel $0xFFFF  }
0xbf: {  	[dreg:$0x0] =	wrdreg $0xFFFFFFFF;
	(pc) =	sbr.abs _section_cstart, $3  }
0xc0: {  	[dreg:$0x1] =	wrdreg $0xFFFFFFFF  }
0xc1: {  	_ =	task.clear_ibuf [dreg:s6], $0x2FFFF;
	_ =	strace $0x9FFFFFFF  }
0xc2: {  	(tm) =	ssettm $0x7FFFFFFF  }
0xc3: {  	_ =	shalt  }
tec
execute0_lowered:
.L_overlay_start_1:
0x0: {  	(tag) =	ssettag $0x1  }
0x1: {  	s0 =	rddreg [dreg:$0x0]  }
0x2: {  	s1 =	rddreg [dreg:$0x1]  }
0x3: {  	s2 =	srdreg.scid;
	s3 =	simm.s32 $0x0;
	s9 =	stileid.u32  }
0x4: {  	s28 =	simm.s32 $0x98C0;
	s29 =	simm.s32 $0x74C0;
	s30 =	simm.s32 $0x4E80  }
0x5: {  	s31 =	simm.s32 $0x4F40;
	s15 =	simm.s32 $0x0;
	s2 =	sand.u32 $0x1, s2  }
0x6: {  	[smem:$0x7FF] =	sst s3;
	s5 =	smul.u32 $0x278, s9;
	s4 =	sadd.s32 $0xE0000, s0  }
0x7: {  	s11 =	sadd.s32 $0x3F000, s0;
	s10 =	smul.u32 $0x2800, s2;
	_ =	strace $0x80000047  }
0x8: {  	s8 =	sshll.u32 s2, $0x4;
	s2 =	ssub.s32 $0x2, s2;
	[dreg:$0x3] =	wrdreg s11  }
0x9: {  	s8 =	sor.u32 s9, s8;
	s9 =	smul.u32 $0x58E00, s9;
	s18 =	sshrl.u32 s2, $0x1  }
0xa: {  	s6 =	sshrl.u32 s10, $0x3;
	s7 =	sadd.s32 s5, s10;
	s5 =	sadd.s32 $0x2000, s0  }
0xb: {  	s12 =	smul.u32 $0xF300, s8;
	s2 =	ssub.s32 s2, s18;
	v0 =	vmov s10;
	s10 =	simm.s32 $0x3  }
0xc: {  	s6 =	sadd.s32 s6, s0;
	s7 =	smul.u32 $0x12, s7;
	s19 =	sshrl.u32 s9, $0x2  }
0xd: {  	s24 =	smax.u32 s2, $0x1;
	s2 =	simm.s32 $0x50C0;
	s9 =	simm.s32 $0x2  }
0xe: {  	s20 =	sadd.s32 $0xDEC00, s6;
	s8 =	sadd.s32 s19, s1;
	s21 =	sshrl.u32 s12, $0x3  }
0xf: {  	s6 =	sadd.s32 $0xDF600, s6;
	s13 =	sadd.s32 $0x180, s12;
	[dreg:$0x9] =	wrdreg s24  }
0x10: {  	s14 =	sadd.s32 $0x240, s12;
	s12 =	simm.s32 $0x4;
	[dreg:$0x4] =	wrdreg s20  }
0x11: {  	s0 =	sadd.s32 s7, s0;
	[dreg:$0x5] =	wrdreg s6;
	s22 =	sadd.s32 $0x14400, s8  }
0x12: {  	s11 =	sadd.s32 s5, s21;
	s25 =	sadd.s32 $0x2400, s8;
	s26 =	sadd.s32 $0x4800, s8  }
0x13: {  	s19 =	sadd.s32 $0x6C00, s8;
	s20 =	sadd.s32 $0x9000, s8;
	s21 =	sadd.s32 $0xB400, s8  }
0x14: {  	s24 =	sadd.s32 $0x12000, s8;
	s6 =	simm.s32 $0x1;
	[dreg:$0x6] =	wrdreg s22  }
0x15: {  	s7 =	simm.s32 $0x5;
	s23 =	sadd.s32 $0x18, s11;
	[dreg:$0xa] =	wrdreg s25  }
0x16: {  	s0 =	sadd.s32 $0x3F200, s0;
	[dreg:$0xb] =	wrdreg s26;
	s22 =	sadd.s32 $0xD800, s8  }
0x17: {  	s25 =	simm.s32 $0x6;
	s26 =	simm.s32 $0x2740;
	[dreg:$0x7] =	wrdreg s23  }
0x18: {  	v1 =	vimm.f32 $0.0e+00;
	[dreg:$0x8] =	wrdreg s0;
	s23 =	sadd.s32 $0xFC00, s8;
	s0 =	simm.s32 $0x40  }
.LBB2_1:
0x19: {  	s16 =	rddreg [dreg:$0x4]  }
0x1a: {  	[tilespmem:s3], [sflag:$0x6] =	stream.linear.gather [hbm4b:s16+s3], $0x2740, $0x38;
	[tilespmem:$0x1FC50] =	vst v63  }
0x1b: {  	_ =	swait.ge [sflag:s25], $0x2740  }
0x1c: {  	[sflag:s25] =	ssyncset.done $0x0  }
0x1d: {  	s17 =	rddreg [dreg:$0x5];
	[sflag:s25] =	ssyncadd.s32 $0xFFFFD8C0  }
0x1e: {  	[tilespmem:s26], [sflag:$0x6] =	stream.linear.gather [hbm4b:s17+s3], $0x2740, $0x38;
	[tilespmem:$0x1FC50] =	vst v63  }
0x1f: {  	_ =	swait.ge [sflag:s25], $0x2740  }
0x20: {  	[sflag:s25] =	ssyncset.done $0x0  }
0x21: {  	s18 =	rddreg [dreg:$0x3];
	[sflag:s25] =	ssyncadd.s32 $0xFFFFD8C0  }
0x22: {  	[tilespmem:s28], [sflag:$0x6] =	stream.linear.gather [hbm4b:s18+s3], $0x10, $0x38;
	[tilespmem:$0x1FC50] =	vst v63  }
0x23: {  	_ =	swait.ge [sflag:s25], $0x10  }
0x24: {  	[sflag:s25] =	ssyncset.done $0x0  }
0x25: {  	s16 =	simm.s32 $0x0;
	s17 =	simm.s32 $0x240;
	[sflag:s25] =	ssyncadd.s32 $0xFFFFFFF0  }
.LBB2_2:
0x26: {  	p0 =	sne.s32 s17, $0x8DC0;
	[tilespmem:s16+$0x7540] =	vst v1  }
0x27: {  	[tilespmem:s16+$0x74C0] =	vst v1  }
0x28: {  	[tilespmem:s16+$0x74D0] =	vst v1  }
0x29: {  	[tilespmem:s16+$0x74E0] =	vst v1  }
.Ltmp0:
0x2a: {  	[tilespmem:s16+$0x74F0] =	vst v1;
	(pc) =	sbr.rel @p0 .LBB2_2-.Ltmp0, $4  }
0x2b: {  	[tilespmem:s16+$0x7500] =	vst v1  }
0x2c: {  	[tilespmem:s16+$0x7510] =	vst v1  }
0x2d: {  	[tilespmem:s16+$0x7520] =	vst v1  }
0x2e: {  	[tilespmem:s16+$0x7530] =	vst v1;
	s16 =	sshra.s32 s17, $0x2;
	s17 =	sadd.s32 $0x240, s17  }
0x2f: {  	[tilespmem:s16+$0x7540] =	vst v1  }
0x30: {  	[tilespmem:s16+$0x74C0] =	vst v1  }
0x31: {  	[tilespmem:s16+$0x74D0] =	vst v1  }
0x32: {  	[tilespmem:s16+$0x74E0] =	vst v1  }
0x33: {  	[tilespmem:s16+$0x74F0] =	vst v1  }
0x34: {  	[tilespmem:s16+$0x7500] =	vst v1  }
0x35: {  	[tilespmem:s16+$0x7510] =	vst v1  }
0x36: {  	[tilespmem:s16+$0x7520] =	vst v1  }
0x37: {  	[tilespmem:s16+$0x7530] =	vst v1  }
0x38: {  	[spmem:s8] =	stream.linear.scatter [tilespmem:s29], [sflag:$0x6], $0x2400, $0x38;
	[tilespmem:$0x1FC50] =	vst v63  }
0x39: {  	_ =	swait.ge [sflag:s25], $0x2400  }
0x3a: {  	[sflag:s25] =	ssyncset.done $0x0  }
0x3b: {  	s18 =	rddreg [dreg:$0xa];
	[sflag:s25] =	ssyncadd.s32 $0xFFFFDC00  }
0x3c: {  	[spmem:s18] =	stream.linear.scatter [tilespmem:s29], [sflag:$0x6], $0x2400, $0x38;
	[tilespmem:$0x1FC50] =	vst v63  }
0x3d: {  	_ =	swait.ge [sflag:s25], $0x2400  }
0x3e: {  	[sflag:s25] =	ssyncset.done $0x0  }
0x3f: {  	s17 =	rddreg [dreg:$0xb];
	[sflag:s25] =	ssyncadd.s32 $0xFFFFDC00  }
0x40: {  	[spmem:s17] =	stream.linear.scatter [tilespmem:s29], [sflag:$0x6], $0x2400, $0x38;
	[tilespmem:$0x1FC50] =	vst v63  }
0x41: {  	_ =	swait.ge [sflag:s25], $0x2400  }
0x42: {  	[sflag:s25] =	ssyncset.done $0x0  }
0x43: {  	[sflag:s25] =	ssyncadd.s32 $0xFFFFDC00  }
0x44: {  	[spmem:s19] =	stream.linear.scatter [tilespmem:s29], [sflag:$0x6], $0x2400, $0x38;
	[tilespmem:$0x1FC50] =	vst v63  }
0x45: {  	_ =	swait.ge [sflag:s25], $0x2400  }
0x46: {  	[sflag:s25] =	ssyncset.done $0x0  }
0x47: {  	[sflag:s25] =	ssyncadd.s32 $0xFFFFDC00  }
0x48: {  	[spmem:s20] =	stream.linear.scatter [tilespmem:s29], [sflag:$0x6], $0x2400, $0x38;
	[tilespmem:$0x1FC50] =	vst v63  }
0x49: {  	_ =	swait.ge [sflag:s25], $0x2400  }
0x4a: {  	[sflag:s25] =	ssyncset.done $0x0  }
0x4b: {  	[sflag:s25] =	ssyncadd.s32 $0xFFFFDC00  }
0x4c: {  	[spmem:s21] =	stream.linear.scatter [tilespmem:s29], [sflag:$0x6], $0x2400, $0x38;
	[tilespmem:$0x1FC50] =	vst v63  }
0x4d: {  	_ =	swait.ge [sflag:s25], $0x2400  }
0x4e: {  	[sflag:s25] =	ssyncset.done $0x0  }
0x4f: {  	[sflag:s25] =	ssyncadd.s32 $0xFFFFDC00  }
0x50: {  	[spmem:s22] =	stream.linear.scatter [tilespmem:s29], [sflag:$0x6], $0x2400, $0x38;
	[tilespmem:$0x1FC50] =	vst v63  }
0x51: {  	_ =	swait.ge [sflag:s25], $0x2400  }
0x52: {  	[sflag:s25] =	ssyncset.done $0x0  }
0x53: {  	[sflag:s25] =	ssyncadd.s32 $0xFFFFDC00  }
0x54: {  	[spmem:s23] =	stream.linear.scatter [tilespmem:s29], [sflag:$0x6], $0x2400, $0x38;
	[tilespmem:$0x1FC50] =	vst v63  }
0x55: {  	_ =	swait.ge [sflag:s25], $0x2400  }
0x56: {  	[sflag:s25] =	ssyncset.done $0x0  }
0x57: {  	[sflag:s25] =	ssyncadd.s32 $0xFFFFDC00  }
0x58: {  	[spmem:s24] =	stream.linear.scatter [tilespmem:s29], [sflag:$0x6], $0x2400, $0x38;
	[tilespmem:$0x1FC50] =	vst v63  }
0x59: {  	_ =	swait.ge [sflag:s25], $0x2400  }
0x5a: {  	[sflag:s25] =	ssyncset.done $0x0  }
0x5b: {  	s18 =	rddreg [dreg:$0x6];
	[sflag:s25] =	ssyncadd.s32 $0xFFFFDC00  }
0x5c: {  	[spmem:s18] =	stream.linear.scatter [tilespmem:s29], [sflag:$0x6], $0x1F80, $0x38;
	[tilespmem:$0x1FC50] =	vst v63  }
0x5d: {  	_ =	swait.ge [sflag:s25], $0x1F80  }
0x5e: {  	[sflag:s25] =	ssyncset.done $0x0  }
0x5f: {  	[sflag:s25] =	ssyncadd.s32 $0xFFFFE080  }
0x60: {  	s16 =	simm.s32 $0x0;
	[bflag:$0x0] =	sbarrier.arrive $0xFFFF  }
0x61: {  	v2 =	vld.msk [tilespmem:s28+$0x0], $0xffff;
	[tilespmem:s30], [sflag:$0x6] =	stream.linear.gather [hbm4b:s11+s16], $0xC0, $0x38  }
0x62: {  	_ =	swait.ge [sflag:s25], $0xC0  }
0x63: {  	[sflag:s25] =	ssyncset.done $0x0  }
0x64: {  	s17 =	rddreg [dreg:$0x7];
	[sflag:s25] =	ssyncadd.s32 $0xFFFFFF40  }
0x65: {  	[tilespmem:s31], [sflag:$0x5] =	stream.linear.gather [hbm4b:s17+s16], $0xC0, $0x38;
	[tilespmem:$0x1FC50] =	vst v63  }
0x66: {  	_ = 	snop  }
0x67: {  	[tilespmem:s2], [sflag:$0x1] =	stream.indirect.gather [hbm4b:s4+s0], $0x90, s30, s0, $0xb8;
	[tilespmem:$0x1FC50] =	vst v63  }
.LBB2_4:
0x68: {  	v3 =	vld [tilespmem:$0x4E80];
	_ =	sdelay $0x2  }
0x69: {  	v5 =	vld [tilespmem:$0x4EC0];
	_ =	sdelay $0x1  }
0x6a: {  	v4 =	vsub.s32 v3, v0  }
0x6b: {  	v3 =	vand.u32 $0x7, v3;
	v4 =	vand.u32 $0xFFFFFFF8, v4  }
0x6c: {  	v3 =	vor.u32 v3, v4;
	_ =	sdelay $0x2  }
0x6d: {  	v36 =	vld [tilespmem:$0x4F00];
	[tilespmem:$0x5000] =	vst v5  }
0x6e: {  	v5 =	vld.idx.msk [tilespmem:v5+s26+$0x0], $0xffff  }
0x6f: {  	v3 =	vld.idx.msk [tilespmem:v3+s3+$0x0], $0xffff;
	_ =	sdelay $0x4  }
0x70: {  	v4 =	vmul.f32 v36, v2;
	v3 =	vadd.f32 v5, v3;
	_ =	sdelay $0x1  }
0x71: {  	v3 =	vadd.f32 v3, v4;
	_ =	sdelay $0x1  }
0x72: {  	v4 =	vmul.f32 $2.000000030e-01, v3  }
0x73: {  	vm0 =	vgt.f32 v3, $0.0e+00  }
0x74: {  	v3 =	vsel vm0, v3, v4  }
0x75: {  	v3 =	vmul.f32 $1.442695020e+00, v3;
	_ =	sdelay $0x1  }
0x76: {  	(erf) = vpow2.f32 v3;
	v3 =	vld [tilespmem:$0x4E90];
	_ =	sdelay $0x2  }
0x77: {  	v38 =	vld [tilespmem:$0x4ED0];
	_ =	sdelay $0x1  }
0x78: {  	v37 =	vsub.s32 v3, v0  }
0x79: {  	v3 =	vand.u32 $0x7, v3;
	v4 =	vand.u32 $0xFFFFFFF8, v37  }
0x7a: {  	v3 =	vor.u32 v3, v4;
	_ =	sdelay $0x1  }
0x7b: {  	[tilespmem:$0x5010] =	vst v38;
	v39 =	vpop (erf)  }
0x7c: {  	v40 =	vld [tilespmem:$0x4F10];
	[tilespmem:$0x5080] =	vst v39  }
0x7d: {  	v5 =	vld.idx.msk [tilespmem:v38+s26+$0x0], $0xffff  }
0x7e: {  	v3 =	vld.idx.msk [tilespmem:v3+s3+$0x0], $0xffff;
	_ =	sdelay $0x4  }
0x7f: {  	v4 =	vmul.f32 v40, v2;
	v3 =	vadd.f32 v5, v3;
	_ =	sdelay $0x1  }
0x80: {  	v3 =	vadd.f32 v3, v4;
	_ =	sdelay $0x1  }
0x81: {  	v4 =	vmul.f32 $2.000000030e-01, v3  }
0x82: {  	vm9 =	vgt.f32 v3, $0.0e+00  }
0x83: {  	v3 =	vsel vm9, v3, v4  }
0x84: {  	v3 =	vmul.f32 $1.442695020e+00, v3;
	_ =	sdelay $0x1  }
0x85: {  	(erf) = vpow2.f32 v3;
	v3 =	vld [tilespmem:$0x4EA0];
	_ =	sdelay $0x2  }
0x86: {  	v42 =	vld [tilespmem:$0x4EE0];
	_ =	sdelay $0x1  }
0x87: {  	v41 =	vsub.s32 v3, v0  }
0x88: {  	v3 =	vand.u32 $0x7, v3;
	v4 =	vand.u32 $0xFFFFFFF8, v41  }
0x89: {  	v3 =	vor.u32 v3, v4;
	_ =	sdelay $0x1  }
0x8a: {  	[tilespmem:$0x5020] =	vst v42;
	v43 =	vpop (erf)  }
0x8b: {  	v44 =	vld [tilespmem:$0x4F20];
	[tilespmem:$0x5090] =	vst v43  }
0x8c: {  	v5 =	vld.idx.msk [tilespmem:v42+s26+$0x0], $0xffff  }
0x8d: {  	v3 =	vld.idx.msk [tilespmem:v3+s3+$0x0], $0xffff;
	_ =	sdelay $0x4  }
0x8e: {  	v4 =	vmul.f32 v44, v2;
	v3 =	vadd.f32 v5, v3;
	_ =	sdelay $0x1  }
0x8f: {  	v3 =	vadd.f32 v3, v4;
	_ =	sdelay $0x1  }
0x90: {  	v4 =	vmul.f32 $2.000000030e-01, v3  }
0x91: {  	vm10 =	vgt.f32 v3, $0.0e+00  }
0x92: {  	v3 =	vsel vm10, v3, v4  }
0x93: {  	v3 =	vmul.f32 $1.442695020e+00, v3;
	_ =	sdelay $0x1  }
0x94: {  	(erf) = vpow2.f32 v3;
	v3 =	vld [tilespmem:$0x4EB0];
	_ =	sdelay $0x2  }
0x95: {  	v46 =	vld [tilespmem:$0x4EF0];
	_ =	sdelay $0x1  }
0x96: {  	v45 =	vsub.s32 v3, v0  }
0x97: {  	v3 =	vand.u32 $0x7, v3;
	v4 =	vand.u32 $0xFFFFFFF8, v45  }
0x98: {  	v3 =	vor.u32 v3, v4;
	_ =	sdelay $0x1  }
0x99: {  	[tilespmem:$0x5030] =	vst v46;
	v47 =	vpop (erf)  }
0x9a: {  	v48 =	vld [tilespmem:$0x4F30];
	[tilespmem:$0x50A0] =	vst v47  }
0x9b: {  	v5 =	vld.idx.msk [tilespmem:v46+s26+$0x0], $0xffff  }
0x9c: {  	v3 =	vld.idx.msk [tilespmem:v3+s3+$0x0], $0xffff;
	_ =	sdelay $0x4  }
0x9d: {  	v4 =	vmul.f32 v48, v2;
	v3 =	vadd.f32 v5, v3;
	_ =	sdelay $0x1  }
0x9e: {  	v3 =	vadd.f32 v3, v4;
	_ =	sdelay $0x1  }
0x9f: {  	v4 =	vmul.f32 $2.000000030e-01, v3  }
0xa0: {  	vm11 =	vgt.f32 v3, $0.0e+00  }
0xa1: {  	v3 =	vsel vm11, v3, v4  }
0xa2: {  	v3 =	vmul.f32 $1.442695020e+00, v3;
	_ =	sdelay $0x1  }
0xa3: {  	(erf) = vpow2.f32 v3;
	_ =	sdelay $0x8  }
0xa4: {  	v3 =	vpop (erf)  }
0xa5: {  	[tilespmem:$0x50B0] =	vst v3  }
0xa6: {  	_ =	swait.ge [sflag:s6], $0x2400  }
0xa7: {  	[sflag:s6] =	ssyncset.done $0x0  }
0xa8: {  	[sflag:s6] =	ssyncadd.s32 $0xFFFFDC00  }
0xa9: {  	_ =	swait.ge [sflag:s7], $0xC0  }
0xaa: {  	p0 =	seq.s32 s16, $0x0;
	[sflag:s7] =	ssyncset.done $0x0  }
0xab: {  	s18 =	smin.u32 s16, $0x141;
	s17 =	simm.s32 @!p0 $0x4;
	[sflag:s7] =	ssyncadd.s32 $0xFFFFFF40  }
0xac: {  	s18 =	smul.u32 $0xC0, s18;
	_ =	swait.ge @!p0 [sflag:s17], $0x2400  }
0xad: {  	[sflag:s17] =	ssyncset.done @!p0 $0x0  }
0xae: {  	[sflag:s17] =	ssyncadd.s32 @!p0 $0xFFFFDC00;
	s17 =	sadd.s32 s18, s13  }
0xaf: {  	[tilespmem:s29], [sflag:$0x2] =	stream.indirect.gather [hbm4b:s4+s0], $0x90, s31, s0, $0xb8;
	[tilespmem:$0x1FC50] =	vst v63  }
0xb0: {  	s17 =	sshrl.u32 s17, $0x3  }
0xb1: {  	s17 =	sadd.s32 s5, s17  }
0xb2: {  	[tilespmem:s30], [sflag:$0x5] =	stream.linear.gather [hbm4b:s17+s3], $0xC0, $0x38;
	[tilespmem:$0x1FC50] =	vst v63  }
0xb3: {  	_ = 	snop  }
0xb4: {  	[spmem:s1] =	stream.linear.scatter [tilespmem:s2], [sflag:$0x3], $0x2400, $0x38;
	[tilespmem:$0x1FC50] =	vst v63  }
0xb5: {  	v3 =	vld [tilespmem:$0x4F40];
	_ =	sdelay $0x2  }
0xb6: {  	v50 =	vld [tilespmem:$0x4F80];
	_ =	sdelay $0x1  }
0xb7: {  	v49 =	vsub.s32 v3, v0  }
0xb8: {  	v3 =	vand.u32 $0x7, v3;
	v4 =	vand.u32 $0xFFFFFFF8, v49  }
0xb9: {  	v3 =	vor.u32 v3, v4;
	_ =	sdelay $0x2  }
0xba: {  	v51 =	vld [tilespmem:$0x4FC0];
	[tilespmem:$0x5040] =	vst v50  }
0xbb: {  	v5 =	vld.idx.msk [tilespmem:v50+s26+$0x0], $0xffff  }
0xbc: {  	v3 =	vld.idx.msk [tilespmem:v3+s3+$0x0], $0xffff;
	_ =	sdelay $0x4  }
0xbd: {  	v4 =	vmul.f32 v51, v2;
	v3 =	vadd.f32 v5, v3;
	_ =	sdelay $0x1  }
0xbe: {  	v3 =	vadd.f32 v3, v4;
	_ =	sdelay $0x1  }
0xbf: {  	v4 =	vmul.f32 $2.000000030e-01, v3  }
0xc0: {  	vm12 =	vgt.f32 v3, $0.0e+00  }
0xc1: {  	v3 =	vsel vm12, v3, v4  }
0xc2: {  	v3 =	vmul.f32 $1.442695020e+00, v3;
	_ =	sdelay $0x1  }
0xc3: {  	(erf) = vpow2.f32 v3;
	v3 =	vld [tilespmem:$0x4F50];
	_ =	sdelay $0x2  }
0xc4: {  	v53 =	vld [tilespmem:$0x4F90];
	_ =	sdelay $0x1  }
0xc5: {  	v52 =	vsub.s32 v3, v0  }
0xc6: {  	v3 =	vand.u32 $0x7, v3;
	v4 =	vand.u32 $0xFFFFFFF8, v52  }
0xc7: {  	v3 =	vor.u32 v3, v4;
	_ =	sdelay $0x1  }
0xc8: {  	[tilespmem:$0x5050] =	vst v53;
	v54 =	vpop (erf)  }
0xc9: {  	v55 =	vld [tilespmem:$0x4FD0];
	[tilespmem:$0x5080] =	vst v54  }
0xca: {  	v5 =	vld.idx.msk [tilespmem:v53+s26+$0x0], $0xffff  }
0xcb: {  	v3 =	vld.idx.msk [tilespmem:v3+s3+$0x0], $0xffff;
	_ =	sdelay $0x4  }
0xcc: {  	v4 =	vmul.f32 v55, v2;
	v3 =	vadd.f32 v5, v3;
	_ =	sdelay $0x1  }
0xcd: {  	v3 =	vadd.f32 v3, v4;
	_ =	sdelay $0x1  }
0xce: {  	v4 =	vmul.f32 $2.000000030e-01, v3  }
0xcf: {  	vm13 =	vgt.f32 v3, $0.0e+00  }
0xd0: {  	v3 =	vsel vm13, v3, v4  }
0xd1: {  	v3 =	vmul.f32 $1.442695020e+00, v3;
	_ =	sdelay $0x1  }
0xd2: {  	(erf) = vpow2.f32 v3;
	v3 =	vld [tilespmem:$0x4F60];
	_ =	sdelay $0x2  }
0xd3: {  	v57 =	vld [tilespmem:$0x4FA0];
	_ =	sdelay $0x1  }
0xd4: {  	v56 =	vsub.s32 v3, v0  }
0xd5: {  	v3 =	vand.u32 $0x7, v3;
	v4 =	vand.u32 $0xFFFFFFF8, v56  }
0xd6: {  	v3 =	vor.u32 v3, v4;
	_ =	sdelay $0x1  }
0xd7: {  	[tilespmem:$0x5060] =	vst v57;
	v58 =	vpop (erf)  }
0xd8: {  	v59 =	vld [tilespmem:$0x4FE0];
	[tilespmem:$0x5090] =	vst v58  }
0xd9: {  	v5 =	vld.idx.msk [tilespmem:v57+s26+$0x0], $0xffff  }
0xda: {  	v3 =	vld.idx.msk [tilespmem:v3+s3+$0x0], $0xffff;
	_ =	sdelay $0x4  }
0xdb: {  	v4 =	vmul.f32 v59, v2;
	v3 =	vadd.f32 v5, v3;
	_ =	sdelay $0x1  }
0xdc: {  	v3 =	vadd.f32 v3, v4;
	_ =	sdelay $0x1  }
0xdd: {  	v4 =	vmul.f32 $2.000000030e-01, v3  }
0xde: {  	vm14 =	vgt.f32 v3, $0.0e+00  }
0xdf: {  	v3 =	vsel vm14, v3, v4  }
0xe0: {  	v3 =	vmul.f32 $1.442695020e+00, v3;
	_ =	sdelay $0x1  }
0xe1: {  	(erf) = vpow2.f32 v3;
	v3 =	vld [tilespmem:$0x4F70];
	_ =	sdelay $0x2  }
0xe2: {  	v61 =	vld [tilespmem:$0x4FB0];
	_ =	sdelay $0x1  }
0xe3: {  	v60 =	vsub.s32 v3, v0  }
0xe4: {  	v3 =	vand.u32 $0x7, v3;
	v4 =	vand.u32 $0xFFFFFFF8, v60  }
0xe5: {  	v3 =	vor.u32 v3, v4;
	_ =	sdelay $0x1  }
0xe6: {  	[tilespmem:$0x5070] =	vst v61;
	v62 =	vpop (erf)  }
0xe7: {  	v63 =	vld [tilespmem:$0x4FF0];
	[tilespmem:$0x50A0] =	vst v62  }
0xe8: {  	v5 =	vld.idx.msk [tilespmem:v61+s26+$0x0], $0xffff  }
0xe9: {  	v3 =	vld.idx.msk [tilespmem:v3+s3+$0x0], $0xffff;
	_ =	sdelay $0x4  }
0xea: {  	v4 =	vmul.f32 v63, v2;
	v3 =	vadd.f32 v5, v3;
	_ =	sdelay $0x1  }
0xeb: {  	v3 =	vadd.f32 v3, v4;
	_ =	sdelay $0x1  }
0xec: {  	v4 =	vmul.f32 $2.000000030e-01, v3  }
0xed: {  	vm15 =	vgt.f32 v3, $0.0e+00  }
0xee: {  	v3 =	vsel vm15, v3, v4  }
0xef: {  	v3 =	vmul.f32 $1.442695020e+00, v3;
	_ =	sdelay $0x1  }
0xf0: {  	(erf) = vpow2.f32 v3;
	_ =	sdelay $0x8  }
0xf1: {  	v3 =	vpop (erf)  }
0xf2: {  	[tilespmem:$0x50B0] =	vst v3  }
0xf3: {  	_ =	swait.ge [sflag:s9], $0x2400  }
0xf4: {  	[sflag:s9] =	ssyncset.done $0x0  }
0xf5: {  	[sflag:s9] =	ssyncadd.s32 $0xFFFFDC00  }
0xf6: {  	_ =	swait.ge [sflag:s7], $0xC0  }
0xf7: {  	[sflag:s7] =	ssyncset.done $0x0  }
0xf8: {  	s18 =	smin.u32 s16, $0x140;
	[sflag:s7] =	ssyncadd.s32 $0xFFFFFF40  }
0xf9: {  	s17 =	smul.u32 $0xC0, s18;
	_ =	swait.ge [sflag:s10], $0x2400  }
0xfa: {  	s16 =	sadd.s32 $0x2, s16;
	[sflag:s10] =	ssyncset.done $0x0  }
0xfb: {  	p0 =	sne.s32 s16, $0x144;
	s17 =	sadd.s32 s17, s14;
	[sflag:s10] =	ssyncadd.s32 $0xFFFFDC00  }
0xfc: {  	[tilespmem:s2], [sflag:$0x1] =	stream.indirect.gather [hbm4b:s4+s0], $0x90, s30, s0, $0xb8;
	[tilespmem:$0x1FC50] =	vst v63  }
.Ltmp1:
0xfd: {  	s17 =	sshrl.u32 s17, $0x3;
	(pc) =	sbr.rel @p0 .LBB2_4-.Ltmp1, $4  }
0xfe: {  	s17 =	sadd.s32 s5, s17  }
0xff: {  	[tilespmem:s31], [sflag:$0x5] =	stream.linear.gather [hbm4b:s17+s3], $0xC0, $0x38;
	[tilespmem:$0x1FC50] =	vst v63  }
0x100: {  	_ = 	snop  }
0x101: {  	[spmem:s1] =	stream.linear.scatter [tilespmem:s29], [sflag:$0x4], $0x2400, $0x38;
	[tilespmem:$0x1FC50] =	vst v63  }
0x102: {  	_ =	swait.ge [sflag:s12], $0x2400  }
0x103: {  	[sflag:s12] =	ssyncset.done $0x0  }
0x104: {  	[sflag:s12] =	ssyncadd.s32 $0xFFFFDC00  }
0x105: {  	_ =	swait.ge [sflag:s6], $0x2400  }
0x106: {  	[sflag:s6] =	ssyncset.done $0x0  }
0x107: {  	[sflag:s6] =	ssyncadd.s32 $0xFFFFDC00  }
0x108: {  	_ =	swait.ge [sflag:s7], $0xC0  }
0x109: {  	[sflag:s7] =	ssyncset.done $0x0  }
0x10a: {  	s16 =	stileid.u32;
	[sflag:s7] =	ssyncadd.s32 $0xFFFFFF40  }
0x10b: {  	s16 =	sshll.u32 s16, $0x6;
	[bflag:$0x0] =	sbarrier.arrive $0xFFFF  }
0x10c: {  	s17 =	sshrl.u32 s8, $0x3;
	s16 =	sor.u32 $0x1C06, s16;
	s18 =	rddreg [dreg:$0x8]  }
0x10d: {  	[hbm:s18], [sflag:s16] =	dma.local [spmem:s17], $0x2C70  }
0x10e: {  	_ =	swait.ge [sflag:s25], $0x2C70  }
0x10f: {  	s15 =	sadd.s32 $0x1, s15;
	s18 =	rddreg [dreg:$0x9]  }
0x110: {  	p0 =	sne.s32 s15, s18  }
.Ltmp2:
0x111: {  	_ = 	snop;
	(pc) =	sbr.rel @p0 .LBB2_1-.Ltmp2, $3  }
0x112: {  	_ =	sdelay $0x1  }
0x113: {  	[sflag:s25] =	ssyncset.done $0x0  }
0x114: {  	[sflag:s25] =	ssyncadd.s32 $0xFFFFD390  }
0x115: {  	_ =	sfence.sel $0x180000  }
0x116: {  	[bflag:$0x0] =	sbarrier.arrive $0xFFFF  }
0x117: {  	_ =	strace $0x90000047  }
0x118: {  	s0 =	stileid.u32;
	[bflag:$0x2] =	sbarrier.arrive $0xFFFF  }
0x119: {  	p0 =	sne.s32 s0, $0x0;
	s0 =	rddreg [dreg:$0x2]  }
0x11a: {  	s0 =	sadd.s32 @!p0 $0x100000, s0  }
0x11b: {  	[sflag:s0] =	ssyncadd.tile.s32 @!p0 $0x1;
	_ =	shalt  }
.Lfunc_end2:
_tile_overlayer_lowered:
.L_overlay_start_2:
0x11c: {  	(tag) =	ssettag $0x2  }
0x11d: {  	s0 =	rddreg [dreg:$0x0];
	s2 =	stileid.u32  }
0x11e: {  	s1 =	rddreg [dreg:$0x1];
	p0 =	sne.s32 s2, $0x0  }
0x11f: {  	s3 =	rddreg [dreg:$0x2];
	[bflag:$0x3] =	sbarrier.arrive $0xFFFF;
	s2 =	simm.s32 @!p0 $0x1C06  }
0x120: {  	[timem:s3], [sflag:s2] =	dma.local @!p0 [hbm:s0], s1  }
0x121: {  	s0 =	simm.s32 @!p0 $0x6  }
0x122: {  	_ =	swait.ge @!p0 [sflag:s0], s1  }
0x123: {  	s1 =	ssub.s32 @!p0 $0x0, s1;
	[sflag:s0] =	ssyncset.done @!p0 $0x0  }
0x124: {  	[sflag:s0] =	ssyncadd.s32 @!p0 s1  }
0x125: {  	[bflag:$0x3] =	sbarrier.arrive $0xFFFF  }
0x126: {  	_ =	shalt  }

</sc_bundles>
